<compile_context>
chip_gen: v7x
topology: tpu7x:2x2x1
jax: 0.10.2.dev20260603
libtpu: 0.0.44.dev20260713+nightly
codegen_flags: <defaults>
</compile_context>

<pallas_src>
import jax
import jax.numpy as jnp
from jax import lax
from jax.experimental import pallas as pl
from jax.experimental.pallas import tpu as pltpu
from jax.experimental.pallas import tpu_sc as plsc

_E = 6400000
_C = 128
_R = _E // _C
_GRID = 25
_BR = _R // _GRID
_CH = 80
_IR = 2 * _R
_IB = _IR // _GRID

_R0 = (13, 15, 26, 6)
_R1 = (17, 29, 16, 24)
_KS1 = 42
_KS2 = 0x1BD11BDA ^ 42


def _rotl(x, r):
    return (x << jnp.uint32(r)) | (x >> jnp.uint32(32 - r))


def _round(x0, x1, r):
    x0 = x0 + x1
    x1 = x0 ^ _rotl(x1, r)
    return x0, x1


def _threefry_bits(x):
    ks1 = jnp.uint32(_KS1)
    ks2 = jnp.uint32(_KS2)
    x1 = x + ks1
    x0 = x1
    x1 = x0 ^ _rotl(x1, _R0[0])
    for r in _R0[1:]:
        x0, x1 = _round(x0, x1, r)
    x0 = x0 + ks1
    x1 = x1 + jnp.uint32((_KS2 + 1) & 0xFFFFFFFF)
    for r in _R1:
        x0, x1 = _round(x0, x1, r)
    x0 = x0 + ks2
    x1 = x1 + jnp.uint32(2)
    for r in _R0:
        x0, x1 = _round(x0, x1, r)
    x1 = x1 + jnp.uint32(_KS1 + 3)
    for r in _R1:
        x0, x1 = _round(x0, x1, r)
    x0 = x0 + ks1
    x1 = x1 + jnp.uint32((_KS2 + 4) & 0xFFFFFFFF)
    for r in _R0:
        x0, x1 = _round(x0, x1, r)
    x0 = x0 + ks2
    x1 = x1 + jnp.uint32(5)
    return x0 ^ x1


_NC = 2
_NS = 16
_NW = _NC * _NS
_TILES = _E // 128
_TPW = _TILES // _NW
_REM = _TILES - _TPW * _NW


def _sc_copy_body(idx_hbm, oidx_hbm):
    wid = lax.axis_index("s") * _NC + lax.axis_index("c")
    base = pl.multiple_of(wid * (_TPW * 128), 128)
    pltpu.sync_copy(idx_hbm.at[:, pl.ds(base, _TPW * 128)],
                    oidx_hbm.at[:, pl.ds(base, _TPW * 128)])

    @pl.when(wid < _REM)
    def _():
        rb = pl.multiple_of((_TPW * _NW + wid) * 128, 128)
        pltpu.sync_copy(idx_hbm.at[:, pl.ds(rb, 128)],
                        oidx_hbm.at[:, pl.ds(rb, 128)])


def _sc_idx_copy(adj_indices):
    mesh = plsc.VectorSubcoreMesh(core_axis_name="c", subcore_axis_name="s")
    return pl.kernel(
        _sc_copy_body,
        out_type=jax.ShapeDtypeStruct((2, _E), jnp.int32),
        mesh=mesh,
    )(adj_indices)


def _body(m_ref, inv_ref, vals_ref, ovals_ref):
    g = pl.program_id(0)
    mstar = m_ref[0]
    inv = inv_ref[0]
    row = lax.broadcasted_iota(jnp.uint32, (_CH, _C), 0)
    col = lax.broadcasted_iota(jnp.uint32, (_CH, _C), 1)
    lin = (row << jnp.uint32(7)) + col

    gbase = (g * (_BR * _C)).astype(jnp.uint32)
    for k in range(_BR // _CH):
        bits = _threefry_bits(lin + (gbase + jnp.uint32(k * _CH * _C)))
        keep = (bits >> jnp.uint32(9)).astype(jnp.int32) >= mstar
        v = vals_ref[k * _CH:(k + 1) * _CH, :]
        ovals_ref[k * _CH:(k + 1) * _CH, :] = jnp.where(keep, v * inv, 0.0)


def kernel(adj_indices, adj_values, keepRate):
    assert adj_values.shape == (_E,) and adj_indices.shape == (2, _E)
    kr = jnp.asarray(keepRate, jnp.float32)
    inv = (1.0 / kr).reshape(1)
    m0 = jnp.ceil((1.0 - kr) * jnp.float32(1 << 23)).astype(jnp.int32)
    cands = jnp.clip(m0 + jnp.arange(-2, 3, dtype=jnp.int32), 0, 1 << 23)
    passing = (cands.astype(jnp.float32) * jnp.float32(2.0 ** -23) + kr) >= 1.0
    mstar = jnp.min(jnp.where(passing, cands, 1 << 23)).reshape(1)

    vals2 = adj_values.reshape(_R, _C)
    ovals = pl.pallas_call(
        _body,
        grid=(_GRID,),
        in_specs=[
            pl.BlockSpec(memory_space=pltpu.SMEM),
            pl.BlockSpec(memory_space=pltpu.SMEM),
            pl.BlockSpec((_BR, _C), lambda g: (g, 0)),
        ],
        out_specs=pl.BlockSpec((_BR, _C), lambda g: (g, 0)),
        out_shape=jax.ShapeDtypeStruct((_R, _C), jnp.float32),
        compiler_params=pltpu.CompilerParams(
            dimension_semantics=("arbitrary",),
        ),
    )(mstar, inv, vals2)
    oidx = _sc_idx_copy(adj_indices)
    return oidx, ovals.reshape(_E)

# --- scband reference (transcript-rebuilt; emitter-appended) ---
"""Pipeline reference for scband-sp-adj-drop-edge-5944234738332 (READ-ONLY COPY).

The authoritative reference and input builder live on the scoring server;
editing this copy changes nothing except your own understanding.
"""

import jax, jax.numpy as jnp
import numpy as np

N_NODES = 100000
N_EDGES = 6400000
KEEP_RATE = 0.8


def setup_inputs(seed: int = 0) -> dict:
    key = jax.random.key(seed)
    k1, k2 = jax.random.split(key)
    adj_indices = jax.random.randint(k1, (2, N_EDGES), 0, N_NODES, dtype=jnp.int32)
    adj_values = jax.random.uniform(k2, (N_EDGES,), dtype=jnp.float32)
    return {"adj_indices": adj_indices, "adj_values": adj_values, "keepRate": KEEP_RATE}


def reference(adj_indices, adj_values, keepRate):
    # Faithful translation of SpAdjDropEdge.forward on a COO sparse adjacency.
    # Torch: mask = (rand(E) + keepRate).floor().bool(); newVals = vals[mask]/keepRate; newIdxs = idxs[:, mask]
    # JAX requires static shapes, so instead of compacting the kept edges we zero out
    # the dropped values (mathematically equivalent sparse operator) and keep indices.
    mask_key = jax.random.key(42)
    mask = jnp.floor(jax.random.uniform(mask_key, adj_values.shape, dtype=jnp.float32) + keepRate).astype(bool)
    new_vals = jnp.where(mask, adj_values / keepRate, jnp.zeros_like(adj_values))
    return (adj_indices, new_vals)

if __name__ == "__main__":
    import jax
    _d = setup_inputs()
    print(jax.jit(kernel)(*tuple(_d.values())))

</pallas_src>

<mosaic_0001>
#map = affine_map<(d0, d1) -> (0, 0)>
module attributes {stable_mosaic.version = 14 : i64} {
  func.func @_sc_copy_body(%arg0: i32, %arg1: i32, %arg2: memref<2x6400000xi32, #tpu.memory_space<hbm>>, %arg3: memref<2x6400000xi32, #tpu.memory_space<hbm>>) attributes {dimension_semantics = [#tpu.dimension_semantics<core_parallel>, #tpu.dimension_semantics<subcore_parallel>], iteration_bounds = array<i64: 2, 16>, scalar_prefetch = 0 : i64, scratch_operands = 0 : i64, tpu.core_type = #tpu.core_type<sc_vector_subcore>, window_params = [{transform_indices = #map}, {transform_indices = #map}]} {
    %mul3A = arith.constant 2 : i32
    %mul3A_0 = arith.muli %arg1, %mul3A : i32
    %add3A = arith.addi %mul3A_0, %arg0 : i32
    %mul3A_1 = arith.constant 199936 : i32
    %mul3A_2 = arith.muli %add3A, %mul3A_1 : i32
    %multiple_of3A = tpu.assume_multiple %mul3A_2, 128 : i32
    "tpu.region"() ({
      %run_scoped3A = tpu.sem_alloc : memref<!tpu.dma_semaphore, #tpu.memory_space<semaphore_mem>>
      %dma_start3A = arith.constant 0 : i32
      %dma_start3A_5 = tpu.memref_slice %arg3[%dma_start3A, %multiple_of3A] : memref<2x6400000xi32, #tpu.memory_space<hbm>> -> memref<2x199936xi32, #tpu.memory_space<hbm>>
      %dma_start3A_6 = arith.constant 0 : i32
      %dma_start3A_7 = tpu.memref_slice %arg2[%dma_start3A_6, %multiple_of3A] : memref<2x6400000xi32, #tpu.memory_space<hbm>> -> memref<2x199936xi32, #tpu.memory_space<hbm>>
      tpu.enqueue_dma source(%dma_start3A_7 : memref<2x199936xi32, #tpu.memory_space<hbm>>) target(%dma_start3A_5 : memref<2x199936xi32, #tpu.memory_space<hbm>>) target_semaphore(%run_scoped3A : memref<!tpu.dma_semaphore, #tpu.memory_space<semaphore_mem>>)
      %dma_wait3A = arith.constant 0 : i32
      %dma_wait3A_8 = tpu.memref_slice %arg3[%dma_wait3A, %multiple_of3A] : memref<2x6400000xi32, #tpu.memory_space<hbm>> -> memref<2x199936xi32, #tpu.memory_space<hbm>>
      %dma_wait3A_9 = arith.constant 0 : i32
      %dma_wait3A_10 = tpu.memref_slice %arg2[%dma_wait3A_9, %multiple_of3A] : memref<2x6400000xi32, #tpu.memory_space<hbm>> -> memref<2x199936xi32, #tpu.memory_space<hbm>>
      tpu.wait_dma2 semaphore(%run_scoped3A : memref<!tpu.dma_semaphore, #tpu.memory_space<semaphore_mem>>) src(%dma_wait3A_10 : memref<2x199936xi32, #tpu.memory_space<hbm>>) dst(%dma_wait3A_8 : memref<2x199936xi32, #tpu.memory_space<hbm>>)
      tpu.yield
    }) : () -> ()
    %lt3A = arith.constant 16 : i32
    %lt3A_3 = arith.cmpi slt, %add3A, %lt3A : i32
    %convert_element_type3A = arith.extui %lt3A_3 : i1 to i32
    %cond3A = arith.constant 0 : i32
    %cond3A_4 = arith.cmpi ne, %convert_element_type3A, %cond3A : i32
    scf.if %cond3A_4 {
      %add3A_5 = arith.constant 49984 : i32
      %add3A_6 = arith.addi %add3A_5, %add3A : i32
      %mul3A_7 = arith.constant 128 : i32
      %mul3A_8 = arith.muli %add3A_6, %mul3A_7 : i32
      %multiple_of3A_9 = tpu.assume_multiple %mul3A_8, 128 : i32
      "tpu.region"() ({
        %run_scoped3A = tpu.sem_alloc : memref<!tpu.dma_semaphore, #tpu.memory_space<semaphore_mem>>
        %dma_start3A = arith.constant 0 : i32
        %dma_start3A_10 = tpu.memref_slice %arg3[%dma_start3A, %multiple_of3A_9] : memref<2x6400000xi32, #tpu.memory_space<hbm>> -> memref<2x128xi32, #tpu.memory_space<hbm>>
        %dma_start3A_11 = arith.constant 0 : i32
        %dma_start3A_12 = tpu.memref_slice %arg2[%dma_start3A_11, %multiple_of3A_9] : memref<2x6400000xi32, #tpu.memory_space<hbm>> -> memref<2x128xi32, #tpu.memory_space<hbm>>
        tpu.enqueue_dma source(%dma_start3A_12 : memref<2x128xi32, #tpu.memory_space<hbm>>) target(%dma_start3A_10 : memref<2x128xi32, #tpu.memory_space<hbm>>) target_semaphore(%run_scoped3A : memref<!tpu.dma_semaphore, #tpu.memory_space<semaphore_mem>>)
        %dma_wait3A = arith.constant 0 : i32
        %dma_wait3A_13 = tpu.memref_slice %arg3[%dma_wait3A, %multiple_of3A_9] : memref<2x6400000xi32, #tpu.memory_space<hbm>> -> memref<2x128xi32, #tpu.memory_space<hbm>>
        %dma_wait3A_14 = arith.constant 0 : i32
        %dma_wait3A_15 = tpu.memref_slice %arg2[%dma_wait3A_14, %multiple_of3A_9] : memref<2x6400000xi32, #tpu.memory_space<hbm>> -> memref<2x128xi32, #tpu.memory_space<hbm>>
        tpu.wait_dma2 semaphore(%run_scoped3A : memref<!tpu.dma_semaphore, #tpu.memory_space<semaphore_mem>>) src(%dma_wait3A_15 : memref<2x128xi32, #tpu.memory_space<hbm>>) dst(%dma_wait3A_13 : memref<2x128xi32, #tpu.memory_space<hbm>>)
        tpu.yield
      }) : () -> ()
    } else {
    }
    return
  }
}

module attributes {stable_mosaic.version = 14 : i64} {
  func.func @_body(%arg0: i32, %arg1: memref<1xi32, #tpu.memory_space<smem>>, %arg2: memref<1xf32, #tpu.memory_space<smem>>, %arg3: memref<2000x128xf32, #tpu.memory_space<vmem>>, %arg4: memref<2000x128xf32, #tpu.memory_space<vmem>>) attributes {dimension_semantics = [#tpu.dimension_semantics<arbitrary>], iteration_bounds = array<i64: 25>, scalar_prefetch = 0 : i64, scratch_operands = 0 : i64, tpu.core_type = #tpu.core_type<tc>, window_params = [{transform_indices = @transform_0, window_bounds = array<i64: 1>}, {transform_indices = @transform_1, window_bounds = array<i64: 1>}, {transform_indices = @transform_2, window_bounds = array<i64: 2000, 128>}, {transform_indices = @transform_3, window_bounds = array<i64: 2000, 128>}]} {
    %get3A = arith.constant 0 : index
    %get3A_0 = memref.load %arg1[%get3A] : memref<1xi32, #tpu.memory_space<smem>>
    %get3A_1 = arith.constant 0 : index
    %get3A_2 = memref.load %arg2[%get3A_1] : memref<1xf32, #tpu.memory_space<smem>>
    %iota3A = tpu.iota {dimensions = array<i32: 0>} : vector<80x128xi32>
    %iota3A_3 = tpu.iota {dimensions = array<i32: 1>} : vector<80x128xi32>
    %shift_left3A = arith.constant 7 : i32
    %shift_left3A_4 = vector.broadcast %shift_left3A : i32 to vector<80x128xi32>
    %shift_left3A_5 = arith.shli %iota3A, %shift_left3A_4 : vector<80x128xi32>
    %add3A = arith.addi %shift_left3A_5, %iota3A_3 : vector<80x128xi32>
    %mul3A = arith.constant 256000 : i32
    %mul3A_6 = arith.muli %arg0, %mul3A : i32
    %add3A_7 = arith.constant 0 : i32
    %add3A_8 = arith.addi %mul3A_6, %add3A_7 : i32
    %add3A_9 = vector.broadcast %add3A_8 : i32 to vector<80x128xi32>
    %add3A_10 = arith.addi %add3A, %add3A_9 : vector<80x128xi32>
    %add3A_11 = arith.constant 42 : i32
    %add3A_12 = vector.broadcast %add3A_11 : i32 to vector<80x128xi32>
    %add3A_13 = arith.addi %add3A_10, %add3A_12 : vector<80x128xi32>
    %shift_left3A_14 = arith.constant 13 : i32
    %shift_left3A_15 = vector.broadcast %shift_left3A_14 : i32 to vector<80x128xi32>
    %shift_left3A_16 = arith.shli %add3A_13, %shift_left3A_15 : vector<80x128xi32>
    %shift_right_logical3A = arith.constant 19 : i32
    %shift_right_logical3A_17 = vector.broadcast %shift_right_logical3A : i32 to vector<80x128xi32>
    %shift_right_logical3A_18 = arith.shrui %add3A_13, %shift_right_logical3A_17 : vector<80x128xi32>
    %or3A = arith.ori %shift_left3A_16, %shift_right_logical3A_18 : vector<80x128xi32>
    %xor3A = arith.xori %add3A_13, %or3A : vector<80x128xi32>
    %add3A_19 = arith.addi %add3A_13, %xor3A : vector<80x128xi32>
    %shift_left3A_20 = arith.constant 15 : i32
    %shift_left3A_21 = vector.broadcast %shift_left3A_20 : i32 to vector<80x128xi32>
    %shift_left3A_22 = arith.shli %xor3A, %shift_left3A_21 : vector<80x128xi32>
    %shift_right_logical3A_23 = arith.constant 17 : i32
    %shift_right_logical3A_24 = vector.broadcast %shift_right_logical3A_23 : i32 to vector<80x128xi32>
    %shift_right_logical3A_25 = arith.shrui %xor3A, %shift_right_logical3A_24 : vector<80x128xi32>
    %or3A_26 = arith.ori %shift_left3A_22, %shift_right_logical3A_25 : vector<80x128xi32>
    %xor3A_27 = arith.xori %add3A_19, %or3A_26 : vector<80x128xi32>
    %add3A_28 = arith.addi %add3A_19, %xor3A_27 : vector<80x128xi32>
    %shift_left3A_29 = arith.constant 26 : i32
    %shift_left3A_30 = vector.broadcast %shift_left3A_29 : i32 to vector<80x128xi32>
    %shift_left3A_31 = arith.shli %xor3A_27, %shift_left3A_30 : vector<80x128xi32>
    %shift_right_logical3A_32 = arith.constant 6 : i32
    %shift_right_logical3A_33 = vector.broadcast %shift_right_logical3A_32 : i32 to vector<80x128xi32>
    %shift_right_logical3A_34 = arith.shrui %xor3A_27, %shift_right_logical3A_33 : vector<80x128xi32>
    %or3A_35 = arith.ori %shift_left3A_31, %shift_right_logical3A_34 : vector<80x128xi32>
    %xor3A_36 = arith.xori %add3A_28, %or3A_35 : vector<80x128xi32>
    %add3A_37 = arith.addi %add3A_28, %xor3A_36 : vector<80x128xi32>
    %shift_left3A_38 = arith.constant 6 : i32
    %shift_left3A_39 = vector.broadcast %shift_left3A_38 : i32 to vector<80x128xi32>
    %shift_left3A_40 = arith.shli %xor3A_36, %shift_left3A_39 : vector<80x128xi32>
    %shift_right_logical3A_41 = arith.constant 26 : i32
    %shift_right_logical3A_42 = vector.broadcast %shift_right_logical3A_41 : i32 to vector<80x128xi32>
    %shift_right_logical3A_43 = arith.shrui %xor3A_36, %shift_right_logical3A_42 : vector<80x128xi32>
    %or3A_44 = arith.ori %shift_left3A_40, %shift_right_logical3A_43 : vector<80x128xi32>
    %xor3A_45 = arith.xori %add3A_37, %or3A_44 : vector<80x128xi32>
    %add3A_46 = arith.constant 42 : i32
    %add3A_47 = vector.broadcast %add3A_46 : i32 to vector<80x128xi32>
    %add3A_48 = arith.addi %add3A_37, %add3A_47 : vector<80x128xi32>
    %add3A_49 = arith.constant 466689009 : i32
    %add3A_50 = vector.broadcast %add3A_49 : i32 to vector<80x128xi32>
    %add3A_51 = arith.addi %xor3A_45, %add3A_50 : vector<80x128xi32>
    %add3A_52 = arith.addi %add3A_48, %add3A_51 : vector<80x128xi32>
    %shift_left3A_53 = arith.constant 17 : i32
    %shift_left3A_54 = vector.broadcast %shift_left3A_53 : i32 to vector<80x128xi32>
    %shift_left3A_55 = arith.shli %add3A_51, %shift_left3A_54 : vector<80x128xi32>
    %shift_right_logical3A_56 = arith.constant 15 : i32
    %shift_right_logical3A_57 = vector.broadcast %shift_right_logical3A_56 : i32 to vector<80x128xi32>
    %shift_right_logical3A_58 = arith.shrui %add3A_51, %shift_right_logical3A_57 : vector<80x128xi32>
    %or3A_59 = arith.ori %shift_left3A_55, %shift_right_logical3A_58 : vector<80x128xi32>
    %xor3A_60 = arith.xori %add3A_52, %or3A_59 : vector<80x128xi32>
    %add3A_61 = arith.addi %add3A_52, %xor3A_60 : vector<80x128xi32>
    %shift_left3A_62 = arith.constant 29 : i32
    %shift_left3A_63 = vector.broadcast %shift_left3A_62 : i32 to vector<80x128xi32>
    %shift_left3A_64 = arith.shli %xor3A_60, %shift_left3A_63 : vector<80x128xi32>
    %shift_right_logical3A_65 = arith.constant 3 : i32
    %shift_right_logical3A_66 = vector.broadcast %shift_right_logical3A_65 : i32 to vector<80x128xi32>
    %shift_right_logical3A_67 = arith.shrui %xor3A_60, %shift_right_logical3A_66 : vector<80x128xi32>
    %or3A_68 = arith.ori %shift_left3A_64, %shift_right_logical3A_67 : vector<80x128xi32>
    %xor3A_69 = arith.xori %add3A_61, %or3A_68 : vector<80x128xi32>
    %add3A_70 = arith.addi %add3A_61, %xor3A_69 : vector<80x128xi32>
    %shift_left3A_71 = arith.constant 16 : i32
    %shift_left3A_72 = vector.broadcast %shift_left3A_71 : i32 to vector<80x128xi32>
    %shift_left3A_73 = arith.shli %xor3A_69, %shift_left3A_72 : vector<80x128xi32>
    %shift_right_logical3A_74 = arith.constant 16 : i32
    %shift_right_logical3A_75 = vector.broadcast %shift_right_logical3A_74 : i32 to vector<80x128xi32>
    %shift_right_logical3A_76 = arith.shrui %xor3A_69, %shift_right_logical3A_75 : vector<80x128xi32>
    %or3A_77 = arith.ori %shift_left3A_73, %shift_right_logical3A_76 : vector<80x128xi32>
    %xor3A_78 = arith.xori %add3A_70, %or3A_77 : vector<80x128xi32>
    %add3A_79 = arith.addi %add3A_70, %xor3A_78 : vector<80x128xi32>
    %shift_left3A_80 = arith.constant 24 : i32
    %shift_left3A_81 = vector.broadcast %shift_left3A_80 : i32 to vector<80x128xi32>
    %shift_left3A_82 = arith.shli %xor3A_78, %shift_left3A_81 : vector<80x128xi32>
    %shift_right_logical3A_83 = arith.constant 8 : i32
    %shift_right_logical3A_84 = vector.broadcast %shift_right_logical3A_83 : i32 to vector<80x128xi32>
    %shift_right_logical3A_85 = arith.shrui %xor3A_78, %shift_right_logical3A_84 : vector<80x128xi32>
    %or3A_86 = arith.ori %shift_left3A_82, %shift_right_logical3A_85 : vector<80x128xi32>
    %xor3A_87 = arith.xori %add3A_79, %or3A_86 : vector<80x128xi32>
    %add3A_88 = arith.constant 466689008 : i32
    %add3A_89 = vector.broadcast %add3A_88 : i32 to vector<80x128xi32>
    %add3A_90 = arith.addi %add3A_79, %add3A_89 : vector<80x128xi32>
    %add3A_91 = arith.constant 2 : i32
    %add3A_92 = vector.broadcast %add3A_91 : i32 to vector<80x128xi32>
    %add3A_93 = arith.addi %xor3A_87, %add3A_92 : vector<80x128xi32>
    %add3A_94 = arith.addi %add3A_90, %add3A_93 : vector<80x128xi32>
    %shift_left3A_95 = arith.constant 13 : i32
    %shift_left3A_96 = vector.broadcast %shift_left3A_95 : i32 to vector<80x128xi32>
    %shift_left3A_97 = arith.shli %add3A_93, %shift_left3A_96 : vector<80x128xi32>
    %shift_right_logical3A_98 = arith.constant 19 : i32
    %shift_right_logical3A_99 = vector.broadcast %shift_right_logical3A_98 : i32 to vector<80x128xi32>
    %shift_right_logical3A_100 = arith.shrui %add3A_93, %shift_right_logical3A_99 : vector<80x128xi32>
    %or3A_101 = arith.ori %shift_left3A_97, %shift_right_logical3A_100 : vector<80x128xi32>
    %xor3A_102 = arith.xori %add3A_94, %or3A_101 : vector<80x128xi32>
    %add3A_103 = arith.addi %add3A_94, %xor3A_102 : vector<80x128xi32>
    %shift_left3A_104 = arith.constant 15 : i32
    %shift_left3A_105 = vector.broadcast %shift_left3A_104 : i32 to vector<80x128xi32>
    %shift_left3A_106 = arith.shli %xor3A_102, %shift_left3A_105 : vector<80x128xi32>
    %shift_right_logical3A_107 = arith.constant 17 : i32
    %shift_right_logical3A_108 = vector.broadcast %shift_right_logical3A_107 : i32 to vector<80x128xi32>
    %shift_right_logical3A_109 = arith.shrui %xor3A_102, %shift_right_logical3A_108 : vector<80x128xi32>
    %or3A_110 = arith.ori %shift_left3A_106, %shift_right_logical3A_109 : vector<80x128xi32>
    %xor3A_111 = arith.xori %add3A_103, %or3A_110 : vector<80x128xi32>
    %add3A_112 = arith.addi %add3A_103, %xor3A_111 : vector<80x128xi32>
    %shift_left3A_113 = arith.constant 26 : i32
    %shift_left3A_114 = vector.broadcast %shift_left3A_113 : i32 to vector<80x128xi32>
    %shift_left3A_115 = arith.shli %xor3A_111, %shift_left3A_114 : vector<80x128xi32>
    %shift_right_logical3A_116 = arith.constant 6 : i32
    %shift_right_logical3A_117 = vector.broadcast %shift_right_logical3A_116 : i32 to vector<80x128xi32>
    %shift_right_logical3A_118 = arith.shrui %xor3A_111, %shift_right_logical3A_117 : vector<80x128xi32>
    %or3A_119 = arith.ori %shift_left3A_115, %shift_right_logical3A_118 : vector<80x128xi32>
    %xor3A_120 = arith.xori %add3A_112, %or3A_119 : vector<80x128xi32>
    %add3A_121 = arith.addi %add3A_112, %xor3A_120 : vector<80x128xi32>
    %shift_left3A_122 = arith.constant 6 : i32
    %shift_left3A_123 = vector.broadcast %shift_left3A_122 : i32 to vector<80x128xi32>
    %shift_left3A_124 = arith.shli %xor3A_120, %shift_left3A_123 : vector<80x128xi32>
    %shift_right_logical3A_125 = arith.constant 26 : i32
    %shift_right_logical3A_126 = vector.broadcast %shift_right_logical3A_125 : i32 to vector<80x128xi32>
    %shift_right_logical3A_127 = arith.shrui %xor3A_120, %shift_right_logical3A_126 : vector<80x128xi32>
    %or3A_128 = arith.ori %shift_left3A_124, %shift_right_logical3A_127 : vector<80x128xi32>
    %xor3A_129 = arith.xori %add3A_121, %or3A_128 : vector<80x128xi32>
    %add3A_130 = arith.constant 45 : i32
    %add3A_131 = vector.broadcast %add3A_130 : i32 to vector<80x128xi32>
    %add3A_132 = arith.addi %xor3A_129, %add3A_131 : vector<80x128xi32>
    %add3A_133 = arith.addi %add3A_121, %add3A_132 : vector<80x128xi32>
    %shift_left3A_134 = arith.constant 17 : i32
    %shift_left3A_135 = vector.broadcast %shift_left3A_134 : i32 to vector<80x128xi32>
    %shift_left3A_136 = arith.shli %add3A_132, %shift_left3A_135 : vector<80x128xi32>
    %shift_right_logical3A_137 = arith.constant 15 : i32
    %shift_right_logical3A_138 = vector.broadcast %shift_right_logical3A_137 : i32 to vector<80x128xi32>
    %shift_right_logical3A_139 = arith.shrui %add3A_132, %shift_right_logical3A_138 : vector<80x128xi32>
    %or3A_140 = arith.ori %shift_left3A_136, %shift_right_logical3A_139 : vector<80x128xi32>
    %xor3A_141 = arith.xori %add3A_133, %or3A_140 : vector<80x128xi32>
    %add3A_142 = arith.addi %add3A_133, %xor3A_141 : vector<80x128xi32>
    %shift_left3A_143 = arith.constant 29 : i32
    %shift_left3A_144 = vector.broadcast %shift_left3A_143 : i32 to vector<80x128xi32>
    %shift_left3A_145 = arith.shli %xor3A_141, %shift_left3A_144 : vector<80x128xi32>
    %shift_right_logical3A_146 = arith.constant 3 : i32
    %shift_right_logical3A_147 = vector.broadcast %shift_right_logical3A_146 : i32 to vector<80x128xi32>
    %shift_right_logical3A_148 = arith.shrui %xor3A_141, %shift_right_logical3A_147 : vector<80x128xi32>
    %or3A_149 = arith.ori %shift_left3A_145, %shift_right_logical3A_148 : vector<80x128xi32>
    %xor3A_150 = arith.xori %add3A_142, %or3A_149 : vector<80x128xi32>
    %add3A_151 = arith.addi %add3A_142, %xor3A_150 : vector<80x128xi32>
    %shift_left3A_152 = arith.constant 16 : i32
    %shift_left3A_153 = vector.broadcast %shift_left3A_152 : i32 to vector<80x128xi32>
    %shift_left3A_154 = arith.shli %xor3A_150, %shift_left3A_153 : vector<80x128xi32>
    %shift_right_logical3A_155 = arith.constant 16 : i32
    %shift_right_logical3A_156 = vector.broadcast %shift_right_logical3A_155 : i32 to vector<80x128xi32>
    %shift_right_logical3A_157 = arith.shrui %xor3A_150, %shift_right_logical3A_156 : vector<80x128xi32>
    %or3A_158 = arith.ori %shift_left3A_154, %shift_right_logical3A_157 : vector<80x128xi32>
    %xor3A_159 = arith.xori %add3A_151, %or3A_158 : vector<80x128xi32>
    %add3A_160 = arith.addi %add3A_151, %xor3A_159 : vector<80x128xi32>
    %shift_left3A_161 = arith.constant 24 : i32
    %shift_left3A_162 = vector.broadcast %shift_left3A_161 : i32 to vector<80x128xi32>
    %shift_left3A_163 = arith.shli %xor3A_159, %shift_left3A_162 : vector<80x128xi32>
    %shift_right_logical3A_164 = arith.constant 8 : i32
    %shift_right_logical3A_165 = vector.broadcast %shift_right_logical3A_164 : i32 to vector<80x128xi32>
    %shift_right_logical3A_166 = arith.shrui %xor3A_159, %shift_right_logical3A_165 : vector<80x128xi32>
    %or3A_167 = arith.ori %shift_left3A_163, %shift_right_logical3A_166 : vector<80x128xi32>
    %xor3A_168 = arith.xori %add3A_160, %or3A_167 : vector<80x128xi32>
    %add3A_169 = arith.constant 42 : i32
    %add3A_170 = vector.broadcast %add3A_169 : i32 to vector<80x128xi32>
    %add3A_171 = arith.addi %add3A_160, %add3A_170 : vector<80x128xi32>
    %add3A_172 = arith.constant 466689012 : i32
    %add3A_173 = vector.broadcast %add3A_172 : i32 to vector<80x128xi32>
    %add3A_174 = arith.addi %xor3A_168, %add3A_173 : vector<80x128xi32>
    %add3A_175 = arith.addi %add3A_171, %add3A_174 : vector<80x128xi32>
    %shift_left3A_176 = arith.constant 13 : i32
    %shift_left3A_177 = vector.broadcast %shift_left3A_176 : i32 to vector<80x128xi32>
    %shift_left3A_178 = arith.shli %add3A_174, %shift_left3A_177 : vector<80x128xi32>
    %shift_right_logical3A_179 = arith.constant 19 : i32
    %shift_right_logical3A_180 = vector.broadcast %shift_right_logical3A_179 : i32 to vector<80x128xi32>
    %shift_right_logical3A_181 = arith.shrui %add3A_174, %shift_right_logical3A_180 : vector<80x128xi32>
    %or3A_182 = arith.ori %shift_left3A_178, %shift_right_logical3A_181 : vector<80x128xi32>
    %xor3A_183 = arith.xori %add3A_175, %or3A_182 : vector<80x128xi32>
    %add3A_184 = arith.addi %add3A_175, %xor3A_183 : vector<80x128xi32>
    %shift_left3A_185 = arith.constant 15 : i32
    %shift_left3A_186 = vector.broadcast %shift_left3A_185 : i32 to vector<80x128xi32>
    %shift_left3A_187 = arith.shli %xor3A_183, %shift_left3A_186 : vector<80x128xi32>
    %shift_right_logical3A_188 = arith.constant 17 : i32
    %shift_right_logical3A_189 = vector.broadcast %shift_right_logical3A_188 : i32 to vector<80x128xi32>
    %shift_right_logical3A_190 = arith.shrui %xor3A_183, %shift_right_logical3A_189 : vector<80x128xi32>
    %or3A_191 = arith.ori %shift_left3A_187, %shift_right_logical3A_190 : vector<80x128xi32>
    %xor3A_192 = arith.xori %add3A_184, %or3A_191 : vector<80x128xi32>
    %add3A_193 = arith.addi %add3A_184, %xor3A_192 : vector<80x128xi32>
    %shift_left3A_194 = arith.constant 26 : i32
    %shift_left3A_195 = vector.broadcast %shift_left3A_194 : i32 to vector<80x128xi32>
    %shift_left3A_196 = arith.shli %xor3A_192, %shift_left3A_195 : vector<80x128xi32>
    %shift_right_logical3A_197 = arith.constant 6 : i32
    %shift_right_logical3A_198 = vector.broadcast %shift_right_logical3A_197 : i32 to vector<80x128xi32>
    %shift_right_logical3A_199 = arith.shrui %xor3A_192, %shift_right_logical3A_198 : vector<80x128xi32>
    %or3A_200 = arith.ori %shift_left3A_196, %shift_right_logical3A_199 : vector<80x128xi32>
    %xor3A_201 = arith.xori %add3A_193, %or3A_200 : vector<80x128xi32>
    %add3A_202 = arith.addi %add3A_193, %xor3A_201 : vector<80x128xi32>
    %shift_left3A_203 = arith.constant 6 : i32
    %shift_left3A_204 = vector.broadcast %shift_left3A_203 : i32 to vector<80x128xi32>
    %shift_left3A_205 = arith.shli %xor3A_201, %shift_left3A_204 : vector<80x128xi32>
    %shift_right_logical3A_206 = arith.constant 26 : i32
    %shift_right_logical3A_207 = vector.broadcast %shift_right_logical3A_206 : i32 to vector<80x128xi32>
    %shift_right_logical3A_208 = arith.shrui %xor3A_201, %shift_right_logical3A_207 : vector<80x128xi32>
    %or3A_209 = arith.ori %shift_left3A_205, %shift_right_logical3A_208 : vector<80x128xi32>
    %xor3A_210 = arith.xori %add3A_202, %or3A_209 : vector<80x128xi32>
    %add3A_211 = arith.constant 466689008 : i32
    %add3A_212 = vector.broadcast %add3A_211 : i32 to vector<80x128xi32>
    %add3A_213 = arith.addi %add3A_202, %add3A_212 : vector<80x128xi32>
    %add3A_214 = arith.constant 5 : i32
    %add3A_215 = vector.broadcast %add3A_214 : i32 to vector<80x128xi32>
    %add3A_216 = arith.addi %xor3A_210, %add3A_215 : vector<80x128xi32>
    %xor3A_217 = arith.xori %add3A_213, %add3A_216 : vector<80x128xi32>
    %shift_right_logical3A_218 = arith.constant 9 : i32
    %shift_right_logical3A_219 = vector.broadcast %shift_right_logical3A_218 : i32 to vector<80x128xi32>
    %shift_right_logical3A_220 = arith.shrui %xor3A_217, %shift_right_logical3A_219 : vector<80x128xi32>
    %ge3A = vector.broadcast %get3A_0 : i32 to vector<80x128xi32>
    %ge3A_221 = arith.cmpi sge, %shift_right_logical3A_220, %ge3A : vector<80x128xi32>
    %get3A_222 = arith.constant 0 : index
    %get3A_223 = arith.constant 0 : index
    %get3A_224 = vector.load %arg3[%get3A_222, %get3A_223] : memref<2000x128xf32, #tpu.memory_space<vmem>>, vector<80x128xf32>
    %mul3A_225 = vector.broadcast %get3A_2 : f32 to vector<80x128xf32>
    %mul3A_226 = arith.mulf %get3A_224, %mul3A_225 : vector<80x128xf32>
    %jit3A = arith.constant 0.000000e+00 : f32
    %broadcast_in_dim3A = vector.broadcast %jit3A : f32 to vector<80x128xf32>
    %select_n3A = arith.select %ge3A_221, %mul3A_226, %broadcast_in_dim3A : vector<80x128xi1>, vector<80x128xf32>
    %swap3A = arith.constant 0 : index
    %swap3A_227 = arith.constant 0 : index
    %swap3A_228 = vector.load %arg4[%swap3A, %swap3A_227] : memref<2000x128xf32, #tpu.memory_space<vmem>>, vector<80x128xf32>
    tpu.vector_store %arg4[%swap3A, %swap3A_227], %select_n3A {strides = array<i32>} : memref<2000x128xf32, #tpu.memory_space<vmem>>, vector<80x128xf32>,
    %add3A_229 = arith.constant 10240 : i32
    %add3A_230 = arith.addi %mul3A_6, %add3A_229 : i32
    %add3A_231 = vector.broadcast %add3A_230 : i32 to vector<80x128xi32>
    %add3A_232 = arith.addi %add3A, %add3A_231 : vector<80x128xi32>
    %add3A_233 = arith.constant 42 : i32
    %add3A_234 = vector.broadcast %add3A_233 : i32 to vector<80x128xi32>
    %add3A_235 = arith.addi %add3A_232, %add3A_234 : vector<80x128xi32>
    %shift_left3A_236 = arith.constant 13 : i32
    %shift_left3A_237 = vector.broadcast %shift_left3A_236 : i32 to vector<80x128xi32>
    %shift_left3A_238 = arith.shli %add3A_235, %shift_left3A_237 : vector<80x128xi32>
    %shift_right_logical3A_239 = arith.constant 19 : i32
    %shift_right_logical3A_240 = vector.broadcast %shift_right_logical3A_239 : i32 to vector<80x128xi32>
    %shift_right_logical3A_241 = arith.shrui %add3A_235, %shift_right_logical3A_240 : vector<80x128xi32>
    %or3A_242 = arith.ori %shift_left3A_238, %shift_right_logical3A_241 : vector<80x128xi32>
    %xor3A_243 = arith.xori %add3A_235, %or3A_242 : vector<80x128xi32>
    %add3A_244 = arith.addi %add3A_235, %xor3A_243 : vector<80x128xi32>
    %shift_left3A_245 = arith.constant 15 : i32
    %shift_left3A_246 = vector.broadcast %shift_left3A_245 : i32 to vector<80x128xi32>
    %shift_left3A_247 = arith.shli %xor3A_243, %shift_left3A_246 : vector<80x128xi32>
    %shift_right_logical3A_248 = arith.constant 17 : i32
    %shift_right_logical3A_249 = vector.broadcast %shift_right_logical3A_248 : i32 to vector<80x128xi32>
    %shift_right_logical3A_250 = arith.shrui %xor3A_243, %shift_right_logical3A_249 : vector<80x128xi32>
    %or3A_251 = arith.ori %shift_left3A_247, %shift_right_logical3A_250 : vector<80x128xi32>
    %xor3A_252 = arith.xori %add3A_244, %or3A_251 : vector<80x128xi32>
    %add3A_253 = arith.addi %add3A_244, %xor3A_252 : vector<80x128xi32>
    %shift_left3A_254 = arith.constant 26 : i32
    %shift_left3A_255 = vector.broadcast %shift_left3A_254 : i32 to vector<80x128xi32>
    %shift_left3A_256 = arith.shli %xor3A_252, %shift_left3A_255 : vector<80x128xi32>
    %shift_right_logical3A_257 = arith.constant 6 : i32
    %shift_right_logical3A_258 = vector.broadcast %shift_right_logical3A_257 : i32 to vector<80x128xi32>
    %shift_right_logical3A_259 = arith.shrui %xor3A_252, %shift_right_logical3A_258 : vector<80x128xi32>
    %or3A_260 = arith.ori %shift_left3A_256, %shift_right_logical3A_259 : vector<80x128xi32>
    %xor3A_261 = arith.xori %add3A_253, %or3A_260 : vector<80x128xi32>
    %add3A_262 = arith.addi %add3A_253, %xor3A_261 : vector<80x128xi32>
    %shift_left3A_263 = arith.constant 6 : i32
    %shift_left3A_264 = vector.broadcast %shift_left3A_263 : i32 to vector<80x128xi32>
    %shift_left3A_265 = arith.shli %xor3A_261, %shift_left3A_264 : vector<80x128xi32>
    %shift_right_logical3A_266 = arith.constant 26 : i32
    %shift_right_logical3A_267 = vector.broadcast %shift_right_logical3A_266 : i32 to vector<80x128xi32>
    %shift_right_logical3A_268 = arith.shrui %xor3A_261, %shift_right_logical3A_267 : vector<80x128xi32>
    %or3A_269 = arith.ori %shift_left3A_265, %shift_right_logical3A_268 : vector<80x128xi32>
    %xor3A_270 = arith.xori %add3A_262, %or3A_269 : vector<80x128xi32>
    %add3A_271 = arith.constant 42 : i32
    %add3A_272 = vector.broadcast %add3A_271 : i32 to vector<80x128xi32>
    %add3A_273 = arith.addi %add3A_262, %add3A_272 : vector<80x128xi32>
    %add3A_274 = arith.constant 466689009 : i32
    %add3A_275 = vector.broadcast %add3A_274 : i32 to vector<80x128xi32>
    %add3A_276 = arith.addi %xor3A_270, %add3A_275 : vector<80x128xi32>
    %add3A_277 = arith.addi %add3A_273, %add3A_276 : vector<80x128xi32>
    %shift_left3A_278 = arith.constant 17 : i32
    %shift_left3A_279 = vector.broadcast %shift_left3A_278 : i32 to vector<80x128xi32>
    %shift_left3A_280 = arith.shli %add3A_276, %shift_left3A_279 : vector<80x128xi32>
    %shift_right_logical3A_281 = arith.constant 15 : i32
    %shift_right_logical3A_282 = vector.broadcast %shift_right_logical3A_281 : i32 to vector<80x128xi32>
    %shift_right_logical3A_283 = arith.shrui %add3A_276, %shift_right_logical3A_282 : vector<80x128xi32>
    %or3A_284 = arith.ori %shift_left3A_280, %shift_right_logical3A_283 : vector<80x128xi32>
    %xor3A_285 = arith.xori %add3A_277, %or3A_284 : vector<80x128xi32>
    %add3A_286 = arith.addi %add3A_277, %xor3A_285 : vector<80x128xi32>
    %shift_left3A_287 = arith.constant 29 : i32
    %shift_left3A_288 = vector.broadcast %shift_left3A_287 : i32 to vector<80x128xi32>
    %shift_left3A_289 = arith.shli %xor3A_285, %shift_left3A_288 : vector<80x128xi32>
    %shift_right_logical3A_290 = arith.constant 3 : i32
    %shift_right_logical3A_291 = vector.broadcast %shift_right_logical3A_290 : i32 to vector<80x128xi32>
    %shift_right_logical3A_292 = arith.shrui %xor3A_285, %shift_right_logical3A_291 : vector<80x128xi32>
    %or3A_293 = arith.ori %shift_left3A_289, %shift_right_logical3A_292 : vector<80x128xi32>
    %xor3A_294 = arith.xori %add3A_286, %or3A_293 : vector<80x128xi32>
    %add3A_295 = arith.addi %add3A_286, %xor3A_294 : vector<80x128xi32>
    %shift_left3A_296 = arith.constant 16 : i32
    %shift_left3A_297 = vector.broadcast %shift_left3A_296 : i32 to vector<80x128xi32>
    %shift_left3A_298 = arith.shli %xor3A_294, %shift_left3A_297 : vector<80x128xi32>
    %shift_right_logical3A_299 = arith.constant 16 : i32
    %shift_right_logical3A_300 = vector.broadcast %shift_right_logical3A_299 : i32 to vector<80x128xi32>
    %shift_right_logical3A_301 = arith.shrui %xor3A_294, %shift_right_logical3A_300 : vector<80x128xi32>
    %or3A_302 = arith.ori %shift_left3A_298, %shift_right_logical3A_301 : vector<80x128xi32>
    %xor3A_303 = arith.xori %add3A_295, %or3A_302 : vector<80x128xi32>
    %add3A_304 = arith.addi %add3A_295, %xor3A_303 : vector<80x128xi32>
    %shift_left3A_305 = arith.constant 24 : i32
    %shift_left3A_306 = vector.broadcast %shift_left3A_305 : i32 to vector<80x128xi32>
    %shift_left3A_307 = arith.shli %xor3A_303, %shift_left3A_306 : vector<80x128xi32>
    %shift_right_logical3A_308 = arith.constant 8 : i32
    %shift_right_logical3A_309 = vector.broadcast %shift_right_logical3A_308 : i32 to vector<80x128xi32>
    %shift_right_logical3A_310 = arith.shrui %xor3A_303, %shift_right_logical3A_309 : vector<80x128xi32>
    %or3A_311 = arith.ori %shift_left3A_307, %shift_right_logical3A_310 : vector<80x128xi32>
    %xor3A_312 = arith.xori %add3A_304, %or3A_311 : vector<80x128xi32>
    %add3A_313 = arith.constant 466689008 : i32
    %add3A_314 = vector.broadcast %add3A_313 : i32 to vector<80x128xi32>
    %add3A_315 = arith.addi %add3A_304, %add3A_314 : vector<80x128xi32>
    %add3A_316 = arith.constant 2 : i32
    %add3A_317 = vector.broadcast %add3A_316 : i32 to vector<80x128xi32>
    %add3A_318 = arith.addi %xor3A_312, %add3A_317 : vector<80x128xi32>
    %add3A_319 = arith.addi %add3A_315, %add3A_318 : vector<80x128xi32>
    %shift_left3A_320 = arith.constant 13 : i32
    %shift_left3A_321 = vector.broadcast %shift_left3A_320 : i32 to vector<80x128xi32>
    %shift_left3A_322 = arith.shli %add3A_318, %shift_left3A_321 : vector<80x128xi32>
    %shift_right_logical3A_323 = arith.constant 19 : i32
    %shift_right_logical3A_324 = vector.broadcast %shift_right_logical3A_323 : i32 to vector<80x128xi32>
    %shift_right_logical3A_325 = arith.shrui %add3A_318, %shift_right_logical3A_324 : vector<80x128xi32>
    %or3A_326 = arith.ori %shift_left3A_322, %shift_right_logical3A_325 : vector<80x128xi32>
    %xor3A_327 = arith.xori %add3A_319, %or3A_326 : vector<80x128xi32>
    %add3A_328 = arith.addi %add3A_319, %xor3A_327 : vector<80x128xi32>
    %shift_left3A_329 = arith.constant 15 : i32
    %shift_left3A_330 = vector.broadcast %shift_left3A_329 : i32 to vector<80x128xi32>
    %shift_left3A_331 = arith.shli %xor3A_327, %shift_left3A_330 : vector<80x128xi32>
    %shift_right_logical3A_332 = arith.constant 17 : i32
    %shift_right_logical3A_333 = vector.broadcast %shift_right_logical3A_332 : i32 to vector<80x128xi32>
    %shift_right_logical3A_334 = arith.shrui %xor3A_327, %shift_right_logical3A_333 : vector<80x128xi32>
    %or3A_335 = arith.ori %shift_left3A_331, %shift_right_logical3A_334 : vector<80x128xi32>
    %xor3A_336 = arith.xori %add3A_328, %or3A_335 : vector<80x128xi32>
    %add3A_337 = arith.addi %add3A_328, %xor3A_336 : vector<80x128xi32>
    %shift_left3A_338 = arith.constant 26 : i32
    %shift_left3A_339 = vector.broadcast %shift_left3A_338 : i32 to vector<80x128xi32>
    %shift_left3A_340 = arith.shli %xor3A_336, %shift_left3A_339 : vector<80x128xi32>
    %shift_right_logical3A_341 = arith.constant 6 : i32
    %shift_right_logical3A_342 = vector.broadcast %shift_right_logical3A_341 : i32 to vector<80x128xi32>
    %shift_right_logical3A_343 = arith.shrui %xor3A_336, %shift_right_logical3A_342 : vector<80x128xi32>
    %or3A_344 = arith.ori %shift_left3A_340, %shift_right_logical3A_343 : vector<80x128xi32>
    %xor3A_345 = arith.xori %add3A_337, %or3A_344 : vector<80x128xi32>
    %add3A_346 = arith.addi %add3A_337, %xor3A_345 : vector<80x128xi32>
    %shift_left3A_347 = arith.constant 6 : i32
    %shift_left3A_348 = vector.broadcast %shift_left3A_347 : i32 to vector<80x128xi32>
    %shift_left3A_349 = arith.shli %xor3A_345, %shift_left3A_348 : vector<80x128xi32>
    %shift_right_logical3A_350 = arith.constant 26 : i32
    %shift_right_logical3A_351 = vector.broadcast %shift_right_logical3A_350 : i32 to vector<80x128xi32>
    %shift_right_logical3A_352 = arith.shrui %xor3A_345, %shift_right_logical3A_351 : vector<80x128xi32>
    %or3A_353 = arith.ori %shift_left3A_349, %shift_right_logical3A_352 : vector<80x128xi32>
    %xor3A_354 = arith.xori %add3A_346, %or3A_353 : vector<80x128xi32>
    %add3A_355 = arith.constant 45 : i32
    %add3A_356 = vector.broadcast %add3A_355 : i32 to vector<80x128xi32>
    %add3A_357 = arith.addi %xor3A_354, %add3A_356 : vector<80x128xi32>
    %add3A_358 = arith.addi %add3A_346, %add3A_357 : vector<80x128xi32>
    %shift_left3A_359 = arith.constant 17 : i32
    %shift_left3A_360 = vector.broadcast %shift_left3A_359 : i32 to vector<80x128xi32>
    %shift_left3A_361 = arith.shli %add3A_357, %shift_left3A_360 : vector<80x128xi32>
    %shift_right_logical3A_362 = arith.constant 15 : i32
    %shift_right_logical3A_363 = vector.broadcast %shift_right_logical3A_362 : i32 to vector<80x128xi32>
    %shift_right_logical3A_364 = arith.shrui %add3A_357, %shift_right_logical3A_363 : vector<80x128xi32>
    %or3A_365 = arith.ori %shift_left3A_361, %shift_right_logical3A_364 : vector<80x128xi32>
    %xor3A_366 = arith.xori %add3A_358, %or3A_365 : vector<80x128xi32>
    %add3A_367 = arith.addi %add3A_358, %xor3A_366 : vector<80x128xi32>
    %shift_left3A_368 = arith.constant 29 : i32
    %shift_left3A_369 = vector.broadcast %shift_left3A_368 : i32 to vector<80x128xi32>
    %shift_left3A_370 = arith.shli %xor3A_366, %shift_left3A_369 : vector<80x128xi32>
    %shift_right_logical3A_371 = arith.constant 3 : i32
    %shift_right_logical3A_372 = vector.broadcast %shift_right_logical3A_371 : i32 to vector<80x128xi32>
    %shift_right_logical3A_373 = arith.shrui %xor3A_366, %shift_right_logical3A_372 : vector<80x128xi32>
    %or3A_374 = arith.ori %shift_left3A_370, %shift_right_logical3A_373 : vector<80x128xi32>
    %xor3A_375 = arith.xori %add3A_367, %or3A_374 : vector<80x128xi32>
    %add3A_376 = arith.addi %add3A_367, %xor3A_375 : vector<80x128xi32>
    %shift_left3A_377 = arith.constant 16 : i32
    %shift_left3A_378 = vector.broadcast %shift_left3A_377 : i32 to vector<80x128xi32>
    %shift_left3A_379 = arith.shli %xor3A_375, %shift_left3A_378 : vector<80x128xi32>
    %shift_right_logical3A_380 = arith.constant 16 : i32
    %shift_right_logical3A_381 = vector.broadcast %shift_right_logical3A_380 : i32 to vector<80x128xi32>
    %shift_right_logical3A_382 = arith.shrui %xor3A_375, %shift_right_logical3A_381 : vector<80x128xi32>
    %or3A_383 = arith.ori %shift_left3A_379, %shift_right_logical3A_382 : vector<80x128xi32>
    %xor3A_384 = arith.xori %add3A_376, %or3A_383 : vector<80x128xi32>
    %add3A_385 = arith.addi %add3A_376, %xor3A_384 : vector<80x128xi32>
    %shift_left3A_386 = arith.constant 24 : i32
    %shift_left3A_387 = vector.broadcast %shift_left3A_386 : i32 to vector<80x128xi32>
    %shift_left3A_388 = arith.shli %xor3A_384, %shift_left3A_387 : vector<80x128xi32>
    %shift_right_logical3A_389 = arith.constant 8 : i32
    %shift_right_logical3A_390 = vector.broadcast %shift_right_logical3A_389 : i32 to vector<80x128xi32>
    %shift_right_logical3A_391 = arith.shrui %xor3A_384, %shift_right_logical3A_390 : vector<80x128xi32>
    %or3A_392 = arith.ori %shift_left3A_388, %shift_right_logical3A_391 : vector<80x128xi32>
    %xor3A_393 = arith.xori %add3A_385, %or3A_392 : vector<80x128xi32>
    %add3A_394 = arith.constant 42 : i32
    %add3A_395 = vector.broadcast %add3A_394 : i32 to vector<80x128xi32>
    %add3A_396 = arith.addi %add3A_385, %add3A_395 : vector<80x128xi32>
    %add3A_397 = arith.constant 466689012 : i32
    %add3A_398 = vector.broadcast %add3A_397 : i32 to vector<80x128xi32>
    %add3A_399 = arith.addi %xor3A_393, %add3A_398 : vector<80x128xi32>
    %add3A_400 = arith.addi %add3A_396, %add3A_399 : vector<80x128xi32>
    %shift_left3A_401 = arith.constant 13 : i32
    %shift_left3A_402 = vector.broadcast %shift_left3A_401 : i32 to vector<80x128xi32>
    %shift_left3A_403 = arith.shli %add3A_399, %shift_left3A_402 : vector<80x128xi32>
    %shift_right_logical3A_404 = arith.constant 19 : i32
    %shift_right_logical3A_405 = vector.broadcast %shift_right_logical3A_404 : i32 to vector<80x128xi32>
    %shift_right_logical3A_406 = arith.shrui %add3A_399, %shift_right_logical3A_405 : vector<80x128xi32>
    %or3A_407 = arith.ori %shift_left3A_403, %shift_right_logical3A_406 : vector<80x128xi32>
    %xor3A_408 = arith.xori %add3A_400, %or3A_407 : vector<80x128xi32>
    %add3A_409 = arith.addi %add3A_400, %xor3A_408 : vector<80x128xi32>
    %shift_left3A_410 = arith.constant 15 : i32
    %shift_left3A_411 = vector.broadcast %shift_left3A_410 : i32 to vector<80x128xi32>
    %shift_left3A_412 = arith.shli %xor3A_408, %shift_left3A_411 : vector<80x128xi32>
    %shift_right_logical3A_413 = arith.constant 17 : i32
    %shift_right_logical3A_414 = vector.broadcast %shift_right_logical3A_413 : i32 to vector<80x128xi32>
    %shift_right_logical3A_415 = arith.shrui %xor3A_408, %shift_right_logical3A_414 : vector<80x128xi32>
    %or3A_416 = arith.ori %shift_left3A_412, %shift_right_logical3A_415 : vector<80x128xi32>
    %xor3A_417 = arith.xori %add3A_409, %or3A_416 : vector<80x128xi32>
    %add3A_418 = arith.addi %add3A_409, %xor3A_417 : vector<80x128xi32>
    %shift_left3A_419 = arith.constant 26 : i32
    %shift_left3A_420 = vector.broadcast %shift_left3A_419 : i32 to vector<80x128xi32>
    %shift_left3A_421 = arith.shli %xor3A_417, %shift_left3A_420 : vector<80x128xi32>
    %shift_right_logical3A_422 = arith.constant 6 : i32
    %shift_right_logical3A_423 = vector.broadcast %shift_right_logical3A_422 : i32 to vector<80x128xi32>
    %shift_right_logical3A_424 = arith.shrui %xor3A_417, %shift_right_logical3A_423 : vector<80x128xi32>
    %or3A_425 = arith.ori %shift_left3A_421, %shift_right_logical3A_424 : vector<80x128xi32>
    %xor3A_426 = arith.xori %add3A_418, %or3A_425 : vector<80x128xi32>
    %add3A_427 = arith.addi %add3A_418, %xor3A_426 : vector<80x128xi32>
    %shift_left3A_428 = arith.constant 6 : i32
    %shift_left3A_429 = vector.broadcast %shift_left3A_428 : i32 to vector<80x128xi32>
    %shift_left3A_430 = arith.shli %xor3A_426, %shift_left3A_429 : vector<80x128xi32>
    %shift_right_logical3A_431 = arith.constant 26 : i32
    %shift_right_logical3A_432 = vector.broadcast %shift_right_logical3A_431 : i32 to vector<80x128xi32>
    %shift_right_logical3A_433 = arith.shrui %xor3A_426, %shift_right_logical3A_432 : vector<80x128xi32>
    %or3A_434 = arith.ori %shift_left3A_430, %shift_right_logical3A_433 : vector<80x128xi32>
    %xor3A_435 = arith.xori %add3A_427, %or3A_434 : vector<80x128xi32>
    %add3A_436 = arith.constant 466689008 : i32
    %add3A_437 = vector.broadcast %add3A_436 : i32 to vector<80x128xi32>
    %add3A_438 = arith.addi %add3A_427, %add3A_437 : vector<80x128xi32>
    %add3A_439 = arith.constant 5 : i32
    %add3A_440 = vector.broadcast %add3A_439 : i32 to vector<80x128xi32>
    %add3A_441 = arith.addi %xor3A_435, %add3A_440 : vector<80x128xi32>
    %xor3A_442 = arith.xori %add3A_438, %add3A_441 : vector<80x128xi32>
    %shift_right_logical3A_443 = arith.constant 9 : i32
    %shift_right_logical3A_444 = vector.broadcast %shift_right_logical3A_443 : i32 to vector<80x128xi32>
    %shift_right_logical3A_445 = arith.shrui %xor3A_442, %shift_right_logical3A_444 : vector<80x128xi32>
    %ge3A_446 = vector.broadcast %get3A_0 : i32 to vector<80x128xi32>
    %ge3A_447 = arith.cmpi sge, %shift_right_logical3A_445, %ge3A_446 : vector<80x128xi32>
    %get3A_448 = arith.constant 80 : index
    %get3A_449 = arith.constant 0 : index
    %get3A_450 = vector.load %arg3[%get3A_448, %get3A_449] : memref<2000x128xf32, #tpu.memory_space<vmem>>, vector<80x128xf32>
    %mul3A_451 = vector.broadcast %get3A_2 : f32 to vector<80x128xf32>
    %mul3A_452 = arith.mulf %get3A_450, %mul3A_451 : vector<80x128xf32>
    %jit3A_453 = arith.constant 0.000000e+00 : f32
    %broadcast_in_dim3A_454 = vector.broadcast %jit3A_453 : f32 to vector<80x128xf32>
    %select_n3A_455 = arith.select %ge3A_447, %mul3A_452, %broadcast_in_dim3A_454 : vector<80x128xi1>, vector<80x128xf32>
    %swap3A_456 = arith.constant 80 : index
    %swap3A_457 = arith.constant 0 : index
    %swap3A_458 = vector.load %arg4[%swap3A_456, %swap3A_457] : memref<2000x128xf32, #tpu.memory_space<vmem>>, vector<80x128xf32>
    tpu.vector_store %arg4[%swap3A_456, %swap3A_457], %select_n3A_455 {strides = array<i32>} : memref<2000x128xf32, #tpu.memory_space<vmem>>, vector<80x128xf32>,
    %add3A_459 = arith.constant 20480 : i32
    %add3A_460 = arith.addi %mul3A_6, %add3A_459 : i32
    %add3A_461 = vector.broadcast %add3A_460 : i32 to vector<80x128xi32>
    %add3A_462 = arith.addi %add3A, %add3A_461 : vector<80x128xi32>
    %add3A_463 = arith.constant 42 : i32
    %add3A_464 = vector.broadcast %add3A_463 : i32 to vector<80x128xi32>
    %add3A_465 = arith.addi %add3A_462, %add3A_464 : vector<80x128xi32>
    %shift_left3A_466 = arith.constant 13 : i32
    %shift_left3A_467 = vector.broadcast %shift_left3A_466 : i32 to vector<80x128xi32>
    %shift_left3A_468 = arith.shli %add3A_465, %shift_left3A_467 : vector<80x128xi32>
    %shift_right_logical3A_469 = arith.constant 19 : i32
    %shift_right_logical3A_470 = vector.broadcast %shift_right_logical3A_469 : i32 to vector<80x128xi32>
    %shift_right_logical3A_471 = arith.shrui %add3A_465, %shift_right_logical3A_470 : vector<80x128xi32>
    %or3A_472 = arith.ori %shift_left3A_468, %shift_right_logical3A_471 : vector<80x128xi32>
    %xor3A_473 = arith.xori %add3A_465, %or3A_472 : vector<80x128xi32>
    %add3A_474 = arith.addi %add3A_465, %xor3A_473 : vector<80x128xi32>
    %shift_left3A_475 = arith.constant 15 : i32
    %shift_left3A_476 = vector.broadcast %shift_left3A_475 : i32 to vector<80x128xi32>
    %shift_left3A_477 = arith.shli %xor3A_473, %shift_left3A_476 : vector<80x128xi32>
    %shift_right_logical3A_478 = arith.constant 17 : i32
    %shift_right_logical3A_479 = vector.broadcast %shift_right_logical3A_478 : i32 to vector<80x128xi32>
    %shift_right_logical3A_480 = arith.shrui %xor3A_473, %shift_right_logical3A_479 : vector<80x128xi32>
    %or3A_481 = arith.ori %shift_left3A_477, %shift_right_logical3A_480 : vector<80x128xi32>
    %xor3A_482 = arith.xori %add3A_474, %or3A_481 : vector<80x128xi32>
    %add3A_483 = arith.addi %add3A_474, %xor3A_482 : vector<80x128xi32>
    %shift_left3A_484 = arith.constant 26 : i32
    %shift_left3A_485 = vector.broadcast %shift_left3A_484 : i32 to vector<80x128xi32>
    %shift_left3A_486 = arith.shli %xor3A_482, %shift_left3A_485 : vector<80x128xi32>
    %shift_right_logical3A_487 = arith.constant 6 : i32
    %shift_right_logical3A_488 = vector.broadcast %shift_right_logical3A_487 : i32 to vector<80x128xi32>
    %shift_right_logical3A_489 = arith.shrui %xor3A_482, %shift_right_logical3A_488 : vector<80x128xi32>
    %or3A_490 = arith.ori %shift_left3A_486, %shift_right_logical3A_489 : vector<80x128xi32>
    %xor3A_491 = arith.xori %add3A_483, %or3A_490 : vector<80x128xi32>
    %add3A_492 = arith.addi %add3A_483, %xor3A_491 : vector<80x128xi32>
    %shift_left3A_493 = arith.constant 6 : i32
    %shift_left3A_494 = vector.broadcast %shift_left3A_493 : i32 to vector<80x128xi32>
    %shift_left3A_495 = arith.shli %xor3A_491, %shift_left3A_494 : vector<80x128xi32>
    %shift_right_logical3A_496 = arith.constant 26 : i32
    %shift_right_logical3A_497 = vector.broadcast %shift_right_logical3A_496 : i32 to vector<80x128xi32>
    %shift_right_logical3A_498 = arith.shrui %xor3A_491, %shift_right_logical3A_497 : vector<80x128xi32>
    %or3A_499 = arith.ori %shift_left3A_495, %shift_right_logical3A_498 : vector<80x128xi32>
    %xor3A_500 = arith.xori %add3A_492, %or3A_499 : vector<80x128xi32>
    %add3A_501 = arith.constant 42 : i32
    %add3A_502 = vector.broadcast %add3A_501 : i32 to vector<80x128xi32>
    %add3A_503 = arith.addi %add3A_492, %add3A_502 : vector<80x128xi32>
    %add3A_504 = arith.constant 466689009 : i32
    %add3A_505 = vector.broadcast %add3A_504 : i32 to vector<80x128xi32>
    %add3A_506 = arith.addi %xor3A_500, %add3A_505 : vector<80x128xi32>
    %add3A_507 = arith.addi %add3A_503, %add3A_506 : vector<80x128xi32>
    %shift_left3A_508 = arith.constant 17 : i32
    %shift_left3A_509 = vector.broadcast %shift_left3A_508 : i32 to vector<80x128xi32>
    %shift_left3A_510 = arith.shli %add3A_506, %shift_left3A_509 : vector<80x128xi32>
    %shift_right_logical3A_511 = arith.constant 15 : i32
    %shift_right_logical3A_512 = vector.broadcast %shift_right_logical3A_511 : i32 to vector<80x128xi32>
    %shift_right_logical3A_513 = arith.shrui %add3A_506, %shift_right_logical3A_512 : vector<80x128xi32>
    %or3A_514 = arith.ori %shift_left3A_510, %shift_right_logical3A_513 : vector<80x128xi32>
    %xor3A_515 = arith.xori %add3A_507, %or3A_514 : vector<80x128xi32>
    %add3A_516 = arith.addi %add3A_507, %xor3A_515 : vector<80x128xi32>
    %shift_left3A_517 = arith.constant 29 : i32
    %shift_left3A_518 = vector.broadcast %shift_left3A_517 : i32 to vector<80x128xi32>
    %shift_left3A_519 = arith.shli %xor3A_515, %shift_left3A_518 : vector<80x128xi32>
    %shift_right_logical3A_520 = arith.constant 3 : i32
    %shift_right_logical3A_521 = vector.broadcast %shift_right_logical3A_520 : i32 to vector<80x128xi32>
    %shift_right_logical3A_522 = arith.shrui %xor3A_515, %shift_right_logical3A_521 : vector<80x128xi32>
    %or3A_523 = arith.ori %shift_left3A_519, %shift_right_logical3A_522 : vector<80x128xi32>
    %xor3A_524 = arith.xori %add3A_516, %or3A_523 : vector<80x128xi32>
    %add3A_525 = arith.addi %add3A_516, %xor3A_524 : vector<80x128xi32>
    %shift_left3A_526 = arith.constant 16 : i32
    %shift_left3A_527 = vector.broadcast %shift_left3A_526 : i32 to vector<80x128xi32>
    %shift_left3A_528 = arith.shli %xor3A_524, %shift_left3A_527 : vector<80x128xi32>
    %shift_right_logical3A_529 = arith.constant 16 : i32
    %shift_right_logical3A_530 = vector.broadcast %shift_right_logical3A_529 : i32 to vector<80x128xi32>
    %shift_right_logical3A_531 = arith.shrui %xor3A_524, %shift_right_logical3A_530 : vector<80x128xi32>
    %or3A_532 = arith.ori %shift_left3A_528, %shift_right_logical3A_531 : vector<80x128xi32>
    %xor3A_533 = arith.xori %add3A_525, %or3A_532 : vector<80x128xi32>
    %add3A_534 = arith.addi %add3A_525, %xor3A_533 : vector<80x128xi32>
    %shift_left3A_535 = arith.constant 24 : i32
    %shift_left3A_536 = vector.broadcast %shift_left3A_535 : i32 to vector<80x128xi32>
    %shift_left3A_537 = arith.shli %xor3A_533, %shift_left3A_536 : vector<80x128xi32>
    %shift_right_logical3A_538 = arith.constant 8 : i32
    %shift_right_logical3A_539 = vector.broadcast %shift_right_logical3A_538 : i32 to vector<80x128xi32>
    %shift_right_logical3A_540 = arith.shrui %xor3A_533, %shift_right_logical3A_539 : vector<80x128xi32>
    %or3A_541 = arith.ori %shift_left3A_537, %shift_right_logical3A_540 : vector<80x128xi32>
    %xor3A_542 = arith.xori %add3A_534, %or3A_541 : vector<80x128xi32>
    %add3A_543 = arith.constant 466689008 : i32
    %add3A_544 = vector.broadcast %add3A_543 : i32 to vector<80x128xi32>
    %add3A_545 = arith.addi %add3A_534, %add3A_544 : vector<80x128xi32>
    %add3A_546 = arith.constant 2 : i32
    %add3A_547 = vector.broadcast %add3A_546 : i32 to vector<80x128xi32>
    %add3A_548 = arith.addi %xor3A_542, %add3A_547 : vector<80x128xi32>
    %add3A_549 = arith.addi %add3A_545, %add3A_548 : vector<80x128xi32>
    %shift_left3A_550 = arith.constant 13 : i32
    %shift_left3A_551 = vector.broadcast %shift_left3A_550 : i32 to vector<80x128xi32>
    %shift_left3A_552 = arith.shli %add3A_548, %shift_left3A_551 : vector<80x128xi32>
    %shift_right_logical3A_553 = arith.constant 19 : i32
    %shift_right_logical3A_554 = vector.broadcast %shift_right_logical3A_553 : i32 to vector<80x128xi32>
    %shift_right_logical3A_555 = arith.shrui %add3A_548, %shift_right_logical3A_554 : vector<80x128xi32>
    %or3A_556 = arith.ori %shift_left3A_552, %shift_right_logical3A_555 : vector<80x128xi32>
    %xor3A_557 = arith.xori %add3A_549, %or3A_556 : vector<80x128xi32>
    %add3A_558 = arith.addi %add3A_549, %xor3A_557 : vector<80x128xi32>
    %shift_left3A_559 = arith.constant 15 : i32
    %shift_left3A_560 = vector.broadcast %shift_left3A_559 : i32 to vector<80x128xi32>
    %shift_left3A_561 = arith.shli %xor3A_557, %shift_left3A_560 : vector<80x128xi32>
    %shift_right_logical3A_562 = arith.constant 17 : i32
    %shift_right_logical3A_563 = vector.broadcast %shift_right_logical3A_562 : i32 to vector<80x128xi32>
    %shift_right_logical3A_564 = arith.shrui %xor3A_557, %shift_right_logical3A_563 : vector<80x128xi32>
    %or3A_565 = arith.ori %shift_left3A_561, %shift_right_logical3A_564 : vector<80x128xi32>
    %xor3A_566 = arith.xori %add3A_558, %or3A_565 : vector<80x128xi32>
    %add3A_567 = arith.addi %add3A_558, %xor3A_566 : vector<80x128xi32>
    %shift_left3A_568 = arith.constant 26 : i32
    %shift_left3A_569 = vector.broadcast %shift_left3A_568 : i32 to vector<80x128xi32>
    %shift_left3A_570 = arith.shli %xor3A_566, %shift_left3A_569 : vector<80x128xi32>
    %shift_right_logical3A_571 = arith.constant 6 : i32
    %shift_right_logical3A_572 = vector.broadcast %shift_right_logical3A_571 : i32 to vector<80x128xi32>
    %shift_right_logical3A_573 = arith.shrui %xor3A_566, %shift_right_logical3A_572 : vector<80x128xi32>
    %or3A_574 = arith.ori %shift_left3A_570, %shift_right_logical3A_573 : vector<80x128xi32>
    %xor3A_575 = arith.xori %add3A_567, %or3A_574 : vector<80x128xi32>
    %add3A_576 = arith.addi %add3A_567, %xor3A_575 : vector<80x128xi32>
    %shift_left3A_577 = arith.constant 6 : i32
    %shift_left3A_578 = vector.broadcast %shift_left3A_577 : i32 to vector<80x128xi32>
    %shift_left3A_579 = arith.shli %xor3A_575, %shift_left3A_578 : vector<80x128xi32>
    %shift_right_logical3A_580 = arith.constant 26 : i32
    %shift_right_logical3A_581 = vector.broadcast %shift_right_logical3A_580 : i32 to vector<80x128xi32>
    %shift_right_logical3A_582 = arith.shrui %xor3A_575, %shift_right_logical3A_581 : vector<80x128xi32>
    %or3A_583 = arith.ori %shift_left3A_579, %shift_right_logical3A_582 : vector<80x128xi32>
    %xor3A_584 = arith.xori %add3A_576, %or3A_583 : vector<80x128xi32>
    %add3A_585 = arith.constant 45 : i32
    %add3A_586 = vector.broadcast %add3A_585 : i32 to vector<80x128xi32>
    %add3A_587 = arith.addi %xor3A_584, %add3A_586 : vector<80x128xi32>
    %add3A_588 = arith.addi %add3A_576, %add3A_587 : vector<80x128xi32>
    %shift_left3A_589 = arith.constant 17 : i32
    %shift_left3A_590 = vector.broadcast %shift_left3A_589 : i32 to vector<80x128xi32>
    %shift_left3A_591 = arith.shli %add3A_587, %shift_left3A_590 : vector<80x128xi32>
    %shift_right_logical3A_592 = arith.constant 15 : i32
    %shift_right_logical3A_593 = vector.broadcast %shift_right_logical3A_592 : i32 to vector<80x128xi32>
    %shift_right_logical3A_594 = arith.shrui %add3A_587, %shift_right_logical3A_593 : vector<80x128xi32>
    %or3A_595 = arith.ori %shift_left3A_591, %shift_right_logical3A_594 : vector<80x128xi32>
    %xor3A_596 = arith.xori %add3A_588, %or3A_595 : vector<80x128xi32>
    %add3A_597 = arith.addi %add3A_588, %xor3A_596 : vector<80x128xi32>
    %shift_left3A_598 = arith.constant 29 : i32
    %shift_left3A_599 = vector.broadcast %shift_left3A_598 : i32 to vector<80x128xi32>
    %shift_left3A_600 = arith.shli %xor3A_596, %shift_left3A_599 : vector<80x128xi32>
    %shift_right_logical3A_601 = arith.constant 3 : i32
    %shift_right_logical3A_602 = vector.broadcast %shift_right_logical3A_601 : i32 to vector<80x128xi32>
    %shift_right_logical3A_603 = arith.shrui %xor3A_596, %shift_right_logical3A_602 : vector<80x128xi32>
    %or3A_604 = arith.ori %shift_left3A_600, %shift_right_logical3A_603 : vector<80x128xi32>
    %xor3A_605 = arith.xori %add3A_597, %or3A_604 : vector<80x128xi32>
    %add3A_606 = arith.addi %add3A_597, %xor3A_605 : vector<80x128xi32>
    %shift_left3A_607 = arith.constant 16 : i32
    %shift_left3A_608 = vector.broadcast %shift_left3A_607 : i32 to vector<80x128xi32>
    %shift_left3A_609 = arith.shli %xor3A_605, %shift_left3A_608 : vector<80x128xi32>
    %shift_right_logical3A_610 = arith.constant 16 : i32
    %shift_right_logical3A_611 = vector.broadcast %shift_right_logical3A_610 : i32 to vector<80x128xi32>
    %shift_right_logical3A_612 = arith.shrui %xor3A_605, %shift_right_logical3A_611 : vector<80x128xi32>
    %or3A_613 = arith.ori %shift_left3A_609, %shift_right_logical3A_612 : vector<80x128xi32>
    %xor3A_614 = arith.xori %add3A_606, %or3A_613 : vector<80x128xi32>
    %add3A_615 = arith.addi %add3A_606, %xor3A_614 : vector<80x128xi32>
    %shift_left3A_616 = arith.constant 24 : i32
    %shift_left3A_617 = vector.broadcast %shift_left3A_616 : i32 to vector<80x128xi32>
    %shift_left3A_618 = arith.shli %xor3A_614, %shift_left3A_617 : vector<80x128xi32>
    %shift_right_logical3A_619 = arith.constant 8 : i32
    %shift_right_logical3A_620 = vector.broadcast %shift_right_logical3A_619 : i32 to vector<80x128xi32>
    %shift_right_logical3A_621 = arith.shrui %xor3A_614, %shift_right_logical3A_620 : vector<80x128xi32>
    %or3A_622 = arith.ori %shift_left3A_618, %shift_right_logical3A_621 : vector<80x128xi32>
    %xor3A_623 = arith.xori %add3A_615, %or3A_622 : vector<80x128xi32>
    %add3A_624 = arith.constant 42 : i32
    %add3A_625 = vector.broadcast %add3A_624 : i32 to vector<80x128xi32>
    %add3A_626 = arith.addi %add3A_615, %add3A_625 : vector<80x128xi32>
    %add3A_627 = arith.constant 466689012 : i32
    %add3A_628 = vector.broadcast %add3A_627 : i32 to vector<80x128xi32>
    %add3A_629 = arith.addi %xor3A_623, %add3A_628 : vector<80x128xi32>
    %add3A_630 = arith.addi %add3A_626, %add3A_629 : vector<80x128xi32>
    %shift_left3A_631 = arith.constant 13 : i32
    %shift_left3A_632 = vector.broadcast %shift_left3A_631 : i32 to vector<80x128xi32>
    %shift_left3A_633 = arith.shli %add3A_629, %shift_left3A_632 : vector<80x128xi32>
    %shift_right_logical3A_634 = arith.constant 19 : i32
    %shift_right_logical3A_635 = vector.broadcast %shift_right_logical3A_634 : i32 to vector<80x128xi32>
    %shift_right_logical3A_636 = arith.shrui %add3A_629, %shift_right_logical3A_635 : vector<80x128xi32>
    %or3A_637 = arith.ori %shift_left3A_633, %shift_right_logical3A_636 : vector<80x128xi32>
    %xor3A_638 = arith.xori %add3A_630, %or3A_637 : vector<80x128xi32>
    %add3A_639 = arith.addi %add3A_630, %xor3A_638 : vector<80x128xi32>
    %shift_left3A_640 = arith.constant 15 : i32
    %shift_left3A_641 = vector.broadcast %shift_left3A_640 : i32 to vector<80x128xi32>
    %shift_left3A_642 = arith.shli %xor3A_638, %shift_left3A_641 : vector<80x128xi32>
    %shift_right_logical3A_643 = arith.constant 17 : i32
    %shift_right_logical3A_644 = vector.broadcast %shift_right_logical3A_643 : i32 to vector<80x128xi32>
    %shift_right_logical3A_645 = arith.shrui %xor3A_638, %shift_right_logical3A_644 : vector<80x128xi32>
    %or3A_646 = arith.ori %shift_left3A_642, %shift_right_logical3A_645 : vector<80x128xi32>
    %xor3A_647 = arith.xori %add3A_639, %or3A_646 : vector<80x128xi32>
    %add3A_648 = arith.addi %add3A_639, %xor3A_647 : vector<80x128xi32>
    %shift_left3A_649 = arith.constant 26 : i32
    %shift_left3A_650 = vector.broadcast %shift_left3A_649 : i32 to vector<80x128xi32>
    %shift_left3A_651 = arith.shli %xor3A_647, %shift_left3A_650 : vector<80x128xi32>
    %shift_right_logical3A_652 = arith.constant 6 : i32
    %shift_right_logical3A_653 = vector.broadcast %shift_right_logical3A_652 : i32 to vector<80x128xi32>
    %shift_right_logical3A_654 = arith.shrui %xor3A_647, %shift_right_logical3A_653 : vector<80x128xi32>
    %or3A_655 = arith.ori %shift_left3A_651, %shift_right_logical3A_654 : vector<80x128xi32>
    %xor3A_656 = arith.xori %add3A_648, %or3A_655 : vector<80x128xi32>
    %add3A_657 = arith.addi %add3A_648, %xor3A_656 : vector<80x128xi32>
    %shift_left3A_658 = arith.constant 6 : i32
    %shift_left3A_659 = vector.broadcast %shift_left3A_658 : i32 to vector<80x128xi32>
    %shift_left3A_660 = arith.shli %xor3A_656, %shift_left3A_659 : vector<80x128xi32>
    %shift_right_logical3A_661 = arith.constant 26 : i32
    %shift_right_logical3A_662 = vector.broadcast %shift_right_logical3A_661 : i32 to vector<80x128xi32>
    %shift_right_logical3A_663 = arith.shrui %xor3A_656, %shift_right_logical3A_662 : vector<80x128xi32>
    %or3A_664 = arith.ori %shift_left3A_660, %shift_right_logical3A_663 : vector<80x128xi32>
    %xor3A_665 = arith.xori %add3A_657, %or3A_664 : vector<80x128xi32>
    %add3A_666 = arith.constant 466689008 : i32
    %add3A_667 = vector.broadcast %add3A_666 : i32 to vector<80x128xi32>
    %add3A_668 = arith.addi %add3A_657, %add3A_667 : vector<80x128xi32>
    %add3A_669 = arith.constant 5 : i32
    %add3A_670 = vector.broadcast %add3A_669 : i32 to vector<80x128xi32>
    %add3A_671 = arith.addi %xor3A_665, %add3A_670 : vector<80x128xi32>
    %xor3A_672 = arith.xori %add3A_668, %add3A_671 : vector<80x128xi32>
    %shift_right_logical3A_673 = arith.constant 9 : i32
    %shift_right_logical3A_674 = vector.broadcast %shift_right_logical3A_673 : i32 to vector<80x128xi32>
    %shift_right_logical3A_675 = arith.shrui %xor3A_672, %shift_right_logical3A_674 : vector<80x128xi32>
    %ge3A_676 = vector.broadcast %get3A_0 : i32 to vector<80x128xi32>
    %ge3A_677 = arith.cmpi sge, %shift_right_logical3A_675, %ge3A_676 : vector<80x128xi32>
    %get3A_678 = arith.constant 160 : index
    %get3A_679 = arith.constant 0 : index
    %get3A_680 = vector.load %arg3[%get3A_678, %get3A_679] : memref<2000x128xf32, #tpu.memory_space<vmem>>, vector<80x128xf32>
    %mul3A_681 = vector.broadcast %get3A_2 : f32 to vector<80x128xf32>
    %mul3A_682 = arith.mulf %get3A_680, %mul3A_681 : vector<80x128xf32>
    %jit3A_683 = arith.constant 0.000000e+00 : f32
    %broadcast_in_dim3A_684 = vector.broadcast %jit3A_683 : f32 to vector<80x128xf32>
    %select_n3A_685 = arith.select %ge3A_677, %mul3A_682, %broadcast_in_dim3A_684 : vector<80x128xi1>, vector<80x128xf32>
    %swap3A_686 = arith.constant 160 : index
    %swap3A_687 = arith.constant 0 : index
    %swap3A_688 = vector.load %arg4[%swap3A_686, %swap3A_687] : memref<2000x128xf32, #tpu.memory_space<vmem>>, vector<80x128xf32>
    tpu.vector_store %arg4[%swap3A_686, %swap3A_687], %select_n3A_685 {strides = array<i32>} : memref<2000x128xf32, #tpu.memory_space<vmem>>, vector<80x128xf32>,
    %add3A_689 = arith.constant 30720 : i32
    %add3A_690 = arith.addi %mul3A_6, %add3A_689 : i32
    %add3A_691 = vector.broadcast %add3A_690 : i32 to vector<80x128xi32>
    %add3A_692 = arith.addi %add3A, %add3A_691 : vector<80x128xi32>
    %add3A_693 = arith.constant 42 : i32
    %add3A_694 = vector.broadcast %add3A_693 : i32 to vector<80x128xi32>
    %add3A_695 = arith.addi %add3A_692, %add3A_694 : vector<80x128xi32>
    %shift_left3A_696 = arith.constant 13 : i32
    %shift_left3A_697 = vector.broadcast %shift_left3A_696 : i32 to vector<80x128xi32>
    %shift_left3A_698 = arith.shli %add3A_695, %shift_left3A_697 : vector<80x128xi32>
    %shift_right_logical3A_699 = arith.constant 19 : i32
    %shift_right_logical3A_700 = vector.broadcast %shift_right_logical3A_699 : i32 to vector<80x128xi32>
    %shift_right_logical3A_701 = arith.shrui %add3A_695, %shift_right_logical3A_700 : vector<80x128xi32>
    %or3A_702 = arith.ori %shift_left3A_698, %shift_right_logical3A_701 : vector<80x128xi32>
    %xor3A_703 = arith.xori %add3A_695, %or3A_702 : vector<80x128xi32>
    %add3A_704 = arith.addi %add3A_695, %xor3A_703 : vector<80x128xi32>
    %shift_left3A_705 = arith.constant 15 : i32
    %shift_left3A_706 = vector.broadcast %shift_left3A_705 : i32 to vector<80x128xi32>
    %shift_left3A_707 = arith.shli %xor3A_703, %shift_left3A_706 : vector<80x128xi32>
    %shift_right_logical3A_708 = arith.constant 17 : i32
    %shift_right_logical3A_709 = vector.broadcast %shift_right_logical3A_708 : i32 to vector<80x128xi32>
    %shift_right_logical3A_710 = arith.shrui %xor3A_703, %shift_right_logical3A_709 : vector<80x128xi32>
    %or3A_711 = arith.ori %shift_left3A_707, %shift_right_logical3A_710 : vector<80x128xi32>
    %xor3A_712 = arith.xori %add3A_704, %or3A_711 : vector<80x128xi32>
    %add3A_713 = arith.addi %add3A_704, %xor3A_712 : vector<80x128xi32>
    %shift_left3A_714 = arith.constant 26 : i32
    %shift_left3A_715 = vector.broadcast %shift_left3A_714 : i32 to vector<80x128xi32>
    %shift_left3A_716 = arith.shli %xor3A_712, %shift_left3A_715 : vector<80x128xi32>
    %shift_right_logical3A_717 = arith.constant 6 : i32
    %shift_right_logical3A_718 = vector.broadcast %shift_right_logical3A_717 : i32 to vector<80x128xi32>
    %shift_right_logical3A_719 = arith.shrui %xor3A_712, %shift_right_logical3A_718 : vector<80x128xi32>
    %or3A_720 = arith.ori %shift_left3A_716, %shift_right_logical3A_719 : vector<80x128xi32>
    %xor3A_721 = arith.xori %add3A_713, %or3A_720 : vector<80x128xi32>
    %add3A_722 = arith.addi %add3A_713, %xor3A_721 : vector<80x128xi32>
    %shift_left3A_723 = arith.constant 6 : i32
    %shift_left3A_724 = vector.broadcast %shift_left3A_723 : i32 to vector<80x128xi32>
    %shift_left3A_725 = arith.shli %xor3A_721, %shift_left3A_724 : vector<80x128xi32>
    %shift_right_logical3A_726 = arith.constant 26 : i32
    %shift_right_logical3A_727 = vector.broadcast %shift_right_logical3A_726 : i32 to vector<80x128xi32>
    %shift_right_logical3A_728 = arith.shrui %xor3A_721, %shift_right_logical3A_727 : vector<80x128xi32>
    %or3A_729 = arith.ori %shift_left3A_725, %shift_right_logical3A_728 : vector<80x128xi32>
    %xor3A_730 = arith.xori %add3A_722, %or3A_729 : vector<80x128xi32>
    %add3A_731 = arith.constant 42 : i32
    %add3A_732 = vector.broadcast %add3A_731 : i32 to vector<80x128xi32>
    %add3A_733 = arith.addi %add3A_722, %add3A_732 : vector<80x128xi32>
    %add3A_734 = arith.constant 466689009 : i32
    %add3A_735 = vector.broadcast %add3A_734 : i32 to vector<80x128xi32>
    %add3A_736 = arith.addi %xor3A_730, %add3A_735 : vector<80x128xi32>
    %add3A_737 = arith.addi %add3A_733, %add3A_736 : vector<80x128xi32>
    %shift_left3A_738 = arith.constant 17 : i32
    %shift_left3A_739 = vector.broadcast %shift_left3A_738 : i32 to vector<80x128xi32>
    %shift_left3A_740 = arith.shli %add3A_736, %shift_left3A_739 : vector<80x128xi32>
    %shift_right_logical3A_741 = arith.constant 15 : i32
    %shift_right_logical3A_742 = vector.broadcast %shift_right_logical3A_741 : i32 to vector<80x128xi32>
    %shift_right_logical3A_743 = arith.shrui %add3A_736, %shift_right_logical3A_742 : vector<80x128xi32>
    %or3A_744 = arith.ori %shift_left3A_740, %shift_right_logical3A_743 : vector<80x128xi32>
    %xor3A_745 = arith.xori %add3A_737, %or3A_744 : vector<80x128xi32>
    %add3A_746 = arith.addi %add3A_737, %xor3A_745 : vector<80x128xi32>
    %shift_left3A_747 = arith.constant 29 : i32
    %shift_left3A_748 = vector.broadcast %shift_left3A_747 : i32 to vector<80x128xi32>
    %shift_left3A_749 = arith.shli %xor3A_745, %shift_left3A_748 : vector<80x128xi32>
    %shift_right_logical3A_750 = arith.constant 3 : i32
    %shift_right_logical3A_751 = vector.broadcast %shift_right_logical3A_750 : i32 to vector<80x128xi32>
    %shift_right_logical3A_752 = arith.shrui %xor3A_745, %shift_right_logical3A_751 : vector<80x128xi32>
    %or3A_753 = arith.ori %shift_left3A_749, %shift_right_logical3A_752 : vector<80x128xi32>
    %xor3A_754 = arith.xori %add3A_746, %or3A_753 : vector<80x128xi32>
    %add3A_755 = arith.addi %add3A_746, %xor3A_754 : vector<80x128xi32>
    %shift_left3A_756 = arith.constant 16 : i32
    %shift_left3A_757 = vector.broadcast %shift_left3A_756 : i32 to vector<80x128xi32>
    %shift_left3A_758 = arith.shli %xor3A_754, %shift_left3A_757 : vector<80x128xi32>
    %shift_right_logical3A_759 = arith.constant 16 : i32
    %shift_right_logical3A_760 = vector.broadcast %shift_right_logical3A_759 : i32 to vector<80x128xi32>
    %shift_right_logical3A_761 = arith.shrui %xor3A_754, %shift_right_logical3A_760 : vector<80x128xi32>
    %or3A_762 = arith.ori %shift_left3A_758, %shift_right_logical3A_761 : vector<80x128xi32>
    %xor3A_763 = arith.xori %add3A_755, %or3A_762 : vector<80x128xi32>
    %add3A_764 = arith.addi %add3A_755, %xor3A_763 : vector<80x128xi32>
    %shift_left3A_765 = arith.constant 24 : i32
    %shift_left3A_766 = vector.broadcast %shift_left3A_765 : i32 to vector<80x128xi32>
    %shift_left3A_767 = arith.shli %xor3A_763, %shift_left3A_766 : vector<80x128xi32>
    %shift_right_logical3A_768 = arith.constant 8 : i32
    %shift_right_logical3A_769 = vector.broadcast %shift_right_logical3A_768 : i32 to vector<80x128xi32>
    %shift_right_logical3A_770 = arith.shrui %xor3A_763, %shift_right_logical3A_769 : vector<80x128xi32>
    %or3A_771 = arith.ori %shift_left3A_767, %shift_right_logical3A_770 : vector<80x128xi32>
    %xor3A_772 = arith.xori %add3A_764, %or3A_771 : vector<80x128xi32>
    %add3A_773 = arith.constant 466689008 : i32
    %add3A_774 = vector.broadcast %add3A_773 : i32 to vector<80x128xi32>
    %add3A_775 = arith.addi %add3A_764, %add3A_774 : vector<80x128xi32>
    %add3A_776 = arith.constant 2 : i32
    %add3A_777 = vector.broadcast %add3A_776 : i32 to vector<80x128xi32>
    %add3A_778 = arith.addi %xor3A_772, %add3A_777 : vector<80x128xi32>
    %add3A_779 = arith.addi %add3A_775, %add3A_778 : vector<80x128xi32>
    %shift_left3A_780 = arith.constant 13 : i32
    %shift_left3A_781 = vector.broadcast %shift_left3A_780 : i32 to vector<80x128xi32>
    %shift_left3A_782 = arith.shli %add3A_778, %shift_left3A_781 : vector<80x128xi32>
    %shift_right_logical3A_783 = arith.constant 19 : i32
    %shift_right_logical3A_784 = vector.broadcast %shift_right_logical3A_783 : i32 to vector<80x128xi32>
    %shift_right_logical3A_785 = arith.shrui %add3A_778, %shift_right_logical3A_784 : vector<80x128xi32>
    %or3A_786 = arith.ori %shift_left3A_782, %shift_right_logical3A_785 : vector<80x128xi32>
    %xor3A_787 = arith.xori %add3A_779, %or3A_786 : vector<80x128xi32>
    %add3A_788 = arith.addi %add3A_779, %xor3A_787 : vector<80x128xi32>
    %shift_left3A_789 = arith.constant 15 : i32
    %shift_left3A_790 = vector.broadcast %shift_left3A_789 : i32 to vector<80x128xi32>
    %shift_left3A_791 = arith.shli %xor3A_787, %shift_left3A_790 : vector<80x128xi32>
    %shift_right_logical3A_792 = arith.constant 17 : i32
    %shift_right_logical3A_793 = vector.broadcast %shift_right_logical3A_792 : i32 to vector<80x128xi32>
    %shift_right_logical3A_794 = arith.shrui %xor3A_787, %shift_right_logical3A_793 : vector<80x128xi32>
    %or3A_795 = arith.ori %shift_left3A_791, %shift_right_logical3A_794 : vector<80x128xi32>
    %xor3A_796 = arith.xori %add3A_788, %or3A_795 : vector<80x128xi32>
    %add3A_797 = arith.addi %add3A_788, %xor3A_796 : vector<80x128xi32>
    %shift_left3A_798 = arith.constant 26 : i32
    %shift_left3A_799 = vector.broadcast %shift_left3A_798 : i32 to vector<80x128xi32>
    %shift_left3A_800 = arith.shli %xor3A_796, %shift_left3A_799 : vector<80x128xi32>
    %shift_right_logical3A_801 = arith.constant 6 : i32
    %shift_right_logical3A_802 = vector.broadcast %shift_right_logical3A_801 : i32 to vector<80x128xi32>
    %shift_right_logical3A_803 = arith.shrui %xor3A_796, %shift_right_logical3A_802 : vector<80x128xi32>
    %or3A_804 = arith.ori %shift_left3A_800, %shift_right_logical3A_803 : vector<80x128xi32>
    %xor3A_805 = arith.xori %add3A_797, %or3A_804 : vector<80x128xi32>
    %add3A_806 = arith.addi %add3A_797, %xor3A_805 : vector<80x128xi32>
    %shift_left3A_807 = arith.constant 6 : i32
    %shift_left3A_808 = vector.broadcast %shift_left3A_807 : i32 to vector<80x128xi32>
    %shift_left3A_809 = arith.shli %xor3A_805, %shift_left3A_808 : vector<80x128xi32>
    %shift_right_logical3A_810 = arith.constant 26 : i32
    %shift_right_logical3A_811 = vector.broadcast %shift_right_logical3A_810 : i32 to vector<80x128xi32>
    %shift_right_logical3A_812 = arith.shrui %xor3A_805, %shift_right_logical3A_811 : vector<80x128xi32>
    %or3A_813 = arith.ori %shift_left3A_809, %shift_right_logical3A_812 : vector<80x128xi32>
    %xor3A_814 = arith.xori %add3A_806, %or3A_813 : vector<80x128xi32>
    %add3A_815 = arith.constant 45 : i32
    %add3A_816 = vector.broadcast %add3A_815 : i32 to vector<80x128xi32>
    %add3A_817 = arith.addi %xor3A_814, %add3A_816 : vector<80x128xi32>
    %add3A_818 = arith.addi %add3A_806, %add3A_817 : vector<80x128xi32>
    %shift_left3A_819 = arith.constant 17 : i32
    %shift_left3A_820 = vector.broadcast %shift_left3A_819 : i32 to vector<80x128xi32>
    %shift_left3A_821 = arith.shli %add3A_817, %shift_left3A_820 : vector<80x128xi32>
    %shift_right_logical3A_822 = arith.constant 15 : i32
    %shift_right_logical3A_823 = vector.broadcast %shift_right_logical3A_822 : i32 to vector<80x128xi32>
    %shift_right_logical3A_824 = arith.shrui %add3A_817, %shift_right_logical3A_823 : vector<80x128xi32>
    %or3A_825 = arith.ori %shift_left3A_821, %shift_right_logical3A_824 : vector<80x128xi32>
    %xor3A_826 = arith.xori %add3A_818, %or3A_825 : vector<80x128xi32>
    %add3A_827 = arith.addi %add3A_818, %xor3A_826 : vector<80x128xi32>
    %shift_left3A_828 = arith.constant 29 : i32
    %shift_left3A_829 = vector.broadcast %shift_left3A_828 : i32 to vector<80x128xi32>
    %shift_left3A_830 = arith.shli %xor3A_826, %shift_left3A_829 : vector<80x128xi32>
    %shift_right_logical3A_831 = arith.constant 3 : i32
    %shift_right_logical3A_832 = vector.broadcast %shift_right_logical3A_831 : i32 to vector<80x128xi32>
    %shift_right_logical3A_833 = arith.shrui %xor3A_826, %shift_right_logical3A_832 : vector<80x128xi32>
    %or3A_834 = arith.ori %shift_left3A_830, %shift_right_logical3A_833 : vector<80x128xi32>
    %xor3A_835 = arith.xori %add3A_827, %or3A_834 : vector<80x128xi32>
    %add3A_836 = arith.addi %add3A_827, %xor3A_835 : vector<80x128xi32>
    %shift_left3A_837 = arith.constant 16 : i32
    %shift_left3A_838 = vector.broadcast %shift_left3A_837 : i32 to vector<80x128xi32>
    %shift_left3A_839 = arith.shli %xor3A_835, %shift_left3A_838 : vector<80x128xi32>
    %shift_right_logical3A_840 = arith.constant 16 : i32
    %shift_right_logical3A_841 = vector.broadcast %shift_right_logical3A_840 : i32 to vector<80x128xi32>
    %shift_right_logical3A_842 = arith.shrui %xor3A_835, %shift_right_logical3A_841 : vector<80x128xi32>
    %or3A_843 = arith.ori %shift_left3A_839, %shift_right_logical3A_842 : vector<80x128xi32>
    %xor3A_844 = arith.xori %add3A_836, %or3A_843 : vector<80x128xi32>
    %add3A_845 = arith.addi %add3A_836, %xor3A_844 : vector<80x128xi32>
    %shift_left3A_846 = arith.constant 24 : i32
    %shift_left3A_847 = vector.broadcast %shift_left3A_846 : i32 to vector<80x128xi32>
    %shift_left3A_848 = arith.shli %xor3A_844, %shift_left3A_847 : vector<80x128xi32>
    %shift_right_logical3A_849 = arith.constant 8 : i32
    %shift_right_logical3A_850 = vector.broadcast %shift_right_logical3A_849 : i32 to vector<80x128xi32>
    %shift_right_logical3A_851 = arith.shrui %xor3A_844, %shift_right_logical3A_850 : vector<80x128xi32>
    %or3A_852 = arith.ori %shift_left3A_848, %shift_right_logical3A_851 : vector<80x128xi32>
    %xor3A_853 = arith.xori %add3A_845, %or3A_852 : vector<80x128xi32>
    %add3A_854 = arith.constant 42 : i32
    %add3A_855 = vector.broadcast %add3A_854 : i32 to vector<80x128xi32>
    %add3A_856 = arith.addi %add3A_845, %add3A_855 : vector<80x128xi32>
    %add3A_857 = arith.constant 466689012 : i32
    %add3A_858 = vector.broadcast %add3A_857 : i32 to vector<80x128xi32>
    %add3A_859 = arith.addi %xor3A_853, %add3A_858 : vector<80x128xi32>
    %add3A_860 = arith.addi %add3A_856, %add3A_859 : vector<80x128xi32>
    %shift_left3A_861 = arith.constant 13 : i32
    %shift_left3A_862 = vector.broadcast %shift_left3A_861 : i32 to vector<80x128xi32>
    %shift_left3A_863 = arith.shli %add3A_859, %shift_left3A_862 : vector<80x128xi32>
    %shift_right_logical3A_864 = arith.constant 19 : i32
    %shift_right_logical3A_865 = vector.broadcast %shift_right_logical3A_864 : i32 to vector<80x128xi32>
    %shift_right_logical3A_866 = arith.shrui %add3A_859, %shift_right_logical3A_865 : vector<80x128xi32>
    %or3A_867 = arith.ori %shift_left3A_863, %shift_right_logical3A_866 : vector<80x128xi32>
    %xor3A_868 = arith.xori %add3A_860, %or3A_867 : vector<80x128xi32>
    %add3A_869 = arith.addi %add3A_860, %xor3A_868 : vector<80x128xi32>
    %shift_left3A_870 = arith.constant 15 : i32
    %shift_left3A_871 = vector.broadcast %shift_left3A_870 : i32 to vector<80x128xi32>
    %shift_left3A_872 = arith.shli %xor3A_868, %shift_left3A_871 : vector<80x128xi32>
    %shift_right_logical3A_873 = arith.constant 17 : i32
    %shift_right_logical3A_874 = vector.broadcast %shift_right_logical3A_873 : i32 to vector<80x128xi32>
    %shift_right_logical3A_875 = arith.shrui %xor3A_868, %shift_right_logical3A_874 : vector<80x128xi32>
    %or3A_876 = arith.ori %shift_left3A_872, %shift_right_logical3A_875 : vector<80x128xi32>
    %xor3A_877 = arith.xori %add3A_869, %or3A_876 : vector<80x128xi32>
    %add3A_878 = arith.addi %add3A_869, %xor3A_877 : vector<80x128xi32>
    %shift_left3A_879 = arith.constant 26 : i32
    %shift_left3A_880 = vector.broadcast %shift_left3A_879 : i32 to vector<80x128xi32>
    %shift_left3A_881 = arith.shli %xor3A_877, %shift_left3A_880 : vector<80x128xi32>
    %shift_right_logical3A_882 = arith.constant 6 : i32
    %shift_right_logical3A_883 = vector.broadcast %shift_right_logical3A_882 : i32 to vector<80x128xi32>
    %shift_right_logical3A_884 = arith.shrui %xor3A_877, %shift_right_logical3A_883 : vector<80x128xi32>
    %or3A_885 = arith.ori %shift_left3A_881, %shift_right_logical3A_884 : vector<80x128xi32>
    %xor3A_886 = arith.xori %add3A_878, %or3A_885 : vector<80x128xi32>
    %add3A_887 = arith.addi %add3A_878, %xor3A_886 : vector<80x128xi32>
    %shift_left3A_888 = arith.constant 6 : i32
    %shift_left3A_889 = vector.broadcast %shift_left3A_888 : i32 to vector<80x128xi32>
    %shift_left3A_890 = arith.shli %xor3A_886, %shift_left3A_889 : vector<80x128xi32>
    %shift_right_logical3A_891 = arith.constant 26 : i32
    %shift_right_logical3A_892 = vector.broadcast %shift_right_logical3A_891 : i32 to vector<80x128xi32>
    %shift_right_logical3A_893 = arith.shrui %xor3A_886, %shift_right_logical3A_892 : vector<80x128xi32>
    %or3A_894 = arith.ori %shift_left3A_890, %shift_right_logical3A_893 : vector<80x128xi32>
    %xor3A_895 = arith.xori %add3A_887, %or3A_894 : vector<80x128xi32>
    %add3A_896 = arith.constant 466689008 : i32
    %add3A_897 = vector.broadcast %add3A_896 : i32 to vector<80x128xi32>
    %add3A_898 = arith.addi %add3A_887, %add3A_897 : vector<80x128xi32>
    %add3A_899 = arith.constant 5 : i32
    %add3A_900 = vector.broadcast %add3A_899 : i32 to vector<80x128xi32>
    %add3A_901 = arith.addi %xor3A_895, %add3A_900 : vector<80x128xi32>
    %xor3A_902 = arith.xori %add3A_898, %add3A_901 : vector<80x128xi32>
    %shift_right_logical3A_903 = arith.constant 9 : i32
    %shift_right_logical3A_904 = vector.broadcast %shift_right_logical3A_903 : i32 to vector<80x128xi32>
    %shift_right_logical3A_905 = arith.shrui %xor3A_902, %shift_right_logical3A_904 : vector<80x128xi32>
    %ge3A_906 = vector.broadcast %get3A_0 : i32 to vector<80x128xi32>
    %ge3A_907 = arith.cmpi sge, %shift_right_logical3A_905, %ge3A_906 : vector<80x128xi32>
    %get3A_908 = arith.constant 240 : index
    %get3A_909 = arith.constant 0 : index
    %get3A_910 = vector.load %arg3[%get3A_908, %get3A_909] : memref<2000x128xf32, #tpu.memory_space<vmem>>, vector<80x128xf32>
    %mul3A_911 = vector.broadcast %get3A_2 : f32 to vector<80x128xf32>
    %mul3A_912 = arith.mulf %get3A_910, %mul3A_911 : vector<80x128xf32>
    %jit3A_913 = arith.constant 0.000000e+00 : f32
    %broadcast_in_dim3A_914 = vector.broadcast %jit3A_913 : f32 to vector<80x128xf32>
    %select_n3A_915 = arith.select %ge3A_907, %mul3A_912, %broadcast_in_dim3A_914 : vector<80x128xi1>, vector<80x128xf32>
    %swap3A_916 = arith.constant 240 : index
    %swap3A_917 = arith.constant 0 : index
    %swap3A_918 = vector.load %arg4[%swap3A_916, %swap3A_917] : memref<2000x128xf32, #tpu.memory_space<vmem>>, vector<80x128xf32>
    tpu.vector_store %arg4[%swap3A_916, %swap3A_917], %select_n3A_915 {strides = array<i32>} : memref<2000x128xf32, #tpu.memory_space<vmem>>, vector<80x128xf32>,
    %add3A_919 = arith.constant 40960 : i32
    %add3A_920 = arith.addi %mul3A_6, %add3A_919 : i32
    %add3A_921 = vector.broadcast %add3A_920 : i32 to vector<80x128xi32>
    %add3A_922 = arith.addi %add3A, %add3A_921 : vector<80x128xi32>
    %add3A_923 = arith.constant 42 : i32
    %add3A_924 = vector.broadcast %add3A_923 : i32 to vector<80x128xi32>
    %add3A_925 = arith.addi %add3A_922, %add3A_924 : vector<80x128xi32>
    %shift_left3A_926 = arith.constant 13 : i32
    %shift_left3A_927 = vector.broadcast %shift_left3A_926 : i32 to vector<80x128xi32>
    %shift_left3A_928 = arith.shli %add3A_925, %shift_left3A_927 : vector<80x128xi32>
    %shift_right_logical3A_929 = arith.constant 19 : i32
    %shift_right_logical3A_930 = vector.broadcast %shift_right_logical3A_929 : i32 to vector<80x128xi32>
    %shift_right_logical3A_931 = arith.shrui %add3A_925, %shift_right_logical3A_930 : vector<80x128xi32>
    %or3A_932 = arith.ori %shift_left3A_928, %shift_right_logical3A_931 : vector<80x128xi32>
    %xor3A_933 = arith.xori %add3A_925, %or3A_932 : vector<80x128xi32>
    %add3A_934 = arith.addi %add3A_925, %xor3A_933 : vector<80x128xi32>
    %shift_left3A_935 = arith.constant 15 : i32
    %shift_left3A_936 = vector.broadcast %shift_left3A_935 : i32 to vector<80x128xi32>
    %shift_left3A_937 = arith.shli %xor3A_933, %shift_left3A_936 : vector<80x128xi32>
    %shift_right_logical3A_938 = arith.constant 17 : i32
    %shift_right_logical3A_939 = vector.broadcast %shift_right_logical3A_938 : i32 to vector<80x128xi32>
    %shift_right_logical3A_940 = arith.shrui %xor3A_933, %shift_right_logical3A_939 : vector<80x128xi32>
    %or3A_941 = arith.ori %shift_left3A_937, %shift_right_logical3A_940 : vector<80x128xi32>
    %xor3A_942 = arith.xori %add3A_934, %or3A_941 : vector<80x128xi32>
    %add3A_943 = arith.addi %add3A_934, %xor3A_942 : vector<80x128xi32>
    %shift_left3A_944 = arith.constant 26 : i32
    %shift_left3A_945 = vector.broadcast %shift_left3A_944 : i32 to vector<80x128xi32>
    %shift_left3A_946 = arith.shli %xor3A_942, %shift_left3A_945 : vector<80x128xi32>
    %shift_right_logical3A_947 = arith.constant 6 : i32
    %shift_right_logical3A_948 = vector.broadcast %shift_right_logical3A_947 : i32 to vector<80x128xi32>
    %shift_right_logical3A_949 = arith.shrui %xor3A_942, %shift_right_logical3A_948 : vector<80x128xi32>
    %or3A_950 = arith.ori %shift_left3A_946, %shift_right_logical3A_949 : vector<80x128xi32>
    %xor3A_951 = arith.xori %add3A_943, %or3A_950 : vector<80x128xi32>
    %add3A_952 = arith.addi %add3A_943, %xor3A_951 : vector<80x128xi32>
    %shift_left3A_953 = arith.constant 6 : i32
    %shift_left3A_954 = vector.broadcast %shift_left3A_953 : i32 to vector<80x128xi32>
    %shift_left3A_955 = arith.shli %xor3A_951, %shift_left3A_954 : vector<80x128xi32>
    %shift_right_logical3A_956 = arith.constant 26 : i32
    %shift_right_logical3A_957 = vector.broadcast %shift_right_logical3A_956 : i32 to vector<80x128xi32>
    %shift_right_logical3A_958 = arith.shrui %xor3A_951, %shift_right_logical3A_957 : vector<80x128xi32>
    %or3A_959 = arith.ori %shift_left3A_955, %shift_right_logical3A_958 : vector<80x128xi32>
    %xor3A_960 = arith.xori %add3A_952, %or3A_959 : vector<80x128xi32>
    %add3A_961 = arith.constant 42 : i32
    %add3A_962 = vector.broadcast %add3A_961 : i32 to vector<80x128xi32>
    %add3A_963 = arith.addi %add3A_952, %add3A_962 : vector<80x128xi32>
    %add3A_964 = arith.constant 466689009 : i32
    %add3A_965 = vector.broadcast %add3A_964 : i32 to vector<80x128xi32>
    %add3A_966 = arith.addi %xor3A_960, %add3A_965 : vector<80x128xi32>
    %add3A_967 = arith.addi %add3A_963, %add3A_966 : vector<80x128xi32>
    %shift_left3A_968 = arith.constant 17 : i32
    %shift_left3A_969 = vector.broadcast %shift_left3A_968 : i32 to vector<80x128xi32>
    %shift_left3A_970 = arith.shli %add3A_966, %shift_left3A_969 : vector<80x128xi32>
    %shift_right_logical3A_971 = arith.constant 15 : i32
    %shift_right_logical3A_972 = vector.broadcast %shift_right_logical3A_971 : i32 to vector<80x128xi32>
    %shift_right_logical3A_973 = arith.shrui %add3A_966, %shift_right_logical3A_972 : vector<80x128xi32>
    %or3A_974 = arith.ori %shift_left3A_970, %shift_right_logical3A_973 : vector<80x128xi32>
    %xor3A_975 = arith.xori %add3A_967, %or3A_974 : vector<80x128xi32>
    %add3A_976 = arith.addi %add3A_967, %xor3A_975 : vector<80x128xi32>
    %shift_left3A_977 = arith.constant 29 : i32
    %shift_left3A_978 = vector.broadcast %shift_left3A_977 : i32 to vector<80x128xi32>
    %shift_left3A_979 = arith.shli %xor3A_975, %shift_left3A_978 : vector<80x128xi32>
    %shift_right_logical3A_980 = arith.constant 3 : i32
    %shift_right_logical3A_981 = vector.broadcast %shift_right_logical3A_980 : i32 to vector<80x128xi32>
    %shift_right_logical3A_982 = arith.shrui %xor3A_975, %shift_right_logical3A_981 : vector<80x128xi32>
    %or3A_983 = arith.ori %shift_left3A_979, %shift_right_logical3A_982 : vector<80x128xi32>
    %xor3A_984 = arith.xori %add3A_976, %or3A_983 : vector<80x128xi32>
    %add3A_985 = arith.addi %add3A_976, %xor3A_984 : vector<80x128xi32>
    %shift_left3A_986 = arith.constant 16 : i32
    %shift_left3A_987 = vector.broadcast %shift_left3A_986 : i32 to vector<80x128xi32>
    %shift_left3A_988 = arith.shli %xor3A_984, %shift_left3A_987 : vector<80x128xi32>
    %shift_right_logical3A_989 = arith.constant 16 : i32
    %shift_right_logical3A_990 = vector.broadcast %shift_right_logical3A_989 : i32 to vector<80x128xi32>
    %shift_right_logical3A_991 = arith.shrui %xor3A_984, %shift_right_logical3A_990 : vector<80x128xi32>
    %or3A_992 = arith.ori %shift_left3A_988, %shift_right_logical3A_991 : vector<80x128xi32>
    %xor3A_993 = arith.xori %add3A_985, %or3A_992 : vector<80x128xi32>
    %add3A_994 = arith.addi %add3A_985, %xor3A_993 : vector<80x128xi32>
    %shift_left3A_995 = arith.constant 24 : i32
    %shift_left3A_996 = vector.broadcast %shift_left3A_995 : i32 to vector<80x128xi32>
    %shift_left3A_997 = arith.shli %xor3A_993, %shift_left3A_996 : vector<80x128xi32>
    %shift_right_logical3A_998 = arith.constant 8 : i32
    %shift_right_logical3A_999 = vector.broadcast %shift_right_logical3A_998 : i32 to vector<80x128xi32>
    %shift_right_logical3A_1000 = arith.shrui %xor3A_993, %shift_right_logical3A_999 : vector<80x128xi32>
    %or3A_1001 = arith.ori %shift_left3A_997, %shift_right_logical3A_1000 : vector<80x128xi32>
    %xor3A_1002 = arith.xori %add3A_994, %or3A_1001 : vector<80x128xi32>
    %add3A_1003 = arith.constant 466689008 : i32
    %add3A_1004 = vector.broadcast %add3A_1003 : i32 to vector<80x128xi32>
    %add3A_1005 = arith.addi %add3A_994, %add3A_1004 : vector<80x128xi32>
    %add3A_1006 = arith.constant 2 : i32
    %add3A_1007 = vector.broadcast %add3A_1006 : i32 to vector<80x128xi32>
    %add3A_1008 = arith.addi %xor3A_1002, %add3A_1007 : vector<80x128xi32>
    %add3A_1009 = arith.addi %add3A_1005, %add3A_1008 : vector<80x128xi32>
    %shift_left3A_1010 = arith.constant 13 : i32
    %shift_left3A_1011 = vector.broadcast %shift_left3A_1010 : i32 to vector<80x128xi32>
    %shift_left3A_1012 = arith.shli %add3A_1008, %shift_left3A_1011 : vector<80x128xi32>
    %shift_right_logical3A_1013 = arith.constant 19 : i32
    %shift_right_logical3A_1014 = vector.broadcast %shift_right_logical3A_1013 : i32 to vector<80x128xi32>
    %shift_right_logical3A_1015 = arith.shrui %add3A_1008, %shift_right_logical3A_1014 : vector<80x128xi32>
    %or3A_1016 = arith.ori %shift_left3A_1012, %shift_right_logical3A_1015 : vector<80x128xi32>
    %xor3A_1017 = arith.xori %add3A_1009, %or3A_1016 : vector<80x128xi32>
    %add3A_1018 = arith.addi %add3A_1009, %xor3A_1017 : vector<80x128xi32>
    %shift_left3A_1019 = arith.constant 15 : i32
    %shift_left3A_1020 = vector.broadcast %shift_left3A_1019 : i32 to vector<80x128xi32>
    %shift_left3A_1021 = arith.shli %xor3A_1017, %shift_left3A_1020 : vector<80x128xi32>
    %shift_right_logical3A_1022 = arith.constant 17 : i32
    %shift_right_logical3A_1023 = vector.broadcast %shift_right_logical3A_1022 : i32 to vector<80x128xi32>
    %shift_right_logical3A_1024 = arith.shrui %xor3A_1017, %shift_right_logical3A_1023 : vector<80x128xi32>
    %or3A_1025 = arith.ori %shift_left3A_1021, %shift_right_logical3A_1024 : vector<80x128xi32>
    %xor3A_1026 = arith.xori %add3A_1018, %or3A_1025 : vector<80x128xi32>
    %add3A_1027 = arith.addi %add3A_1018, %xor3A_1026 : vector<80x128xi32>
    %shift_left3A_1028 = arith.constant 26 : i32
    %shift_left3A_1029 = vector.broadcast %shift_left3A_1028 : i32 to vector<80x128xi32>
    %shift_left3A_1030 = arith.shli %xor3A_1026, %shift_left3A_1029 : vector<80x128xi32>
    %shift_right_logical3A_1031 = arith.constant 6 : i32
    %shift_right_logical3A_1032 = vector.broadcast %shift_right_logical3A_1031 : i32 to vector<80x128xi32>
    %shift_right_logical3A_1033 = arith.shrui %xor3A_1026, %shift_right_logical3A_1032 : vector<80x128xi32>
    %or3A_1034 = arith.ori %shift_left3A_1030, %shift_right_logical3A_1033 : vector<80x128xi32>
    %xor3A_1035 = arith.xori %add3A_1027, %or3A_1034 : vector<80x128xi32>
    %add3A_1036 = arith.addi %add3A_1027, %xor3A_1035 : vector<80x128xi32>
    %shift_left3A_1037 = arith.constant 6 : i32
    %shift_left3A_1038 = vector.broadcast %shift_left3A_1037 : i32 to vector<80x128xi32>
    %shift_left3A_1039 = arith.shli %xor3A_1035, %shift_left3A_1038 : vector<80x128xi32>
    %shift_right_logical3A_1040 = arith.constant 26 : i32
    %shift_right_logical3A_1041 = vector.broadcast %shift_right_logical3A_1040 : i32 to vector<80x128xi32>
    %shift_right_logical3A_1042 = arith.shrui %xor3A_1035, %shift_right_logical3A_1041 : vector<80x128xi32>
    %or3A_1043 = arith.ori %shift_left3A_1039, %shift_right_logical3A_1042 : vector<80x128xi32>
    %xor3A_1044 = arith.xori %add3A_1036, %or3A_1043 : vector<80x128xi32>
    %add3A_1045 = arith.constant 45 : i32
    %add3A_1046 = vector.broadcast %add3A_1045 : i32 to vector<80x128xi32>
    %add3A_1047 = arith.addi %xor3A_1044, %add3A_1046 : vector<80x128xi32>
    %add3A_1048 = arith.addi %add3A_1036, %add3A_1047 : vector<80x128xi32>
    %shift_left3A_1049 = arith.constant 17 : i32
    %shift_left3A_1050 = vector.broadcast %shift_left3A_1049 : i32 to vector<80x128xi32>
    %shift_left3A_1051 = arith.shli %add3A_1047, %shift_left3A_1050 : vector<80x128xi32>
    %shift_right_logical3A_1052 = arith.constant 15 : i32
    %shift_right_logical3A_1053 = vector.broadcast %shift_right_logical3A_1052 : i32 to vector<80x128xi32>
    %shift_right_logical3A_1054 = arith.shrui %add3A_1047, %shift_right_logical3A_1053 : vector<80x128xi32>
    %or3A_1055 = arith.ori %shift_left3A_1051, %shift_right_logical3A_1054 : vector<80x128xi32>
    %xor3A_1056 = arith.xori %add3A_1048, %or3A_1055 : vector<80x128xi32>
    %add3A_1057 = arith.addi %add3A_1048, %xor3A_1056 : vector<80x128xi32>
    %shift_left3A_1058 = arith.constant 29 : i32
    %shift_left3A_1059 = vector.broadcast %shift_left3A_1058 : i32 to vector<80x128xi32>
    %shift_left3A_1060 = arith.shli %xor3A_1056, %shift_left3A_1059 : vector<80x128xi32>
    %shift_right_logical3A_1061 = arith.constant 3 : i32
    %shift_right_logical3A_1062 = vector.broadcast %shift_right_logical3A_1061 : i32 to vector<80x128xi32>
    %shift_right_logical3A_1063 = arith.shrui %xor3A_1056, %shift_right_logical3A_1062 : vector<80x128xi32>
    %or3A_1064 = arith.ori %shift_left3A_1060, %shift_right_logical3A_1063 : vector<80x128xi32>
    %xor3A_1065 = arith.xori %add3A_1057, %or3A_1064 : vector<80x128xi32>
    %add3A_1066 = arith.addi %add3A_1057, %xor3A_1065 : vector<80x128xi32>
    %shift_left3A_1067 = arith.constant 16 : i32
    %shift_left3A_1068 = vector.broadcast %shift_left3A_1067 : i32 to vector<80x128xi32>
    %shift_left3A_1069 = arith.shli %xor3A_1065, %shift_left3A_1068 : vector<80x128xi32>
    %shift_right_logical3A_1070 = arith.constant 16 : i32
    %shift_right_logical3A_1071 = vector.broadcast %shift_right_logical3A_1070 : i32 to vector<80x128xi32>
    %shift_right_logical3A_1072 = arith.shrui %xor3A_1065, %shift_right_logical3A_1071 : vector<80x128xi32>
    %or3A_1073 = arith.ori %shift_left3A_1069, %shift_right_logical3A_1072 : vector<80x128xi32>
    %xor3A_1074 = arith.xori %add3A_1066, %or3A_1073 : vector<80x128xi32>
    %add3A_1075 = arith.addi %add3A_1066, %xor3A_1074 : vector<80x128xi32>
    %shift_left3A_1076 = arith.constant 24 : i32
    %shift_left3A_1077 = vector.broadcast %shift_left3A_1076 : i32 to vector<80x128xi32>
    %shift_left3A_1078 = arith.shli %xor3A_1074, %shift_left3A_1077 : vector<80x128xi32>
    %shift_right_logical3A_1079 = arith.constant 8 : i32
    %shift_right_logical3A_1080 = vector.broadcast %shift_right_logical3A_1079 : i32 to vector<80x128xi32>
    %shift_right_logical3A_1081 = arith.shrui %xor3A_1074, %shift_right_logical3A_1080 : vector<80x128xi32>
    %or3A_1082 = arith.ori %shift_left3A_1078, %shift_right_logical3A_1081 : vector<80x128xi32>
    %xor3A_1083 = arith.xori %add3A_1075, %or3A_1082 : vector<80x128xi32>
    %add3A_1084 = arith.constant 42 : i32
    %add3A_1085 = vector.broadcast %add3A_1084 : i32 to vector<80x128xi32>
    %add3A_1086 = arith.addi %add3A_1075, %add3A_1085 : vector<80x128xi32>
    %add3A_1087 = arith.constant 466689012 : i32
    %add3A_1088 = vector.broadcast %add3A_1087 : i32 to vector<80x128xi32>
    %add3A_1089 = arith.addi %xor3A_1083, %add3A_1088 : vector<80x128xi32>
    %add3A_1090 = arith.addi %add3A_1086, %add3A_1089 : vector<80x128xi32>
    %shift_left3A_1091 = arith.constant 13 : i32
    %shift_left3A_1092 = vector.broadcast %shift_left3A_1091 : i32 to vector<80x128xi32>
    %shift_left3A_1093 = arith.shli %add3A_1089, %shift_left3A_1092 : vector<80x128xi32>
    %shift_right_logical3A_1094 = arith.constant 19 : i32
    %shift_right_logical3A_1095 = vector.broadcast %shift_right_logical3A_1094 : i32 to vector<80x128xi32>
    %shift_right_logical3A_1096 = arith.shrui %add3A_1089, %shift_right_logical3A_1095 : vector<80x128xi32>
    %or3A_1097 = arith.ori %shift_left3A_1093, %shift_right_logical3A_1096 : vector<80x128xi32>
    %xor3A_1098 = arith.xori %add3A_1090, %or3A_1097 : vector<80x128xi32>
    %add3A_1099 = arith.addi %add3A_1090, %xor3A_1098 : vector<80x128xi32>
    %shift_left3A_1100 = arith.constant 15 : i32
    %shift_left3A_1101 = vector.broadcast %shift_left3A_1100 : i32 to vector<80x128xi32>
    %shift_left3A_1102 = arith.shli %xor3A_1098, %shift_left3A_1101 : vector<80x128xi32>
    %shift_right_logical3A_1103 = arith.constant 17 : i32
    %shift_right_logical3A_1104 = vector.broadcast %shift_right_logical3A_1103 : i32 to vector<80x128xi32>
    %shift_right_logical3A_1105 = arith.shrui %xor3A_1098, %shift_right_logical3A_1104 : vector<80x128xi32>
    %or3A_1106 = arith.ori %shift_left3A_1102, %shift_right_logical3A_1105 : vector<80x128xi32>
    %xor3A_1107 = arith.xori %add3A_1099, %or3A_1106 : vector<80x128xi32>
    %add3A_1108 = arith.addi %add3A_1099, %xor3A_1107 : vector<80x128xi32>
    %shift_left3A_1109 = arith.constant 26 : i32
    %shift_left3A_1110 = vector.broadcast %shift_left3A_1109 : i32 to vector<80x128xi32>
    %shift_left3A_1111 = arith.shli %xor3A_1107, %shift_left3A_1110 : vector<80x128xi32>
    %shift_right_logical3A_1112 = arith.constant 6 : i32
    %shift_right_logical3A_1113 = vector.broadcast %shift_right_logical3A_1112 : i32 to vector<80x128xi32>
    %shift_right_logical3A_1114 = arith.shrui %xor3A_1107, %shift_right_logical3A_1113 : vector<80x128xi32>
    %or3A_1115 = arith.ori %shift_left3A_1111, %shift_right_logical3A_1114 : vector<80x128xi32>
    %xor3A_1116 = arith.xori %add3A_1108, %or3A_1115 : vector<80x128xi32>
    %add3A_1117 = arith.addi %add3A_1108, %xor3A_1116 : vector<80x128xi32>
    %shift_left3A_1118 = arith.constant 6 : i32
    %shift_left3A_1119 = vector.broadcast %shift_left3A_1118 : i32 to vector<80x128xi32>
    %shift_left3A_1120 = arith.shli %xor3A_1116, %shift_left3A_1119 : vector<80x128xi32>
    %shift_right_logical3A_1121 = arith.constant 26 : i32
    %shift_right_logical3A_1122 = vector.broadcast %shift_right_logical3A_1121 : i32 to vector<80x128xi32>
    %shift_right_logical3A_1123 = arith.shrui %xor3A_1116, %shift_right_logical3A_1122 : vector<80x128xi32>
    %or3A_1124 = arith.ori %shift_left3A_1120, %shift_right_logical3A_1123 : vector<80x128xi32>
    %xor3A_1125 = arith.xori %add3A_1117, %or3A_1124 : vector<80x128xi32>
    %add3A_1126 = arith.constant 466689008 : i32
    %add3A_1127 = vector.broadcast %add3A_1126 : i32 to vector<80x128xi32>
    %add3A_1128 = arith.addi %add3A_1117, %add3A_1127 : vector<80x128xi32>
    %add3A_1129 = arith.constant 5 : i32
    %add3A_1130 = vector.broadcast %add3A_1129 : i32 to vector<80x128xi32>
    %add3A_1131 = arith.addi %xor3A_1125, %add3A_1130 : vector<80x128xi32>
    %xor3A_1132 = arith.xori %add3A_1128, %add3A_1131 : vector<80x128xi32>
    %shift_right_logical3A_1133 = arith.constant 9 : i32
    %shift_right_logical3A_1134 = vector.broadcast %shift_right_logical3A_1133 : i32 to vector<80x128xi32>
    %shift_right_logical3A_1135 = arith.shrui %xor3A_1132, %shift_right_logical3A_1134 : vector<80x128xi32>
    %ge3A_1136 = vector.broadcast %get3A_0 : i32 to vector<80x128xi32>
    %ge3A_1137 = arith.cmpi sge, %shift_right_logical3A_1135, %ge3A_1136 : vector<80x128xi32>
    %get3A_1138 = arith.constant 320 : index
    %get3A_1139 = arith.constant 0 : index
    %get3A_1140 = vector.load %arg3[%get3A_1138, %get3A_1139] : memref<2000x128xf32, #tpu.memory_space<vmem>>, vector<80x128xf32>
    %mul3A_1141 = vector.broadcast %get3A_2 : f32 to vector<80x128xf32>
    %mul3A_1142 = arith.mulf %get3A_1140, %mul3A_1141 : vector<80x128xf32>
    %jit3A_1143 = arith.constant 0.000000e+00 : f32
    %broadcast_in_dim3A_1144 = vector.broadcast %jit3A_1143 : f32 to vector<80x128xf32>
    %select_n3A_1145 = arith.select %ge3A_1137, %mul3A_1142, %broadcast_in_dim3A_1144 : vector<80x128xi1>, vector<80x128xf32>
    %swap3A_1146 = arith.constant 320 : index
    %swap3A_1147 = arith.constant 0 : index
    %swap3A_1148 = vector.load %arg4[%swap3A_1146, %swap3A_1147] : memref<2000x128xf32, #tpu.memory_space<vmem>>, vector<80x128xf32>
    tpu.vector_store %arg4[%swap3A_1146, %swap3A_1147], %select_n3A_1145 {strides = array<i32>} : memref<2000x128xf32, #tpu.memory_space<vmem>>, vector<80x128xf32>,
    %add3A_1149 = arith.constant 51200 : i32
    %add3A_1150 = arith.addi %mul3A_6, %add3A_1149 : i32
    %add3A_1151 = vector.broadcast %add3A_1150 : i32 to vector<80x128xi32>
    %add3A_1152 = arith.addi %add3A, %add3A_1151 : vector<80x128xi32>
    %add3A_1153 = arith.constant 42 : i32
    %add3A_1154 = vector.broadcast %add3A_1153 : i32 to vector<80x128xi32>
    %add3A_1155 = arith.addi %add3A_1152, %add3A_1154 : vector<80x128xi32>
    %shift_left3A_1156 = arith.constant 13 : i32
    %shift_left3A_1157 = vector.broadcast %shift_left3A_1156 : i32 to vector<80x128xi32>
    %shift_left3A_1158 = arith.shli %add3A_1155, %shift_left3A_1157 : vector<80x128xi32>
    %shift_right_logical3A_1159 = arith.constant 19 : i32
    %shift_right_logical3A_1160 = vector.broadcast %shift_right_logical3A_1159 : i32 to vector<80x128xi32>
    %shift_right_logical3A_1161 = arith.shrui %add3A_1155, %shift_right_logical3A_1160 : vector<80x128xi32>
    %or3A_1162 = arith.ori %shift_left3A_1158, %shift_right_logical3A_1161 : vector<80x128xi32>
    %xor3A_1163 = arith.xori %add3A_1155, %or3A_1162 : vector<80x128xi32>
    %add3A_1164 = arith.addi %add3A_1155, %xor3A_1163 : vector<80x128xi32>
    %shift_left3A_1165 = arith.constant 15 : i32
    %shift_left3A_1166 = vector.broadcast %shift_left3A_1165 : i32 to vector<80x128xi32>
    %shift_left3A_1167 = arith.shli %xor3A_1163, %shift_left3A_1166 : vector<80x128xi32>
    %shift_right_logical3A_1168 = arith.constant 17 : i32
    %shift_right_logical3A_1169 = vector.broadcast %shift_right_logical3A_1168 : i32 to vector<80x128xi32>
    %shift_right_logical3A_1170 = arith.shrui %xor3A_1163, %shift_right_logical3A_1169 : vector<80x128xi32>
    %or3A_1171 = arith.ori %shift_left3A_1167, %shift_right_logical3A_1170 : vector<80x128xi32>
    %xor3A_1172 = arith.xori %add3A_1164, %or3A_1171 : vector<80x128xi32>
    %add3A_1173 = arith.addi %add3A_1164, %xor3A_1172 : vector<80x128xi32>
    %shift_left3A_1174 = arith.constant 26 : i32
    %shift_left3A_1175 = vector.broadcast %shift_left3A_1174 : i32 to vector<80x128xi32>
    %shift_left3A_1176 = arith.shli %xor3A_1172, %shift_left3A_1175 : vector<80x128xi32>
    %shift_right_logical3A_1177 = arith.constant 6 : i32
    %shift_right_logical3A_1178 = vector.broadcast %shift_right_logical3A_1177 : i32 to vector<80x128xi32>
    %shift_right_logical3A_1179 = arith.shrui %xor3A_1172, %shift_right_logical3A_1178 : vector<80x128xi32>
    %or3A_1180 = arith.ori %shift_left3A_1176, %shift_right_logical3A_1179 : vector<80x128xi32>
    %xor3A_1181 = arith.xori %add3A_1173, %or3A_1180 : vector<80x128xi32>
    %add3A_1182 = arith.addi %add3A_1173, %xor3A_1181 : vector<80x128xi32>
    %shift_left3A_1183 = arith.constant 6 : i32
    %shift_left3A_1184 = vector.broadcast %shift_left3A_1183 : i32 to vector<80x128xi32>
    %shift_left3A_1185 = arith.shli %xor3A_1181, %shift_left3A_1184 : vector<80x128xi32>
    %shift_right_logical3A_1186 = arith.constant 26 : i32
    %shift_right_logical3A_1187 = vector.broadcast %shift_right_logical3A_1186 : i32 to vector<80x128xi32>
    %shift_right_logical3A_1188 = arith.shrui %xor3A_1181, %shift_right_logical3A_1187 : vector<80x128xi32>
    %or3A_1189 = arith.ori %shift_left3A_1185, %shift_right_logical3A_1188 : vector<80x128xi32>
    %xor3A_1190 = arith.xori %add3A_1182, %or3A_1189 : vector<80x128xi32>
    %add3A_1191 = arith.constant 42 : i32
    %add3A_1192 = vector.broadcast %add3A_1191 : i32 to vector<80x128xi32>
    %add3A_1193 = arith.addi %add3A_1182, %add3A_1192 : vector<80x128xi32>
    %add3A_1194 = arith.constant 466689009 : i32
    %add3A_1195 = vector.broadcast %add3A_1194 : i32 to vector<80x128xi32>
    %add3A_1196 = arith.addi %xor3A_1190, %add3A_1195 : vector<80x128xi32>
    %add3A_1197 = arith.addi %add3A_1193, %add3A_1196 : vector<80x128xi32>
    %shift_left3A_1198 = arith.constant 17 : i32
    %shift_left3A_1199 = vector.broadcast %shift_left3A_1198 : i32 to vector<80x128xi32>
    %shift_left3A_1200 = arith.shli %add3A_1196, %shift_left3A_1199 : vector<80x128xi32>
    %shift_right_logical3A_1201 = arith.constant 15 : i32
    %shift_right_logical3A_1202 = vector.broadcast %shift_right_logical3A_1201 : i32 to vector<80x128xi32>
    %shift_right_logical3A_1203 = arith.shrui %add3A_1196, %shift_right_logical3A_1202 : vector<80x128xi32>
    %or3A_1204 = arith.ori %shift_left3A_1200, %shift_right_logical3A_1203 : vector<80x128xi32>
    %xor3A_1205 = arith.xori %add3A_1197, %or3A_1204 : vector<80x128xi32>
    %add3A_1206 = arith.addi %add3A_1197, %xor3A_1205 : vector<80x128xi32>
    %shift_left3A_1207 = arith.constant 29 : i32
    %shift_left3A_1208 = vector.broadcast %shift_left3A_1207 : i32 to vector<80x128xi32>
    %shift_left3A_1209 = arith.shli %xor3A_1205, %shift_left3A_1208 : vector<80x128xi32>
    %shift_right_logical3A_1210 = arith.constant 3 : i32
    %shift_right_logical3A_1211 = vector.broadcast %shift_right_logical3A_1210 : i32 to vector<80x128xi32>
    %shift_right_logical3A_1212 = arith.shrui %xor3A_1205, %shift_right_logical3A_1211 : vector<80x128xi32>
    %or3A_1213 = arith.ori %shift_left3A_1209, %shift_right_logical3A_1212 : vector<80x128xi32>
    %xor3A_1214 = arith.xori %add3A_1206, %or3A_1213 : vector<80x128xi32>
    %add3A_1215 = arith.addi %add3A_1206, %xor3A_1214 : vector<80x128xi32>
    %shift_left3A_1216 = arith.constant 16 : i32
    %shift_left3A_1217 = vector.broadcast %shift_left3A_1216 : i32 to vector<80x128xi32>
    %shift_left3A_1218 = arith.shli %xor3A_1214, %shift_left3A_1217 : vector<80x128xi32>
    %shift_right_logical3A_1219 = arith.constant 16 : i32
    %shift_right_logical3A_1220 = vector.broadcast %shift_right_logical3A_1219 : i32 to vector<80x128xi32>
    %shift_right_logical3A_1221 = arith.shrui %xor3A_1214, %shift_right_logical3A_1220 : vector<80x128xi32>
    %or3A_1222 = arith.ori %shift_left3A_1218, %shift_right_logical3A_1221 : vector<80x128xi32>
    %xor3A_1223 = arith.xori %add3A_1215, %or3A_1222 : vector<80x128xi32>
    %add3A_1224 = arith.addi %add3A_1215, %xor3A_1223 : vector<80x128xi32>
    %shift_left3A_1225 = arith.constant 24 : i32
    %shift_left3A_1226 = vector.broadcast %shift_left3A_1225 : i32 to vector<80x128xi32>
    %shift_left3A_1227 = arith.shli %xor3A_1223, %shift_left3A_1226 : vector<80x128xi32>
    %shift_right_logical3A_1228 = arith.constant 8 : i32
    %shift_right_logical3A_1229 = vector.broadcast %shift_right_logical3A_1228 : i32 to vector<80x128xi32>
    %shift_right_logical3A_1230 = arith.shrui %xor3A_1223, %shift_right_logical3A_1229 : vector<80x128xi32>
    %or3A_1231 = arith.ori %shift_left3A_1227, %shift_right_logical3A_1230 : vector<80x128xi32>
    %xor3A_1232 = arith.xori %add3A_1224, %or3A_1231 : vector<80x128xi32>
    %add3A_1233 = arith.constant 466689008 : i32
    %add3A_1234 = vector.broadcast %add3A_1233 : i32 to vector<80x128xi32>
    %add3A_1235 = arith.addi %add3A_1224, %add3A_1234 : vector<80x128xi32>
    %add3A_1236 = arith.constant 2 : i32
    %add3A_1237 = vector.broadcast %add3A_1236 : i32 to vector<80x128xi32>
    %add3A_1238 = arith.addi %xor3A_1232, %add3A_1237 : vector<80x128xi32>
    %add3A_1239 = arith.addi %add3A_1235, %add3A_1238 : vector<80x128xi32>
    %shift_left3A_1240 = arith.constant 13 : i32
    %shift_left3A_1241 = vector.broadcast %shift_left3A_1240 : i32 to vector<80x128xi32>
    %shift_left3A_1242 = arith.shli %add3A_1238, %shift_left3A_1241 : vector<80x128xi32>
    %shift_right_logical3A_1243 = arith.constant 19 : i32
    %shift_right_logical3A_1244 = vector.broadcast %shift_right_logical3A_1243 : i32 to vector<80x128xi32>
    %shift_right_logical3A_1245 = arith.shrui %add3A_1238, %shift_right_logical3A_1244 : vector<80x128xi32>
    %or3A_1246 = arith.ori %shift_left3A_1242, %shift_right_logical3A_1245 : vector<80x128xi32>
    %xor3A_1247 = arith.xori %add3A_1239, %or3A_1246 : vector<80x128xi32>
    %add3A_1248 = arith.addi %add3A_1239, %xor3A_1247 : vector<80x128xi32>
    %shift_left3A_1249 = arith.constant 15 : i32
    %shift_left3A_1250 = vector.broadcast %shift_left3A_1249 : i32 to vector<80x128xi32>
    %shift_left3A_1251 = arith.shli %xor3A_1247, %shift_left3A_1250 : vector<80x128xi32>
    %shift_right_logical3A_1252 = arith.constant 17 : i32
    %shift_right_logical3A_1253 = vector.broadcast %shift_right_logical3A_1252 : i32 to vector<80x128xi32>
    %shift_right_logical3A_1254 = arith.shrui %xor3A_1247, %shift_right_logical3A_1253 : vector<80x128xi32>
    %or3A_1255 = arith.ori %shift_left3A_1251, %shift_right_logical3A_1254 : vector<80x128xi32>
    %xor3A_1256 = arith.xori %add3A_1248, %or3A_1255 : vector<80x128xi32>
    %add3A_1257 = arith.addi %add3A_1248, %xor3A_1256 : vector<80x128xi32>
    %shift_left3A_1258 = arith.constant 26 : i32
    %shift_left3A_1259 = vector.broadcast %shift_left3A_1258 : i32 to vector<80x128xi32>
    %shift_left3A_1260 = arith.shli %xor3A_1256, %shift_left3A_1259 : vector<80x128xi32>
    %shift_right_logical3A_1261 = arith.constant 6 : i32
    %shift_right_logical3A_1262 = vector.broadcast %shift_right_logical3A_1261 : i32 to vector<80x128xi32>
    %shift_right_logical3A_1263 = arith.shrui %xor3A_1256, %shift_right_logical3A_1262 : vector<80x128xi32>
    %or3A_1264 = arith.ori %shift_left3A_1260, %shift_right_logical3A_1263 : vector<80x128xi32>
    %xor3A_1265 = arith.xori %add3A_1257, %or3A_1264 : vector<80x128xi32>
    %add3A_1266 = arith.addi %add3A_1257, %xor3A_1265 : vector<80x128xi32>
    %shift_left3A_1267 = arith.constant 6 : i32
    %shift_left3A_1268 = vector.broadcast %shift_left3A_1267 : i32 to vector<80x128xi32>
    %shift_left3A_1269 = arith.shli %xor3A_1265, %shift_left3A_1268 : vector<80x128xi32>
    %shift_right_logical3A_1270 = arith.constant 26 : i32
    %shift_right_logical3A_1271 = vector.broadcast %shift_right_logical3A_1270 : i32 to vector<80x128xi32>
    %shift_right_logical3A_1272 = arith.shrui %xor3A_1265, %shift_right_logical3A_1271 : vector<80x128xi32>
    %or3A_1273 = arith.ori %shift_left3A_1269, %shift_right_logical3A_1272 : vector<80x128xi32>
    %xor3A_1274 = arith.xori %add3A_1266, %or3A_1273 : vector<80x128xi32>
    %add3A_1275 = arith.constant 45 : i32
    %add3A_1276 = vector.broadcast %add3A_1275 : i32 to vector<80x128xi32>
    %add3A_1277 = arith.addi %xor3A_1274, %add3A_1276 : vector<80x128xi32>
    %add3A_1278 = arith.addi %add3A_1266, %add3A_1277 : vector<80x128xi32>
    %shift_left3A_1279 = arith.constant 17 : i32
    %shift_left3A_1280 = vector.broadcast %shift_left3A_1279 : i32 to vector<80x128xi32>
    %shift_left3A_1281 = arith.shli %add3A_1277, %shift_left3A_1280 : vector<80x128xi32>
    %shift_right_logical3A_1282 = arith.constant 15 : i32
    %shift_right_logical3A_1283 = vector.broadcast %shift_right_logical3A_1282 : i32 to vector<80x128xi32>
    %shift_right_logical3A_1284 = arith.shrui %add3A_1277, %shift_right_logical3A_1283 : vector<80x128xi32>
    %or3A_1285 = arith.ori %shift_left3A_1281, %shift_right_logical3A_1284 : vector<80x128xi32>
    %xor3A_1286 = arith.xori %add3A_1278, %or3A_1285 : vector<80x128xi32>
    %add3A_1287 = arith.addi %add3A_1278, %xor3A_1286 : vector<80x128xi32>
    %shift_left3A_1288 = arith.constant 29 : i32
    %shift_left3A_1289 = vector.broadcast %shift_left3A_1288 : i32 to vector<80x128xi32>
    %shift_left3A_1290 = arith.shli %xor3A_1286, %shift_left3A_1289 : vector<80x128xi32>
    %shift_right_logical3A_1291 = arith.constant 3 : i32
    %shift_right_logical3A_1292 = vector.broadcast %shift_right_logical3A_1291 : i32 to vector<80x128xi32>
    %shift_right_logical3A_1293 = arith.shrui %xor3A_1286, %shift_right_logical3A_1292 : vector<80x128xi32>
    %or3A_1294 = arith.ori %shift_left3A_1290, %shift_right_logical3A_1293 : vector<80x128xi32>
    %xor3A_1295 = arith.xori %add3A_1287, %or3A_1294 : vector<80x128xi32>
    %add3A_1296 = arith.addi %add3A_1287, %xor3A_1295 : vector<80x128xi32>
    %shift_left3A_1297 = arith.constant 16 : i32
    %shift_left3A_1298 = vector.broadcast %shift_left3A_1297 : i32 to vector<80x128xi32>
    %shift_left3A_1299 = arith.shli %xor3A_1295, %shift_left3A_1298 : vector<80x128xi32>
    %shift_right_logical3A_1300 = arith.constant 16 : i32
    %shift_right_logical3A_1301 = vector.broadcast %shift_right_logical3A_1300 : i32 to vector<80x128xi32>
    %shift_right_logical3A_1302 = arith.shrui %xor3A_1295, %shift_right_logical3A_1301 : vector<80x128xi32>
    %or3A_1303 = arith.ori %shift_left3A_1299, %shift_right_logical3A_1302 : vector<80x128xi32>
    %xor3A_1304 = arith.xori %add3A_1296, %or3A_1303 : vector<80x128xi32>
    %add3A_1305 = arith.addi %add3A_1296, %xor3A_1304 : vector<80x128xi32>
    %shift_left3A_1306 = arith.constant 24 : i32
    %shift_left3A_1307 = vector.broadcast %shift_left3A_1306 : i32 to vector<80x128xi32>
    %shift_left3A_1308 = arith.shli %xor3A_1304, %shift_left3A_1307 : vector<80x128xi32>
    %shift_right_logical3A_1309 = arith.constant 8 : i32
    %shift_right_logical3A_1310 = vector.broadcast %shift_right_logical3A_1309 : i32 to vector<80x128xi32>
    %shift_right_logical3A_1311 = arith.shrui %xor3A_1304, %shift_right_logical3A_1310 : vector<80x128xi32>
    %or3A_1312 = arith.ori %shift_left3A_1308, %shift_right_logical3A_1311 : vector<80x128xi32>
    %xor3A_1313 = arith.xori %add3A_1305, %or3A_1312 : vector<80x128xi32>
    %add3A_1314 = arith.constant 42 : i32
    %add3A_1315 = vector.broadcast %add3A_1314 : i32 to vector<80x128xi32>
    %add3A_1316 = arith.addi %add3A_1305, %add3A_1315 : vector<80x128xi32>
    %add3A_1317 = arith.constant 466689012 : i32
    %add3A_1318 = vector.broadcast %add3A_1317 : i32 to vector<80x128xi32>
    %add3A_1319 = arith.addi %xor3A_1313, %add3A_1318 : vector<80x128xi32>
    %add3A_1320 = arith.addi %add3A_1316, %add3A_1319 : vector<80x128xi32>
    %shift_left3A_1321 = arith.constant 13 : i32
    %shift_left3A_1322 = vector.broadcast %shift_left3A_1321 : i32 to vector<80x128xi32>
    %shift_left3A_1323 = arith.shli %add3A_1319, %shift_left3A_1322 : vector<80x128xi32>
    %shift_right_logical3A_1324 = arith.constant 19 : i32
    %shift_right_logical3A_1325 = vector.broadcast %shift_right_logical3A_1324 : i32 to vector<80x128xi32>
    %shift_right_logical3A_1326 = arith.shrui %add3A_1319, %shift_right_logical3A_1325 : vector<80x128xi32>
    %or3A_1327 = arith.ori %shift_left3A_1323, %shift_right_logical3A_1326 : vector<80x128xi32>
    %xor3A_1328 = arith.xori %add3A_1320, %or3A_1327 : vector<80x128xi32>
    %add3A_1329 = arith.addi %add3A_1320, %xor3A_1328 : vector<80x128xi32>
    %shift_left3A_1330 = arith.constant 15 : i32
    %shift_left3A_1331 = vector.broadcast %shift_left3A_1330 : i32 to vector<80x128xi32>
    %shift_left3A_1332 = arith.shli %xor3A_1328, %shift_left3A_1331 : vector<80x128xi32>
    %shift_right_logical3A_1333 = arith.constant 17 : i32
    %shift_right_logical3A_1334 = vector.broadcast %shift_right_logical3A_1333 : i32 to vector<80x128xi32>
    %shift_right_logical3A_1335 = arith.shrui %xor3A_1328, %shift_right_logical3A_1334 : vector<80x128xi32>
    %or3A_1336 = arith.ori %shift_left3A_1332, %shift_right_logical3A_1335 : vector<80x128xi32>
    %xor3A_1337 = arith.xori %add3A_1329, %or3A_1336 : vector<80x128xi32>
    %add3A_1338 = arith.addi %add3A_1329, %xor3A_1337 : vector<80x128xi32>
    %shift_left3A_1339 = arith.constant 26 : i32
    %shift_left3A_1340 = vector.broadcast %shift_left3A_1339 : i32 to vector<80x128xi32>
    %shift_left3A_1341 = arith.shli %xor3A_1337, %shift_left3A_1340 : vector<80x128xi32>
    %shift_right_logical3A_1342 = arith.constant 6 : i32
    %shift_right_logical3A_1343 = vector.broadcast %shift_right_logical3A_1342 : i32 to vector<80x128xi32>
    %shift_right_logical3A_1344 = arith.shrui %xor3A_1337, %shift_right_logical3A_1343 : vector<80x128xi32>
    %or3A_1345 = arith.ori %shift_left3A_1341, %shift_right_logical3A_1344 : vector<80x128xi32>
    %xor3A_1346 = arith.xori %add3A_1338, %or3A_1345 : vector<80x128xi32>
    %add3A_1347 = arith.addi %add3A_1338, %xor3A_1346 : vector<80x128xi32>
    %shift_left3A_1348 = arith.constant 6 : i32
    %shift_left3A_1349 = vector.broadcast %shift_left3A_1348 : i32 to vector<80x128xi32>
    %shift_left3A_1350 = arith.shli %xor3A_1346, %shift_left3A_1349 : vector<80x128xi32>
    %shift_right_logical3A_1351 = arith.constant 26 : i32
    %shift_right_logical3A_1352 = vector.broadcast %shift_right_logical3A_1351 : i32 to vector<80x128xi32>
    %shift_right_logical3A_1353 = arith.shrui %xor3A_1346, %shift_right_logical3A_1352 : vector<80x128xi32>
    %or3A_1354 = arith.ori %shift_left3A_1350, %shift_right_logical3A_1353 : vector<80x128xi32>
    %xor3A_1355 = arith.xori %add3A_1347, %or3A_1354 : vector<80x128xi32>
    %add3A_1356 = arith.constant 466689008 : i32
    %add3A_1357 = vector.broadcast %add3A_1356 : i32 to vector<80x128xi32>
    %add3A_1358 = arith.addi %add3A_1347, %add3A_1357 : vector<80x128xi32>
    %add3A_1359 = arith.constant 5 : i32
    %add3A_1360 = vector.broadcast %add3A_1359 : i32 to vector<80x128xi32>
    %add3A_1361 = arith.addi %xor3A_1355, %add3A_1360 : vector<80x128xi32>
    %xor3A_1362 = arith.xori %add3A_1358, %add3A_1361 : vector<80x128xi32>
    %shift_right_logical3A_1363 = arith.constant 9 : i32
    %shift_right_logical3A_1364 = vector.broadcast %shift_right_logical3A_1363 : i32 to vector<80x128xi32>
    %shift_right_logical3A_1365 = arith.shrui %xor3A_1362, %shift_right_logical3A_1364 : vector<80x128xi32>
    %ge3A_1366 = vector.broadcast %get3A_0 : i32 to vector<80x128xi32>
    %ge3A_1367 = arith.cmpi sge, %shift_right_logical3A_1365, %ge3A_1366 : vector<80x128xi32>
    %get3A_1368 = arith.constant 400 : index
    %get3A_1369 = arith.constant 0 : index
    %get3A_1370 = vector.load %arg3[%get3A_1368, %get3A_1369] : memref<2000x128xf32, #tpu.memory_space<vmem>>, vector<80x128xf32>
    %mul3A_1371 = vector.broadcast %get3A_2 : f32 to vector<80x128xf32>
    %mul3A_1372 = arith.mulf %get3A_1370, %mul3A_1371 : vector<80x128xf32>
    %jit3A_1373 = arith.constant 0.000000e+00 : f32
    %broadcast_in_dim3A_1374 = vector.broadcast %jit3A_1373 : f32 to vector<80x128xf32>
    %select_n3A_1375 = arith.select %ge3A_1367, %mul3A_1372, %broadcast_in_dim3A_1374 : vector<80x128xi1>, vector<80x128xf32>
    %swap3A_1376 = arith.constant 400 : index
    %swap3A_1377 = arith.constant 0 : index
    %swap3A_1378 = vector.load %arg4[%swap3A_1376, %swap3A_1377] : memref<2000x128xf32, #tpu.memory_space<vmem>>, vector<80x128xf32>
    tpu.vector_store %arg4[%swap3A_1376, %swap3A_1377], %select_n3A_1375 {strides = array<i32>} : memref<2000x128xf32, #tpu.memory_space<vmem>>, vector<80x128xf32>,
    %add3A_1379 = arith.constant 61440 : i32
    %add3A_1380 = arith.addi %mul3A_6, %add3A_1379 : i32
    %add3A_1381 = vector.broadcast %add3A_1380 : i32 to vector<80x128xi32>
    %add3A_1382 = arith.addi %add3A, %add3A_1381 : vector<80x128xi32>
    %add3A_1383 = arith.constant 42 : i32
    %add3A_1384 = vector.broadcast %add3A_1383 : i32 to vector<80x128xi32>
    %add3A_1385 = arith.addi %add3A_1382, %add3A_1384 : vector<80x128xi32>
    %shift_left3A_1386 = arith.constant 13 : i32
    %shift_left3A_1387 = vector.broadcast %shift_left3A_1386 : i32 to vector<80x128xi32>
    %shift_left3A_1388 = arith.shli %add3A_1385, %shift_left3A_1387 : vector<80x128xi32>
    %shift_right_logical3A_1389 = arith.constant 19 : i32
    %shift_right_logical3A_1390 = vector.broadcast %shift_right_logical3A_1389 : i32 to vector<80x128xi32>
    %shift_right_logical3A_1391 = arith.shrui %add3A_1385, %shift_right_logical3A_1390 : vector<80x128xi32>
    %or3A_1392 = arith.ori %shift_left3A_1388, %shift_right_logical3A_1391 : vector<80x128xi32>
    %xor3A_1393 = arith.xori %add3A_1385, %or3A_1392 : vector<80x128xi32>
    %add3A_1394 = arith.addi %add3A_1385, %xor3A_1393 : vector<80x128xi32>
    %shift_left3A_1395 = arith.constant 15 : i32
    %shift_left3A_1396 = vector.broadcast %shift_left3A_1395 : i32 to vector<80x128xi32>
    %shift_left3A_1397 = arith.shli %xor3A_1393, %shift_left3A_1396 : vector<80x128xi32>
    %shift_right_logical3A_1398 = arith.constant 17 : i32
    %shift_right_logical3A_1399 = vector.broadcast %shift_right_logical3A_1398 : i32 to vector<80x128xi32>
    %shift_right_logical3A_1400 = arith.shrui %xor3A_1393, %shift_right_logical3A_1399 : vector<80x128xi32>
    %or3A_1401 = arith.ori %shift_left3A_1397, %shift_right_logical3A_1400 : vector<80x128xi32>
    %xor3A_1402 = arith.xori %add3A_1394, %or3A_1401 : vector<80x128xi32>
    %add3A_1403 = arith.addi %add3A_1394, %xor3A_1402 : vector<80x128xi32>
    %shift_left3A_1404 = arith.constant 26 : i32
    %shift_left3A_1405 = vector.broadcast %shift_left3A_1404 : i32 to vector<80x128xi32>
    %shift_left3A_1406 = arith.shli %xor3A_1402, %shift_left3A_1405 : vector<80x128xi32>
    %shift_right_logical3A_1407 = arith.constant 6 : i32
    %shift_right_logical3A_1408 = vector.broadcast %shift_right_logical3A_1407 : i32 to vector<80x128xi32>
    %shift_right_logical3A_1409 = arith.shrui %xor3A_1402, %shift_right_logical3A_1408 : vector<80x128xi32>
    %or3A_1410 = arith.ori %shift_left3A_1406, %shift_right_logical3A_1409 : vector<80x128xi32>
    %xor3A_1411 = arith.xori %add3A_1403, %or3A_1410 : vector<80x128xi32>
    %add3A_1412 = arith.addi %add3A_1403, %xor3A_1411 : vector<80x128xi32>
    %shift_left3A_1413 = arith.constant 6 : i32
    %shift_left3A_1414 = vector.broadcast %shift_left3A_1413 : i32 to vector<80x128xi32>
    %shift_left3A_1415 = arith.shli %xor3A_1411, %shift_left3A_1414 : vector<80x128xi32>
    %shift_right_logical3A_1416 = arith.constant 26 : i32
    %shift_right_logical3A_1417 = vector.broadcast %shift_right_logical3A_1416 : i32 to vector<80x128xi32>
    %shift_right_logical3A_1418 = arith.shrui %xor3A_1411, %shift_right_logical3A_1417 : vector<80x128xi32>
    %or3A_1419 = arith.ori %shift_left3A_1415, %shift_right_logical3A_1418 : vector<80x128xi32>
    %xor3A_1420 = arith.xori %add3A_1412, %or3A_1419 : vector<80x128xi32>
    %add3A_1421 = arith.constant 42 : i32
    %add3A_1422 = vector.broadcast %add3A_1421 : i32 to vector<80x128xi32>
    %add3A_1423 = arith.addi %add3A_1412, %add3A_1422 : vector<80x128xi32>
    %add3A_1424 = arith.constant 466689009 : i32
    %add3A_1425 = vector.broadcast %add3A_1424 : i32 to vector<80x128xi32>
    %add3A_1426 = arith.addi %xor3A_1420, %add3A_1425 : vector<80x128xi32>
    %add3A_1427 = arith.addi %add3A_1423, %add3A_1426 : vector<80x128xi32>
    %shift_left3A_1428 = arith.constant 17 : i32
    %shift_left3A_1429 = vector.broadcast %shift_left3A_1428 : i32 to vector<80x128xi32>
    %shift_left3A_1430 = arith.shli %add3A_1426, %shift_left3A_1429 : vector<80x128xi32>
    %shift_right_logical3A_1431 = arith.constant 15 : i32
    %shift_right_logical3A_1432 = vector.broadcast %shift_right_logical3A_1431 : i32 to vector<80x128xi32>
    %shift_right_logical3A_1433 = arith.shrui %add3A_1426, %shift_right_logical3A_1432 : vector<80x128xi32>
    %or3A_1434 = arith.ori %shift_left3A_1430, %shift_right_logical3A_1433 : vector<80x128xi32>
    %xor3A_1435 = arith.xori %add3A_1427, %or3A_1434 : vector<80x128xi32>
    %add3A_1436 = arith.addi %add3A_1427, %xor3A_1435 : vector<80x128xi32>
    %shift_left3A_1437 = arith.constant 29 : i32
    %shift_left3A_1438 = vector.broadcast %shift_left3A_1437 : i32 to vector<80x128xi32>
    %shift_left3A_1439 = arith.shli %xor3A_1435, %shift_left3A_1438 : vector<80x128xi32>
    %shift_right_logical3A_1440 = arith.constant 3 : i32
    %shift_right_logical3A_1441 = vector.broadcast %shift_right_logical3A_1440 : i32 to vector<80x128xi32>
    %shift_right_logical3A_1442 = arith.shrui %xor3A_1435, %shift_right_logical3A_1441 : vector<80x128xi32>
    %or3A_1443 = arith.ori %shift_left3A_1439, %shift_right_logical3A_1442 : vector<80x128xi32>
    %xor3A_1444 = arith.xori %add3A_1436, %or3A_1443 : vector<80x128xi32>
    %add3A_1445 = arith.addi %add3A_1436, %xor3A_1444 : vector<80x128xi32>
    %shift_left3A_1446 = arith.constant 16 : i32
    %shift_left3A_1447 = vector.broadcast %shift_left3A_1446 : i32 to vector<80x128xi32>
    %shift_left3A_1448 = arith.shli %xor3A_1444, %shift_left3A_1447 : vector<80x128xi32>
    %shift_right_logical3A_1449 = arith.constant 16 : i32
    %shift_right_logical3A_1450 = vector.broadcast %shift_right_logical3A_1449 : i32 to vector<80x128xi32>
    %shift_right_logical3A_1451 = arith.shrui %xor3A_1444, %shift_right_logical3A_1450 : vector<80x128xi32>
    %or3A_1452 = arith.ori %shift_left3A_1448, %shift_right_logical3A_1451 : vector<80x128xi32>
    %xor3A_1453 = arith.xori %add3A_1445, %or3A_1452 : vector<80x128xi32>
    %add3A_1454 = arith.addi %add3A_1445, %xor3A_1453 : vector<80x128xi32>
    %shift_left3A_1455 = arith.constant 24 : i32
    %shift_left3A_1456 = vector.broadcast %shift_left3A_1455 : i32 to vector<80x128xi32>
    %shift_left3A_1457 = arith.shli %xor3A_1453, %shift_left3A_1456 : vector<80x128xi32>
    %shift_right_logical3A_1458 = arith.constant 8 : i32
    %shift_right_logical3A_1459 = vector.broadcast %shift_right_logical3A_1458 : i32 to vector<80x128xi32>
    %shift_right_logical3A_1460 = arith.shrui %xor3A_1453, %shift_right_logical3A_1459 : vector<80x128xi32>
    %or3A_1461 = arith.ori %shift_left3A_1457, %shift_right_logical3A_1460 : vector<80x128xi32>
    %xor3A_1462 = arith.xori %add3A_1454, %or3A_1461 : vector<80x128xi32>
    %add3A_1463 = arith.constant 466689008 : i32
    %add3A_1464 = vector.broadcast %add3A_1463 : i32 to vector<80x128xi32>
    %add3A_1465 = arith.addi %add3A_1454, %add3A_1464 : vector<80x128xi32>
    %add3A_1466 = arith.constant 2 : i32
    %add3A_1467 = vector.broadcast %add3A_1466 : i32 to vector<80x128xi32>
    %add3A_1468 = arith.addi %xor3A_1462, %add3A_1467 : vector<80x128xi32>
    %add3A_1469 = arith.addi %add3A_1465, %add3A_1468 : vector<80x128xi32>
    %shift_left3A_1470 = arith.constant 13 : i32
    %shift_left3A_1471 = vector.broadcast %shift_left3A_1470 : i32 to vector<80x128xi32>
    %shift_left3A_1472 = arith.shli %add3A_1468, %shift_left3A_1471 : vector<80x128xi32>
    %shift_right_logical3A_1473 = arith.constant 19 : i32
    %shift_right_logical3A_1474 = vector.broadcast %shift_right_logical3A_1473 : i32 to vector<80x128xi32>
    %shift_right_logical3A_1475 = arith.shrui %add3A_1468, %shift_right_logical3A_1474 : vector<80x128xi32>
    %or3A_1476 = arith.ori %shift_left3A_1472, %shift_right_logical3A_1475 : vector<80x128xi32>
    %xor3A_1477 = arith.xori %add3A_1469, %or3A_1476 : vector<80x128xi32>
    %add3A_1478 = arith.addi %add3A_1469, %xor3A_1477 : vector<80x128xi32>
    %shift_left3A_1479 = arith.constant 15 : i32
    %shift_left3A_1480 = vector.broadcast %shift_left3A_1479 : i32 to vector<80x128xi32>
    %shift_left3A_1481 = arith.shli %xor3A_1477, %shift_left3A_1480 : vector<80x128xi32>
    %shift_right_logical3A_1482 = arith.constant 17 : i32
    %shift_right_logical3A_1483 = vector.broadcast %shift_right_logical3A_1482 : i32 to vector<80x128xi32>
    %shift_right_logical3A_1484 = arith.shrui %xor3A_1477, %shift_right_logical3A_1483 : vector<80x128xi32>
    %or3A_1485 = arith.ori %shift_left3A_1481, %shift_right_logical3A_1484 : vector<80x128xi32>
    %xor3A_1486 = arith.xori %add3A_1478, %or3A_1485 : vector<80x128xi32>
    %add3A_1487 = arith.addi %add3A_1478, %xor3A_1486 : vector<80x128xi32>
    %shift_left3A_1488 = arith.constant 26 : i32
    %shift_left3A_1489 = vector.broadcast %shift_left3A_1488 : i32 to vector<80x128xi32>
    %shift_left3A_1490 = arith.shli %xor3A_1486, %shift_left3A_1489 : vector<80x128xi32>
    %shift_right_logical3A_1491 = arith.constant 6 : i32
    %shift_right_logical3A_1492 = vector.broadcast %shift_right_logical3A_1491 : i32 to vector<80x128xi32>
    %shift_right_logical3A_1493 = arith.shrui %xor3A_1486, %shift_right_logical3A_1492 : vector<80x128xi32>
    %or3A_1494 = arith.ori %shift_left3A_1490, %shift_right_logical3A_1493 : vector<80x128xi32>
    %xor3A_1495 = arith.xori %add3A_1487, %or3A_1494 : vector<80x128xi32>
    %add3A_1496 = arith.addi %add3A_1487, %xor3A_1495 : vector<80x128xi32>
    %shift_left3A_1497 = arith.constant 6 : i32
    %shift_left3A_1498 = vector.broadcast %shift_left3A_1497 : i32 to vector<80x128xi32>
    %shift_left3A_1499 = arith.shli %xor3A_1495, %shift_left3A_1498 : vector<80x128xi32>
    %shift_right_logical3A_1500 = arith.constant 26 : i32
    %shift_right_logical3A_1501 = vector.broadcast %shift_right_logical3A_1500 : i32 to vector<80x128xi32>
    %shift_right_logical3A_1502 = arith.shrui %xor3A_1495, %shift_right_logical3A_1501 : vector<80x128xi32>
    %or3A_1503 = arith.ori %shift_left3A_1499, %shift_right_logical3A_1502 : vector<80x128xi32>
    %xor3A_1504 = arith.xori %add3A_1496, %or3A_1503 : vector<80x128xi32>
    %add3A_1505 = arith.constant 45 : i32
    %add3A_1506 = vector.broadcast %add3A_1505 : i32 to vector<80x128xi32>
    %add3A_1507 = arith.addi %xor3A_1504, %add3A_1506 : vector<80x128xi32>
    %add3A_1508 = arith.addi %add3A_1496, %add3A_1507 : vector<80x128xi32>
    %shift_left3A_1509 = arith.constant 17 : i32
    %shift_left3A_1510 = vector.broadcast %shift_left3A_1509 : i32 to vector<80x128xi32>
    %shift_left3A_1511 = arith.shli %add3A_1507, %shift_left3A_1510 : vector<80x128xi32>
    %shift_right_logical3A_1512 = arith.constant 15 : i32
    %shift_right_logical3A_1513 = vector.broadcast %shift_right_logical3A_1512 : i32 to vector<80x128xi32>
    %shift_right_logical3A_1514 = arith.shrui %add3A_1507, %shift_right_logical3A_1513 : vector<80x128xi32>
    %or3A_1515 = arith.ori %shift_left3A_1511, %shift_right_logical3A_1514 : vector<80x128xi32>
    %xor3A_1516 = arith.xori %add3A_1508, %or3A_1515 : vector<80x128xi32>
    %add3A_1517 = arith.addi %add3A_1508, %xor3A_1516 : vector<80x128xi32>
    %shift_left3A_1518 = arith.constant 29 : i32
    %shift_left3A_1519 = vector.broadcast %shift_left3A_1518 : i32 to vector<80x128xi32>
    %shift_left3A_1520 = arith.shli %xor3A_1516, %shift_left3A_1519 : vector<80x128xi32>
    %shift_right_logical3A_1521 = arith.constant 3 : i32
    %shift_right_logical3A_1522 = vector.broadcast %shift_right_logical3A_1521 : i32 to vector<80x128xi32>
    %shift_right_logical3A_1523 = arith.shrui %xor3A_1516, %shift_right_logical3A_1522 : vector<80x128xi32>
    %or3A_1524 = arith.ori %shift_left3A_1520, %shift_right_logical3A_1523 : vector<80x128xi32>
    %xor3A_1525 = arith.xori %add3A_1517, %or3A_1524 : vector<80x128xi32>
    %add3A_1526 = arith.addi %add3A_1517, %xor3A_1525 : vector<80x128xi32>
    %shift_left3A_1527 = arith.constant 16 : i32
    %shift_left3A_1528 = vector.broadcast %shift_left3A_1527 : i32 to vector<80x128xi32>
    %shift_left3A_1529 = arith.shli %xor3A_1525, %shift_left3A_1528 : vector<80x128xi32>
    %shift_right_logical3A_1530 = arith.constant 16 : i32
    %shift_right_logical3A_1531 = vector.broadcast %shift_right_logical3A_1530 : i32 to vector<80x128xi32>
    %shift_right_logical3A_1532 = arith.shrui %xor3A_1525, %shift_right_logical3A_1531 : vector<80x128xi32>
    %or3A_1533 = arith.ori %shift_left3A_1529, %shift_right_logical3A_1532 : vector<80x128xi32>
    %xor3A_1534 = arith.xori %add3A_1526, %or3A_1533 : vector<80x128xi32>
    %add3A_1535 = arith.addi %add3A_1526, %xor3A_1534 : vector<80x128xi32>
    %shift_left3A_1536 = arith.constant 24 : i32
    %shift_left3A_1537 = vector.broadcast %shift_left3A_1536 : i32 to vector<80x128xi32>
    %shift_left3A_1538 = arith.shli %xor3A_1534, %shift_left3A_1537 : vector<80x128xi32>
    %shift_right_logical3A_1539 = arith.constant 8 : i32
    %shift_right_logical3A_1540 = vector.broadcast %shift_right_logical3A_1539 : i32 to vector<80x128xi32>
    %shift_right_logical3A_1541 = arith.shrui %xor3A_1534, %shift_right_logical3A_1540 : vector<80x128xi32>
    %or3A_1542 = arith.ori %shift_left3A_1538, %shift_right_logical3A_1541 : vector<80x128xi32>
    %xor3A_1543 = arith.xori %add3A_1535, %or3A_1542 : vector<80x128xi32>
    %add3A_1544 = arith.constant 42 : i32
    %add3A_1545 = vector.broadcast %add3A_1544 : i32 to vector<80x128xi32>
    %add3A_1546 = arith.addi %add3A_1535, %add3A_1545 : vector<80x128xi32>
    %add3A_1547 = arith.constant 466689012 : i32
    %add3A_1548 = vector.broadcast %add3A_1547 : i32 to vector<80x128xi32>
    %add3A_1549 = arith.addi %xor3A_1543, %add3A_1548 : vector<80x128xi32>
    %add3A_1550 = arith.addi %add3A_1546, %add3A_1549 : vector<80x128xi32>
    %shift_left3A_1551 = arith.constant 13 : i32
    %shift_left3A_1552 = vector.broadcast %shift_left3A_1551 : i32 to vector<80x128xi32>
    %shift_left3A_1553 = arith.shli %add3A_1549, %shift_left3A_1552 : vector<80x128xi32>
    %shift_right_logical3A_1554 = arith.constant 19 : i32
    %shift_right_logical3A_1555 = vector.broadcast %shift_right_logical3A_1554 : i32 to vector<80x128xi32>
    %shift_right_logical3A_1556 = arith.shrui %add3A_1549, %shift_right_logical3A_1555 : vector<80x128xi32>
    %or3A_1557 = arith.ori %shift_left3A_1553, %shift_right_logical3A_1556 : vector<80x128xi32>
    %xor3A_1558 = arith.xori %add3A_1550, %or3A_1557 : vector<80x128xi32>
    %add3A_1559 = arith.addi %add3A_1550, %xor3A_1558 : vector<80x128xi32>
    %shift_left3A_1560 = arith.constant 15 : i32
    %shift_left3A_1561 = vector.broadcast %shift_left3A_1560 : i32 to vector<80x128xi32>
    %shift_left3A_1562 = arith.shli %xor3A_1558, %shift_left3A_1561 : vector<80x128xi32>
    %shift_right_logical3A_1563 = arith.constant 17 : i32
    %shift_right_logical3A_1564 = vector.broadcast %shift_right_logical3A_1563 : i32 to vector<80x128xi32>
    %shift_right_logical3A_1565 = arith.shrui %xor3A_1558, %shift_right_logical3A_1564 : vector<80x128xi32>
    %or3A_1566 = arith.ori %shift_left3A_1562, %shift_right_logical3A_1565 : vector<80x128xi32>
    %xor3A_1567 = arith.xori %add3A_1559, %or3A_1566 : vector<80x128xi32>
    %add3A_1568 = arith.addi %add3A_1559, %xor3A_1567 : vector<80x128xi32>
    %shift_left3A_1569 = arith.constant 26 : i32
    %shift_left3A_1570 = vector.broadcast %shift_left3A_1569 : i32 to vector<80x128xi32>
    %shift_left3A_1571 = arith.shli %xor3A_1567, %shift_left3A_1570 : vector<80x128xi32>
    %shift_right_logical3A_1572 = arith.constant 6 : i32
    %shift_right_logical3A_1573 = vector.broadcast %shift_right_logical3A_1572 : i32 to vector<80x128xi32>
    %shift_right_logical3A_1574 = arith.shrui %xor3A_1567, %shift_right_logical3A_1573 : vector<80x128xi32>
    %or3A_1575 = arith.ori %shift_left3A_1571, %shift_right_logical3A_1574 : vector<80x128xi32>
    %xor3A_1576 = arith.xori %add3A_1568, %or3A_1575 : vector<80x128xi32>
    %add3A_1577 = arith.addi %add3A_1568, %xor3A_1576 : vector<80x128xi32>
    %shift_left3A_1578 = arith.constant 6 : i32
    %shift_left3A_1579 = vector.broadcast %shift_left3A_1578 : i32 to vector<80x128xi32>
    %shift_left3A_1580 = arith.shli %xor3A_1576, %shift_left3A_1579 : vector<80x128xi32>
    %shift_right_logical3A_1581 = arith.constant 26 : i32
    %shift_right_logical3A_1582 = vector.broadcast %shift_right_logical3A_1581 : i32 to vector<80x128xi32>
    %shift_right_logical3A_1583 = arith.shrui %xor3A_1576, %shift_right_logical3A_1582 : vector<80x128xi32>
    %or3A_1584 = arith.ori %shift_left3A_1580, %shift_right_logical3A_1583 : vector<80x128xi32>
    %xor3A_1585 = arith.xori %add3A_1577, %or3A_1584 : vector<80x128xi32>
    %add3A_1586 = arith.constant 466689008 : i32
    %add3A_1587 = vector.broadcast %add3A_1586 : i32 to vector<80x128xi32>
    %add3A_1588 = arith.addi %add3A_1577, %add3A_1587 : vector<80x128xi32>
    %add3A_1589 = arith.constant 5 : i32
    %add3A_1590 = vector.broadcast %add3A_1589 : i32 to vector<80x128xi32>
    %add3A_1591 = arith.addi %xor3A_1585, %add3A_1590 : vector<80x128xi32>
    %xor3A_1592 = arith.xori %add3A_1588, %add3A_1591 : vector<80x128xi32>
    %shift_right_logical3A_1593 = arith.constant 9 : i32
    %shift_right_logical3A_1594 = vector.broadcast %shift_right_logical3A_1593 : i32 to vector<80x128xi32>
    %shift_right_logical3A_1595 = arith.shrui %xor3A_1592, %shift_right_logical3A_1594 : vector<80x128xi32>
    %ge3A_1596 = vector.broadcast %get3A_0 : i32 to vector<80x128xi32>
    %ge3A_1597 = arith.cmpi sge, %shift_right_logical3A_1595, %ge3A_1596 : vector<80x128xi32>
    %get3A_1598 = arith.constant 480 : index
    %get3A_1599 = arith.constant 0 : index
    %get3A_1600 = vector.load %arg3[%get3A_1598, %get3A_1599] : memref<2000x128xf32, #tpu.memory_space<vmem>>, vector<80x128xf32>
    %mul3A_1601 = vector.broadcast %get3A_2 : f32 to vector<80x128xf32>
    %mul3A_1602 = arith.mulf %get3A_1600, %mul3A_1601 : vector<80x128xf32>
    %jit3A_1603 = arith.constant 0.000000e+00 : f32
    %broadcast_in_dim3A_1604 = vector.broadcast %jit3A_1603 : f32 to vector<80x128xf32>
    %select_n3A_1605 = arith.select %ge3A_1597, %mul3A_1602, %broadcast_in_dim3A_1604 : vector<80x128xi1>, vector<80x128xf32>
    %swap3A_1606 = arith.constant 480 : index
    %swap3A_1607 = arith.constant 0 : index
    %swap3A_1608 = vector.load %arg4[%swap3A_1606, %swap3A_1607] : memref<2000x128xf32, #tpu.memory_space<vmem>>, vector<80x128xf32>
    tpu.vector_store %arg4[%swap3A_1606, %swap3A_1607], %select_n3A_1605 {strides = array<i32>} : memref<2000x128xf32, #tpu.memory_space<vmem>>, vector<80x128xf32>,
    %add3A_1609 = arith.constant 71680 : i32
    %add3A_1610 = arith.addi %mul3A_6, %add3A_1609 : i32
    %add3A_1611 = vector.broadcast %add3A_1610 : i32 to vector<80x128xi32>
    %add3A_1612 = arith.addi %add3A, %add3A_1611 : vector<80x128xi32>
    %add3A_1613 = arith.constant 42 : i32
    %add3A_1614 = vector.broadcast %add3A_1613 : i32 to vector<80x128xi32>
    %add3A_1615 = arith.addi %add3A_1612, %add3A_1614 : vector<80x128xi32>
    %shift_left3A_1616 = arith.constant 13 : i32
    %shift_left3A_1617 = vector.broadcast %shift_left3A_1616 : i32 to vector<80x128xi32>
    %shift_left3A_1618 = arith.shli %add3A_1615, %shift_left3A_1617 : vector<80x128xi32>
    %shift_right_logical3A_1619 = arith.constant 19 : i32
    %shift_right_logical3A_1620 = vector.broadcast %shift_right_logical3A_1619 : i32 to vector<80x128xi32>
    %shift_right_logical3A_1621 = arith.shrui %add3A_1615, %shift_right_logical3A_1620 : vector<80x128xi32>
    %or3A_1622 = arith.ori %shift_left3A_1618, %shift_right_logical3A_1621 : vector<80x128xi32>
    %xor3A_1623 = arith.xori %add3A_1615, %or3A_1622 : vector<80x128xi32>
    %add3A_1624 = arith.addi %add3A_1615, %xor3A_1623 : vector<80x128xi32>
    %shift_left3A_1625 = arith.constant 15 : i32
    %shift_left3A_1626 = vector.broadcast %shift_left3A_1625 : i32 to vector<80x128xi32>
    %shift_left3A_1627 = arith.shli %xor3A_1623, %shift_left3A_1626 : vector<80x128xi32>
    %shift_right_logical3A_1628 = arith.constant 17 : i32
    %shift_right_logical3A_1629 = vector.broadcast %shift_right_logical3A_1628 : i32 to vector<80x128xi32>
    %shift_right_logical3A_1630 = arith.shrui %xor3A_1623, %shift_right_logical3A_1629 : vector<80x128xi32>
    %or3A_1631 = arith.ori %shift_left3A_1627, %shift_right_logical3A_1630 : vector<80x128xi32>
    %xor3A_1632 = arith.xori %add3A_1624, %or3A_1631 : vector<80x128xi32>
    %add3A_1633 = arith.addi %add3A_1624, %xor3A_1632 : vector<80x128xi32>
    %shift_left3A_1634 = arith.constant 26 : i32
    %shift_left3A_1635 = vector.broadcast %shift_left3A_1634 : i32 to vector<80x128xi32>
    %shift_left3A_1636 = arith.shli %xor3A_1632, %shift_left3A_1635 : vector<80x128xi32>
    %shift_right_logical3A_1637 = arith.constant 6 : i32
    %shift_right_logical3A_1638 = vector.broadcast %shift_right_logical3A_1637 : i32 to vector<80x128xi32>
    %shift_right_logical3A_1639 = arith.shrui %xor3A_1632, %shift_right_logical3A_1638 : vector<80x128xi32>
    %or3A_1640 = arith.ori %shift_left3A_1636, %shift_right_logical3A_1639 : vector<80x128xi32>
    %xor3A_1641 = arith.xori %add3A_1633, %or3A_1640 : vector<80x128xi32>
    %add3A_1642 = arith.addi %add3A_1633, %xor3A_1641 : vector<80x128xi32>
    %shift_left3A_1643 = arith.constant 6 : i32
    %shift_left3A_1644 = vector.broadcast %shift_left3A_1643 : i32 to vector<80x128xi32>
    %shift_left3A_1645 = arith.shli %xor3A_1641, %shift_left3A_1644 : vector<80x128xi32>
    %shift_right_logical3A_1646 = arith.constant 26 : i32
    %shift_right_logical3A_1647 = vector.broadcast %shift_right_logical3A_1646 : i32 to vector<80x128xi32>
    %shift_right_logical3A_1648 = arith.shrui %xor3A_1641, %shift_right_logical3A_1647 : vector<80x128xi32>
    %or3A_1649 = arith.ori %shift_left3A_1645, %shift_right_logical3A_1648 : vector<80x128xi32>
    %xor3A_1650 = arith.xori %add3A_1642, %or3A_1649 : vector<80x128xi32>
    %add3A_1651 = arith.constant 42 : i32
    %add3A_1652 = vector.broadcast %add3A_1651 : i32 to vector<80x128xi32>
    %add3A_1653 = arith.addi %add3A_1642, %add3A_1652 : vector<80x128xi32>
    %add3A_1654 = arith.constant 466689009 : i32
    %add3A_1655 = vector.broadcast %add3A_1654 : i32 to vector<80x128xi32>
    %add3A_1656 = arith.addi %xor3A_1650, %add3A_1655 : vector<80x128xi32>
    %add3A_1657 = arith.addi %add3A_1653, %add3A_1656 : vector<80x128xi32>
    %shift_left3A_1658 = arith.constant 17 : i32
    %shift_left3A_1659 = vector.broadcast %shift_left3A_1658 : i32 to vector<80x128xi32>
    %shift_left3A_1660 = arith.shli %add3A_1656, %shift_left3A_1659 : vector<80x128xi32>
    %shift_right_logical3A_1661 = arith.constant 15 : i32
    %shift_right_logical3A_1662 = vector.broadcast %shift_right_logical3A_1661 : i32 to vector<80x128xi32>
    %shift_right_logical3A_1663 = arith.shrui %add3A_1656, %shift_right_logical3A_1662 : vector<80x128xi32>
    %or3A_1664 = arith.ori %shift_left3A_1660, %shift_right_logical3A_1663 : vector<80x128xi32>
    %xor3A_1665 = arith.xori %add3A_1657, %or3A_1664 : vector<80x128xi32>
    %add3A_1666 = arith.addi %add3A_1657, %xor3A_1665 : vector<80x128xi32>
    %shift_left3A_1667 = arith.constant 29 : i32
    %shift_left3A_1668 = vector.broadcast %shift_left3A_1667 : i32 to vector<80x128xi32>
    %shift_left3A_1669 = arith.shli %xor3A_1665, %shift_left3A_1668 : vector<80x128xi32>
    %shift_right_logical3A_1670 = arith.constant 3 : i32
    %shift_right_logical3A_1671 = vector.broadcast %shift_right_logical3A_1670 : i32 to vector<80x128xi32>
    %shift_right_logical3A_1672 = arith.shrui %xor3A_1665, %shift_right_logical3A_1671 : vector<80x128xi32>
    %or3A_1673 = arith.ori %shift_left3A_1669, %shift_right_logical3A_1672 : vector<80x128xi32>
    %xor3A_1674 = arith.xori %add3A_1666, %or3A_1673 : vector<80x128xi32>
    %add3A_1675 = arith.addi %add3A_1666, %xor3A_1674 : vector<80x128xi32>
    %shift_left3A_1676 = arith.constant 16 : i32
    %shift_left3A_1677 = vector.broadcast %shift_left3A_1676 : i32 to vector<80x128xi32>
    %shift_left3A_1678 = arith.shli %xor3A_1674, %shift_left3A_1677 : vector<80x128xi32>
    %shift_right_logical3A_1679 = arith.constant 16 : i32
    %shift_right_logical3A_1680 = vector.broadcast %shift_right_logical3A_1679 : i32 to vector<80x128xi32>
    %shift_right_logical3A_1681 = arith.shrui %xor3A_1674, %shift_right_logical3A_1680 : vector<80x128xi32>
    %or3A_1682 = arith.ori %shift_left3A_1678, %shift_right_logical3A_1681 : vector<80x128xi32>
    %xor3A_1683 = arith.xori %add3A_1675, %or3A_1682 : vector<80x128xi32>
    %add3A_1684 = arith.addi %add3A_1675, %xor3A_1683 : vector<80x128xi32>
    %shift_left3A_1685 = arith.constant 24 : i32
    %shift_left3A_1686 = vector.broadcast %shift_left3A_1685 : i32 to vector<80x128xi32>
    %shift_left3A_1687 = arith.shli %xor3A_1683, %shift_left3A_1686 : vector<80x128xi32>
    %shift_right_logical3A_1688 = arith.constant 8 : i32
    %shift_right_logical3A_1689 = vector.broadcast %shift_right_logical3A_1688 : i32 to vector<80x128xi32>
    %shift_right_logical3A_1690 = arith.shrui %xor3A_1683, %shift_right_logical3A_1689 : vector<80x128xi32>
    %or3A_1691 = arith.ori %shift_left3A_1687, %shift_right_logical3A_1690 : vector<80x128xi32>
    %xor3A_1692 = arith.xori %add3A_1684, %or3A_1691 : vector<80x128xi32>
    %add3A_1693 = arith.constant 466689008 : i32
    %add3A_1694 = vector.broadcast %add3A_1693 : i32 to vector<80x128xi32>
    %add3A_1695 = arith.addi %add3A_1684, %add3A_1694 : vector<80x128xi32>
    %add3A_1696 = arith.constant 2 : i32
    %add3A_1697 = vector.broadcast %add3A_1696 : i32 to vector<80x128xi32>
    %add3A_1698 = arith.addi %xor3A_1692, %add3A_1697 : vector<80x128xi32>
    %add3A_1699 = arith.addi %add3A_1695, %add3A_1698 : vector<80x128xi32>
    %shift_left3A_1700 = arith.constant 13 : i32
    %shift_left3A_1701 = vector.broadcast %shift_left3A_1700 : i32 to vector<80x128xi32>
    %shift_left3A_1702 = arith.shli %add3A_1698, %shift_left3A_1701 : vector<80x128xi32>
    %shift_right_logical3A_1703 = arith.constant 19 : i32
    %shift_right_logical3A_1704 = vector.broadcast %shift_right_logical3A_1703 : i32 to vector<80x128xi32>
    %shift_right_logical3A_1705 = arith.shrui %add3A_1698, %shift_right_logical3A_1704 : vector<80x128xi32>
    %or3A_1706 = arith.ori %shift_left3A_1702, %shift_right_logical3A_1705 : vector<80x128xi32>
    %xor3A_1707 = arith.xori %add3A_1699, %or3A_1706 : vector<80x128xi32>
    %add3A_1708 = arith.addi %add3A_1699, %xor3A_1707 : vector<80x128xi32>
    %shift_left3A_1709 = arith.constant 15 : i32
    %shift_left3A_1710 = vector.broadcast %shift_left3A_1709 : i32 to vector<80x128xi32>
    %shift_left3A_1711 = arith.shli %xor3A_1707, %shift_left3A_1710 : vector<80x128xi32>
    %shift_right_logical3A_1712 = arith.constant 17 : i32
    %shift_right_logical3A_1713 = vector.broadcast %shift_right_logical3A_1712 : i32 to vector<80x128xi32>
    %shift_right_logical3A_1714 = arith.shrui %xor3A_1707, %shift_right_logical3A_1713 : vector<80x128xi32>
    %or3A_1715 = arith.ori %shift_left3A_1711, %shift_right_logical3A_1714 : vector<80x128xi32>
    %xor3A_1716 = arith.xori %add3A_1708, %or3A_1715 : vector<80x128xi32>
    %add3A_1717 = arith.addi %add3A_1708, %xor3A_1716 : vector<80x128xi32>
    %shift_left3A_1718 = arith.constant 26 : i32
    %shift_left3A_1719 = vector.broadcast %shift_left3A_1718 : i32 to vector<80x128xi32>
    %shift_left3A_1720 = arith.shli %xor3A_1716, %shift_left3A_1719 : vector<80x128xi32>
    %shift_right_logical3A_1721 = arith.constant 6 : i32
    %shift_right_logical3A_1722 = vector.broadcast %shift_right_logical3A_1721 : i32 to vector<80x128xi32>
    %shift_right_logical3A_1723 = arith.shrui %xor3A_1716, %shift_right_logical3A_1722 : vector<80x128xi32>
    %or3A_1724 = arith.ori %shift_left3A_1720, %shift_right_logical3A_1723 : vector<80x128xi32>
    %xor3A_1725 = arith.xori %add3A_1717, %or3A_1724 : vector<80x128xi32>
    %add3A_1726 = arith.addi %add3A_1717, %xor3A_1725 : vector<80x128xi32>
    %shift_left3A_1727 = arith.constant 6 : i32
    %shift_left3A_1728 = vector.broadcast %shift_left3A_1727 : i32 to vector<80x128xi32>
    %shift_left3A_1729 = arith.shli %xor3A_1725, %shift_left3A_1728 : vector<80x128xi32>
    %shift_right_logical3A_1730 = arith.constant 26 : i32
    %shift_right_logical3A_1731 = vector.broadcast %shift_right_logical3A_1730 : i32 to vector<80x128xi32>
    %shift_right_logical3A_1732 = arith.shrui %xor3A_1725, %shift_right_logical3A_1731 : vector<80x128xi32>
    %or3A_1733 = arith.ori %shift_left3A_1729, %shift_right_logical3A_1732 : vector<80x128xi32>
    %xor3A_1734 = arith.xori %add3A_1726, %or3A_1733 : vector<80x128xi32>
    %add3A_1735 = arith.constant 45 : i32
    %add3A_1736 = vector.broadcast %add3A_1735 : i32 to vector<80x128xi32>
    %add3A_1737 = arith.addi %xor3A_1734, %add3A_1736 : vector<80x128xi32>
    %add3A_1738 = arith.addi %add3A_1726, %add3A_1737 : vector<80x128xi32>
    %shift_left3A_1739 = arith.constant 17 : i32
    %shift_left3A_1740 = vector.broadcast %shift_left3A_1739 : i32 to vector<80x128xi32>
    %shift_left3A_1741 = arith.shli %add3A_1737, %shift_left3A_1740 : vector<80x128xi32>
    %shift_right_logical3A_1742 = arith.constant 15 : i32
    %shift_right_logical3A_1743 = vector.broadcast %shift_right_logical3A_1742 : i32 to vector<80x128xi32>
    %shift_right_logical3A_1744 = arith.shrui %add3A_1737, %shift_right_logical3A_1743 : vector<80x128xi32>
    %or3A_1745 = arith.ori %shift_left3A_1741, %shift_right_logical3A_1744 : vector<80x128xi32>
    %xor3A_1746 = arith.xori %add3A_1738, %or3A_1745 : vector<80x128xi32>
    %add3A_1747 = arith.addi %add3A_1738, %xor3A_1746 : vector<80x128xi32>
    %shift_left3A_1748 = arith.constant 29 : i32
    %shift_left3A_1749 = vector.broadcast %shift_left3A_1748 : i32 to vector<80x128xi32>
    %shift_left3A_1750 = arith.shli %xor3A_1746, %shift_left3A_1749 : vector<80x128xi32>
    %shift_right_logical3A_1751 = arith.constant 3 : i32
    %shift_right_logical3A_1752 = vector.broadcast %shift_right_logical3A_1751 : i32 to vector<80x128xi32>
    %shift_right_logical3A_1753 = arith.shrui %xor3A_1746, %shift_right_logical3A_1752 : vector<80x128xi32>
    %or3A_1754 = arith.ori %shift_left3A_1750, %shift_right_logical3A_1753 : vector<80x128xi32>
    %xor3A_1755 = arith.xori %add3A_1747, %or3A_1754 : vector<80x128xi32>
    %add3A_1756 = arith.addi %add3A_1747, %xor3A_1755 : vector<80x128xi32>
    %shift_left3A_1757 = arith.constant 16 : i32
    %shift_left3A_1758 = vector.broadcast %shift_left3A_1757 : i32 to vector<80x128xi32>
    %shift_left3A_1759 = arith.shli %xor3A_1755, %shift_left3A_1758 : vector<80x128xi32>
    %shift_right_logical3A_1760 = arith.constant 16 : i32
    %shift_right_logical3A_1761 = vector.broadcast %shift_right_logical3A_1760 : i32 to vector<80x128xi32>
    %shift_right_logical3A_1762 = arith.shrui %xor3A_1755, %shift_right_logical3A_1761 : vector<80x128xi32>
    %or3A_1763 = arith.ori %shift_left3A_1759, %shift_right_logical3A_1762 : vector<80x128xi32>
    %xor3A_1764 = arith.xori %add3A_1756, %or3A_1763 : vector<80x128xi32>
    %add3A_1765 = arith.addi %add3A_1756, %xor3A_1764 : vector<80x128xi32>
    %shift_left3A_1766 = arith.constant 24 : i32
    %shift_left3A_1767 = vector.broadcast %shift_left3A_1766 : i32 to vector<80x128xi32>
    %shift_left3A_1768 = arith.shli %xor3A_1764, %shift_left3A_1767 : vector<80x128xi32>
    %shift_right_logical3A_1769 = arith.constant 8 : i32
    %shift_right_logical3A_1770 = vector.broadcast %shift_right_logical3A_1769 : i32 to vector<80x128xi32>
    %shift_right_logical3A_1771 = arith.shrui %xor3A_1764, %shift_right_logical3A_1770 : vector<80x128xi32>
    %or3A_1772 = arith.ori %shift_left3A_1768, %shift_right_logical3A_1771 : vector<80x128xi32>
    %xor3A_1773 = arith.xori %add3A_1765, %or3A_1772 : vector<80x128xi32>
    %add3A_1774 = arith.constant 42 : i32
    %add3A_1775 = vector.broadcast %add3A_1774 : i32 to vector<80x128xi32>
    %add3A_1776 = arith.addi %add3A_1765, %add3A_1775 : vector<80x128xi32>
    %add3A_1777 = arith.constant 466689012 : i32
    %add3A_1778 = vector.broadcast %add3A_1777 : i32 to vector<80x128xi32>
    %add3A_1779 = arith.addi %xor3A_1773, %add3A_1778 : vector<80x128xi32>
    %add3A_1780 = arith.addi %add3A_1776, %add3A_1779 : vector<80x128xi32>
    %shift_left3A_1781 = arith.constant 13 : i32
    %shift_left3A_1782 = vector.broadcast %shift_left3A_1781 : i32 to vector<80x128xi32>
    %shift_left3A_1783 = arith.shli %add3A_1779, %shift_left3A_1782 : vector<80x128xi32>
    %shift_right_logical3A_1784 = arith.constant 19 : i32
    %shift_right_logical3A_1785 = vector.broadcast %shift_right_logical3A_1784 : i32 to vector<80x128xi32>
    %shift_right_logical3A_1786 = arith.shrui %add3A_1779, %shift_right_logical3A_1785 : vector<80x128xi32>
    %or3A_1787 = arith.ori %shift_left3A_1783, %shift_right_logical3A_1786 : vector<80x128xi32>
    %xor3A_1788 = arith.xori %add3A_1780, %or3A_1787 : vector<80x128xi32>
    %add3A_1789 = arith.addi %add3A_1780, %xor3A_1788 : vector<80x128xi32>
    %shift_left3A_1790 = arith.constant 15 : i32
    %shift_left3A_1791 = vector.broadcast %shift_left3A_1790 : i32 to vector<80x128xi32>
    %shift_left3A_1792 = arith.shli %xor3A_1788, %shift_left3A_1791 : vector<80x128xi32>
    %shift_right_logical3A_1793 = arith.constant 17 : i32
    %shift_right_logical3A_1794 = vector.broadcast %shift_right_logical3A_1793 : i32 to vector<80x128xi32>
    %shift_right_logical3A_1795 = arith.shrui %xor3A_1788, %shift_right_logical3A_1794 : vector<80x128xi32>
    %or3A_1796 = arith.ori %shift_left3A_1792, %shift_right_logical3A_1795 : vector<80x128xi32>
    %xor3A_1797 = arith.xori %add3A_1789, %or3A_1796 : vector<80x128xi32>
    %add3A_1798 = arith.addi %add3A_1789, %xor3A_1797 : vector<80x128xi32>
    %shift_left3A_1799 = arith.constant 26 : i32
    %shift_left3A_1800 = vector.broadcast %shift_left3A_1799 : i32 to vector<80x128xi32>
    %shift_left3A_1801 = arith.shli %xor3A_1797, %shift_left3A_1800 : vector<80x128xi32>
    %shift_right_logical3A_1802 = arith.constant 6 : i32
    %shift_right_logical3A_1803 = vector.broadcast %shift_right_logical3A_1802 : i32 to vector<80x128xi32>
    %shift_right_logical3A_1804 = arith.shrui %xor3A_1797, %shift_right_logical3A_1803 : vector<80x128xi32>
    %or3A_1805 = arith.ori %shift_left3A_1801, %shift_right_logical3A_1804 : vector<80x128xi32>
    %xor3A_1806 = arith.xori %add3A_1798, %or3A_1805 : vector<80x128xi32>
    %add3A_1807 = arith.addi %add3A_1798, %xor3A_1806 : vector<80x128xi32>
    %shift_left3A_1808 = arith.constant 6 : i32
    %shift_left3A_1809 = vector.broadcast %shift_left3A_1808 : i32 to vector<80x128xi32>
    %shift_left3A_1810 = arith.shli %xor3A_1806, %shift_left3A_1809 : vector<80x128xi32>
    %shift_right_logical3A_1811 = arith.constant 26 : i32
    %shift_right_logical3A_1812 = vector.broadcast %shift_right_logical3A_1811 : i32 to vector<80x128xi32>
    %shift_right_logical3A_1813 = arith.shrui %xor3A_1806, %shift_right_logical3A_1812 : vector<80x128xi32>
    %or3A_1814 = arith.ori %shift_left3A_1810, %shift_right_logical3A_1813 : vector<80x128xi32>
    %xor3A_1815 = arith.xori %add3A_1807, %or3A_1814 : vector<80x128xi32>
    %add3A_1816 = arith.constant 466689008 : i32
    %add3A_1817 = vector.broadcast %add3A_1816 : i32 to vector<80x128xi32>
    %add3A_1818 = arith.addi %add3A_1807, %add3A_1817 : vector<80x128xi32>
    %add3A_1819 = arith.constant 5 : i32
    %add3A_1820 = vector.broadcast %add3A_1819 : i32 to vector<80x128xi32>
    %add3A_1821 = arith.addi %xor3A_1815, %add3A_1820 : vector<80x128xi32>
    %xor3A_1822 = arith.xori %add3A_1818, %add3A_1821 : vector<80x128xi32>
    %shift_right_logical3A_1823 = arith.constant 9 : i32
    %shift_right_logical3A_1824 = vector.broadcast %shift_right_logical3A_1823 : i32 to vector<80x128xi32>
    %shift_right_logical3A_1825 = arith.shrui %xor3A_1822, %shift_right_logical3A_1824 : vector<80x128xi32>
    %ge3A_1826 = vector.broadcast %get3A_0 : i32 to vector<80x128xi32>
    %ge3A_1827 = arith.cmpi sge, %shift_right_logical3A_1825, %ge3A_1826 : vector<80x128xi32>
    %get3A_1828 = arith.constant 560 : index
    %get3A_1829 = arith.constant 0 : index
    %get3A_1830 = vector.load %arg3[%get3A_1828, %get3A_1829] : memref<2000x128xf32, #tpu.memory_space<vmem>>, vector<80x128xf32>
    %mul3A_1831 = vector.broadcast %get3A_2 : f32 to vector<80x128xf32>
    %mul3A_1832 = arith.mulf %get3A_1830, %mul3A_1831 : vector<80x128xf32>
    %jit3A_1833 = arith.constant 0.000000e+00 : f32
    %broadcast_in_dim3A_1834 = vector.broadcast %jit3A_1833 : f32 to vector<80x128xf32>
    %select_n3A_1835 = arith.select %ge3A_1827, %mul3A_1832, %broadcast_in_dim3A_1834 : vector<80x128xi1>, vector<80x128xf32>
    %swap3A_1836 = arith.constant 560 : index
    %swap3A_1837 = arith.constant 0 : index
    %swap3A_1838 = vector.load %arg4[%swap3A_1836, %swap3A_1837] : memref<2000x128xf32, #tpu.memory_space<vmem>>, vector<80x128xf32>
    tpu.vector_store %arg4[%swap3A_1836, %swap3A_1837], %select_n3A_1835 {strides = array<i32>} : memref<2000x128xf32, #tpu.memory_space<vmem>>, vector<80x128xf32>,
    %add3A_1839 = arith.constant 81920 : i32
    %add3A_1840 = arith.addi %mul3A_6, %add3A_1839 : i32
    %add3A_1841 = vector.broadcast %add3A_1840 : i32 to vector<80x128xi32>
    %add3A_1842 = arith.addi %add3A, %add3A_1841 : vector<80x128xi32>
    %add3A_1843 = arith.constant 42 : i32
    %add3A_1844 = vector.broadcast %add3A_1843 : i32 to vector<80x128xi32>
    %add3A_1845 = arith.addi %add3A_1842, %add3A_1844 : vector<80x128xi32>
    %shift_left3A_1846 = arith.constant 13 : i32
    %shift_left3A_1847 = vector.broadcast %shift_left3A_1846 : i32 to vector<80x128xi32>
    %shift_left3A_1848 = arith.shli %add3A_1845, %shift_left3A_1847 : vector<80x128xi32>
    %shift_right_logical3A_1849 = arith.constant 19 : i32
    %shift_right_logical3A_1850 = vector.broadcast %shift_right_logical3A_1849 : i32 to vector<80x128xi32>
    %shift_right_logical3A_1851 = arith.shrui %add3A_1845, %shift_right_logical3A_1850 : vector<80x128xi32>
    %or3A_1852 = arith.ori %shift_left3A_1848, %shift_right_logical3A_1851 : vector<80x128xi32>
    %xor3A_1853 = arith.xori %add3A_1845, %or3A_1852 : vector<80x128xi32>
    %add3A_1854 = arith.addi %add3A_1845, %xor3A_1853 : vector<80x128xi32>
    %shift_left3A_1855 = arith.constant 15 : i32
    %shift_left3A_1856 = vector.broadcast %shift_left3A_1855 : i32 to vector<80x128xi32>
    %shift_left3A_1857 = arith.shli %xor3A_1853, %shift_left3A_1856 : vector<80x128xi32>
    %shift_right_logical3A_1858 = arith.constant 17 : i32
    %shift_right_logical3A_1859 = vector.broadcast %shift_right_logical3A_1858 : i32 to vector<80x128xi32>
    %shift_right_logical3A_1860 = arith.shrui %xor3A_1853, %shift_right_logical3A_1859 : vector<80x128xi32>
    %or3A_1861 = arith.ori %shift_left3A_1857, %shift_right_logical3A_1860 : vector<80x128xi32>
    %xor3A_1862 = arith.xori %add3A_1854, %or3A_1861 : vector<80x128xi32>
    %add3A_1863 = arith.addi %add3A_1854, %xor3A_1862 : vector<80x128xi32>
    %shift_left3A_1864 = arith.constant 26 : i32
    %shift_left3A_1865 = vector.broadcast %shift_left3A_1864 : i32 to vector<80x128xi32>
    %shift_left3A_1866 = arith.shli %xor3A_1862, %shift_left3A_1865 : vector<80x128xi32>
    %shift_right_logical3A_1867 = arith.constant 6 : i32
    %shift_right_logical3A_1868 = vector.broadcast %shift_right_logical3A_1867 : i32 to vector<80x128xi32>
    %shift_right_logical3A_1869 = arith.shrui %xor3A_1862, %shift_right_logical3A_1868 : vector<80x128xi32>
    %or3A_1870 = arith.ori %shift_left3A_1866, %shift_right_logical3A_1869 : vector<80x128xi32>
    %xor3A_1871 = arith.xori %add3A_1863, %or3A_1870 : vector<80x128xi32>
    %add3A_1872 = arith.addi %add3A_1863, %xor3A_1871 : vector<80x128xi32>
    %shift_left3A_1873 = arith.constant 6 : i32
    %shift_left3A_1874 = vector.broadcast %shift_left3A_1873 : i32 to vector<80x128xi32>
    %shift_left3A_1875 = arith.shli %xor3A_1871, %shift_left3A_1874 : vector<80x128xi32>
    %shift_right_logical3A_1876 = arith.constant 26 : i32
    %shift_right_logical3A_1877 = vector.broadcast %shift_right_logical3A_1876 : i32 to vector<80x128xi32>
    %shift_right_logical3A_1878 = arith.shrui %xor3A_1871, %shift_right_logical3A_1877 : vector<80x128xi32>
    %or3A_1879 = arith.ori %shift_left3A_1875, %shift_right_logical3A_1878 : vector<80x128xi32>
    %xor3A_1880 = arith.xori %add3A_1872, %or3A_1879 : vector<80x128xi32>
    %add3A_1881 = arith.constant 42 : i32
    %add3A_1882 = vector.broadcast %add3A_1881 : i32 to vector<80x128xi32>
    %add3A_1883 = arith.addi %add3A_1872, %add3A_1882 : vector<80x128xi32>
    %add3A_1884 = arith.constant 466689009 : i32
    %add3A_1885 = vector.broadcast %add3A_1884 : i32 to vector<80x128xi32>
    %add3A_1886 = arith.addi %xor3A_1880, %add3A_1885 : vector<80x128xi32>
    %add3A_1887 = arith.addi %add3A_1883, %add3A_1886 : vector<80x128xi32>
    %shift_left3A_1888 = arith.constant 17 : i32
    %shift_left3A_1889 = vector.broadcast %shift_left3A_1888 : i32 to vector<80x128xi32>
    %shift_left3A_1890 = arith.shli %add3A_1886, %shift_left3A_1889 : vector<80x128xi32>
    %shift_right_logical3A_1891 = arith.constant 15 : i32
    %shift_right_logical3A_1892 = vector.broadcast %shift_right_logical3A_1891 : i32 to vector<80x128xi32>
    %shift_right_logical3A_1893 = arith.shrui %add3A_1886, %shift_right_logical3A_1892 : vector<80x128xi32>
    %or3A_1894 = arith.ori %shift_left3A_1890, %shift_right_logical3A_1893 : vector<80x128xi32>
    %xor3A_1895 = arith.xori %add3A_1887, %or3A_1894 : vector<80x128xi32>
    %add3A_1896 = arith.addi %add3A_1887, %xor3A_1895 : vector<80x128xi32>
    %shift_left3A_1897 = arith.constant 29 : i32
    %shift_left3A_1898 = vector.broadcast %shift_left3A_1897 : i32 to vector<80x128xi32>
    %shift_left3A_1899 = arith.shli %xor3A_1895, %shift_left3A_1898 : vector<80x128xi32>
    %shift_right_logical3A_1900 = arith.constant 3 : i32
    %shift_right_logical3A_1901 = vector.broadcast %shift_right_logical3A_1900 : i32 to vector<80x128xi32>
    %shift_right_logical3A_1902 = arith.shrui %xor3A_1895, %shift_right_logical3A_1901 : vector<80x128xi32>
    %or3A_1903 = arith.ori %shift_left3A_1899, %shift_right_logical3A_1902 : vector<80x128xi32>
    %xor3A_1904 = arith.xori %add3A_1896, %or3A_1903 : vector<80x128xi32>
    %add3A_1905 = arith.addi %add3A_1896, %xor3A_1904 : vector<80x128xi32>
    %shift_left3A_1906 = arith.constant 16 : i32
    %shift_left3A_1907 = vector.broadcast %shift_left3A_1906 : i32 to vector<80x128xi32>
    %shift_left3A_1908 = arith.shli %xor3A_1904, %shift_left3A_1907 : vector<80x128xi32>
    %shift_right_logical3A_1909 = arith.constant 16 : i32
    %shift_right_logical3A_1910 = vector.broadcast %shift_right_logical3A_1909 : i32 to vector<80x128xi32>
    %shift_right_logical3A_1911 = arith.shrui %xor3A_1904, %shift_right_logical3A_1910 : vector<80x128xi32>
    %or3A_1912 = arith.ori %shift_left3A_1908, %shift_right_logical3A_1911 : vector<80x128xi32>
    %xor3A_1913 = arith.xori %add3A_1905, %or3A_1912 : vector<80x128xi32>
    %add3A_1914 = arith.addi %add3A_1905, %xor3A_1913 : vector<80x128xi32>
    %shift_left3A_1915 = arith.constant 24 : i32
    %shift_left3A_1916 = vector.broadcast %shift_left3A_1915 : i32 to vector<80x128xi32>
    %shift_left3A_1917 = arith.shli %xor3A_1913, %shift_left3A_1916 : vector<80x128xi32>
    %shift_right_logical3A_1918 = arith.constant 8 : i32
    %shift_right_logical3A_1919 = vector.broadcast %shift_right_logical3A_1918 : i32 to vector<80x128xi32>
    %shift_right_logical3A_1920 = arith.shrui %xor3A_1913, %shift_right_logical3A_1919 : vector<80x128xi32>
    %or3A_1921 = arith.ori %shift_left3A_1917, %shift_right_logical3A_1920 : vector<80x128xi32>
    %xor3A_1922 = arith.xori %add3A_1914, %or3A_1921 : vector<80x128xi32>
    %add3A_1923 = arith.constant 466689008 : i32
    %add3A_1924 = vector.broadcast %add3A_1923 : i32 to vector<80x128xi32>
    %add3A_1925 = arith.addi %add3A_1914, %add3A_1924 : vector<80x128xi32>
    %add3A_1926 = arith.constant 2 : i32
    %add3A_1927 = vector.broadcast %add3A_1926 : i32 to vector<80x128xi32>
    %add3A_1928 = arith.addi %xor3A_1922, %add3A_1927 : vector<80x128xi32>
    %add3A_1929 = arith.addi %add3A_1925, %add3A_1928 : vector<80x128xi32>
    %shift_left3A_1930 = arith.constant 13 : i32
    %shift_left3A_1931 = vector.broadcast %shift_left3A_1930 : i32 to vector<80x128xi32>
    %shift_left3A_1932 = arith.shli %add3A_1928, %shift_left3A_1931 : vector<80x128xi32>
    %shift_right_logical3A_1933 = arith.constant 19 : i32
    %shift_right_logical3A_1934 = vector.broadcast %shift_right_logical3A_1933 : i32 to vector<80x128xi32>
    %shift_right_logical3A_1935 = arith.shrui %add3A_1928, %shift_right_logical3A_1934 : vector<80x128xi32>
    %or3A_1936 = arith.ori %shift_left3A_1932, %shift_right_logical3A_1935 : vector<80x128xi32>
    %xor3A_1937 = arith.xori %add3A_1929, %or3A_1936 : vector<80x128xi32>
    %add3A_1938 = arith.addi %add3A_1929, %xor3A_1937 : vector<80x128xi32>
    %shift_left3A_1939 = arith.constant 15 : i32
    %shift_left3A_1940 = vector.broadcast %shift_left3A_1939 : i32 to vector<80x128xi32>
    %shift_left3A_1941 = arith.shli %xor3A_1937, %shift_left3A_1940 : vector<80x128xi32>
    %shift_right_logical3A_1942 = arith.constant 17 : i32
    %shift_right_logical3A_1943 = vector.broadcast %shift_right_logical3A_1942 : i32 to vector<80x128xi32>
    %shift_right_logical3A_1944 = arith.shrui %xor3A_1937, %shift_right_logical3A_1943 : vector<80x128xi32>
    %or3A_1945 = arith.ori %shift_left3A_1941, %shift_right_logical3A_1944 : vector<80x128xi32>
    %xor3A_1946 = arith.xori %add3A_1938, %or3A_1945 : vector<80x128xi32>
    %add3A_1947 = arith.addi %add3A_1938, %xor3A_1946 : vector<80x128xi32>
    %shift_left3A_1948 = arith.constant 26 : i32
    %shift_left3A_1949 = vector.broadcast %shift_left3A_1948 : i32 to vector<80x128xi32>
    %shift_left3A_1950 = arith.shli %xor3A_1946, %shift_left3A_1949 : vector<80x128xi32>
    %shift_right_logical3A_1951 = arith.constant 6 : i32
    %shift_right_logical3A_1952 = vector.broadcast %shift_right_logical3A_1951 : i32 to vector<80x128xi32>
    %shift_right_logical3A_1953 = arith.shrui %xor3A_1946, %shift_right_logical3A_1952 : vector<80x128xi32>
    %or3A_1954 = arith.ori %shift_left3A_1950, %shift_right_logical3A_1953 : vector<80x128xi32>
    %xor3A_1955 = arith.xori %add3A_1947, %or3A_1954 : vector<80x128xi32>
    %add3A_1956 = arith.addi %add3A_1947, %xor3A_1955 : vector<80x128xi32>
    %shift_left3A_1957 = arith.constant 6 : i32
    %shift_left3A_1958 = vector.broadcast %shift_left3A_1957 : i32 to vector<80x128xi32>
    %shift_left3A_1959 = arith.shli %xor3A_1955, %shift_left3A_1958 : vector<80x128xi32>
    %shift_right_logical3A_1960 = arith.constant 26 : i32
    %shift_right_logical3A_1961 = vector.broadcast %shift_right_logical3A_1960 : i32 to vector<80x128xi32>
    %shift_right_logical3A_1962 = arith.shrui %xor3A_1955, %shift_right_logical3A_1961 : vector<80x128xi32>
    %or3A_1963 = arith.ori %shift_left3A_1959, %shift_right_logical3A_1962 : vector<80x128xi32>
    %xor3A_1964 = arith.xori %add3A_1956, %or3A_1963 : vector<80x128xi32>
    %add3A_1965 = arith.constant 45 : i32
    %add3A_1966 = vector.broadcast %add3A_1965 : i32 to vector<80x128xi32>
    %add3A_1967 = arith.addi %xor3A_1964, %add3A_1966 : vector<80x128xi32>
    %add3A_1968 = arith.addi %add3A_1956, %add3A_1967 : vector<80x128xi32>
    %shift_left3A_1969 = arith.constant 17 : i32
    %shift_left3A_1970 = vector.broadcast %shift_left3A_1969 : i32 to vector<80x128xi32>
    %shift_left3A_1971 = arith.shli %add3A_1967, %shift_left3A_1970 : vector<80x128xi32>
    %shift_right_logical3A_1972 = arith.constant 15 : i32
    %shift_right_logical3A_1973 = vector.broadcast %shift_right_logical3A_1972 : i32 to vector<80x128xi32>
    %shift_right_logical3A_1974 = arith.shrui %add3A_1967, %shift_right_logical3A_1973 : vector<80x128xi32>
    %or3A_1975 = arith.ori %shift_left3A_1971, %shift_right_logical3A_1974 : vector<80x128xi32>
    %xor3A_1976 = arith.xori %add3A_1968, %or3A_1975 : vector<80x128xi32>
    %add3A_1977 = arith.addi %add3A_1968, %xor3A_1976 : vector<80x128xi32>
    %shift_left3A_1978 = arith.constant 29 : i32
    %shift_left3A_1979 = vector.broadcast %shift_left3A_1978 : i32 to vector<80x128xi32>
    %shift_left3A_1980 = arith.shli %xor3A_1976, %shift_left3A_1979 : vector<80x128xi32>
    %shift_right_logical3A_1981 = arith.constant 3 : i32
    %shift_right_logical3A_1982 = vector.broadcast %shift_right_logical3A_1981 : i32 to vector<80x128xi32>
    %shift_right_logical3A_1983 = arith.shrui %xor3A_1976, %shift_right_logical3A_1982 : vector<80x128xi32>
    %or3A_1984 = arith.ori %shift_left3A_1980, %shift_right_logical3A_1983 : vector<80x128xi32>
    %xor3A_1985 = arith.xori %add3A_1977, %or3A_1984 : vector<80x128xi32>
    %add3A_1986 = arith.addi %add3A_1977, %xor3A_1985 : vector<80x128xi32>
    %shift_left3A_1987 = arith.constant 16 : i32
    %shift_left3A_1988 = vector.broadcast %shift_left3A_1987 : i32 to vector<80x128xi32>
    %shift_left3A_1989 = arith.shli %xor3A_1985, %shift_left3A_1988 : vector<80x128xi32>
    %shift_right_logical3A_1990 = arith.constant 16 : i32
    %shift_right_logical3A_1991 = vector.broadcast %shift_right_logical3A_1990 : i32 to vector<80x128xi32>
    %shift_right_logical3A_1992 = arith.shrui %xor3A_1985, %shift_right_logical3A_1991 : vector<80x128xi32>
    %or3A_1993 = arith.ori %shift_left3A_1989, %shift_right_logical3A_1992 : vector<80x128xi32>
    %xor3A_1994 = arith.xori %add3A_1986, %or3A_1993 : vector<80x128xi32>
    %add3A_1995 = arith.addi %add3A_1986, %xor3A_1994 : vector<80x128xi32>
    %shift_left3A_1996 = arith.constant 24 : i32
    %shift_left3A_1997 = vector.broadcast %shift_left3A_1996 : i32 to vector<80x128xi32>
    %shift_left3A_1998 = arith.shli %xor3A_1994, %shift_left3A_1997 : vector<80x128xi32>
    %shift_right_logical3A_1999 = arith.constant 8 : i32
    %shift_right_logical3A_2000 = vector.broadcast %shift_right_logical3A_1999 : i32 to vector<80x128xi32>
    %shift_right_logical3A_2001 = arith.shrui %xor3A_1994, %shift_right_logical3A_2000 : vector<80x128xi32>
    %or3A_2002 = arith.ori %shift_left3A_1998, %shift_right_logical3A_2001 : vector<80x128xi32>
    %xor3A_2003 = arith.xori %add3A_1995, %or3A_2002 : vector<80x128xi32>
    %add3A_2004 = arith.constant 42 : i32
    %add3A_2005 = vector.broadcast %add3A_2004 : i32 to vector<80x128xi32>
    %add3A_2006 = arith.addi %add3A_1995, %add3A_2005 : vector<80x128xi32>
    %add3A_2007 = arith.constant 466689012 : i32
    %add3A_2008 = vector.broadcast %add3A_2007 : i32 to vector<80x128xi32>
    %add3A_2009 = arith.addi %xor3A_2003, %add3A_2008 : vector<80x128xi32>
    %add3A_2010 = arith.addi %add3A_2006, %add3A_2009 : vector<80x128xi32>
    %shift_left3A_2011 = arith.constant 13 : i32
    %shift_left3A_2012 = vector.broadcast %shift_left3A_2011 : i32 to vector<80x128xi32>
    %shift_left3A_2013 = arith.shli %add3A_2009, %shift_left3A_2012 : vector<80x128xi32>
    %shift_right_logical3A_2014 = arith.constant 19 : i32
    %shift_right_logical3A_2015 = vector.broadcast %shift_right_logical3A_2014 : i32 to vector<80x128xi32>
    %shift_right_logical3A_2016 = arith.shrui %add3A_2009, %shift_right_logical3A_2015 : vector<80x128xi32>
    %or3A_2017 = arith.ori %shift_left3A_2013, %shift_right_logical3A_2016 : vector<80x128xi32>
    %xor3A_2018 = arith.xori %add3A_2010, %or3A_2017 : vector<80x128xi32>
    %add3A_2019 = arith.addi %add3A_2010, %xor3A_2018 : vector<80x128xi32>
    %shift_left3A_2020 = arith.constant 15 : i32
    %shift_left3A_2021 = vector.broadcast %shift_left3A_2020 : i32 to vector<80x128xi32>
    %shift_left3A_2022 = arith.shli %xor3A_2018, %shift_left3A_2021 : vector<80x128xi32>
    %shift_right_logical3A_2023 = arith.constant 17 : i32
    %shift_right_logical3A_2024 = vector.broadcast %shift_right_logical3A_2023 : i32 to vector<80x128xi32>
    %shift_right_logical3A_2025 = arith.shrui %xor3A_2018, %shift_right_logical3A_2024 : vector<80x128xi32>
    %or3A_2026 = arith.ori %shift_left3A_2022, %shift_right_logical3A_2025 : vector<80x128xi32>
    %xor3A_2027 = arith.xori %add3A_2019, %or3A_2026 : vector<80x128xi32>
    %add3A_2028 = arith.addi %add3A_2019, %xor3A_2027 : vector<80x128xi32>
    %shift_left3A_2029 = arith.constant 26 : i32
    %shift_left3A_2030 = vector.broadcast %shift_left3A_2029 : i32 to vector<80x128xi32>
    %shift_left3A_2031 = arith.shli %xor3A_2027, %shift_left3A_2030 : vector<80x128xi32>
    %shift_right_logical3A_2032 = arith.constant 6 : i32
    %shift_right_logical3A_2033 = vector.broadcast %shift_right_logical3A_2032 : i32 to vector<80x128xi32>
    %shift_right_logical3A_2034 = arith.shrui %xor3A_2027, %shift_right_logical3A_2033 : vector<80x128xi32>
    %or3A_2035 = arith.ori %shift_left3A_2031, %shift_right_logical3A_2034 : vector<80x128xi32>
    %xor3A_2036 = arith.xori %add3A_2028, %or3A_2035 : vector<80x128xi32>
    %add3A_2037 = arith.addi %add3A_2028, %xor3A_2036 : vector<80x128xi32>
    %shift_left3A_2038 = arith.constant 6 : i32
    %shift_left3A_2039 = vector.broadcast %shift_left3A_2038 : i32 to vector<80x128xi32>
    %shift_left3A_2040 = arith.shli %xor3A_2036, %shift_left3A_2039 : vector<80x128xi32>
    %shift_right_logical3A_2041 = arith.constant 26 : i32
    %shift_right_logical3A_2042 = vector.broadcast %shift_right_logical3A_2041 : i32 to vector<80x128xi32>
    %shift_right_logical3A_2043 = arith.shrui %xor3A_2036, %shift_right_logical3A_2042 : vector<80x128xi32>
    %or3A_2044 = arith.ori %shift_left3A_2040, %shift_right_logical3A_2043 : vector<80x128xi32>
    %xor3A_2045 = arith.xori %add3A_2037, %or3A_2044 : vector<80x128xi32>
    %add3A_2046 = arith.constant 466689008 : i32
    %add3A_2047 = vector.broadcast %add3A_2046 : i32 to vector<80x128xi32>
    %add3A_2048 = arith.addi %add3A_2037, %add3A_2047 : vector<80x128xi32>
    %add3A_2049 = arith.constant 5 : i32
    %add3A_2050 = vector.broadcast %add3A_2049 : i32 to vector<80x128xi32>
    %add3A_2051 = arith.addi %xor3A_2045, %add3A_2050 : vector<80x128xi32>
    %xor3A_2052 = arith.xori %add3A_2048, %add3A_2051 : vector<80x128xi32>
    %shift_right_logical3A_2053 = arith.constant 9 : i32
    %shift_right_logical3A_2054 = vector.broadcast %shift_right_logical3A_2053 : i32 to vector<80x128xi32>
    %shift_right_logical3A_2055 = arith.shrui %xor3A_2052, %shift_right_logical3A_2054 : vector<80x128xi32>
    %ge3A_2056 = vector.broadcast %get3A_0 : i32 to vector<80x128xi32>
    %ge3A_2057 = arith.cmpi sge, %shift_right_logical3A_2055, %ge3A_2056 : vector<80x128xi32>
    %get3A_2058 = arith.constant 640 : index
    %get3A_2059 = arith.constant 0 : index
    %get3A_2060 = vector.load %arg3[%get3A_2058, %get3A_2059] : memref<2000x128xf32, #tpu.memory_space<vmem>>, vector<80x128xf32>
    %mul3A_2061 = vector.broadcast %get3A_2 : f32 to vector<80x128xf32>
    %mul3A_2062 = arith.mulf %get3A_2060, %mul3A_2061 : vector<80x128xf32>
    %jit3A_2063 = arith.constant 0.000000e+00 : f32
    %broadcast_in_dim3A_2064 = vector.broadcast %jit3A_2063 : f32 to vector<80x128xf32>
    %select_n3A_2065 = arith.select %ge3A_2057, %mul3A_2062, %broadcast_in_dim3A_2064 : vector<80x128xi1>, vector<80x128xf32>
    %swap3A_2066 = arith.constant 640 : index
    %swap3A_2067 = arith.constant 0 : index
    %swap3A_2068 = vector.load %arg4[%swap3A_2066, %swap3A_2067] : memref<2000x128xf32, #tpu.memory_space<vmem>>, vector<80x128xf32>
    tpu.vector_store %arg4[%swap3A_2066, %swap3A_2067], %select_n3A_2065 {strides = array<i32>} : memref<2000x128xf32, #tpu.memory_space<vmem>>, vector<80x128xf32>,
    %add3A_2069 = arith.constant 92160 : i32
    %add3A_2070 = arith.addi %mul3A_6, %add3A_2069 : i32
    %add3A_2071 = vector.broadcast %add3A_2070 : i32 to vector<80x128xi32>
    %add3A_2072 = arith.addi %add3A, %add3A_2071 : vector<80x128xi32>
    %add3A_2073 = arith.constant 42 : i32
    %add3A_2074 = vector.broadcast %add3A_2073 : i32 to vector<80x128xi32>
    %add3A_2075 = arith.addi %add3A_2072, %add3A_2074 : vector<80x128xi32>
    %shift_left3A_2076 = arith.constant 13 : i32
    %shift_left3A_2077 = vector.broadcast %shift_left3A_2076 : i32 to vector<80x128xi32>
    %shift_left3A_2078 = arith.shli %add3A_2075, %shift_left3A_2077 : vector<80x128xi32>
    %shift_right_logical3A_2079 = arith.constant 19 : i32
    %shift_right_logical3A_2080 = vector.broadcast %shift_right_logical3A_2079 : i32 to vector<80x128xi32>
    %shift_right_logical3A_2081 = arith.shrui %add3A_2075, %shift_right_logical3A_2080 : vector<80x128xi32>
    %or3A_2082 = arith.ori %shift_left3A_2078, %shift_right_logical3A_2081 : vector<80x128xi32>
    %xor3A_2083 = arith.xori %add3A_2075, %or3A_2082 : vector<80x128xi32>
    %add3A_2084 = arith.addi %add3A_2075, %xor3A_2083 : vector<80x128xi32>
    %shift_left3A_2085 = arith.constant 15 : i32
    %shift_left3A_2086 = vector.broadcast %shift_left3A_2085 : i32 to vector<80x128xi32>
    %shift_left3A_2087 = arith.shli %xor3A_2083, %shift_left3A_2086 : vector<80x128xi32>
    %shift_right_logical3A_2088 = arith.constant 17 : i32
    %shift_right_logical3A_2089 = vector.broadcast %shift_right_logical3A_2088 : i32 to vector<80x128xi32>
    %shift_right_logical3A_2090 = arith.shrui %xor3A_2083, %shift_right_logical3A_2089 : vector<80x128xi32>
    %or3A_2091 = arith.ori %shift_left3A_2087, %shift_right_logical3A_2090 : vector<80x128xi32>
    %xor3A_2092 = arith.xori %add3A_2084, %or3A_2091 : vector<80x128xi32>
    %add3A_2093 = arith.addi %add3A_2084, %xor3A_2092 : vector<80x128xi32>
    %shift_left3A_2094 = arith.constant 26 : i32
    %shift_left3A_2095 = vector.broadcast %shift_left3A_2094 : i32 to vector<80x128xi32>
    %shift_left3A_2096 = arith.shli %xor3A_2092, %shift_left3A_2095 : vector<80x128xi32>
    %shift_right_logical3A_2097 = arith.constant 6 : i32
    %shift_right_logical3A_2098 = vector.broadcast %shift_right_logical3A_2097 : i32 to vector<80x128xi32>
    %shift_right_logical3A_2099 = arith.shrui %xor3A_2092, %shift_right_logical3A_2098 : vector<80x128xi32>
    %or3A_2100 = arith.ori %shift_left3A_2096, %shift_right_logical3A_2099 : vector<80x128xi32>
    %xor3A_2101 = arith.xori %add3A_2093, %or3A_2100 : vector<80x128xi32>
    %add3A_2102 = arith.addi %add3A_2093, %xor3A_2101 : vector<80x128xi32>
    %shift_left3A_2103 = arith.constant 6 : i32
    %shift_left3A_2104 = vector.broadcast %shift_left3A_2103 : i32 to vector<80x128xi32>
    %shift_left3A_2105 = arith.shli %xor3A_2101, %shift_left3A_2104 : vector<80x128xi32>
    %shift_right_logical3A_2106 = arith.constant 26 : i32
    %shift_right_logical3A_2107 = vector.broadcast %shift_right_logical3A_2106 : i32 to vector<80x128xi32>
    %shift_right_logical3A_2108 = arith.shrui %xor3A_2101, %shift_right_logical3A_2107 : vector<80x128xi32>
    %or3A_2109 = arith.ori %shift_left3A_2105, %shift_right_logical3A_2108 : vector<80x128xi32>
    %xor3A_2110 = arith.xori %add3A_2102, %or3A_2109 : vector<80x128xi32>
    %add3A_2111 = arith.constant 42 : i32
    %add3A_2112 = vector.broadcast %add3A_2111 : i32 to vector<80x128xi32>
    %add3A_2113 = arith.addi %add3A_2102, %add3A_2112 : vector<80x128xi32>
    %add3A_2114 = arith.constant 466689009 : i32
    %add3A_2115 = vector.broadcast %add3A_2114 : i32 to vector<80x128xi32>
    %add3A_2116 = arith.addi %xor3A_2110, %add3A_2115 : vector<80x128xi32>
    %add3A_2117 = arith.addi %add3A_2113, %add3A_2116 : vector<80x128xi32>
    %shift_left3A_2118 = arith.constant 17 : i32
    %shift_left3A_2119 = vector.broadcast %shift_left3A_2118 : i32 to vector<80x128xi32>
    %shift_left3A_2120 = arith.shli %add3A_2116, %shift_left3A_2119 : vector<80x128xi32>
    %shift_right_logical3A_2121 = arith.constant 15 : i32
    %shift_right_logical3A_2122 = vector.broadcast %shift_right_logical3A_2121 : i32 to vector<80x128xi32>
    %shift_right_logical3A_2123 = arith.shrui %add3A_2116, %shift_right_logical3A_2122 : vector<80x128xi32>
    %or3A_2124 = arith.ori %shift_left3A_2120, %shift_right_logical3A_2123 : vector<80x128xi32>
    %xor3A_2125 = arith.xori %add3A_2117, %or3A_2124 : vector<80x128xi32>
    %add3A_2126 = arith.addi %add3A_2117, %xor3A_2125 : vector<80x128xi32>
    %shift_left3A_2127 = arith.constant 29 : i32
    %shift_left3A_2128 = vector.broadcast %shift_left3A_2127 : i32 to vector<80x128xi32>
    %shift_left3A_2129 = arith.shli %xor3A_2125, %shift_left3A_2128 : vector<80x128xi32>
    %shift_right_logical3A_2130 = arith.constant 3 : i32
    %shift_right_logical3A_2131 = vector.broadcast %shift_right_logical3A_2130 : i32 to vector<80x128xi32>
    %shift_right_logical3A_2132 = arith.shrui %xor3A_2125, %shift_right_logical3A_2131 : vector<80x128xi32>
    %or3A_2133 = arith.ori %shift_left3A_2129, %shift_right_logical3A_2132 : vector<80x128xi32>
    %xor3A_2134 = arith.xori %add3A_2126, %or3A_2133 : vector<80x128xi32>
    %add3A_2135 = arith.addi %add3A_2126, %xor3A_2134 : vector<80x128xi32>
    %shift_left3A_2136 = arith.constant 16 : i32
    %shift_left3A_2137 = vector.broadcast %shift_left3A_2136 : i32 to vector<80x128xi32>
    %shift_left3A_2138 = arith.shli %xor3A_2134, %shift_left3A_2137 : vector<80x128xi32>
    %shift_right_logical3A_2139 = arith.constant 16 : i32
    %shift_right_logical3A_2140 = vector.broadcast %shift_right_logical3A_2139 : i32 to vector<80x128xi32>
    %shift_right_logical3A_2141 = arith.shrui %xor3A_2134, %shift_right_logical3A_2140 : vector<80x128xi32>
    %or3A_2142 = arith.ori %shift_left3A_2138, %shift_right_logical3A_2141 : vector<80x128xi32>
    %xor3A_2143 = arith.xori %add3A_2135, %or3A_2142 : vector<80x128xi32>
    %add3A_2144 = arith.addi %add3A_2135, %xor3A_2143 : vector<80x128xi32>
    %shift_left3A_2145 = arith.constant 24 : i32
    %shift_left3A_2146 = vector.broadcast %shift_left3A_2145 : i32 to vector<80x128xi32>
    %shift_left3A_2147 = arith.shli %xor3A_2143, %shift_left3A_2146 : vector<80x128xi32>
    %shift_right_logical3A_2148 = arith.constant 8 : i32
    %shift_right_logical3A_2149 = vector.broadcast %shift_right_logical3A_2148 : i32 to vector<80x128xi32>
    %shift_right_logical3A_2150 = arith.shrui %xor3A_2143, %shift_right_logical3A_2149 : vector<80x128xi32>
    %or3A_2151 = arith.ori %shift_left3A_2147, %shift_right_logical3A_2150 : vector<80x128xi32>
    %xor3A_2152 = arith.xori %add3A_2144, %or3A_2151 : vector<80x128xi32>
    %add3A_2153 = arith.constant 466689008 : i32
    %add3A_2154 = vector.broadcast %add3A_2153 : i32 to vector<80x128xi32>
    %add3A_2155 = arith.addi %add3A_2144, %add3A_2154 : vector<80x128xi32>
    %add3A_2156 = arith.constant 2 : i32
    %add3A_2157 = vector.broadcast %add3A_2156 : i32 to vector<80x128xi32>
    %add3A_2158 = arith.addi %xor3A_2152, %add3A_2157 : vector<80x128xi32>
    %add3A_2159 = arith.addi %add3A_2155, %add3A_2158 : vector<80x128xi32>
    %shift_left3A_2160 = arith.constant 13 : i32
    %shift_left3A_2161 = vector.broadcast %shift_left3A_2160 : i32 to vector<80x128xi32>
    %shift_left3A_2162 = arith.shli %add3A_2158, %shift_left3A_2161 : vector<80x128xi32>
    %shift_right_logical3A_2163 = arith.constant 19 : i32
    %shift_right_logical3A_2164 = vector.broadcast %shift_right_logical3A_2163 : i32 to vector<80x128xi32>
    %shift_right_logical3A_2165 = arith.shrui %add3A_2158, %shift_right_logical3A_2164 : vector<80x128xi32>
    %or3A_2166 = arith.ori %shift_left3A_2162, %shift_right_logical3A_2165 : vector<80x128xi32>
    %xor3A_2167 = arith.xori %add3A_2159, %or3A_2166 : vector<80x128xi32>
    %add3A_2168 = arith.addi %add3A_2159, %xor3A_2167 : vector<80x128xi32>
    %shift_left3A_2169 = arith.constant 15 : i32
    %shift_left3A_2170 = vector.broadcast %shift_left3A_2169 : i32 to vector<80x128xi32>
    %shift_left3A_2171 = arith.shli %xor3A_2167, %shift_left3A_2170 : vector<80x128xi32>
    %shift_right_logical3A_2172 = arith.constant 17 : i32
    %shift_right_logical3A_2173 = vector.broadcast %shift_right_logical3A_2172 : i32 to vector<80x128xi32>
    %shift_right_logical3A_2174 = arith.shrui %xor3A_2167, %shift_right_logical3A_2173 : vector<80x128xi32>
    %or3A_2175 = arith.ori %shift_left3A_2171, %shift_right_logical3A_2174 : vector<80x128xi32>
    %xor3A_2176 = arith.xori %add3A_2168, %or3A_2175 : vector<80x128xi32>
    %add3A_2177 = arith.addi %add3A_2168, %xor3A_2176 : vector<80x128xi32>
    %shift_left3A_2178 = arith.constant 26 : i32
    %shift_left3A_2179 = vector.broadcast %shift_left3A_2178 : i32 to vector<80x128xi32>
    %shift_left3A_2180 = arith.shli %xor3A_2176, %shift_left3A_2179 : vector<80x128xi32>
    %shift_right_logical3A_2181 = arith.constant 6 : i32
    %shift_right_logical3A_2182 = vector.broadcast %shift_right_logical3A_2181 : i32 to vector<80x128xi32>
    %shift_right_logical3A_2183 = arith.shrui %xor3A_2176, %shift_right_logical3A_2182 : vector<80x128xi32>
    %or3A_2184 = arith.ori %shift_left3A_2180, %shift_right_logical3A_2183 : vector<80x128xi32>
    %xor3A_2185 = arith.xori %add3A_2177, %or3A_2184 : vector<80x128xi32>
    %add3A_2186 = arith.addi %add3A_2177, %xor3A_2185 : vector<80x128xi32>
    %shift_left3A_2187 = arith.constant 6 : i32
    %shift_left3A_2188 = vector.broadcast %shift_left3A_2187 : i32 to vector<80x128xi32>
    %shift_left3A_2189 = arith.shli %xor3A_2185, %shift_left3A_2188 : vector<80x128xi32>
    %shift_right_logical3A_2190 = arith.constant 26 : i32
    %shift_right_logical3A_2191 = vector.broadcast %shift_right_logical3A_2190 : i32 to vector<80x128xi32>
    %shift_right_logical3A_2192 = arith.shrui %xor3A_2185, %shift_right_logical3A_2191 : vector<80x128xi32>
    %or3A_2193 = arith.ori %shift_left3A_2189, %shift_right_logical3A_2192 : vector<80x128xi32>
    %xor3A_2194 = arith.xori %add3A_2186, %or3A_2193 : vector<80x128xi32>
    %add3A_2195 = arith.constant 45 : i32
    %add3A_2196 = vector.broadcast %add3A_2195 : i32 to vector<80x128xi32>
    %add3A_2197 = arith.addi %xor3A_2194, %add3A_2196 : vector<80x128xi32>
    %add3A_2198 = arith.addi %add3A_2186, %add3A_2197 : vector<80x128xi32>
    %shift_left3A_2199 = arith.constant 17 : i32
    %shift_left3A_2200 = vector.broadcast %shift_left3A_2199 : i32 to vector<80x128xi32>
    %shift_left3A_2201 = arith.shli %add3A_2197, %shift_left3A_2200 : vector<80x128xi32>
    %shift_right_logical3A_2202 = arith.constant 15 : i32
    %shift_right_logical3A_2203 = vector.broadcast %shift_right_logical3A_2202 : i32 to vector<80x128xi32>
    %shift_right_logical3A_2204 = arith.shrui %add3A_2197, %shift_right_logical3A_2203 : vector<80x128xi32>
    %or3A_2205 = arith.ori %shift_left3A_2201, %shift_right_logical3A_2204 : vector<80x128xi32>
    %xor3A_2206 = arith.xori %add3A_2198, %or3A_2205 : vector<80x128xi32>
    %add3A_2207 = arith.addi %add3A_2198, %xor3A_2206 : vector<80x128xi32>
    %shift_left3A_2208 = arith.constant 29 : i32
    %shift_left3A_2209 = vector.broadcast %shift_left3A_2208 : i32 to vector<80x128xi32>
    %shift_left3A_2210 = arith.shli %xor3A_2206, %shift_left3A_2209 : vector<80x128xi32>
    %shift_right_logical3A_2211 = arith.constant 3 : i32
    %shift_right_logical3A_2212 = vector.broadcast %shift_right_logical3A_2211 : i32 to vector<80x128xi32>
    %shift_right_logical3A_2213 = arith.shrui %xor3A_2206, %shift_right_logical3A_2212 : vector<80x128xi32>
    %or3A_2214 = arith.ori %shift_left3A_2210, %shift_right_logical3A_2213 : vector<80x128xi32>
    %xor3A_2215 = arith.xori %add3A_2207, %or3A_2214 : vector<80x128xi32>
    %add3A_2216 = arith.addi %add3A_2207, %xor3A_2215 : vector<80x128xi32>
    %shift_left3A_2217 = arith.constant 16 : i32
    %shift_left3A_2218 = vector.broadcast %shift_left3A_2217 : i32 to vector<80x128xi32>
    %shift_left3A_2219 = arith.shli %xor3A_2215, %shift_left3A_2218 : vector<80x128xi32>
    %shift_right_logical3A_2220 = arith.constant 16 : i32
    %shift_right_logical3A_2221 = vector.broadcast %shift_right_logical3A_2220 : i32 to vector<80x128xi32>
    %shift_right_logical3A_2222 = arith.shrui %xor3A_2215, %shift_right_logical3A_2221 : vector<80x128xi32>
    %or3A_2223 = arith.ori %shift_left3A_2219, %shift_right_logical3A_2222 : vector<80x128xi32>
    %xor3A_2224 = arith.xori %add3A_2216, %or3A_2223 : vector<80x128xi32>
    %add3A_2225 = arith.addi %add3A_2216, %xor3A_2224 : vector<80x128xi32>
    %shift_left3A_2226 = arith.constant 24 : i32
    %shift_left3A_2227 = vector.broadcast %shift_left3A_2226 : i32 to vector<80x128xi32>
    %shift_left3A_2228 = arith.shli %xor3A_2224, %shift_left3A_2227 : vector<80x128xi32>
    %shift_right_logical3A_2229 = arith.constant 8 : i32
    %shift_right_logical3A_2230 = vector.broadcast %shift_right_logical3A_2229 : i32 to vector<80x128xi32>
    %shift_right_logical3A_2231 = arith.shrui %xor3A_2224, %shift_right_logical3A_2230 : vector<80x128xi32>
    %or3A_2232 = arith.ori %shift_left3A_2228, %shift_right_logical3A_2231 : vector<80x128xi32>
    %xor3A_2233 = arith.xori %add3A_2225, %or3A_2232 : vector<80x128xi32>
    %add3A_2234 = arith.constant 42 : i32
    %add3A_2235 = vector.broadcast %add3A_2234 : i32 to vector<80x128xi32>
    %add3A_2236 = arith.addi %add3A_2225, %add3A_2235 : vector<80x128xi32>
    %add3A_2237 = arith.constant 466689012 : i32
    %add3A_2238 = vector.broadcast %add3A_2237 : i32 to vector<80x128xi32>
    %add3A_2239 = arith.addi %xor3A_2233, %add3A_2238 : vector<80x128xi32>
    %add3A_2240 = arith.addi %add3A_2236, %add3A_2239 : vector<80x128xi32>
    %shift_left3A_2241 = arith.constant 13 : i32
    %shift_left3A_2242 = vector.broadcast %shift_left3A_2241 : i32 to vector<80x128xi32>
    %shift_left3A_2243 = arith.shli %add3A_2239, %shift_left3A_2242 : vector<80x128xi32>
    %shift_right_logical3A_2244 = arith.constant 19 : i32
    %shift_right_logical3A_2245 = vector.broadcast %shift_right_logical3A_2244 : i32 to vector<80x128xi32>
    %shift_right_logical3A_2246 = arith.shrui %add3A_2239, %shift_right_logical3A_2245 : vector<80x128xi32>
    %or3A_2247 = arith.ori %shift_left3A_2243, %shift_right_logical3A_2246 : vector<80x128xi32>
    %xor3A_2248 = arith.xori %add3A_2240, %or3A_2247 : vector<80x128xi32>
    %add3A_2249 = arith.addi %add3A_2240, %xor3A_2248 : vector<80x128xi32>
    %shift_left3A_2250 = arith.constant 15 : i32
    %shift_left3A_2251 = vector.broadcast %shift_left3A_2250 : i32 to vector<80x128xi32>
    %shift_left3A_2252 = arith.shli %xor3A_2248, %shift_left3A_2251 : vector<80x128xi32>
    %shift_right_logical3A_2253 = arith.constant 17 : i32
    %shift_right_logical3A_2254 = vector.broadcast %shift_right_logical3A_2253 : i32 to vector<80x128xi32>
    %shift_right_logical3A_2255 = arith.shrui %xor3A_2248, %shift_right_logical3A_2254 : vector<80x128xi32>
    %or3A_2256 = arith.ori %shift_left3A_2252, %shift_right_logical3A_2255 : vector<80x128xi32>
    %xor3A_2257 = arith.xori %add3A_2249, %or3A_2256 : vector<80x128xi32>
    %add3A_2258 = arith.addi %add3A_2249, %xor3A_2257 : vector<80x128xi32>
    %shift_left3A_2259 = arith.constant 26 : i32
    %shift_left3A_2260 = vector.broadcast %shift_left3A_2259 : i32 to vector<80x128xi32>
    %shift_left3A_2261 = arith.shli %xor3A_2257, %shift_left3A_2260 : vector<80x128xi32>
    %shift_right_logical3A_2262 = arith.constant 6 : i32
    %shift_right_logical3A_2263 = vector.broadcast %shift_right_logical3A_2262 : i32 to vector<80x128xi32>
    %shift_right_logical3A_2264 = arith.shrui %xor3A_2257, %shift_right_logical3A_2263 : vector<80x128xi32>
    %or3A_2265 = arith.ori %shift_left3A_2261, %shift_right_logical3A_2264 : vector<80x128xi32>
    %xor3A_2266 = arith.xori %add3A_2258, %or3A_2265 : vector<80x128xi32>
    %add3A_2267 = arith.addi %add3A_2258, %xor3A_2266 : vector<80x128xi32>
    %shift_left3A_2268 = arith.constant 6 : i32
    %shift_left3A_2269 = vector.broadcast %shift_left3A_2268 : i32 to vector<80x128xi32>
    %shift_left3A_2270 = arith.shli %xor3A_2266, %shift_left3A_2269 : vector<80x128xi32>
    %shift_right_logical3A_2271 = arith.constant 26 : i32
    %shift_right_logical3A_2272 = vector.broadcast %shift_right_logical3A_2271 : i32 to vector<80x128xi32>
    %shift_right_logical3A_2273 = arith.shrui %xor3A_2266, %shift_right_logical3A_2272 : vector<80x128xi32>
    %or3A_2274 = arith.ori %shift_left3A_2270, %shift_right_logical3A_2273 : vector<80x128xi32>
    %xor3A_2275 = arith.xori %add3A_2267, %or3A_2274 : vector<80x128xi32>
    %add3A_2276 = arith.constant 466689008 : i32
    %add3A_2277 = vector.broadcast %add3A_2276 : i32 to vector<80x128xi32>
    %add3A_2278 = arith.addi %add3A_2267, %add3A_2277 : vector<80x128xi32>
    %add3A_2279 = arith.constant 5 : i32
    %add3A_2280 = vector.broadcast %add3A_2279 : i32 to vector<80x128xi32>
    %add3A_2281 = arith.addi %xor3A_2275, %add3A_2280 : vector<80x128xi32>
    %xor3A_2282 = arith.xori %add3A_2278, %add3A_2281 : vector<80x128xi32>
    %shift_right_logical3A_2283 = arith.constant 9 : i32
    %shift_right_logical3A_2284 = vector.broadcast %shift_right_logical3A_2283 : i32 to vector<80x128xi32>
    %shift_right_logical3A_2285 = arith.shrui %xor3A_2282, %shift_right_logical3A_2284 : vector<80x128xi32>
    %ge3A_2286 = vector.broadcast %get3A_0 : i32 to vector<80x128xi32>
    %ge3A_2287 = arith.cmpi sge, %shift_right_logical3A_2285, %ge3A_2286 : vector<80x128xi32>
    %get3A_2288 = arith.constant 720 : index
    %get3A_2289 = arith.constant 0 : index
    %get3A_2290 = vector.load %arg3[%get3A_2288, %get3A_2289] : memref<2000x128xf32, #tpu.memory_space<vmem>>, vector<80x128xf32>
    %mul3A_2291 = vector.broadcast %get3A_2 : f32 to vector<80x128xf32>
    %mul3A_2292 = arith.mulf %get3A_2290, %mul3A_2291 : vector<80x128xf32>
    %jit3A_2293 = arith.constant 0.000000e+00 : f32
    %broadcast_in_dim3A_2294 = vector.broadcast %jit3A_2293 : f32 to vector<80x128xf32>
    %select_n3A_2295 = arith.select %ge3A_2287, %mul3A_2292, %broadcast_in_dim3A_2294 : vector<80x128xi1>, vector<80x128xf32>
    %swap3A_2296 = arith.constant 720 : index
    %swap3A_2297 = arith.constant 0 : index
    %swap3A_2298 = vector.load %arg4[%swap3A_2296, %swap3A_2297] : memref<2000x128xf32, #tpu.memory_space<vmem>>, vector<80x128xf32>
    tpu.vector_store %arg4[%swap3A_2296, %swap3A_2297], %select_n3A_2295 {strides = array<i32>} : memref<2000x128xf32, #tpu.memory_space<vmem>>, vector<80x128xf32>,
    %add3A_2299 = arith.constant 102400 : i32
    %add3A_2300 = arith.addi %mul3A_6, %add3A_2299 : i32
    %add3A_2301 = vector.broadcast %add3A_2300 : i32 to vector<80x128xi32>
    %add3A_2302 = arith.addi %add3A, %add3A_2301 : vector<80x128xi32>
    %add3A_2303 = arith.constant 42 : i32
    %add3A_2304 = vector.broadcast %add3A_2303 : i32 to vector<80x128xi32>
    %add3A_2305 = arith.addi %add3A_2302, %add3A_2304 : vector<80x128xi32>
    %shift_left3A_2306 = arith.constant 13 : i32
    %shift_left3A_2307 = vector.broadcast %shift_left3A_2306 : i32 to vector<80x128xi32>
    %shift_left3A_2308 = arith.shli %add3A_2305, %shift_left3A_2307 : vector<80x128xi32>
    %shift_right_logical3A_2309 = arith.constant 19 : i32
    %shift_right_logical3A_2310 = vector.broadcast %shift_right_logical3A_2309 : i32 to vector<80x128xi32>
    %shift_right_logical3A_2311 = arith.shrui %add3A_2305, %shift_right_logical3A_2310 : vector<80x128xi32>
    %or3A_2312 = arith.ori %shift_left3A_2308, %shift_right_logical3A_2311 : vector<80x128xi32>
    %xor3A_2313 = arith.xori %add3A_2305, %or3A_2312 : vector<80x128xi32>
    %add3A_2314 = arith.addi %add3A_2305, %xor3A_2313 : vector<80x128xi32>
    %shift_left3A_2315 = arith.constant 15 : i32
    %shift_left3A_2316 = vector.broadcast %shift_left3A_2315 : i32 to vector<80x128xi32>
    %shift_left3A_2317 = arith.shli %xor3A_2313, %shift_left3A_2316 : vector<80x128xi32>
    %shift_right_logical3A_2318 = arith.constant 17 : i32
    %shift_right_logical3A_2319 = vector.broadcast %shift_right_logical3A_2318 : i32 to vector<80x128xi32>
    %shift_right_logical3A_2320 = arith.shrui %xor3A_2313, %shift_right_logical3A_2319 : vector<80x128xi32>
    %or3A_2321 = arith.ori %shift_left3A_2317, %shift_right_logical3A_2320 : vector<80x128xi32>
    %xor3A_2322 = arith.xori %add3A_2314, %or3A_2321 : vector<80x128xi32>
    %add3A_2323 = arith.addi %add3A_2314, %xor3A_2322 : vector<80x128xi32>
    %shift_left3A_2324 = arith.constant 26 : i32
    %shift_left3A_2325 = vector.broadcast %shift_left3A_2324 : i32 to vector<80x128xi32>
    %shift_left3A_2326 = arith.shli %xor3A_2322, %shift_left3A_2325 : vector<80x128xi32>
    %shift_right_logical3A_2327 = arith.constant 6 : i32
    %shift_right_logical3A_2328 = vector.broadcast %shift_right_logical3A_2327 : i32 to vector<80x128xi32>
    %shift_right_logical3A_2329 = arith.shrui %xor3A_2322, %shift_right_logical3A_2328 : vector<80x128xi32>
    %or3A_2330 = arith.ori %shift_left3A_2326, %shift_right_logical3A_2329 : vector<80x128xi32>
    %xor3A_2331 = arith.xori %add3A_2323, %or3A_2330 : vector<80x128xi32>
    %add3A_2332 = arith.addi %add3A_2323, %xor3A_2331 : vector<80x128xi32>
    %shift_left3A_2333 = arith.constant 6 : i32
    %shift_left3A_2334 = vector.broadcast %shift_left3A_2333 : i32 to vector<80x128xi32>
    %shift_left3A_2335 = arith.shli %xor3A_2331, %shift_left3A_2334 : vector<80x128xi32>
    %shift_right_logical3A_2336 = arith.constant 26 : i32
    %shift_right_logical3A_2337 = vector.broadcast %shift_right_logical3A_2336 : i32 to vector<80x128xi32>
    %shift_right_logical3A_2338 = arith.shrui %xor3A_2331, %shift_right_logical3A_2337 : vector<80x128xi32>
    %or3A_2339 = arith.ori %shift_left3A_2335, %shift_right_logical3A_2338 : vector<80x128xi32>
    %xor3A_2340 = arith.xori %add3A_2332, %or3A_2339 : vector<80x128xi32>
    %add3A_2341 = arith.constant 42 : i32
    %add3A_2342 = vector.broadcast %add3A_2341 : i32 to vector<80x128xi32>
    %add3A_2343 = arith.addi %add3A_2332, %add3A_2342 : vector<80x128xi32>
    %add3A_2344 = arith.constant 466689009 : i32
    %add3A_2345 = vector.broadcast %add3A_2344 : i32 to vector<80x128xi32>
    %add3A_2346 = arith.addi %xor3A_2340, %add3A_2345 : vector<80x128xi32>
    %add3A_2347 = arith.addi %add3A_2343, %add3A_2346 : vector<80x128xi32>
    %shift_left3A_2348 = arith.constant 17 : i32
    %shift_left3A_2349 = vector.broadcast %shift_left3A_2348 : i32 to vector<80x128xi32>
    %shift_left3A_2350 = arith.shli %add3A_2346, %shift_left3A_2349 : vector<80x128xi32>
    %shift_right_logical3A_2351 = arith.constant 15 : i32
    %shift_right_logical3A_2352 = vector.broadcast %shift_right_logical3A_2351 : i32 to vector<80x128xi32>
    %shift_right_logical3A_2353 = arith.shrui %add3A_2346, %shift_right_logical3A_2352 : vector<80x128xi32>
    %or3A_2354 = arith.ori %shift_left3A_2350, %shift_right_logical3A_2353 : vector<80x128xi32>
    %xor3A_2355 = arith.xori %add3A_2347, %or3A_2354 : vector<80x128xi32>
    %add3A_2356 = arith.addi %add3A_2347, %xor3A_2355 : vector<80x128xi32>
    %shift_left3A_2357 = arith.constant 29 : i32
    %shift_left3A_2358 = vector.broadcast %shift_left3A_2357 : i32 to vector<80x128xi32>
    %shift_left3A_2359 = arith.shli %xor3A_2355, %shift_left3A_2358 : vector<80x128xi32>
    %shift_right_logical3A_2360 = arith.constant 3 : i32
    %shift_right_logical3A_2361 = vector.broadcast %shift_right_logical3A_2360 : i32 to vector<80x128xi32>
    %shift_right_logical3A_2362 = arith.shrui %xor3A_2355, %shift_right_logical3A_2361 : vector<80x128xi32>
    %or3A_2363 = arith.ori %shift_left3A_2359, %shift_right_logical3A_2362 : vector<80x128xi32>
    %xor3A_2364 = arith.xori %add3A_2356, %or3A_2363 : vector<80x128xi32>
    %add3A_2365 = arith.addi %add3A_2356, %xor3A_2364 : vector<80x128xi32>
    %shift_left3A_2366 = arith.constant 16 : i32
    %shift_left3A_2367 = vector.broadcast %shift_left3A_2366 : i32 to vector<80x128xi32>
    %shift_left3A_2368 = arith.shli %xor3A_2364, %shift_left3A_2367 : vector<80x128xi32>
    %shift_right_logical3A_2369 = arith.constant 16 : i32
    %shift_right_logical3A_2370 = vector.broadcast %shift_right_logical3A_2369 : i32 to vector<80x128xi32>
    %shift_right_logical3A_2371 = arith.shrui %xor3A_2364, %shift_right_logical3A_2370 : vector<80x128xi32>
    %or3A_2372 = arith.ori %shift_left3A_2368, %shift_right_logical3A_2371 : vector<80x128xi32>
    %xor3A_2373 = arith.xori %add3A_2365, %or3A_2372 : vector<80x128xi32>
    %add3A_2374 = arith.addi %add3A_2365, %xor3A_2373 : vector<80x128xi32>
    %shift_left3A_2375 = arith.constant 24 : i32
    %shift_left3A_2376 = vector.broadcast %shift_left3A_2375 : i32 to vector<80x128xi32>
    %shift_left3A_2377 = arith.shli %xor3A_2373, %shift_left3A_2376 : vector<80x128xi32>
    %shift_right_logical3A_2378 = arith.constant 8 : i32
    %shift_right_logical3A_2379 = vector.broadcast %shift_right_logical3A_2378 : i32 to vector<80x128xi32>
    %shift_right_logical3A_2380 = arith.shrui %xor3A_2373, %shift_right_logical3A_2379 : vector<80x128xi32>
    %or3A_2381 = arith.ori %shift_left3A_2377, %shift_right_logical3A_2380 : vector<80x128xi32>
    %xor3A_2382 = arith.xori %add3A_2374, %or3A_2381 : vector<80x128xi32>
    %add3A_2383 = arith.constant 466689008 : i32
    %add3A_2384 = vector.broadcast %add3A_2383 : i32 to vector<80x128xi32>
    %add3A_2385 = arith.addi %add3A_2374, %add3A_2384 : vector<80x128xi32>
    %add3A_2386 = arith.constant 2 : i32
    %add3A_2387 = vector.broadcast %add3A_2386 : i32 to vector<80x128xi32>
    %add3A_2388 = arith.addi %xor3A_2382, %add3A_2387 : vector<80x128xi32>
    %add3A_2389 = arith.addi %add3A_2385, %add3A_2388 : vector<80x128xi32>
    %shift_left3A_2390 = arith.constant 13 : i32
    %shift_left3A_2391 = vector.broadcast %shift_left3A_2390 : i32 to vector<80x128xi32>
    %shift_left3A_2392 = arith.shli %add3A_2388, %shift_left3A_2391 : vector<80x128xi32>
    %shift_right_logical3A_2393 = arith.constant 19 : i32
    %shift_right_logical3A_2394 = vector.broadcast %shift_right_logical3A_2393 : i32 to vector<80x128xi32>
    %shift_right_logical3A_2395 = arith.shrui %add3A_2388, %shift_right_logical3A_2394 : vector<80x128xi32>
    %or3A_2396 = arith.ori %shift_left3A_2392, %shift_right_logical3A_2395 : vector<80x128xi32>
    %xor3A_2397 = arith.xori %add3A_2389, %or3A_2396 : vector<80x128xi32>
    %add3A_2398 = arith.addi %add3A_2389, %xor3A_2397 : vector<80x128xi32>
    %shift_left3A_2399 = arith.constant 15 : i32
    %shift_left3A_2400 = vector.broadcast %shift_left3A_2399 : i32 to vector<80x128xi32>
    %shift_left3A_2401 = arith.shli %xor3A_2397, %shift_left3A_2400 : vector<80x128xi32>
    %shift_right_logical3A_2402 = arith.constant 17 : i32
    %shift_right_logical3A_2403 = vector.broadcast %shift_right_logical3A_2402 : i32 to vector<80x128xi32>
    %shift_right_logical3A_2404 = arith.shrui %xor3A_2397, %shift_right_logical3A_2403 : vector<80x128xi32>
    %or3A_2405 = arith.ori %shift_left3A_2401, %shift_right_logical3A_2404 : vector<80x128xi32>
    %xor3A_2406 = arith.xori %add3A_2398, %or3A_2405 : vector<80x128xi32>
    %add3A_2407 = arith.addi %add3A_2398, %xor3A_2406 : vector<80x128xi32>
    %shift_left3A_2408 = arith.constant 26 : i32
    %shift_left3A_2409 = vector.broadcast %shift_left3A_2408 : i32 to vector<80x128xi32>
    %shift_left3A_2410 = arith.shli %xor3A_2406, %shift_left3A_2409 : vector<80x128xi32>
    %shift_right_logical3A_2411 = arith.constant 6 : i32
    %shift_right_logical3A_2412 = vector.broadcast %shift_right_logical3A_2411 : i32 to vector<80x128xi32>
    %shift_right_logical3A_2413 = arith.shrui %xor3A_2406, %shift_right_logical3A_2412 : vector<80x128xi32>
    %or3A_2414 = arith.ori %shift_left3A_2410, %shift_right_logical3A_2413 : vector<80x128xi32>
    %xor3A_2415 = arith.xori %add3A_2407, %or3A_2414 : vector<80x128xi32>
    %add3A_2416 = arith.addi %add3A_2407, %xor3A_2415 : vector<80x128xi32>
    %shift_left3A_2417 = arith.constant 6 : i32
    %shift_left3A_2418 = vector.broadcast %shift_left3A_2417 : i32 to vector<80x128xi32>
    %shift_left3A_2419 = arith.shli %xor3A_2415, %shift_left3A_2418 : vector<80x128xi32>
    %shift_right_logical3A_2420 = arith.constant 26 : i32
    %shift_right_logical3A_2421 = vector.broadcast %shift_right_logical3A_2420 : i32 to vector<80x128xi32>
    %shift_right_logical3A_2422 = arith.shrui %xor3A_2415, %shift_right_logical3A_2421 : vector<80x128xi32>
    %or3A_2423 = arith.ori %shift_left3A_2419, %shift_right_logical3A_2422 : vector<80x128xi32>
    %xor3A_2424 = arith.xori %add3A_2416, %or3A_2423 : vector<80x128xi32>
    %add3A_2425 = arith.constant 45 : i32
    %add3A_2426 = vector.broadcast %add3A_2425 : i32 to vector<80x128xi32>
    %add3A_2427 = arith.addi %xor3A_2424, %add3A_2426 : vector<80x128xi32>
    %add3A_2428 = arith.addi %add3A_2416, %add3A_2427 : vector<80x128xi32>
    %shift_left3A_2429 = arith.constant 17 : i32
    %shift_left3A_2430 = vector.broadcast %shift_left3A_2429 : i32 to vector<80x128xi32>
    %shift_left3A_2431 = arith.shli %add3A_2427, %shift_left3A_2430 : vector<80x128xi32>
    %shift_right_logical3A_2432 = arith.constant 15 : i32
    %shift_right_logical3A_2433 = vector.broadcast %shift_right_logical3A_2432 : i32 to vector<80x128xi32>
    %shift_right_logical3A_2434 = arith.shrui %add3A_2427, %shift_right_logical3A_2433 : vector<80x128xi32>
    %or3A_2435 = arith.ori %shift_left3A_2431, %shift_right_logical3A_2434 : vector<80x128xi32>
    %xor3A_2436 = arith.xori %add3A_2428, %or3A_2435 : vector<80x128xi32>
    %add3A_2437 = arith.addi %add3A_2428, %xor3A_2436 : vector<80x128xi32>
    %shift_left3A_2438 = arith.constant 29 : i32
    %shift_left3A_2439 = vector.broadcast %shift_left3A_2438 : i32 to vector<80x128xi32>
    %shift_left3A_2440 = arith.shli %xor3A_2436, %shift_left3A_2439 : vector<80x128xi32>
    %shift_right_logical3A_2441 = arith.constant 3 : i32
    %shift_right_logical3A_2442 = vector.broadcast %shift_right_logical3A_2441 : i32 to vector<80x128xi32>
    %shift_right_logical3A_2443 = arith.shrui %xor3A_2436, %shift_right_logical3A_2442 : vector<80x128xi32>
    %or3A_2444 = arith.ori %shift_left3A_2440, %shift_right_logical3A_2443 : vector<80x128xi32>
    %xor3A_2445 = arith.xori %add3A_2437, %or3A_2444 : vector<80x128xi32>
    %add3A_2446 = arith.addi %add3A_2437, %xor3A_2445 : vector<80x128xi32>
    %shift_left3A_2447 = arith.constant 16 : i32
    %shift_left3A_2448 = vector.broadcast %shift_left3A_2447 : i32 to vector<80x128xi32>
    %shift_left3A_2449 = arith.shli %xor3A_2445, %shift_left3A_2448 : vector<80x128xi32>
    %shift_right_logical3A_2450 = arith.constant 16 : i32
    %shift_right_logical3A_2451 = vector.broadcast %shift_right_logical3A_2450 : i32 to vector<80x128xi32>
    %shift_right_logical3A_2452 = arith.shrui %xor3A_2445, %shift_right_logical3A_2451 : vector<80x128xi32>
    %or3A_2453 = arith.ori %shift_left3A_2449, %shift_right_logical3A_2452 : vector<80x128xi32>
    %xor3A_2454 = arith.xori %add3A_2446, %or3A_2453 : vector<80x128xi32>
    %add3A_2455 = arith.addi %add3A_2446, %xor3A_2454 : vector<80x128xi32>
    %shift_left3A_2456 = arith.constant 24 : i32
    %shift_left3A_2457 = vector.broadcast %shift_left3A_2456 : i32 to vector<80x128xi32>
    %shift_left3A_2458 = arith.shli %xor3A_2454, %shift_left3A_2457 : vector<80x128xi32>
    %shift_right_logical3A_2459 = arith.constant 8 : i32
    %shift_right_logical3A_2460 = vector.broadcast %shift_right_logical3A_2459 : i32 to vector<80x128xi32>
    %shift_right_logical3A_2461 = arith.shrui %xor3A_2454, %shift_right_logical3A_2460 : vector<80x128xi32>
    %or3A_2462 = arith.ori %shift_left3A_2458, %shift_right_logical3A_2461 : vector<80x128xi32>
    %xor3A_2463 = arith.xori %add3A_2455, %or3A_2462 : vector<80x128xi32>
    %add3A_2464 = arith.constant 42 : i32
    %add3A_2465 = vector.broadcast %add3A_2464 : i32 to vector<80x128xi32>
    %add3A_2466 = arith.addi %add3A_2455, %add3A_2465 : vector<80x128xi32>
    %add3A_2467 = arith.constant 466689012 : i32
    %add3A_2468 = vector.broadcast %add3A_2467 : i32 to vector<80x128xi32>
    %add3A_2469 = arith.addi %xor3A_2463, %add3A_2468 : vector<80x128xi32>
    %add3A_2470 = arith.addi %add3A_2466, %add3A_2469 : vector<80x128xi32>
    %shift_left3A_2471 = arith.constant 13 : i32
    %shift_left3A_2472 = vector.broadcast %shift_left3A_2471 : i32 to vector<80x128xi32>
    %shift_left3A_2473 = arith.shli %add3A_2469, %shift_left3A_2472 : vector<80x128xi32>
    %shift_right_logical3A_2474 = arith.constant 19 : i32
    %shift_right_logical3A_2475 = vector.broadcast %shift_right_logical3A_2474 : i32 to vector<80x128xi32>
    %shift_right_logical3A_2476 = arith.shrui %add3A_2469, %shift_right_logical3A_2475 : vector<80x128xi32>
    %or3A_2477 = arith.ori %shift_left3A_2473, %shift_right_logical3A_2476 : vector<80x128xi32>
    %xor3A_2478 = arith.xori %add3A_2470, %or3A_2477 : vector<80x128xi32>
    %add3A_2479 = arith.addi %add3A_2470, %xor3A_2478 : vector<80x128xi32>
    %shift_left3A_2480 = arith.constant 15 : i32
    %shift_left3A_2481 = vector.broadcast %shift_left3A_2480 : i32 to vector<80x128xi32>
    %shift_left3A_2482 = arith.shli %xor3A_2478, %shift_left3A_2481 : vector<80x128xi32>
    %shift_right_logical3A_2483 = arith.constant 17 : i32
    %shift_right_logical3A_2484 = vector.broadcast %shift_right_logical3A_2483 : i32 to vector<80x128xi32>
    %shift_right_logical3A_2485 = arith.shrui %xor3A_2478, %shift_right_logical3A_2484 : vector<80x128xi32>
    %or3A_2486 = arith.ori %shift_left3A_2482, %shift_right_logical3A_2485 : vector<80x128xi32>
    %xor3A_2487 = arith.xori %add3A_2479, %or3A_2486 : vector<80x128xi32>
    %add3A_2488 = arith.addi %add3A_2479, %xor3A_2487 : vector<80x128xi32>
    %shift_left3A_2489 = arith.constant 26 : i32
    %shift_left3A_2490 = vector.broadcast %shift_left3A_2489 : i32 to vector<80x128xi32>
    %shift_left3A_2491 = arith.shli %xor3A_2487, %shift_left3A_2490 : vector<80x128xi32>
    %shift_right_logical3A_2492 = arith.constant 6 : i32
    %shift_right_logical3A_2493 = vector.broadcast %shift_right_logical3A_2492 : i32 to vector<80x128xi32>
    %shift_right_logical3A_2494 = arith.shrui %xor3A_2487, %shift_right_logical3A_2493 : vector<80x128xi32>
    %or3A_2495 = arith.ori %shift_left3A_2491, %shift_right_logical3A_2494 : vector<80x128xi32>
    %xor3A_2496 = arith.xori %add3A_2488, %or3A_2495 : vector<80x128xi32>
    %add3A_2497 = arith.addi %add3A_2488, %xor3A_2496 : vector<80x128xi32>
    %shift_left3A_2498 = arith.constant 6 : i32
    %shift_left3A_2499 = vector.broadcast %shift_left3A_2498 : i32 to vector<80x128xi32>
    %shift_left3A_2500 = arith.shli %xor3A_2496, %shift_left3A_2499 : vector<80x128xi32>
    %shift_right_logical3A_2501 = arith.constant 26 : i32
    %shift_right_logical3A_2502 = vector.broadcast %shift_right_logical3A_2501 : i32 to vector<80x128xi32>
    %shift_right_logical3A_2503 = arith.shrui %xor3A_2496, %shift_right_logical3A_2502 : vector<80x128xi32>
    %or3A_2504 = arith.ori %shift_left3A_2500, %shift_right_logical3A_2503 : vector<80x128xi32>
    %xor3A_2505 = arith.xori %add3A_2497, %or3A_2504 : vector<80x128xi32>
    %add3A_2506 = arith.constant 466689008 : i32
    %add3A_2507 = vector.broadcast %add3A_2506 : i32 to vector<80x128xi32>
    %add3A_2508 = arith.addi %add3A_2497, %add3A_2507 : vector<80x128xi32>
    %add3A_2509 = arith.constant 5 : i32
    %add3A_2510 = vector.broadcast %add3A_2509 : i32 to vector<80x128xi32>
    %add3A_2511 = arith.addi %xor3A_2505, %add3A_2510 : vector<80x128xi32>
    %xor3A_2512 = arith.xori %add3A_2508, %add3A_2511 : vector<80x128xi32>
    %shift_right_logical3A_2513 = arith.constant 9 : i32
    %shift_right_logical3A_2514 = vector.broadcast %shift_right_logical3A_2513 : i32 to vector<80x128xi32>
    %shift_right_logical3A_2515 = arith.shrui %xor3A_2512, %shift_right_logical3A_2514 : vector<80x128xi32>
    %ge3A_2516 = vector.broadcast %get3A_0 : i32 to vector<80x128xi32>
    %ge3A_2517 = arith.cmpi sge, %shift_right_logical3A_2515, %ge3A_2516 : vector<80x128xi32>
    %get3A_2518 = arith.constant 800 : index
    %get3A_2519 = arith.constant 0 : index
    %get3A_2520 = vector.load %arg3[%get3A_2518, %get3A_2519] : memref<2000x128xf32, #tpu.memory_space<vmem>>, vector<80x128xf32>
    %mul3A_2521 = vector.broadcast %get3A_2 : f32 to vector<80x128xf32>
    %mul3A_2522 = arith.mulf %get3A_2520, %mul3A_2521 : vector<80x128xf32>
    %jit3A_2523 = arith.constant 0.000000e+00 : f32
    %broadcast_in_dim3A_2524 = vector.broadcast %jit3A_2523 : f32 to vector<80x128xf32>
    %select_n3A_2525 = arith.select %ge3A_2517, %mul3A_2522, %broadcast_in_dim3A_2524 : vector<80x128xi1>, vector<80x128xf32>
    %swap3A_2526 = arith.constant 800 : index
    %swap3A_2527 = arith.constant 0 : index
    %swap3A_2528 = vector.load %arg4[%swap3A_2526, %swap3A_2527] : memref<2000x128xf32, #tpu.memory_space<vmem>>, vector<80x128xf32>
    tpu.vector_store %arg4[%swap3A_2526, %swap3A_2527], %select_n3A_2525 {strides = array<i32>} : memref<2000x128xf32, #tpu.memory_space<vmem>>, vector<80x128xf32>,
    %add3A_2529 = arith.constant 112640 : i32
    %add3A_2530 = arith.addi %mul3A_6, %add3A_2529 : i32
    %add3A_2531 = vector.broadcast %add3A_2530 : i32 to vector<80x128xi32>
    %add3A_2532 = arith.addi %add3A, %add3A_2531 : vector<80x128xi32>
    %add3A_2533 = arith.constant 42 : i32
    %add3A_2534 = vector.broadcast %add3A_2533 : i32 to vector<80x128xi32>
    %add3A_2535 = arith.addi %add3A_2532, %add3A_2534 : vector<80x128xi32>
    %shift_left3A_2536 = arith.constant 13 : i32
    %shift_left3A_2537 = vector.broadcast %shift_left3A_2536 : i32 to vector<80x128xi32>
    %shift_left3A_2538 = arith.shli %add3A_2535, %shift_left3A_2537 : vector<80x128xi32>
    %shift_right_logical3A_2539 = arith.constant 19 : i32
    %shift_right_logical3A_2540 = vector.broadcast %shift_right_logical3A_2539 : i32 to vector<80x128xi32>
    %shift_right_logical3A_2541 = arith.shrui %add3A_2535, %shift_right_logical3A_2540 : vector<80x128xi32>
    %or3A_2542 = arith.ori %shift_left3A_2538, %shift_right_logical3A_2541 : vector<80x128xi32>
    %xor3A_2543 = arith.xori %add3A_2535, %or3A_2542 : vector<80x128xi32>
    %add3A_2544 = arith.addi %add3A_2535, %xor3A_2543 : vector<80x128xi32>
    %shift_left3A_2545 = arith.constant 15 : i32
    %shift_left3A_2546 = vector.broadcast %shift_left3A_2545 : i32 to vector<80x128xi32>
    %shift_left3A_2547 = arith.shli %xor3A_2543, %shift_left3A_2546 : vector<80x128xi32>
    %shift_right_logical3A_2548 = arith.constant 17 : i32
    %shift_right_logical3A_2549 = vector.broadcast %shift_right_logical3A_2548 : i32 to vector<80x128xi32>
    %shift_right_logical3A_2550 = arith.shrui %xor3A_2543, %shift_right_logical3A_2549 : vector<80x128xi32>
    %or3A_2551 = arith.ori %shift_left3A_2547, %shift_right_logical3A_2550 : vector<80x128xi32>
    %xor3A_2552 = arith.xori %add3A_2544, %or3A_2551 : vector<80x128xi32>
    %add3A_2553 = arith.addi %add3A_2544, %xor3A_2552 : vector<80x128xi32>
    %shift_left3A_2554 = arith.constant 26 : i32
    %shift_left3A_2555 = vector.broadcast %shift_left3A_2554 : i32 to vector<80x128xi32>
    %shift_left3A_2556 = arith.shli %xor3A_2552, %shift_left3A_2555 : vector<80x128xi32>
    %shift_right_logical3A_2557 = arith.constant 6 : i32
    %shift_right_logical3A_2558 = vector.broadcast %shift_right_logical3A_2557 : i32 to vector<80x128xi32>
    %shift_right_logical3A_2559 = arith.shrui %xor3A_2552, %shift_right_logical3A_2558 : vector<80x128xi32>
    %or3A_2560 = arith.ori %shift_left3A_2556, %shift_right_logical3A_2559 : vector<80x128xi32>
    %xor3A_2561 = arith.xori %add3A_2553, %or3A_2560 : vector<80x128xi32>
    %add3A_2562 = arith.addi %add3A_2553, %xor3A_2561 : vector<80x128xi32>
    %shift_left3A_2563 = arith.constant 6 : i32
    %shift_left3A_2564 = vector.broadcast %shift_left3A_2563 : i32 to vector<80x128xi32>
    %shift_left3A_2565 = arith.shli %xor3A_2561, %shift_left3A_2564 : vector<80x128xi32>
    %shift_right_logical3A_2566 = arith.constant 26 : i32
    %shift_right_logical3A_2567 = vector.broadcast %shift_right_logical3A_2566 : i32 to vector<80x128xi32>
    %shift_right_logical3A_2568 = arith.shrui %xor3A_2561, %shift_right_logical3A_2567 : vector<80x128xi32>
    %or3A_2569 = arith.ori %shift_left3A_2565, %shift_right_logical3A_2568 : vector<80x128xi32>
    %xor3A_2570 = arith.xori %add3A_2562, %or3A_2569 : vector<80x128xi32>
    %add3A_2571 = arith.constant 42 : i32
    %add3A_2572 = vector.broadcast %add3A_2571 : i32 to vector<80x128xi32>
    %add3A_2573 = arith.addi %add3A_2562, %add3A_2572 : vector<80x128xi32>
    %add3A_2574 = arith.constant 466689009 : i32
    %add3A_2575 = vector.broadcast %add3A_2574 : i32 to vector<80x128xi32>
    %add3A_2576 = arith.addi %xor3A_2570, %add3A_2575 : vector<80x128xi32>
    %add3A_2577 = arith.addi %add3A_2573, %add3A_2576 : vector<80x128xi32>
    %shift_left3A_2578 = arith.constant 17 : i32
    %shift_left3A_2579 = vector.broadcast %shift_left3A_2578 : i32 to vector<80x128xi32>
    %shift_left3A_2580 = arith.shli %add3A_2576, %shift_left3A_2579 : vector<80x128xi32>
    %shift_right_logical3A_2581 = arith.constant 15 : i32
    %shift_right_logical3A_2582 = vector.broadcast %shift_right_logical3A_2581 : i32 to vector<80x128xi32>
    %shift_right_logical3A_2583 = arith.shrui %add3A_2576, %shift_right_logical3A_2582 : vector<80x128xi32>
    %or3A_2584 = arith.ori %shift_left3A_2580, %shift_right_logical3A_2583 : vector<80x128xi32>
    %xor3A_2585 = arith.xori %add3A_2577, %or3A_2584 : vector<80x128xi32>
    %add3A_2586 = arith.addi %add3A_2577, %xor3A_2585 : vector<80x128xi32>
    %shift_left3A_2587 = arith.constant 29 : i32
    %shift_left3A_2588 = vector.broadcast %shift_left3A_2587 : i32 to vector<80x128xi32>
    %shift_left3A_2589 = arith.shli %xor3A_2585, %shift_left3A_2588 : vector<80x128xi32>
    %shift_right_logical3A_2590 = arith.constant 3 : i32
    %shift_right_logical3A_2591 = vector.broadcast %shift_right_logical3A_2590 : i32 to vector<80x128xi32>
    %shift_right_logical3A_2592 = arith.shrui %xor3A_2585, %shift_right_logical3A_2591 : vector<80x128xi32>
    %or3A_2593 = arith.ori %shift_left3A_2589, %shift_right_logical3A_2592 : vector<80x128xi32>
    %xor3A_2594 = arith.xori %add3A_2586, %or3A_2593 : vector<80x128xi32>
    %add3A_2595 = arith.addi %add3A_2586, %xor3A_2594 : vector<80x128xi32>
    %shift_left3A_2596 = arith.constant 16 : i32
    %shift_left3A_2597 = vector.broadcast %shift_left3A_2596 : i32 to vector<80x128xi32>
    %shift_left3A_2598 = arith.shli %xor3A_2594, %shift_left3A_2597 : vector<80x128xi32>
    %shift_right_logical3A_2599 = arith.constant 16 : i32
    %shift_right_logical3A_2600 = vector.broadcast %shift_right_logical3A_2599 : i32 to vector<80x128xi32>
    %shift_right_logical3A_2601 = arith.shrui %xor3A_2594, %shift_right_logical3A_2600 : vector<80x128xi32>
    %or3A_2602 = arith.ori %shift_left3A_2598, %shift_right_logical3A_2601 : vector<80x128xi32>
    %xor3A_2603 = arith.xori %add3A_2595, %or3A_2602 : vector<80x128xi32>
    %add3A_2604 = arith.addi %add3A_2595, %xor3A_2603 : vector<80x128xi32>
    %shift_left3A_2605 = arith.constant 24 : i32
    %shift_left3A_2606 = vector.broadcast %shift_left3A_2605 : i32 to vector<80x128xi32>
    %shift_left3A_2607 = arith.shli %xor3A_2603, %shift_left3A_2606 : vector<80x128xi32>
    %shift_right_logical3A_2608 = arith.constant 8 : i32
    %shift_right_logical3A_2609 = vector.broadcast %shift_right_logical3A_2608 : i32 to vector<80x128xi32>
    %shift_right_logical3A_2610 = arith.shrui %xor3A_2603, %shift_right_logical3A_2609 : vector<80x128xi32>
    %or3A_2611 = arith.ori %shift_left3A_2607, %shift_right_logical3A_2610 : vector<80x128xi32>
    %xor3A_2612 = arith.xori %add3A_2604, %or3A_2611 : vector<80x128xi32>
    %add3A_2613 = arith.constant 466689008 : i32
    %add3A_2614 = vector.broadcast %add3A_2613 : i32 to vector<80x128xi32>
    %add3A_2615 = arith.addi %add3A_2604, %add3A_2614 : vector<80x128xi32>
    %add3A_2616 = arith.constant 2 : i32
    %add3A_2617 = vector.broadcast %add3A_2616 : i32 to vector<80x128xi32>
    %add3A_2618 = arith.addi %xor3A_2612, %add3A_2617 : vector<80x128xi32>
    %add3A_2619 = arith.addi %add3A_2615, %add3A_2618 : vector<80x128xi32>
    %shift_left3A_2620 = arith.constant 13 : i32
    %shift_left3A_2621 = vector.broadcast %shift_left3A_2620 : i32 to vector<80x128xi32>
    %shift_left3A_2622 = arith.shli %add3A_2618, %shift_left3A_2621 : vector<80x128xi32>
    %shift_right_logical3A_2623 = arith.constant 19 : i32
    %shift_right_logical3A_2624 = vector.broadcast %shift_right_logical3A_2623 : i32 to vector<80x128xi32>
    %shift_right_logical3A_2625 = arith.shrui %add3A_2618, %shift_right_logical3A_2624 : vector<80x128xi32>
    %or3A_2626 = arith.ori %shift_left3A_2622, %shift_right_logical3A_2625 : vector<80x128xi32>
    %xor3A_2627 = arith.xori %add3A_2619, %or3A_2626 : vector<80x128xi32>
    %add3A_2628 = arith.addi %add3A_2619, %xor3A_2627 : vector<80x128xi32>
    %shift_left3A_2629 = arith.constant 15 : i32
    %shift_left3A_2630 = vector.broadcast %shift_left3A_2629 : i32 to vector<80x128xi32>
    %shift_left3A_2631 = arith.shli %xor3A_2627, %shift_left3A_2630 : vector<80x128xi32>
    %shift_right_logical3A_2632 = arith.constant 17 : i32
    %shift_right_logical3A_2633 = vector.broadcast %shift_right_logical3A_2632 : i32 to vector<80x128xi32>
    %shift_right_logical3A_2634 = arith.shrui %xor3A_2627, %shift_right_logical3A_2633 : vector<80x128xi32>
    %or3A_2635 = arith.ori %shift_left3A_2631, %shift_right_logical3A_2634 : vector<80x128xi32>
    %xor3A_2636 = arith.xori %add3A_2628, %or3A_2635 : vector<80x128xi32>
    %add3A_2637 = arith.addi %add3A_2628, %xor3A_2636 : vector<80x128xi32>
    %shift_left3A_2638 = arith.constant 26 : i32
    %shift_left3A_2639 = vector.broadcast %shift_left3A_2638 : i32 to vector<80x128xi32>
    %shift_left3A_2640 = arith.shli %xor3A_2636, %shift_left3A_2639 : vector<80x128xi32>
    %shift_right_logical3A_2641 = arith.constant 6 : i32
    %shift_right_logical3A_2642 = vector.broadcast %shift_right_logical3A_2641 : i32 to vector<80x128xi32>
    %shift_right_logical3A_2643 = arith.shrui %xor3A_2636, %shift_right_logical3A_2642 : vector<80x128xi32>
    %or3A_2644 = arith.ori %shift_left3A_2640, %shift_right_logical3A_2643 : vector<80x128xi32>
    %xor3A_2645 = arith.xori %add3A_2637, %or3A_2644 : vector<80x128xi32>
    %add3A_2646 = arith.addi %add3A_2637, %xor3A_2645 : vector<80x128xi32>
    %shift_left3A_2647 = arith.constant 6 : i32
    %shift_left3A_2648 = vector.broadcast %shift_left3A_2647 : i32 to vector<80x128xi32>
    %shift_left3A_2649 = arith.shli %xor3A_2645, %shift_left3A_2648 : vector<80x128xi32>
    %shift_right_logical3A_2650 = arith.constant 26 : i32
    %shift_right_logical3A_2651 = vector.broadcast %shift_right_logical3A_2650 : i32 to vector<80x128xi32>
    %shift_right_logical3A_2652 = arith.shrui %xor3A_2645, %shift_right_logical3A_2651 : vector<80x128xi32>
    %or3A_2653 = arith.ori %shift_left3A_2649, %shift_right_logical3A_2652 : vector<80x128xi32>
    %xor3A_2654 = arith.xori %add3A_2646, %or3A_2653 : vector<80x128xi32>
    %add3A_2655 = arith.constant 45 : i32
    %add3A_2656 = vector.broadcast %add3A_2655 : i32 to vector<80x128xi32>
    %add3A_2657 = arith.addi %xor3A_2654, %add3A_2656 : vector<80x128xi32>
    %add3A_2658 = arith.addi %add3A_2646, %add3A_2657 : vector<80x128xi32>
    %shift_left3A_2659 = arith.constant 17 : i32
    %shift_left3A_2660 = vector.broadcast %shift_left3A_2659 : i32 to vector<80x128xi32>
    %shift_left3A_2661 = arith.shli %add3A_2657, %shift_left3A_2660 : vector<80x128xi32>
    %shift_right_logical3A_2662 = arith.constant 15 : i32
    %shift_right_logical3A_2663 = vector.broadcast %shift_right_logical3A_2662 : i32 to vector<80x128xi32>
    %shift_right_logical3A_2664 = arith.shrui %add3A_2657, %shift_right_logical3A_2663 : vector<80x128xi32>
    %or3A_2665 = arith.ori %shift_left3A_2661, %shift_right_logical3A_2664 : vector<80x128xi32>
    %xor3A_2666 = arith.xori %add3A_2658, %or3A_2665 : vector<80x128xi32>
    %add3A_2667 = arith.addi %add3A_2658, %xor3A_2666 : vector<80x128xi32>
    %shift_left3A_2668 = arith.constant 29 : i32
    %shift_left3A_2669 = vector.broadcast %shift_left3A_2668 : i32 to vector<80x128xi32>
    %shift_left3A_2670 = arith.shli %xor3A_2666, %shift_left3A_2669 : vector<80x128xi32>
    %shift_right_logical3A_2671 = arith.constant 3 : i32
    %shift_right_logical3A_2672 = vector.broadcast %shift_right_logical3A_2671 : i32 to vector<80x128xi32>
    %shift_right_logical3A_2673 = arith.shrui %xor3A_2666, %shift_right_logical3A_2672 : vector<80x128xi32>
    %or3A_2674 = arith.ori %shift_left3A_2670, %shift_right_logical3A_2673 : vector<80x128xi32>
    %xor3A_2675 = arith.xori %add3A_2667, %or3A_2674 : vector<80x128xi32>
    %add3A_2676 = arith.addi %add3A_2667, %xor3A_2675 : vector<80x128xi32>
    %shift_left3A_2677 = arith.constant 16 : i32
    %shift_left3A_2678 = vector.broadcast %shift_left3A_2677 : i32 to vector<80x128xi32>
    %shift_left3A_2679 = arith.shli %xor3A_2675, %shift_left3A_2678 : vector<80x128xi32>
    %shift_right_logical3A_2680 = arith.constant 16 : i32
    %shift_right_logical3A_2681 = vector.broadcast %shift_right_logical3A_2680 : i32 to vector<80x128xi32>
    %shift_right_logical3A_2682 = arith.shrui %xor3A_2675, %shift_right_logical3A_2681 : vector<80x128xi32>
    %or3A_2683 = arith.ori %shift_left3A_2679, %shift_right_logical3A_2682 : vector<80x128xi32>
    %xor3A_2684 = arith.xori %add3A_2676, %or3A_2683 : vector<80x128xi32>
    %add3A_2685 = arith.addi %add3A_2676, %xor3A_2684 : vector<80x128xi32>
    %shift_left3A_2686 = arith.constant 24 : i32
    %shift_left3A_2687 = vector.broadcast %shift_left3A_2686 : i32 to vector<80x128xi32>
    %shift_left3A_2688 = arith.shli %xor3A_2684, %shift_left3A_2687 : vector<80x128xi32>
    %shift_right_logical3A_2689 = arith.constant 8 : i32
    %shift_right_logical3A_2690 = vector.broadcast %shift_right_logical3A_2689 : i32 to vector<80x128xi32>
    %shift_right_logical3A_2691 = arith.shrui %xor3A_2684, %shift_right_logical3A_2690 : vector<80x128xi32>
    %or3A_2692 = arith.ori %shift_left3A_2688, %shift_right_logical3A_2691 : vector<80x128xi32>
    %xor3A_2693 = arith.xori %add3A_2685, %or3A_2692 : vector<80x128xi32>
    %add3A_2694 = arith.constant 42 : i32
    %add3A_2695 = vector.broadcast %add3A_2694 : i32 to vector<80x128xi32>
    %add3A_2696 = arith.addi %add3A_2685, %add3A_2695 : vector<80x128xi32>
    %add3A_2697 = arith.constant 466689012 : i32
    %add3A_2698 = vector.broadcast %add3A_2697 : i32 to vector<80x128xi32>
    %add3A_2699 = arith.addi %xor3A_2693, %add3A_2698 : vector<80x128xi32>
    %add3A_2700 = arith.addi %add3A_2696, %add3A_2699 : vector<80x128xi32>
    %shift_left3A_2701 = arith.constant 13 : i32
    %shift_left3A_2702 = vector.broadcast %shift_left3A_2701 : i32 to vector<80x128xi32>
    %shift_left3A_2703 = arith.shli %add3A_2699, %shift_left3A_2702 : vector<80x128xi32>
    %shift_right_logical3A_2704 = arith.constant 19 : i32
    %shift_right_logical3A_2705 = vector.broadcast %shift_right_logical3A_2704 : i32 to vector<80x128xi32>
    %shift_right_logical3A_2706 = arith.shrui %add3A_2699, %shift_right_logical3A_2705 : vector<80x128xi32>
    %or3A_2707 = arith.ori %shift_left3A_2703, %shift_right_logical3A_2706 : vector<80x128xi32>
    %xor3A_2708 = arith.xori %add3A_2700, %or3A_2707 : vector<80x128xi32>
    %add3A_2709 = arith.addi %add3A_2700, %xor3A_2708 : vector<80x128xi32>
    %shift_left3A_2710 = arith.constant 15 : i32
    %shift_left3A_2711 = vector.broadcast %shift_left3A_2710 : i32 to vector<80x128xi32>
    %shift_left3A_2712 = arith.shli %xor3A_2708, %shift_left3A_2711 : vector<80x128xi32>
    %shift_right_logical3A_2713 = arith.constant 17 : i32
    %shift_right_logical3A_2714 = vector.broadcast %shift_right_logical3A_2713 : i32 to vector<80x128xi32>
    %shift_right_logical3A_2715 = arith.shrui %xor3A_2708, %shift_right_logical3A_2714 : vector<80x128xi32>
    %or3A_2716 = arith.ori %shift_left3A_2712, %shift_right_logical3A_2715 : vector<80x128xi32>
    %xor3A_2717 = arith.xori %add3A_2709, %or3A_2716 : vector<80x128xi32>
    %add3A_2718 = arith.addi %add3A_2709, %xor3A_2717 : vector<80x128xi32>
    %shift_left3A_2719 = arith.constant 26 : i32
    %shift_left3A_2720 = vector.broadcast %shift_left3A_2719 : i32 to vector<80x128xi32>
    %shift_left3A_2721 = arith.shli %xor3A_2717, %shift_left3A_2720 : vector<80x128xi32>
    %shift_right_logical3A_2722 = arith.constant 6 : i32
    %shift_right_logical3A_2723 = vector.broadcast %shift_right_logical3A_2722 : i32 to vector<80x128xi32>
    %shift_right_logical3A_2724 = arith.shrui %xor3A_2717, %shift_right_logical3A_2723 : vector<80x128xi32>
    %or3A_2725 = arith.ori %shift_left3A_2721, %shift_right_logical3A_2724 : vector<80x128xi32>
    %xor3A_2726 = arith.xori %add3A_2718, %or3A_2725 : vector<80x128xi32>
    %add3A_2727 = arith.addi %add3A_2718, %xor3A_2726 : vector<80x128xi32>
    %shift_left3A_2728 = arith.constant 6 : i32
    %shift_left3A_2729 = vector.broadcast %shift_left3A_2728 : i32 to vector<80x128xi32>
    %shift_left3A_2730 = arith.shli %xor3A_2726, %shift_left3A_2729 : vector<80x128xi32>
    %shift_right_logical3A_2731 = arith.constant 26 : i32
    %shift_right_logical3A_2732 = vector.broadcast %shift_right_logical3A_2731 : i32 to vector<80x128xi32>
    %shift_right_logical3A_2733 = arith.shrui %xor3A_2726, %shift_right_logical3A_2732 : vector<80x128xi32>
    %or3A_2734 = arith.ori %shift_left3A_2730, %shift_right_logical3A_2733 : vector<80x128xi32>
    %xor3A_2735 = arith.xori %add3A_2727, %or3A_2734 : vector<80x128xi32>
    %add3A_2736 = arith.constant 466689008 : i32
    %add3A_2737 = vector.broadcast %add3A_2736 : i32 to vector<80x128xi32>
    %add3A_2738 = arith.addi %add3A_2727, %add3A_2737 : vector<80x128xi32>
    %add3A_2739 = arith.constant 5 : i32
    %add3A_2740 = vector.broadcast %add3A_2739 : i32 to vector<80x128xi32>
    %add3A_2741 = arith.addi %xor3A_2735, %add3A_2740 : vector<80x128xi32>
    %xor3A_2742 = arith.xori %add3A_2738, %add3A_2741 : vector<80x128xi32>
    %shift_right_logical3A_2743 = arith.constant 9 : i32
    %shift_right_logical3A_2744 = vector.broadcast %shift_right_logical3A_2743 : i32 to vector<80x128xi32>
    %shift_right_logical3A_2745 = arith.shrui %xor3A_2742, %shift_right_logical3A_2744 : vector<80x128xi32>
    %ge3A_2746 = vector.broadcast %get3A_0 : i32 to vector<80x128xi32>
    %ge3A_2747 = arith.cmpi sge, %shift_right_logical3A_2745, %ge3A_2746 : vector<80x128xi32>
    %get3A_2748 = arith.constant 880 : index
    %get3A_2749 = arith.constant 0 : index
    %get3A_2750 = vector.load %arg3[%get3A_2748, %get3A_2749] : memref<2000x128xf32, #tpu.memory_space<vmem>>, vector<80x128xf32>
    %mul3A_2751 = vector.broadcast %get3A_2 : f32 to vector<80x128xf32>
    %mul3A_2752 = arith.mulf %get3A_2750, %mul3A_2751 : vector<80x128xf32>
    %jit3A_2753 = arith.constant 0.000000e+00 : f32
    %broadcast_in_dim3A_2754 = vector.broadcast %jit3A_2753 : f32 to vector<80x128xf32>
    %select_n3A_2755 = arith.select %ge3A_2747, %mul3A_2752, %broadcast_in_dim3A_2754 : vector<80x128xi1>, vector<80x128xf32>
    %swap3A_2756 = arith.constant 880 : index
    %swap3A_2757 = arith.constant 0 : index
    %swap3A_2758 = vector.load %arg4[%swap3A_2756, %swap3A_2757] : memref<2000x128xf32, #tpu.memory_space<vmem>>, vector<80x128xf32>
    tpu.vector_store %arg4[%swap3A_2756, %swap3A_2757], %select_n3A_2755 {strides = array<i32>} : memref<2000x128xf32, #tpu.memory_space<vmem>>, vector<80x128xf32>,
    %add3A_2759 = arith.constant 122880 : i32
    %add3A_2760 = arith.addi %mul3A_6, %add3A_2759 : i32
    %add3A_2761 = vector.broadcast %add3A_2760 : i32 to vector<80x128xi32>
    %add3A_2762 = arith.addi %add3A, %add3A_2761 : vector<80x128xi32>
    %add3A_2763 = arith.constant 42 : i32
    %add3A_2764 = vector.broadcast %add3A_2763 : i32 to vector<80x128xi32>
    %add3A_2765 = arith.addi %add3A_2762, %add3A_2764 : vector<80x128xi32>
    %shift_left3A_2766 = arith.constant 13 : i32
    %shift_left3A_2767 = vector.broadcast %shift_left3A_2766 : i32 to vector<80x128xi32>
    %shift_left3A_2768 = arith.shli %add3A_2765, %shift_left3A_2767 : vector<80x128xi32>
    %shift_right_logical3A_2769 = arith.constant 19 : i32
    %shift_right_logical3A_2770 = vector.broadcast %shift_right_logical3A_2769 : i32 to vector<80x128xi32>
    %shift_right_logical3A_2771 = arith.shrui %add3A_2765, %shift_right_logical3A_2770 : vector<80x128xi32>
    %or3A_2772 = arith.ori %shift_left3A_2768, %shift_right_logical3A_2771 : vector<80x128xi32>
    %xor3A_2773 = arith.xori %add3A_2765, %or3A_2772 : vector<80x128xi32>
    %add3A_2774 = arith.addi %add3A_2765, %xor3A_2773 : vector<80x128xi32>
    %shift_left3A_2775 = arith.constant 15 : i32
    %shift_left3A_2776 = vector.broadcast %shift_left3A_2775 : i32 to vector<80x128xi32>
    %shift_left3A_2777 = arith.shli %xor3A_2773, %shift_left3A_2776 : vector<80x128xi32>
    %shift_right_logical3A_2778 = arith.constant 17 : i32
    %shift_right_logical3A_2779 = vector.broadcast %shift_right_logical3A_2778 : i32 to vector<80x128xi32>
    %shift_right_logical3A_2780 = arith.shrui %xor3A_2773, %shift_right_logical3A_2779 : vector<80x128xi32>
    %or3A_2781 = arith.ori %shift_left3A_2777, %shift_right_logical3A_2780 : vector<80x128xi32>
    %xor3A_2782 = arith.xori %add3A_2774, %or3A_2781 : vector<80x128xi32>
    %add3A_2783 = arith.addi %add3A_2774, %xor3A_2782 : vector<80x128xi32>
    %shift_left3A_2784 = arith.constant 26 : i32
    %shift_left3A_2785 = vector.broadcast %shift_left3A_2784 : i32 to vector<80x128xi32>
    %shift_left3A_2786 = arith.shli %xor3A_2782, %shift_left3A_2785 : vector<80x128xi32>
    %shift_right_logical3A_2787 = arith.constant 6 : i32
    %shift_right_logical3A_2788 = vector.broadcast %shift_right_logical3A_2787 : i32 to vector<80x128xi32>
    %shift_right_logical3A_2789 = arith.shrui %xor3A_2782, %shift_right_logical3A_2788 : vector<80x128xi32>
    %or3A_2790 = arith.ori %shift_left3A_2786, %shift_right_logical3A_2789 : vector<80x128xi32>
    %xor3A_2791 = arith.xori %add3A_2783, %or3A_2790 : vector<80x128xi32>
    %add3A_2792 = arith.addi %add3A_2783, %xor3A_2791 : vector<80x128xi32>
    %shift_left3A_2793 = arith.constant 6 : i32
    %shift_left3A_2794 = vector.broadcast %shift_left3A_2793 : i32 to vector<80x128xi32>
    %shift_left3A_2795 = arith.shli %xor3A_2791, %shift_left3A_2794 : vector<80x128xi32>
    %shift_right_logical3A_2796 = arith.constant 26 : i32
    %shift_right_logical3A_2797 = vector.broadcast %shift_right_logical3A_2796 : i32 to vector<80x128xi32>
    %shift_right_logical3A_2798 = arith.shrui %xor3A_2791, %shift_right_logical3A_2797 : vector<80x128xi32>
    %or3A_2799 = arith.ori %shift_left3A_2795, %shift_right_logical3A_2798 : vector<80x128xi32>
    %xor3A_2800 = arith.xori %add3A_2792, %or3A_2799 : vector<80x128xi32>
    %add3A_2801 = arith.constant 42 : i32
    %add3A_2802 = vector.broadcast %add3A_2801 : i32 to vector<80x128xi32>
    %add3A_2803 = arith.addi %add3A_2792, %add3A_2802 : vector<80x128xi32>
    %add3A_2804 = arith.constant 466689009 : i32
    %add3A_2805 = vector.broadcast %add3A_2804 : i32 to vector<80x128xi32>
    %add3A_2806 = arith.addi %xor3A_2800, %add3A_2805 : vector<80x128xi32>
    %add3A_2807 = arith.addi %add3A_2803, %add3A_2806 : vector<80x128xi32>
    %shift_left3A_2808 = arith.constant 17 : i32
    %shift_left3A_2809 = vector.broadcast %shift_left3A_2808 : i32 to vector<80x128xi32>
    %shift_left3A_2810 = arith.shli %add3A_2806, %shift_left3A_2809 : vector<80x128xi32>
    %shift_right_logical3A_2811 = arith.constant 15 : i32
    %shift_right_logical3A_2812 = vector.broadcast %shift_right_logical3A_2811 : i32 to vector<80x128xi32>
    %shift_right_logical3A_2813 = arith.shrui %add3A_2806, %shift_right_logical3A_2812 : vector<80x128xi32>
    %or3A_2814 = arith.ori %shift_left3A_2810, %shift_right_logical3A_2813 : vector<80x128xi32>
    %xor3A_2815 = arith.xori %add3A_2807, %or3A_2814 : vector<80x128xi32>
    %add3A_2816 = arith.addi %add3A_2807, %xor3A_2815 : vector<80x128xi32>
    %shift_left3A_2817 = arith.constant 29 : i32
    %shift_left3A_2818 = vector.broadcast %shift_left3A_2817 : i32 to vector<80x128xi32>
    %shift_left3A_2819 = arith.shli %xor3A_2815, %shift_left3A_2818 : vector<80x128xi32>
    %shift_right_logical3A_2820 = arith.constant 3 : i32
    %shift_right_logical3A_2821 = vector.broadcast %shift_right_logical3A_2820 : i32 to vector<80x128xi32>
    %shift_right_logical3A_2822 = arith.shrui %xor3A_2815, %shift_right_logical3A_2821 : vector<80x128xi32>
    %or3A_2823 = arith.ori %shift_left3A_2819, %shift_right_logical3A_2822 : vector<80x128xi32>
    %xor3A_2824 = arith.xori %add3A_2816, %or3A_2823 : vector<80x128xi32>
    %add3A_2825 = arith.addi %add3A_2816, %xor3A_2824 : vector<80x128xi32>
    %shift_left3A_2826 = arith.constant 16 : i32
    %shift_left3A_2827 = vector.broadcast %shift_left3A_2826 : i32 to vector<80x128xi32>
    %shift_left3A_2828 = arith.shli %xor3A_2824, %shift_left3A_2827 : vector<80x128xi32>
    %shift_right_logical3A_2829 = arith.constant 16 : i32
    %shift_right_logical3A_2830 = vector.broadcast %shift_right_logical3A_2829 : i32 to vector<80x128xi32>
    %shift_right_logical3A_2831 = arith.shrui %xor3A_2824, %shift_right_logical3A_2830 : vector<80x128xi32>
    %or3A_2832 = arith.ori %shift_left3A_2828, %shift_right_logical3A_2831 : vector<80x128xi32>
    %xor3A_2833 = arith.xori %add3A_2825, %or3A_2832 : vector<80x128xi32>
    %add3A_2834 = arith.addi %add3A_2825, %xor3A_2833 : vector<80x128xi32>
    %shift_left3A_2835 = arith.constant 24 : i32
    %shift_left3A_2836 = vector.broadcast %shift_left3A_2835 : i32 to vector<80x128xi32>
    %shift_left3A_2837 = arith.shli %xor3A_2833, %shift_left3A_2836 : vector<80x128xi32>
    %shift_right_logical3A_2838 = arith.constant 8 : i32
    %shift_right_logical3A_2839 = vector.broadcast %shift_right_logical3A_2838 : i32 to vector<80x128xi32>
    %shift_right_logical3A_2840 = arith.shrui %xor3A_2833, %shift_right_logical3A_2839 : vector<80x128xi32>
    %or3A_2841 = arith.ori %shift_left3A_2837, %shift_right_logical3A_2840 : vector<80x128xi32>
    %xor3A_2842 = arith.xori %add3A_2834, %or3A_2841 : vector<80x128xi32>
    %add3A_2843 = arith.constant 466689008 : i32
    %add3A_2844 = vector.broadcast %add3A_2843 : i32 to vector<80x128xi32>
    %add3A_2845 = arith.addi %add3A_2834, %add3A_2844 : vector<80x128xi32>
    %add3A_2846 = arith.constant 2 : i32
    %add3A_2847 = vector.broadcast %add3A_2846 : i32 to vector<80x128xi32>
    %add3A_2848 = arith.addi %xor3A_2842, %add3A_2847 : vector<80x128xi32>
    %add3A_2849 = arith.addi %add3A_2845, %add3A_2848 : vector<80x128xi32>
    %shift_left3A_2850 = arith.constant 13 : i32
    %shift_left3A_2851 = vector.broadcast %shift_left3A_2850 : i32 to vector<80x128xi32>
    %shift_left3A_2852 = arith.shli %add3A_2848, %shift_left3A_2851 : vector<80x128xi32>
    %shift_right_logical3A_2853 = arith.constant 19 : i32
    %shift_right_logical3A_2854 = vector.broadcast %shift_right_logical3A_2853 : i32 to vector<80x128xi32>
    %shift_right_logical3A_2855 = arith.shrui %add3A_2848, %shift_right_logical3A_2854 : vector<80x128xi32>
    %or3A_2856 = arith.ori %shift_left3A_2852, %shift_right_logical3A_2855 : vector<80x128xi32>
    %xor3A_2857 = arith.xori %add3A_2849, %or3A_2856 : vector<80x128xi32>
    %add3A_2858 = arith.addi %add3A_2849, %xor3A_2857 : vector<80x128xi32>
    %shift_left3A_2859 = arith.constant 15 : i32
    %shift_left3A_2860 = vector.broadcast %shift_left3A_2859 : i32 to vector<80x128xi32>
    %shift_left3A_2861 = arith.shli %xor3A_2857, %shift_left3A_2860 : vector<80x128xi32>
    %shift_right_logical3A_2862 = arith.constant 17 : i32
    %shift_right_logical3A_2863 = vector.broadcast %shift_right_logical3A_2862 : i32 to vector<80x128xi32>
    %shift_right_logical3A_2864 = arith.shrui %xor3A_2857, %shift_right_logical3A_2863 : vector<80x128xi32>
    %or3A_2865 = arith.ori %shift_left3A_2861, %shift_right_logical3A_2864 : vector<80x128xi32>
    %xor3A_2866 = arith.xori %add3A_2858, %or3A_2865 : vector<80x128xi32>
    %add3A_2867 = arith.addi %add3A_2858, %xor3A_2866 : vector<80x128xi32>
    %shift_left3A_2868 = arith.constant 26 : i32
    %shift_left3A_2869 = vector.broadcast %shift_left3A_2868 : i32 to vector<80x128xi32>
    %shift_left3A_2870 = arith.shli %xor3A_2866, %shift_left3A_2869 : vector<80x128xi32>
    %shift_right_logical3A_2871 = arith.constant 6 : i32
    %shift_right_logical3A_2872 = vector.broadcast %shift_right_logical3A_2871 : i32 to vector<80x128xi32>
    %shift_right_logical3A_2873 = arith.shrui %xor3A_2866, %shift_right_logical3A_2872 : vector<80x128xi32>
    %or3A_2874 = arith.ori %shift_left3A_2870, %shift_right_logical3A_2873 : vector<80x128xi32>
    %xor3A_2875 = arith.xori %add3A_2867, %or3A_2874 : vector<80x128xi32>
    %add3A_2876 = arith.addi %add3A_2867, %xor3A_2875 : vector<80x128xi32>
    %shift_left3A_2877 = arith.constant 6 : i32
    %shift_left3A_2878 = vector.broadcast %shift_left3A_2877 : i32 to vector<80x128xi32>
    %shift_left3A_2879 = arith.shli %xor3A_2875, %shift_left3A_2878 : vector<80x128xi32>
    %shift_right_logical3A_2880 = arith.constant 26 : i32
    %shift_right_logical3A_2881 = vector.broadcast %shift_right_logical3A_2880 : i32 to vector<80x128xi32>
    %shift_right_logical3A_2882 = arith.shrui %xor3A_2875, %shift_right_logical3A_2881 : vector<80x128xi32>
    %or3A_2883 = arith.ori %shift_left3A_2879, %shift_right_logical3A_2882 : vector<80x128xi32>
    %xor3A_2884 = arith.xori %add3A_2876, %or3A_2883 : vector<80x128xi32>
    %add3A_2885 = arith.constant 45 : i32
    %add3A_2886 = vector.broadcast %add3A_2885 : i32 to vector<80x128xi32>
    %add3A_2887 = arith.addi %xor3A_2884, %add3A_2886 : vector<80x128xi32>
    %add3A_2888 = arith.addi %add3A_2876, %add3A_2887 : vector<80x128xi32>
    %shift_left3A_2889 = arith.constant 17 : i32
    %shift_left3A_2890 = vector.broadcast %shift_left3A_2889 : i32 to vector<80x128xi32>
    %shift_left3A_2891 = arith.shli %add3A_2887, %shift_left3A_2890 : vector<80x128xi32>
    %shift_right_logical3A_2892 = arith.constant 15 : i32
    %shift_right_logical3A_2893 = vector.broadcast %shift_right_logical3A_2892 : i32 to vector<80x128xi32>
    %shift_right_logical3A_2894 = arith.shrui %add3A_2887, %shift_right_logical3A_2893 : vector<80x128xi32>
    %or3A_2895 = arith.ori %shift_left3A_2891, %shift_right_logical3A_2894 : vector<80x128xi32>
    %xor3A_2896 = arith.xori %add3A_2888, %or3A_2895 : vector<80x128xi32>
    %add3A_2897 = arith.addi %add3A_2888, %xor3A_2896 : vector<80x128xi32>
    %shift_left3A_2898 = arith.constant 29 : i32
    %shift_left3A_2899 = vector.broadcast %shift_left3A_2898 : i32 to vector<80x128xi32>
    %shift_left3A_2900 = arith.shli %xor3A_2896, %shift_left3A_2899 : vector<80x128xi32>
    %shift_right_logical3A_2901 = arith.constant 3 : i32
    %shift_right_logical3A_2902 = vector.broadcast %shift_right_logical3A_2901 : i32 to vector<80x128xi32>
    %shift_right_logical3A_2903 = arith.shrui %xor3A_2896, %shift_right_logical3A_2902 : vector<80x128xi32>
    %or3A_2904 = arith.ori %shift_left3A_2900, %shift_right_logical3A_2903 : vector<80x128xi32>
    %xor3A_2905 = arith.xori %add3A_2897, %or3A_2904 : vector<80x128xi32>
    %add3A_2906 = arith.addi %add3A_2897, %xor3A_2905 : vector<80x128xi32>
    %shift_left3A_2907 = arith.constant 16 : i32
    %shift_left3A_2908 = vector.broadcast %shift_left3A_2907 : i32 to vector<80x128xi32>
    %shift_left3A_2909 = arith.shli %xor3A_2905, %shift_left3A_2908 : vector<80x128xi32>
    %shift_right_logical3A_2910 = arith.constant 16 : i32
    %shift_right_logical3A_2911 = vector.broadcast %shift_right_logical3A_2910 : i32 to vector<80x128xi32>
    %shift_right_logical3A_2912 = arith.shrui %xor3A_2905, %shift_right_logical3A_2911 : vector<80x128xi32>
    %or3A_2913 = arith.ori %shift_left3A_2909, %shift_right_logical3A_2912 : vector<80x128xi32>
    %xor3A_2914 = arith.xori %add3A_2906, %or3A_2913 : vector<80x128xi32>
    %add3A_2915 = arith.addi %add3A_2906, %xor3A_2914 : vector<80x128xi32>
    %shift_left3A_2916 = arith.constant 24 : i32
    %shift_left3A_2917 = vector.broadcast %shift_left3A_2916 : i32 to vector<80x128xi32>
    %shift_left3A_2918 = arith.shli %xor3A_2914, %shift_left3A_2917 : vector<80x128xi32>
    %shift_right_logical3A_2919 = arith.constant 8 : i32
    %shift_right_logical3A_2920 = vector.broadcast %shift_right_logical3A_2919 : i32 to vector<80x128xi32>
    %shift_right_logical3A_2921 = arith.shrui %xor3A_2914, %shift_right_logical3A_2920 : vector<80x128xi32>
    %or3A_2922 = arith.ori %shift_left3A_2918, %shift_right_logical3A_2921 : vector<80x128xi32>
    %xor3A_2923 = arith.xori %add3A_2915, %or3A_2922 : vector<80x128xi32>
    %add3A_2924 = arith.constant 42 : i32
    %add3A_2925 = vector.broadcast %add3A_2924 : i32 to vector<80x128xi32>
    %add3A_2926 = arith.addi %add3A_2915, %add3A_2925 : vector<80x128xi32>
    %add3A_2927 = arith.constant 466689012 : i32
    %add3A_2928 = vector.broadcast %add3A_2927 : i32 to vector<80x128xi32>
    %add3A_2929 = arith.addi %xor3A_2923, %add3A_2928 : vector<80x128xi32>
    %add3A_2930 = arith.addi %add3A_2926, %add3A_2929 : vector<80x128xi32>
    %shift_left3A_2931 = arith.constant 13 : i32
    %shift_left3A_2932 = vector.broadcast %shift_left3A_2931 : i32 to vector<80x128xi32>
    %shift_left3A_2933 = arith.shli %add3A_2929, %shift_left3A_2932 : vector<80x128xi32>
    %shift_right_logical3A_2934 = arith.constant 19 : i32
    %shift_right_logical3A_2935 = vector.broadcast %shift_right_logical3A_2934 : i32 to vector<80x128xi32>
    %shift_right_logical3A_2936 = arith.shrui %add3A_2929, %shift_right_logical3A_2935 : vector<80x128xi32>
    %or3A_2937 = arith.ori %shift_left3A_2933, %shift_right_logical3A_2936 : vector<80x128xi32>
    %xor3A_2938 = arith.xori %add3A_2930, %or3A_2937 : vector<80x128xi32>
    %add3A_2939 = arith.addi %add3A_2930, %xor3A_2938 : vector<80x128xi32>
    %shift_left3A_2940 = arith.constant 15 : i32
    %shift_left3A_2941 = vector.broadcast %shift_left3A_2940 : i32 to vector<80x128xi32>
    %shift_left3A_2942 = arith.shli %xor3A_2938, %shift_left3A_2941 : vector<80x128xi32>
    %shift_right_logical3A_2943 = arith.constant 17 : i32
    %shift_right_logical3A_2944 = vector.broadcast %shift_right_logical3A_2943 : i32 to vector<80x128xi32>
    %shift_right_logical3A_2945 = arith.shrui %xor3A_2938, %shift_right_logical3A_2944 : vector<80x128xi32>
    %or3A_2946 = arith.ori %shift_left3A_2942, %shift_right_logical3A_2945 : vector<80x128xi32>
    %xor3A_2947 = arith.xori %add3A_2939, %or3A_2946 : vector<80x128xi32>
    %add3A_2948 = arith.addi %add3A_2939, %xor3A_2947 : vector<80x128xi32>
    %shift_left3A_2949 = arith.constant 26 : i32
    %shift_left3A_2950 = vector.broadcast %shift_left3A_2949 : i32 to vector<80x128xi32>
    %shift_left3A_2951 = arith.shli %xor3A_2947, %shift_left3A_2950 : vector<80x128xi32>
    %shift_right_logical3A_2952 = arith.constant 6 : i32
    %shift_right_logical3A_2953 = vector.broadcast %shift_right_logical3A_2952 : i32 to vector<80x128xi32>
    %shift_right_logical3A_2954 = arith.shrui %xor3A_2947, %shift_right_logical3A_2953 : vector<80x128xi32>
    %or3A_2955 = arith.ori %shift_left3A_2951, %shift_right_logical3A_2954 : vector<80x128xi32>
    %xor3A_2956 = arith.xori %add3A_2948, %or3A_2955 : vector<80x128xi32>
    %add3A_2957 = arith.addi %add3A_2948, %xor3A_2956 : vector<80x128xi32>
    %shift_left3A_2958 = arith.constant 6 : i32
    %shift_left3A_2959 = vector.broadcast %shift_left3A_2958 : i32 to vector<80x128xi32>
    %shift_left3A_2960 = arith.shli %xor3A_2956, %shift_left3A_2959 : vector<80x128xi32>
    %shift_right_logical3A_2961 = arith.constant 26 : i32
    %shift_right_logical3A_2962 = vector.broadcast %shift_right_logical3A_2961 : i32 to vector<80x128xi32>
    %shift_right_logical3A_2963 = arith.shrui %xor3A_2956, %shift_right_logical3A_2962 : vector<80x128xi32>
    %or3A_2964 = arith.ori %shift_left3A_2960, %shift_right_logical3A_2963 : vector<80x128xi32>
    %xor3A_2965 = arith.xori %add3A_2957, %or3A_2964 : vector<80x128xi32>
    %add3A_2966 = arith.constant 466689008 : i32
    %add3A_2967 = vector.broadcast %add3A_2966 : i32 to vector<80x128xi32>
    %add3A_2968 = arith.addi %add3A_2957, %add3A_2967 : vector<80x128xi32>
    %add3A_2969 = arith.constant 5 : i32
    %add3A_2970 = vector.broadcast %add3A_2969 : i32 to vector<80x128xi32>
    %add3A_2971 = arith.addi %xor3A_2965, %add3A_2970 : vector<80x128xi32>
    %xor3A_2972 = arith.xori %add3A_2968, %add3A_2971 : vector<80x128xi32>
    %shift_right_logical3A_2973 = arith.constant 9 : i32
    %shift_right_logical3A_2974 = vector.broadcast %shift_right_logical3A_2973 : i32 to vector<80x128xi32>
    %shift_right_logical3A_2975 = arith.shrui %xor3A_2972, %shift_right_logical3A_2974 : vector<80x128xi32>
    %ge3A_2976 = vector.broadcast %get3A_0 : i32 to vector<80x128xi32>
    %ge3A_2977 = arith.cmpi sge, %shift_right_logical3A_2975, %ge3A_2976 : vector<80x128xi32>
    %get3A_2978 = arith.constant 960 : index
    %get3A_2979 = arith.constant 0 : index
    %get3A_2980 = vector.load %arg3[%get3A_2978, %get3A_2979] : memref<2000x128xf32, #tpu.memory_space<vmem>>, vector<80x128xf32>
    %mul3A_2981 = vector.broadcast %get3A_2 : f32 to vector<80x128xf32>
    %mul3A_2982 = arith.mulf %get3A_2980, %mul3A_2981 : vector<80x128xf32>
    %jit3A_2983 = arith.constant 0.000000e+00 : f32
    %broadcast_in_dim3A_2984 = vector.broadcast %jit3A_2983 : f32 to vector<80x128xf32>
    %select_n3A_2985 = arith.select %ge3A_2977, %mul3A_2982, %broadcast_in_dim3A_2984 : vector<80x128xi1>, vector<80x128xf32>
    %swap3A_2986 = arith.constant 960 : index
    %swap3A_2987 = arith.constant 0 : index
    %swap3A_2988 = vector.load %arg4[%swap3A_2986, %swap3A_2987] : memref<2000x128xf32, #tpu.memory_space<vmem>>, vector<80x128xf32>
    tpu.vector_store %arg4[%swap3A_2986, %swap3A_2987], %select_n3A_2985 {strides = array<i32>} : memref<2000x128xf32, #tpu.memory_space<vmem>>, vector<80x128xf32>,
    %add3A_2989 = arith.constant 133120 : i32
    %add3A_2990 = arith.addi %mul3A_6, %add3A_2989 : i32
    %add3A_2991 = vector.broadcast %add3A_2990 : i32 to vector<80x128xi32>
    %add3A_2992 = arith.addi %add3A, %add3A_2991 : vector<80x128xi32>
    %add3A_2993 = arith.constant 42 : i32
    %add3A_2994 = vector.broadcast %add3A_2993 : i32 to vector<80x128xi32>
    %add3A_2995 = arith.addi %add3A_2992, %add3A_2994 : vector<80x128xi32>
    %shift_left3A_2996 = arith.constant 13 : i32
    %shift_left3A_2997 = vector.broadcast %shift_left3A_2996 : i32 to vector<80x128xi32>
    %shift_left3A_2998 = arith.shli %add3A_2995, %shift_left3A_2997 : vector<80x128xi32>
    %shift_right_logical3A_2999 = arith.constant 19 : i32
    %shift_right_logical3A_3000 = vector.broadcast %shift_right_logical3A_2999 : i32 to vector<80x128xi32>
    %shift_right_logical3A_3001 = arith.shrui %add3A_2995, %shift_right_logical3A_3000 : vector<80x128xi32>
    %or3A_3002 = arith.ori %shift_left3A_2998, %shift_right_logical3A_3001 : vector<80x128xi32>
    %xor3A_3003 = arith.xori %add3A_2995, %or3A_3002 : vector<80x128xi32>
    %add3A_3004 = arith.addi %add3A_2995, %xor3A_3003 : vector<80x128xi32>
    %shift_left3A_3005 = arith.constant 15 : i32
    %shift_left3A_3006 = vector.broadcast %shift_left3A_3005 : i32 to vector<80x128xi32>
    %shift_left3A_3007 = arith.shli %xor3A_3003, %shift_left3A_3006 : vector<80x128xi32>
    %shift_right_logical3A_3008 = arith.constant 17 : i32
    %shift_right_logical3A_3009 = vector.broadcast %shift_right_logical3A_3008 : i32 to vector<80x128xi32>
    %shift_right_logical3A_3010 = arith.shrui %xor3A_3003, %shift_right_logical3A_3009 : vector<80x128xi32>
    %or3A_3011 = arith.ori %shift_left3A_3007, %shift_right_logical3A_3010 : vector<80x128xi32>
    %xor3A_3012 = arith.xori %add3A_3004, %or3A_3011 : vector<80x128xi32>
    %add3A_3013 = arith.addi %add3A_3004, %xor3A_3012 : vector<80x128xi32>
    %shift_left3A_3014 = arith.constant 26 : i32
    %shift_left3A_3015 = vector.broadcast %shift_left3A_3014 : i32 to vector<80x128xi32>
    %shift_left3A_3016 = arith.shli %xor3A_3012, %shift_left3A_3015 : vector<80x128xi32>
    %shift_right_logical3A_3017 = arith.constant 6 : i32
    %shift_right_logical3A_3018 = vector.broadcast %shift_right_logical3A_3017 : i32 to vector<80x128xi32>
    %shift_right_logical3A_3019 = arith.shrui %xor3A_3012, %shift_right_logical3A_3018 : vector<80x128xi32>
    %or3A_3020 = arith.ori %shift_left3A_3016, %shift_right_logical3A_3019 : vector<80x128xi32>
    %xor3A_3021 = arith.xori %add3A_3013, %or3A_3020 : vector<80x128xi32>
    %add3A_3022 = arith.addi %add3A_3013, %xor3A_3021 : vector<80x128xi32>
    %shift_left3A_3023 = arith.constant 6 : i32
    %shift_left3A_3024 = vector.broadcast %shift_left3A_3023 : i32 to vector<80x128xi32>
    %shift_left3A_3025 = arith.shli %xor3A_3021, %shift_left3A_3024 : vector<80x128xi32>
    %shift_right_logical3A_3026 = arith.constant 26 : i32
    %shift_right_logical3A_3027 = vector.broadcast %shift_right_logical3A_3026 : i32 to vector<80x128xi32>
    %shift_right_logical3A_3028 = arith.shrui %xor3A_3021, %shift_right_logical3A_3027 : vector<80x128xi32>
    %or3A_3029 = arith.ori %shift_left3A_3025, %shift_right_logical3A_3028 : vector<80x128xi32>
    %xor3A_3030 = arith.xori %add3A_3022, %or3A_3029 : vector<80x128xi32>
    %add3A_3031 = arith.constant 42 : i32
    %add3A_3032 = vector.broadcast %add3A_3031 : i32 to vector<80x128xi32>
    %add3A_3033 = arith.addi %add3A_3022, %add3A_3032 : vector<80x128xi32>
    %add3A_3034 = arith.constant 466689009 : i32
    %add3A_3035 = vector.broadcast %add3A_3034 : i32 to vector<80x128xi32>
    %add3A_3036 = arith.addi %xor3A_3030, %add3A_3035 : vector<80x128xi32>
    %add3A_3037 = arith.addi %add3A_3033, %add3A_3036 : vector<80x128xi32>
    %shift_left3A_3038 = arith.constant 17 : i32
    %shift_left3A_3039 = vector.broadcast %shift_left3A_3038 : i32 to vector<80x128xi32>
    %shift_left3A_3040 = arith.shli %add3A_3036, %shift_left3A_3039 : vector<80x128xi32>
    %shift_right_logical3A_3041 = arith.constant 15 : i32
    %shift_right_logical3A_3042 = vector.broadcast %shift_right_logical3A_3041 : i32 to vector<80x128xi32>
    %shift_right_logical3A_3043 = arith.shrui %add3A_3036, %shift_right_logical3A_3042 : vector<80x128xi32>
    %or3A_3044 = arith.ori %shift_left3A_3040, %shift_right_logical3A_3043 : vector<80x128xi32>
    %xor3A_3045 = arith.xori %add3A_3037, %or3A_3044 : vector<80x128xi32>
    %add3A_3046 = arith.addi %add3A_3037, %xor3A_3045 : vector<80x128xi32>
    %shift_left3A_3047 = arith.constant 29 : i32
    %shift_left3A_3048 = vector.broadcast %shift_left3A_3047 : i32 to vector<80x128xi32>
    %shift_left3A_3049 = arith.shli %xor3A_3045, %shift_left3A_3048 : vector<80x128xi32>
    %shift_right_logical3A_3050 = arith.constant 3 : i32
    %shift_right_logical3A_3051 = vector.broadcast %shift_right_logical3A_3050 : i32 to vector<80x128xi32>
    %shift_right_logical3A_3052 = arith.shrui %xor3A_3045, %shift_right_logical3A_3051 : vector<80x128xi32>
    %or3A_3053 = arith.ori %shift_left3A_3049, %shift_right_logical3A_3052 : vector<80x128xi32>
    %xor3A_3054 = arith.xori %add3A_3046, %or3A_3053 : vector<80x128xi32>
    %add3A_3055 = arith.addi %add3A_3046, %xor3A_3054 : vector<80x128xi32>
    %shift_left3A_3056 = arith.constant 16 : i32
    %shift_left3A_3057 = vector.broadcast %shift_left3A_3056 : i32 to vector<80x128xi32>
    %shift_left3A_3058 = arith.shli %xor3A_3054, %shift_left3A_3057 : vector<80x128xi32>
    %shift_right_logical3A_3059 = arith.constant 16 : i32
    %shift_right_logical3A_3060 = vector.broadcast %shift_right_logical3A_3059 : i32 to vector<80x128xi32>
    %shift_right_logical3A_3061 = arith.shrui %xor3A_3054, %shift_right_logical3A_3060 : vector<80x128xi32>
    %or3A_3062 = arith.ori %shift_left3A_3058, %shift_right_logical3A_3061 : vector<80x128xi32>
    %xor3A_3063 = arith.xori %add3A_3055, %or3A_3062 : vector<80x128xi32>
    %add3A_3064 = arith.addi %add3A_3055, %xor3A_3063 : vector<80x128xi32>
    %shift_left3A_3065 = arith.constant 24 : i32
    %shift_left3A_3066 = vector.broadcast %shift_left3A_3065 : i32 to vector<80x128xi32>
    %shift_left3A_3067 = arith.shli %xor3A_3063, %shift_left3A_3066 : vector<80x128xi32>
    %shift_right_logical3A_3068 = arith.constant 8 : i32
    %shift_right_logical3A_3069 = vector.broadcast %shift_right_logical3A_3068 : i32 to vector<80x128xi32>
    %shift_right_logical3A_3070 = arith.shrui %xor3A_3063, %shift_right_logical3A_3069 : vector<80x128xi32>
    %or3A_3071 = arith.ori %shift_left3A_3067, %shift_right_logical3A_3070 : vector<80x128xi32>
    %xor3A_3072 = arith.xori %add3A_3064, %or3A_3071 : vector<80x128xi32>
    %add3A_3073 = arith.constant 466689008 : i32
    %add3A_3074 = vector.broadcast %add3A_3073 : i32 to vector<80x128xi32>
    %add3A_3075 = arith.addi %add3A_3064, %add3A_3074 : vector<80x128xi32>
    %add3A_3076 = arith.constant 2 : i32
    %add3A_3077 = vector.broadcast %add3A_3076 : i32 to vector<80x128xi32>
    %add3A_3078 = arith.addi %xor3A_3072, %add3A_3077 : vector<80x128xi32>
    %add3A_3079 = arith.addi %add3A_3075, %add3A_3078 : vector<80x128xi32>
    %shift_left3A_3080 = arith.constant 13 : i32
    %shift_left3A_3081 = vector.broadcast %shift_left3A_3080 : i32 to vector<80x128xi32>
    %shift_left3A_3082 = arith.shli %add3A_3078, %shift_left3A_3081 : vector<80x128xi32>
    %shift_right_logical3A_3083 = arith.constant 19 : i32
    %shift_right_logical3A_3084 = vector.broadcast %shift_right_logical3A_3083 : i32 to vector<80x128xi32>
    %shift_right_logical3A_3085 = arith.shrui %add3A_3078, %shift_right_logical3A_3084 : vector<80x128xi32>
    %or3A_3086 = arith.ori %shift_left3A_3082, %shift_right_logical3A_3085 : vector<80x128xi32>
    %xor3A_3087 = arith.xori %add3A_3079, %or3A_3086 : vector<80x128xi32>
    %add3A_3088 = arith.addi %add3A_3079, %xor3A_3087 : vector<80x128xi32>
    %shift_left3A_3089 = arith.constant 15 : i32
    %shift_left3A_3090 = vector.broadcast %shift_left3A_3089 : i32 to vector<80x128xi32>
    %shift_left3A_3091 = arith.shli %xor3A_3087, %shift_left3A_3090 : vector<80x128xi32>
    %shift_right_logical3A_3092 = arith.constant 17 : i32
    %shift_right_logical3A_3093 = vector.broadcast %shift_right_logical3A_3092 : i32 to vector<80x128xi32>
    %shift_right_logical3A_3094 = arith.shrui %xor3A_3087, %shift_right_logical3A_3093 : vector<80x128xi32>
    %or3A_3095 = arith.ori %shift_left3A_3091, %shift_right_logical3A_3094 : vector<80x128xi32>
    %xor3A_3096 = arith.xori %add3A_3088, %or3A_3095 : vector<80x128xi32>
    %add3A_3097 = arith.addi %add3A_3088, %xor3A_3096 : vector<80x128xi32>
    %shift_left3A_3098 = arith.constant 26 : i32
    %shift_left3A_3099 = vector.broadcast %shift_left3A_3098 : i32 to vector<80x128xi32>
    %shift_left3A_3100 = arith.shli %xor3A_3096, %shift_left3A_3099 : vector<80x128xi32>
    %shift_right_logical3A_3101 = arith.constant 6 : i32
    %shift_right_logical3A_3102 = vector.broadcast %shift_right_logical3A_3101 : i32 to vector<80x128xi32>
    %shift_right_logical3A_3103 = arith.shrui %xor3A_3096, %shift_right_logical3A_3102 : vector<80x128xi32>
    %or3A_3104 = arith.ori %shift_left3A_3100, %shift_right_logical3A_3103 : vector<80x128xi32>
    %xor3A_3105 = arith.xori %add3A_3097, %or3A_3104 : vector<80x128xi32>
    %add3A_3106 = arith.addi %add3A_3097, %xor3A_3105 : vector<80x128xi32>
    %shift_left3A_3107 = arith.constant 6 : i32
    %shift_left3A_3108 = vector.broadcast %shift_left3A_3107 : i32 to vector<80x128xi32>
    %shift_left3A_3109 = arith.shli %xor3A_3105, %shift_left3A_3108 : vector<80x128xi32>
    %shift_right_logical3A_3110 = arith.constant 26 : i32
    %shift_right_logical3A_3111 = vector.broadcast %shift_right_logical3A_3110 : i32 to vector<80x128xi32>
    %shift_right_logical3A_3112 = arith.shrui %xor3A_3105, %shift_right_logical3A_3111 : vector<80x128xi32>
    %or3A_3113 = arith.ori %shift_left3A_3109, %shift_right_logical3A_3112 : vector<80x128xi32>
    %xor3A_3114 = arith.xori %add3A_3106, %or3A_3113 : vector<80x128xi32>
    %add3A_3115 = arith.constant 45 : i32
    %add3A_3116 = vector.broadcast %add3A_3115 : i32 to vector<80x128xi32>
    %add3A_3117 = arith.addi %xor3A_3114, %add3A_3116 : vector<80x128xi32>
    %add3A_3118 = arith.addi %add3A_3106, %add3A_3117 : vector<80x128xi32>
    %shift_left3A_3119 = arith.constant 17 : i32
    %shift_left3A_3120 = vector.broadcast %shift_left3A_3119 : i32 to vector<80x128xi32>
    %shift_left3A_3121 = arith.shli %add3A_3117, %shift_left3A_3120 : vector<80x128xi32>
    %shift_right_logical3A_3122 = arith.constant 15 : i32
    %shift_right_logical3A_3123 = vector.broadcast %shift_right_logical3A_3122 : i32 to vector<80x128xi32>
    %shift_right_logical3A_3124 = arith.shrui %add3A_3117, %shift_right_logical3A_3123 : vector<80x128xi32>
    %or3A_3125 = arith.ori %shift_left3A_3121, %shift_right_logical3A_3124 : vector<80x128xi32>
    %xor3A_3126 = arith.xori %add3A_3118, %or3A_3125 : vector<80x128xi32>
    %add3A_3127 = arith.addi %add3A_3118, %xor3A_3126 : vector<80x128xi32>
    %shift_left3A_3128 = arith.constant 29 : i32
    %shift_left3A_3129 = vector.broadcast %shift_left3A_3128 : i32 to vector<80x128xi32>
    %shift_left3A_3130 = arith.shli %xor3A_3126, %shift_left3A_3129 : vector<80x128xi32>
    %shift_right_logical3A_3131 = arith.constant 3 : i32
    %shift_right_logical3A_3132 = vector.broadcast %shift_right_logical3A_3131 : i32 to vector<80x128xi32>
    %shift_right_logical3A_3133 = arith.shrui %xor3A_3126, %shift_right_logical3A_3132 : vector<80x128xi32>
    %or3A_3134 = arith.ori %shift_left3A_3130, %shift_right_logical3A_3133 : vector<80x128xi32>
    %xor3A_3135 = arith.xori %add3A_3127, %or3A_3134 : vector<80x128xi32>
    %add3A_3136 = arith.addi %add3A_3127, %xor3A_3135 : vector<80x128xi32>
    %shift_left3A_3137 = arith.constant 16 : i32
    %shift_left3A_3138 = vector.broadcast %shift_left3A_3137 : i32 to vector<80x128xi32>
    %shift_left3A_3139 = arith.shli %xor3A_3135, %shift_left3A_3138 : vector<80x128xi32>
    %shift_right_logical3A_3140 = arith.constant 16 : i32
    %shift_right_logical3A_3141 = vector.broadcast %shift_right_logical3A_3140 : i32 to vector<80x128xi32>
    %shift_right_logical3A_3142 = arith.shrui %xor3A_3135, %shift_right_logical3A_3141 : vector<80x128xi32>
    %or3A_3143 = arith.ori %shift_left3A_3139, %shift_right_logical3A_3142 : vector<80x128xi32>
    %xor3A_3144 = arith.xori %add3A_3136, %or3A_3143 : vector<80x128xi32>
    %add3A_3145 = arith.addi %add3A_3136, %xor3A_3144 : vector<80x128xi32>
    %shift_left3A_3146 = arith.constant 24 : i32
    %shift_left3A_3147 = vector.broadcast %shift_left3A_3146 : i32 to vector<80x128xi32>
    %shift_left3A_3148 = arith.shli %xor3A_3144, %shift_left3A_3147 : vector<80x128xi32>
    %shift_right_logical3A_3149 = arith.constant 8 : i32
    %shift_right_logical3A_3150 = vector.broadcast %shift_right_logical3A_3149 : i32 to vector<80x128xi32>
    %shift_right_logical3A_3151 = arith.shrui %xor3A_3144, %shift_right_logical3A_3150 : vector<80x128xi32>
    %or3A_3152 = arith.ori %shift_left3A_3148, %shift_right_logical3A_3151 : vector<80x128xi32>
    %xor3A_3153 = arith.xori %add3A_3145, %or3A_3152 : vector<80x128xi32>
    %add3A_3154 = arith.constant 42 : i32
    %add3A_3155 = vector.broadcast %add3A_3154 : i32 to vector<80x128xi32>
    %add3A_3156 = arith.addi %add3A_3145, %add3A_3155 : vector<80x128xi32>
    %add3A_3157 = arith.constant 466689012 : i32
    %add3A_3158 = vector.broadcast %add3A_3157 : i32 to vector<80x128xi32>
    %add3A_3159 = arith.addi %xor3A_3153, %add3A_3158 : vector<80x128xi32>
    %add3A_3160 = arith.addi %add3A_3156, %add3A_3159 : vector<80x128xi32>
    %shift_left3A_3161 = arith.constant 13 : i32
    %shift_left3A_3162 = vector.broadcast %shift_left3A_3161 : i32 to vector<80x128xi32>
    %shift_left3A_3163 = arith.shli %add3A_3159, %shift_left3A_3162 : vector<80x128xi32>
    %shift_right_logical3A_3164 = arith.constant 19 : i32
    %shift_right_logical3A_3165 = vector.broadcast %shift_right_logical3A_3164 : i32 to vector<80x128xi32>
    %shift_right_logical3A_3166 = arith.shrui %add3A_3159, %shift_right_logical3A_3165 : vector<80x128xi32>
    %or3A_3167 = arith.ori %shift_left3A_3163, %shift_right_logical3A_3166 : vector<80x128xi32>
    %xor3A_3168 = arith.xori %add3A_3160, %or3A_3167 : vector<80x128xi32>
    %add3A_3169 = arith.addi %add3A_3160, %xor3A_3168 : vector<80x128xi32>
    %shift_left3A_3170 = arith.constant 15 : i32
    %shift_left3A_3171 = vector.broadcast %shift_left3A_3170 : i32 to vector<80x128xi32>
    %shift_left3A_3172 = arith.shli %xor3A_3168, %shift_left3A_3171 : vector<80x128xi32>
    %shift_right_logical3A_3173 = arith.constant 17 : i32
    %shift_right_logical3A_3174 = vector.broadcast %shift_right_logical3A_3173 : i32 to vector<80x128xi32>
    %shift_right_logical3A_3175 = arith.shrui %xor3A_3168, %shift_right_logical3A_3174 : vector<80x128xi32>
    %or3A_3176 = arith.ori %shift_left3A_3172, %shift_right_logical3A_3175 : vector<80x128xi32>
    %xor3A_3177 = arith.xori %add3A_3169, %or3A_3176 : vector<80x128xi32>
    %add3A_3178 = arith.addi %add3A_3169, %xor3A_3177 : vector<80x128xi32>
    %shift_left3A_3179 = arith.constant 26 : i32
    %shift_left3A_3180 = vector.broadcast %shift_left3A_3179 : i32 to vector<80x128xi32>
    %shift_left3A_3181 = arith.shli %xor3A_3177, %shift_left3A_3180 : vector<80x128xi32>
    %shift_right_logical3A_3182 = arith.constant 6 : i32
    %shift_right_logical3A_3183 = vector.broadcast %shift_right_logical3A_3182 : i32 to vector<80x128xi32>
    %shift_right_logical3A_3184 = arith.shrui %xor3A_3177, %shift_right_logical3A_3183 : vector<80x128xi32>
    %or3A_3185 = arith.ori %shift_left3A_3181, %shift_right_logical3A_3184 : vector<80x128xi32>
    %xor3A_3186 = arith.xori %add3A_3178, %or3A_3185 : vector<80x128xi32>
    %add3A_3187 = arith.addi %add3A_3178, %xor3A_3186 : vector<80x128xi32>
    %shift_left3A_3188 = arith.constant 6 : i32
    %shift_left3A_3189 = vector.broadcast %shift_left3A_3188 : i32 to vector<80x128xi32>
    %shift_left3A_3190 = arith.shli %xor3A_3186, %shift_left3A_3189 : vector<80x128xi32>
    %shift_right_logical3A_3191 = arith.constant 26 : i32
    %shift_right_logical3A_3192 = vector.broadcast %shift_right_logical3A_3191 : i32 to vector<80x128xi32>
    %shift_right_logical3A_3193 = arith.shrui %xor3A_3186, %shift_right_logical3A_3192 : vector<80x128xi32>
    %or3A_3194 = arith.ori %shift_left3A_3190, %shift_right_logical3A_3193 : vector<80x128xi32>
    %xor3A_3195 = arith.xori %add3A_3187, %or3A_3194 : vector<80x128xi32>
    %add3A_3196 = arith.constant 466689008 : i32
    %add3A_3197 = vector.broadcast %add3A_3196 : i32 to vector<80x128xi32>
    %add3A_3198 = arith.addi %add3A_3187, %add3A_3197 : vector<80x128xi32>
    %add3A_3199 = arith.constant 5 : i32
    %add3A_3200 = vector.broadcast %add3A_3199 : i32 to vector<80x128xi32>
    %add3A_3201 = arith.addi %xor3A_3195, %add3A_3200 : vector<80x128xi32>
    %xor3A_3202 = arith.xori %add3A_3198, %add3A_3201 : vector<80x128xi32>
    %shift_right_logical3A_3203 = arith.constant 9 : i32
    %shift_right_logical3A_3204 = vector.broadcast %shift_right_logical3A_3203 : i32 to vector<80x128xi32>
    %shift_right_logical3A_3205 = arith.shrui %xor3A_3202, %shift_right_logical3A_3204 : vector<80x128xi32>
    %ge3A_3206 = vector.broadcast %get3A_0 : i32 to vector<80x128xi32>
    %ge3A_3207 = arith.cmpi sge, %shift_right_logical3A_3205, %ge3A_3206 : vector<80x128xi32>
    %get3A_3208 = arith.constant 1040 : index
    %get3A_3209 = arith.constant 0 : index
    %get3A_3210 = vector.load %arg3[%get3A_3208, %get3A_3209] : memref<2000x128xf32, #tpu.memory_space<vmem>>, vector<80x128xf32>
    %mul3A_3211 = vector.broadcast %get3A_2 : f32 to vector<80x128xf32>
    %mul3A_3212 = arith.mulf %get3A_3210, %mul3A_3211 : vector<80x128xf32>
    %jit3A_3213 = arith.constant 0.000000e+00 : f32
    %broadcast_in_dim3A_3214 = vector.broadcast %jit3A_3213 : f32 to vector<80x128xf32>
    %select_n3A_3215 = arith.select %ge3A_3207, %mul3A_3212, %broadcast_in_dim3A_3214 : vector<80x128xi1>, vector<80x128xf32>
    %swap3A_3216 = arith.constant 1040 : index
    %swap3A_3217 = arith.constant 0 : index
    %swap3A_3218 = vector.load %arg4[%swap3A_3216, %swap3A_3217] : memref<2000x128xf32, #tpu.memory_space<vmem>>, vector<80x128xf32>
    tpu.vector_store %arg4[%swap3A_3216, %swap3A_3217], %select_n3A_3215 {strides = array<i32>} : memref<2000x128xf32, #tpu.memory_space<vmem>>, vector<80x128xf32>,
    %add3A_3219 = arith.constant 143360 : i32
    %add3A_3220 = arith.addi %mul3A_6, %add3A_3219 : i32
    %add3A_3221 = vector.broadcast %add3A_3220 : i32 to vector<80x128xi32>
    %add3A_3222 = arith.addi %add3A, %add3A_3221 : vector<80x128xi32>
    %add3A_3223 = arith.constant 42 : i32
    %add3A_3224 = vector.broadcast %add3A_3223 : i32 to vector<80x128xi32>
    %add3A_3225 = arith.addi %add3A_3222, %add3A_3224 : vector<80x128xi32>
    %shift_left3A_3226 = arith.constant 13 : i32
    %shift_left3A_3227 = vector.broadcast %shift_left3A_3226 : i32 to vector<80x128xi32>
    %shift_left3A_3228 = arith.shli %add3A_3225, %shift_left3A_3227 : vector<80x128xi32>
    %shift_right_logical3A_3229 = arith.constant 19 : i32
    %shift_right_logical3A_3230 = vector.broadcast %shift_right_logical3A_3229 : i32 to vector<80x128xi32>
    %shift_right_logical3A_3231 = arith.shrui %add3A_3225, %shift_right_logical3A_3230 : vector<80x128xi32>
    %or3A_3232 = arith.ori %shift_left3A_3228, %shift_right_logical3A_3231 : vector<80x128xi32>
    %xor3A_3233 = arith.xori %add3A_3225, %or3A_3232 : vector<80x128xi32>
    %add3A_3234 = arith.addi %add3A_3225, %xor3A_3233 : vector<80x128xi32>
    %shift_left3A_3235 = arith.constant 15 : i32
    %shift_left3A_3236 = vector.broadcast %shift_left3A_3235 : i32 to vector<80x128xi32>
    %shift_left3A_3237 = arith.shli %xor3A_3233, %shift_left3A_3236 : vector<80x128xi32>
    %shift_right_logical3A_3238 = arith.constant 17 : i32
    %shift_right_logical3A_3239 = vector.broadcast %shift_right_logical3A_3238 : i32 to vector<80x128xi32>
    %shift_right_logical3A_3240 = arith.shrui %xor3A_3233, %shift_right_logical3A_3239 : vector<80x128xi32>
    %or3A_3241 = arith.ori %shift_left3A_3237, %shift_right_logical3A_3240 : vector<80x128xi32>
    %xor3A_3242 = arith.xori %add3A_3234, %or3A_3241 : vector<80x128xi32>
    %add3A_3243 = arith.addi %add3A_3234, %xor3A_3242 : vector<80x128xi32>
    %shift_left3A_3244 = arith.constant 26 : i32
    %shift_left3A_3245 = vector.broadcast %shift_left3A_3244 : i32 to vector<80x128xi32>
    %shift_left3A_3246 = arith.shli %xor3A_3242, %shift_left3A_3245 : vector<80x128xi32>
    %shift_right_logical3A_3247 = arith.constant 6 : i32
    %shift_right_logical3A_3248 = vector.broadcast %shift_right_logical3A_3247 : i32 to vector<80x128xi32>
    %shift_right_logical3A_3249 = arith.shrui %xor3A_3242, %shift_right_logical3A_3248 : vector<80x128xi32>
    %or3A_3250 = arith.ori %shift_left3A_3246, %shift_right_logical3A_3249 : vector<80x128xi32>
    %xor3A_3251 = arith.xori %add3A_3243, %or3A_3250 : vector<80x128xi32>
    %add3A_3252 = arith.addi %add3A_3243, %xor3A_3251 : vector<80x128xi32>
    %shift_left3A_3253 = arith.constant 6 : i32
    %shift_left3A_3254 = vector.broadcast %shift_left3A_3253 : i32 to vector<80x128xi32>
    %shift_left3A_3255 = arith.shli %xor3A_3251, %shift_left3A_3254 : vector<80x128xi32>
    %shift_right_logical3A_3256 = arith.constant 26 : i32
    %shift_right_logical3A_3257 = vector.broadcast %shift_right_logical3A_3256 : i32 to vector<80x128xi32>
    %shift_right_logical3A_3258 = arith.shrui %xor3A_3251, %shift_right_logical3A_3257 : vector<80x128xi32>
    %or3A_3259 = arith.ori %shift_left3A_3255, %shift_right_logical3A_3258 : vector<80x128xi32>
    %xor3A_3260 = arith.xori %add3A_3252, %or3A_3259 : vector<80x128xi32>
    %add3A_3261 = arith.constant 42 : i32
    %add3A_3262 = vector.broadcast %add3A_3261 : i32 to vector<80x128xi32>
    %add3A_3263 = arith.addi %add3A_3252, %add3A_3262 : vector<80x128xi32>
    %add3A_3264 = arith.constant 466689009 : i32
    %add3A_3265 = vector.broadcast %add3A_3264 : i32 to vector<80x128xi32>
    %add3A_3266 = arith.addi %xor3A_3260, %add3A_3265 : vector<80x128xi32>
    %add3A_3267 = arith.addi %add3A_3263, %add3A_3266 : vector<80x128xi32>
    %shift_left3A_3268 = arith.constant 17 : i32
    %shift_left3A_3269 = vector.broadcast %shift_left3A_3268 : i32 to vector<80x128xi32>
    %shift_left3A_3270 = arith.shli %add3A_3266, %shift_left3A_3269 : vector<80x128xi32>
    %shift_right_logical3A_3271 = arith.constant 15 : i32
    %shift_right_logical3A_3272 = vector.broadcast %shift_right_logical3A_3271 : i32 to vector<80x128xi32>
    %shift_right_logical3A_3273 = arith.shrui %add3A_3266, %shift_right_logical3A_3272 : vector<80x128xi32>
    %or3A_3274 = arith.ori %shift_left3A_3270, %shift_right_logical3A_3273 : vector<80x128xi32>
    %xor3A_3275 = arith.xori %add3A_3267, %or3A_3274 : vector<80x128xi32>
    %add3A_3276 = arith.addi %add3A_3267, %xor3A_3275 : vector<80x128xi32>
    %shift_left3A_3277 = arith.constant 29 : i32
    %shift_left3A_3278 = vector.broadcast %shift_left3A_3277 : i32 to vector<80x128xi32>
    %shift_left3A_3279 = arith.shli %xor3A_3275, %shift_left3A_3278 : vector<80x128xi32>
    %shift_right_logical3A_3280 = arith.constant 3 : i32
    %shift_right_logical3A_3281 = vector.broadcast %shift_right_logical3A_3280 : i32 to vector<80x128xi32>
    %shift_right_logical3A_3282 = arith.shrui %xor3A_3275, %shift_right_logical3A_3281 : vector<80x128xi32>
    %or3A_3283 = arith.ori %shift_left3A_3279, %shift_right_logical3A_3282 : vector<80x128xi32>
    %xor3A_3284 = arith.xori %add3A_3276, %or3A_3283 : vector<80x128xi32>
    %add3A_3285 = arith.addi %add3A_3276, %xor3A_3284 : vector<80x128xi32>
    %shift_left3A_3286 = arith.constant 16 : i32
    %shift_left3A_3287 = vector.broadcast %shift_left3A_3286 : i32 to vector<80x128xi32>
    %shift_left3A_3288 = arith.shli %xor3A_3284, %shift_left3A_3287 : vector<80x128xi32>
    %shift_right_logical3A_3289 = arith.constant 16 : i32
    %shift_right_logical3A_3290 = vector.broadcast %shift_right_logical3A_3289 : i32 to vector<80x128xi32>
    %shift_right_logical3A_3291 = arith.shrui %xor3A_3284, %shift_right_logical3A_3290 : vector<80x128xi32>
    %or3A_3292 = arith.ori %shift_left3A_3288, %shift_right_logical3A_3291 : vector<80x128xi32>
    %xor3A_3293 = arith.xori %add3A_3285, %or3A_3292 : vector<80x128xi32>
    %add3A_3294 = arith.addi %add3A_3285, %xor3A_3293 : vector<80x128xi32>
    %shift_left3A_3295 = arith.constant 24 : i32
    %shift_left3A_3296 = vector.broadcast %shift_left3A_3295 : i32 to vector<80x128xi32>
    %shift_left3A_3297 = arith.shli %xor3A_3293, %shift_left3A_3296 : vector<80x128xi32>
    %shift_right_logical3A_3298 = arith.constant 8 : i32
    %shift_right_logical3A_3299 = vector.broadcast %shift_right_logical3A_3298 : i32 to vector<80x128xi32>
    %shift_right_logical3A_3300 = arith.shrui %xor3A_3293, %shift_right_logical3A_3299 : vector<80x128xi32>
    %or3A_3301 = arith.ori %shift_left3A_3297, %shift_right_logical3A_3300 : vector<80x128xi32>
    %xor3A_3302 = arith.xori %add3A_3294, %or3A_3301 : vector<80x128xi32>
    %add3A_3303 = arith.constant 466689008 : i32
    %add3A_3304 = vector.broadcast %add3A_3303 : i32 to vector<80x128xi32>
    %add3A_3305 = arith.addi %add3A_3294, %add3A_3304 : vector<80x128xi32>
    %add3A_3306 = arith.constant 2 : i32
    %add3A_3307 = vector.broadcast %add3A_3306 : i32 to vector<80x128xi32>
    %add3A_3308 = arith.addi %xor3A_3302, %add3A_3307 : vector<80x128xi32>
    %add3A_3309 = arith.addi %add3A_3305, %add3A_3308 : vector<80x128xi32>
    %shift_left3A_3310 = arith.constant 13 : i32
    %shift_left3A_3311 = vector.broadcast %shift_left3A_3310 : i32 to vector<80x128xi32>
    %shift_left3A_3312 = arith.shli %add3A_3308, %shift_left3A_3311 : vector<80x128xi32>
    %shift_right_logical3A_3313 = arith.constant 19 : i32
    %shift_right_logical3A_3314 = vector.broadcast %shift_right_logical3A_3313 : i32 to vector<80x128xi32>
    %shift_right_logical3A_3315 = arith.shrui %add3A_3308, %shift_right_logical3A_3314 : vector<80x128xi32>
    %or3A_3316 = arith.ori %shift_left3A_3312, %shift_right_logical3A_3315 : vector<80x128xi32>
    %xor3A_3317 = arith.xori %add3A_3309, %or3A_3316 : vector<80x128xi32>
    %add3A_3318 = arith.addi %add3A_3309, %xor3A_3317 : vector<80x128xi32>
    %shift_left3A_3319 = arith.constant 15 : i32
    %shift_left3A_3320 = vector.broadcast %shift_left3A_3319 : i32 to vector<80x128xi32>
    %shift_left3A_3321 = arith.shli %xor3A_3317, %shift_left3A_3320 : vector<80x128xi32>
    %shift_right_logical3A_3322 = arith.constant 17 : i32
    %shift_right_logical3A_3323 = vector.broadcast %shift_right_logical3A_3322 : i32 to vector<80x128xi32>
    %shift_right_logical3A_3324 = arith.shrui %xor3A_3317, %shift_right_logical3A_3323 : vector<80x128xi32>
    %or3A_3325 = arith.ori %shift_left3A_3321, %shift_right_logical3A_3324 : vector<80x128xi32>
    %xor3A_3326 = arith.xori %add3A_3318, %or3A_3325 : vector<80x128xi32>
    %add3A_3327 = arith.addi %add3A_3318, %xor3A_3326 : vector<80x128xi32>
    %shift_left3A_3328 = arith.constant 26 : i32
    %shift_left3A_3329 = vector.broadcast %shift_left3A_3328 : i32 to vector<80x128xi32>
    %shift_left3A_3330 = arith.shli %xor3A_3326, %shift_left3A_3329 : vector<80x128xi32>
    %shift_right_logical3A_3331 = arith.constant 6 : i32
    %shift_right_logical3A_3332 = vector.broadcast %shift_right_logical3A_3331 : i32 to vector<80x128xi32>
    %shift_right_logical3A_3333 = arith.shrui %xor3A_3326, %shift_right_logical3A_3332 : vector<80x128xi32>
    %or3A_3334 = arith.ori %shift_left3A_3330, %shift_right_logical3A_3333 : vector<80x128xi32>
    %xor3A_3335 = arith.xori %add3A_3327, %or3A_3334 : vector<80x128xi32>
    %add3A_3336 = arith.addi %add3A_3327, %xor3A_3335 : vector<80x128xi32>
    %shift_left3A_3337 = arith.constant 6 : i32
    %shift_left3A_3338 = vector.broadcast %shift_left3A_3337 : i32 to vector<80x128xi32>
    %shift_left3A_3339 = arith.shli %xor3A_3335, %shift_left3A_3338 : vector<80x128xi32>
    %shift_right_logical3A_3340 = arith.constant 26 : i32
    %shift_right_logical3A_3341 = vector.broadcast %shift_right_logical3A_3340 : i32 to vector<80x128xi32>
    %shift_right_logical3A_3342 = arith.shrui %xor3A_3335, %shift_right_logical3A_3341 : vector<80x128xi32>
    %or3A_3343 = arith.ori %shift_left3A_3339, %shift_right_logical3A_3342 : vector<80x128xi32>
    %xor3A_3344 = arith.xori %add3A_3336, %or3A_3343 : vector<80x128xi32>
    %add3A_3345 = arith.constant 45 : i32
    %add3A_3346 = vector.broadcast %add3A_3345 : i32 to vector<80x128xi32>
    %add3A_3347 = arith.addi %xor3A_3344, %add3A_3346 : vector<80x128xi32>
    %add3A_3348 = arith.addi %add3A_3336, %add3A_3347 : vector<80x128xi32>
    %shift_left3A_3349 = arith.constant 17 : i32
    %shift_left3A_3350 = vector.broadcast %shift_left3A_3349 : i32 to vector<80x128xi32>
    %shift_left3A_3351 = arith.shli %add3A_3347, %shift_left3A_3350 : vector<80x128xi32>
    %shift_right_logical3A_3352 = arith.constant 15 : i32
    %shift_right_logical3A_3353 = vector.broadcast %shift_right_logical3A_3352 : i32 to vector<80x128xi32>
    %shift_right_logical3A_3354 = arith.shrui %add3A_3347, %shift_right_logical3A_3353 : vector<80x128xi32>
    %or3A_3355 = arith.ori %shift_left3A_3351, %shift_right_logical3A_3354 : vector<80x128xi32>
    %xor3A_3356 = arith.xori %add3A_3348, %or3A_3355 : vector<80x128xi32>
    %add3A_3357 = arith.addi %add3A_3348, %xor3A_3356 : vector<80x128xi32>
    %shift_left3A_3358 = arith.constant 29 : i32
    %shift_left3A_3359 = vector.broadcast %shift_left3A_3358 : i32 to vector<80x128xi32>
    %shift_left3A_3360 = arith.shli %xor3A_3356, %shift_left3A_3359 : vector<80x128xi32>
    %shift_right_logical3A_3361 = arith.constant 3 : i32
    %shift_right_logical3A_3362 = vector.broadcast %shift_right_logical3A_3361 : i32 to vector<80x128xi32>
    %shift_right_logical3A_3363 = arith.shrui %xor3A_3356, %shift_right_logical3A_3362 : vector<80x128xi32>
    %or3A_3364 = arith.ori %shift_left3A_3360, %shift_right_logical3A_3363 : vector<80x128xi32>
    %xor3A_3365 = arith.xori %add3A_3357, %or3A_3364 : vector<80x128xi32>
    %add3A_3366 = arith.addi %add3A_3357, %xor3A_3365 : vector<80x128xi32>
    %shift_left3A_3367 = arith.constant 16 : i32
    %shift_left3A_3368 = vector.broadcast %shift_left3A_3367 : i32 to vector<80x128xi32>
    %shift_left3A_3369 = arith.shli %xor3A_3365, %shift_left3A_3368 : vector<80x128xi32>
    %shift_right_logical3A_3370 = arith.constant 16 : i32
    %shift_right_logical3A_3371 = vector.broadcast %shift_right_logical3A_3370 : i32 to vector<80x128xi32>
    %shift_right_logical3A_3372 = arith.shrui %xor3A_3365, %shift_right_logical3A_3371 : vector<80x128xi32>
    %or3A_3373 = arith.ori %shift_left3A_3369, %shift_right_logical3A_3372 : vector<80x128xi32>
    %xor3A_3374 = arith.xori %add3A_3366, %or3A_3373 : vector<80x128xi32>
    %add3A_3375 = arith.addi %add3A_3366, %xor3A_3374 : vector<80x128xi32>
    %shift_left3A_3376 = arith.constant 24 : i32
    %shift_left3A_3377 = vector.broadcast %shift_left3A_3376 : i32 to vector<80x128xi32>
    %shift_left3A_3378 = arith.shli %xor3A_3374, %shift_left3A_3377 : vector<80x128xi32>
    %shift_right_logical3A_3379 = arith.constant 8 : i32
    %shift_right_logical3A_3380 = vector.broadcast %shift_right_logical3A_3379 : i32 to vector<80x128xi32>
    %shift_right_logical3A_3381 = arith.shrui %xor3A_3374, %shift_right_logical3A_3380 : vector<80x128xi32>
    %or3A_3382 = arith.ori %shift_left3A_3378, %shift_right_logical3A_3381 : vector<80x128xi32>
    %xor3A_3383 = arith.xori %add3A_3375, %or3A_3382 : vector<80x128xi32>
    %add3A_3384 = arith.constant 42 : i32
    %add3A_3385 = vector.broadcast %add3A_3384 : i32 to vector<80x128xi32>
    %add3A_3386 = arith.addi %add3A_3375, %add3A_3385 : vector<80x128xi32>
    %add3A_3387 = arith.constant 466689012 : i32
    %add3A_3388 = vector.broadcast %add3A_3387 : i32 to vector<80x128xi32>
    %add3A_3389 = arith.addi %xor3A_3383, %add3A_3388 : vector<80x128xi32>
    %add3A_3390 = arith.addi %add3A_3386, %add3A_3389 : vector<80x128xi32>
    %shift_left3A_3391 = arith.constant 13 : i32
    %shift_left3A_3392 = vector.broadcast %shift_left3A_3391 : i32 to vector<80x128xi32>
    %shift_left3A_3393 = arith.shli %add3A_3389, %shift_left3A_3392 : vector<80x128xi32>
    %shift_right_logical3A_3394 = arith.constant 19 : i32
    %shift_right_logical3A_3395 = vector.broadcast %shift_right_logical3A_3394 : i32 to vector<80x128xi32>
    %shift_right_logical3A_3396 = arith.shrui %add3A_3389, %shift_right_logical3A_3395 : vector<80x128xi32>
    %or3A_3397 = arith.ori %shift_left3A_3393, %shift_right_logical3A_3396 : vector<80x128xi32>
    %xor3A_3398 = arith.xori %add3A_3390, %or3A_3397 : vector<80x128xi32>
    %add3A_3399 = arith.addi %add3A_3390, %xor3A_3398 : vector<80x128xi32>
    %shift_left3A_3400 = arith.constant 15 : i32
    %shift_left3A_3401 = vector.broadcast %shift_left3A_3400 : i32 to vector<80x128xi32>
    %shift_left3A_3402 = arith.shli %xor3A_3398, %shift_left3A_3401 : vector<80x128xi32>
    %shift_right_logical3A_3403 = arith.constant 17 : i32
    %shift_right_logical3A_3404 = vector.broadcast %shift_right_logical3A_3403 : i32 to vector<80x128xi32>
    %shift_right_logical3A_3405 = arith.shrui %xor3A_3398, %shift_right_logical3A_3404 : vector<80x128xi32>
    %or3A_3406 = arith.ori %shift_left3A_3402, %shift_right_logical3A_3405 : vector<80x128xi32>
    %xor3A_3407 = arith.xori %add3A_3399, %or3A_3406 : vector<80x128xi32>
    %add3A_3408 = arith.addi %add3A_3399, %xor3A_3407 : vector<80x128xi32>
    %shift_left3A_3409 = arith.constant 26 : i32
    %shift_left3A_3410 = vector.broadcast %shift_left3A_3409 : i32 to vector<80x128xi32>
    %shift_left3A_3411 = arith.shli %xor3A_3407, %shift_left3A_3410 : vector<80x128xi32>
    %shift_right_logical3A_3412 = arith.constant 6 : i32
    %shift_right_logical3A_3413 = vector.broadcast %shift_right_logical3A_3412 : i32 to vector<80x128xi32>
    %shift_right_logical3A_3414 = arith.shrui %xor3A_3407, %shift_right_logical3A_3413 : vector<80x128xi32>
    %or3A_3415 = arith.ori %shift_left3A_3411, %shift_right_logical3A_3414 : vector<80x128xi32>
    %xor3A_3416 = arith.xori %add3A_3408, %or3A_3415 : vector<80x128xi32>
    %add3A_3417 = arith.addi %add3A_3408, %xor3A_3416 : vector<80x128xi32>
    %shift_left3A_3418 = arith.constant 6 : i32
    %shift_left3A_3419 = vector.broadcast %shift_left3A_3418 : i32 to vector<80x128xi32>
    %shift_left3A_3420 = arith.shli %xor3A_3416, %shift_left3A_3419 : vector<80x128xi32>
    %shift_right_logical3A_3421 = arith.constant 26 : i32
    %shift_right_logical3A_3422 = vector.broadcast %shift_right_logical3A_3421 : i32 to vector<80x128xi32>
    %shift_right_logical3A_3423 = arith.shrui %xor3A_3416, %shift_right_logical3A_3422 : vector<80x128xi32>
    %or3A_3424 = arith.ori %shift_left3A_3420, %shift_right_logical3A_3423 : vector<80x128xi32>
    %xor3A_3425 = arith.xori %add3A_3417, %or3A_3424 : vector<80x128xi32>
    %add3A_3426 = arith.constant 466689008 : i32
    %add3A_3427 = vector.broadcast %add3A_3426 : i32 to vector<80x128xi32>
    %add3A_3428 = arith.addi %add3A_3417, %add3A_3427 : vector<80x128xi32>
    %add3A_3429 = arith.constant 5 : i32
    %add3A_3430 = vector.broadcast %add3A_3429 : i32 to vector<80x128xi32>
    %add3A_3431 = arith.addi %xor3A_3425, %add3A_3430 : vector<80x128xi32>
    %xor3A_3432 = arith.xori %add3A_3428, %add3A_3431 : vector<80x128xi32>
    %shift_right_logical3A_3433 = arith.constant 9 : i32
    %shift_right_logical3A_3434 = vector.broadcast %shift_right_logical3A_3433 : i32 to vector<80x128xi32>
    %shift_right_logical3A_3435 = arith.shrui %xor3A_3432, %shift_right_logical3A_3434 : vector<80x128xi32>
    %ge3A_3436 = vector.broadcast %get3A_0 : i32 to vector<80x128xi32>
    %ge3A_3437 = arith.cmpi sge, %shift_right_logical3A_3435, %ge3A_3436 : vector<80x128xi32>
    %get3A_3438 = arith.constant 1120 : index
    %get3A_3439 = arith.constant 0 : index
    %get3A_3440 = vector.load %arg3[%get3A_3438, %get3A_3439] : memref<2000x128xf32, #tpu.memory_space<vmem>>, vector<80x128xf32>
    %mul3A_3441 = vector.broadcast %get3A_2 : f32 to vector<80x128xf32>
    %mul3A_3442 = arith.mulf %get3A_3440, %mul3A_3441 : vector<80x128xf32>
    %jit3A_3443 = arith.constant 0.000000e+00 : f32
    %broadcast_in_dim3A_3444 = vector.broadcast %jit3A_3443 : f32 to vector<80x128xf32>
    %select_n3A_3445 = arith.select %ge3A_3437, %mul3A_3442, %broadcast_in_dim3A_3444 : vector<80x128xi1>, vector<80x128xf32>
    %swap3A_3446 = arith.constant 1120 : index
    %swap3A_3447 = arith.constant 0 : index
    %swap3A_3448 = vector.load %arg4[%swap3A_3446, %swap3A_3447] : memref<2000x128xf32, #tpu.memory_space<vmem>>, vector<80x128xf32>
    tpu.vector_store %arg4[%swap3A_3446, %swap3A_3447], %select_n3A_3445 {strides = array<i32>} : memref<2000x128xf32, #tpu.memory_space<vmem>>, vector<80x128xf32>,
    %add3A_3449 = arith.constant 153600 : i32
    %add3A_3450 = arith.addi %mul3A_6, %add3A_3449 : i32
    %add3A_3451 = vector.broadcast %add3A_3450 : i32 to vector<80x128xi32>
    %add3A_3452 = arith.addi %add3A, %add3A_3451 : vector<80x128xi32>
    %add3A_3453 = arith.constant 42 : i32
    %add3A_3454 = vector.broadcast %add3A_3453 : i32 to vector<80x128xi32>
    %add3A_3455 = arith.addi %add3A_3452, %add3A_3454 : vector<80x128xi32>
    %shift_left3A_3456 = arith.constant 13 : i32
    %shift_left3A_3457 = vector.broadcast %shift_left3A_3456 : i32 to vector<80x128xi32>
    %shift_left3A_3458 = arith.shli %add3A_3455, %shift_left3A_3457 : vector<80x128xi32>
    %shift_right_logical3A_3459 = arith.constant 19 : i32
    %shift_right_logical3A_3460 = vector.broadcast %shift_right_logical3A_3459 : i32 to vector<80x128xi32>
    %shift_right_logical3A_3461 = arith.shrui %add3A_3455, %shift_right_logical3A_3460 : vector<80x128xi32>
    %or3A_3462 = arith.ori %shift_left3A_3458, %shift_right_logical3A_3461 : vector<80x128xi32>
    %xor3A_3463 = arith.xori %add3A_3455, %or3A_3462 : vector<80x128xi32>
    %add3A_3464 = arith.addi %add3A_3455, %xor3A_3463 : vector<80x128xi32>
    %shift_left3A_3465 = arith.constant 15 : i32
    %shift_left3A_3466 = vector.broadcast %shift_left3A_3465 : i32 to vector<80x128xi32>
    %shift_left3A_3467 = arith.shli %xor3A_3463, %shift_left3A_3466 : vector<80x128xi32>
    %shift_right_logical3A_3468 = arith.constant 17 : i32
    %shift_right_logical3A_3469 = vector.broadcast %shift_right_logical3A_3468 : i32 to vector<80x128xi32>
    %shift_right_logical3A_3470 = arith.shrui %xor3A_3463, %shift_right_logical3A_3469 : vector<80x128xi32>
    %or3A_3471 = arith.ori %shift_left3A_3467, %shift_right_logical3A_3470 : vector<80x128xi32>
    %xor3A_3472 = arith.xori %add3A_3464, %or3A_3471 : vector<80x128xi32>
    %add3A_3473 = arith.addi %add3A_3464, %xor3A_3472 : vector<80x128xi32>
    %shift_left3A_3474 = arith.constant 26 : i32
    %shift_left3A_3475 = vector.broadcast %shift_left3A_3474 : i32 to vector<80x128xi32>
    %shift_left3A_3476 = arith.shli %xor3A_3472, %shift_left3A_3475 : vector<80x128xi32>
    %shift_right_logical3A_3477 = arith.constant 6 : i32
    %shift_right_logical3A_3478 = vector.broadcast %shift_right_logical3A_3477 : i32 to vector<80x128xi32>
    %shift_right_logical3A_3479 = arith.shrui %xor3A_3472, %shift_right_logical3A_3478 : vector<80x128xi32>
    %or3A_3480 = arith.ori %shift_left3A_3476, %shift_right_logical3A_3479 : vector<80x128xi32>
    %xor3A_3481 = arith.xori %add3A_3473, %or3A_3480 : vector<80x128xi32>
    %add3A_3482 = arith.addi %add3A_3473, %xor3A_3481 : vector<80x128xi32>
    %shift_left3A_3483 = arith.constant 6 : i32
    %shift_left3A_3484 = vector.broadcast %shift_left3A_3483 : i32 to vector<80x128xi32>
    %shift_left3A_3485 = arith.shli %xor3A_3481, %shift_left3A_3484 : vector<80x128xi32>
    %shift_right_logical3A_3486 = arith.constant 26 : i32
    %shift_right_logical3A_3487 = vector.broadcast %shift_right_logical3A_3486 : i32 to vector<80x128xi32>
    %shift_right_logical3A_3488 = arith.shrui %xor3A_3481, %shift_right_logical3A_3487 : vector<80x128xi32>
    %or3A_3489 = arith.ori %shift_left3A_3485, %shift_right_logical3A_3488 : vector<80x128xi32>
    %xor3A_3490 = arith.xori %add3A_3482, %or3A_3489 : vector<80x128xi32>
    %add3A_3491 = arith.constant 42 : i32
    %add3A_3492 = vector.broadcast %add3A_3491 : i32 to vector<80x128xi32>
    %add3A_3493 = arith.addi %add3A_3482, %add3A_3492 : vector<80x128xi32>
    %add3A_3494 = arith.constant 466689009 : i32
    %add3A_3495 = vector.broadcast %add3A_3494 : i32 to vector<80x128xi32>
    %add3A_3496 = arith.addi %xor3A_3490, %add3A_3495 : vector<80x128xi32>
    %add3A_3497 = arith.addi %add3A_3493, %add3A_3496 : vector<80x128xi32>
    %shift_left3A_3498 = arith.constant 17 : i32
    %shift_left3A_3499 = vector.broadcast %shift_left3A_3498 : i32 to vector<80x128xi32>
    %shift_left3A_3500 = arith.shli %add3A_3496, %shift_left3A_3499 : vector<80x128xi32>
    %shift_right_logical3A_3501 = arith.constant 15 : i32
    %shift_right_logical3A_3502 = vector.broadcast %shift_right_logical3A_3501 : i32 to vector<80x128xi32>
    %shift_right_logical3A_3503 = arith.shrui %add3A_3496, %shift_right_logical3A_3502 : vector<80x128xi32>
    %or3A_3504 = arith.ori %shift_left3A_3500, %shift_right_logical3A_3503 : vector<80x128xi32>
    %xor3A_3505 = arith.xori %add3A_3497, %or3A_3504 : vector<80x128xi32>
    %add3A_3506 = arith.addi %add3A_3497, %xor3A_3505 : vector<80x128xi32>
    %shift_left3A_3507 = arith.constant 29 : i32
    %shift_left3A_3508 = vector.broadcast %shift_left3A_3507 : i32 to vector<80x128xi32>
    %shift_left3A_3509 = arith.shli %xor3A_3505, %shift_left3A_3508 : vector<80x128xi32>
    %shift_right_logical3A_3510 = arith.constant 3 : i32
    %shift_right_logical3A_3511 = vector.broadcast %shift_right_logical3A_3510 : i32 to vector<80x128xi32>
    %shift_right_logical3A_3512 = arith.shrui %xor3A_3505, %shift_right_logical3A_3511 : vector<80x128xi32>
    %or3A_3513 = arith.ori %shift_left3A_3509, %shift_right_logical3A_3512 : vector<80x128xi32>
    %xor3A_3514 = arith.xori %add3A_3506, %or3A_3513 : vector<80x128xi32>
    %add3A_3515 = arith.addi %add3A_3506, %xor3A_3514 : vector<80x128xi32>
    %shift_left3A_3516 = arith.constant 16 : i32
    %shift_left3A_3517 = vector.broadcast %shift_left3A_3516 : i32 to vector<80x128xi32>
    %shift_left3A_3518 = arith.shli %xor3A_3514, %shift_left3A_3517 : vector<80x128xi32>
    %shift_right_logical3A_3519 = arith.constant 16 : i32
    %shift_right_logical3A_3520 = vector.broadcast %shift_right_logical3A_3519 : i32 to vector<80x128xi32>
    %shift_right_logical3A_3521 = arith.shrui %xor3A_3514, %shift_right_logical3A_3520 : vector<80x128xi32>
    %or3A_3522 = arith.ori %shift_left3A_3518, %shift_right_logical3A_3521 : vector<80x128xi32>
    %xor3A_3523 = arith.xori %add3A_3515, %or3A_3522 : vector<80x128xi32>
    %add3A_3524 = arith.addi %add3A_3515, %xor3A_3523 : vector<80x128xi32>
    %shift_left3A_3525 = arith.constant 24 : i32
    %shift_left3A_3526 = vector.broadcast %shift_left3A_3525 : i32 to vector<80x128xi32>
    %shift_left3A_3527 = arith.shli %xor3A_3523, %shift_left3A_3526 : vector<80x128xi32>
    %shift_right_logical3A_3528 = arith.constant 8 : i32
    %shift_right_logical3A_3529 = vector.broadcast %shift_right_logical3A_3528 : i32 to vector<80x128xi32>
    %shift_right_logical3A_3530 = arith.shrui %xor3A_3523, %shift_right_logical3A_3529 : vector<80x128xi32>
    %or3A_3531 = arith.ori %shift_left3A_3527, %shift_right_logical3A_3530 : vector<80x128xi32>
    %xor3A_3532 = arith.xori %add3A_3524, %or3A_3531 : vector<80x128xi32>
    %add3A_3533 = arith.constant 466689008 : i32
    %add3A_3534 = vector.broadcast %add3A_3533 : i32 to vector<80x128xi32>
    %add3A_3535 = arith.addi %add3A_3524, %add3A_3534 : vector<80x128xi32>
    %add3A_3536 = arith.constant 2 : i32
    %add3A_3537 = vector.broadcast %add3A_3536 : i32 to vector<80x128xi32>
    %add3A_3538 = arith.addi %xor3A_3532, %add3A_3537 : vector<80x128xi32>
    %add3A_3539 = arith.addi %add3A_3535, %add3A_3538 : vector<80x128xi32>
    %shift_left3A_3540 = arith.constant 13 : i32
    %shift_left3A_3541 = vector.broadcast %shift_left3A_3540 : i32 to vector<80x128xi32>
    %shift_left3A_3542 = arith.shli %add3A_3538, %shift_left3A_3541 : vector<80x128xi32>
    %shift_right_logical3A_3543 = arith.constant 19 : i32
    %shift_right_logical3A_3544 = vector.broadcast %shift_right_logical3A_3543 : i32 to vector<80x128xi32>
    %shift_right_logical3A_3545 = arith.shrui %add3A_3538, %shift_right_logical3A_3544 : vector<80x128xi32>
    %or3A_3546 = arith.ori %shift_left3A_3542, %shift_right_logical3A_3545 : vector<80x128xi32>
    %xor3A_3547 = arith.xori %add3A_3539, %or3A_3546 : vector<80x128xi32>
    %add3A_3548 = arith.addi %add3A_3539, %xor3A_3547 : vector<80x128xi32>
    %shift_left3A_3549 = arith.constant 15 : i32
    %shift_left3A_3550 = vector.broadcast %shift_left3A_3549 : i32 to vector<80x128xi32>
    %shift_left3A_3551 = arith.shli %xor3A_3547, %shift_left3A_3550 : vector<80x128xi32>
    %shift_right_logical3A_3552 = arith.constant 17 : i32
    %shift_right_logical3A_3553 = vector.broadcast %shift_right_logical3A_3552 : i32 to vector<80x128xi32>
    %shift_right_logical3A_3554 = arith.shrui %xor3A_3547, %shift_right_logical3A_3553 : vector<80x128xi32>
    %or3A_3555 = arith.ori %shift_left3A_3551, %shift_right_logical3A_3554 : vector<80x128xi32>
    %xor3A_3556 = arith.xori %add3A_3548, %or3A_3555 : vector<80x128xi32>
    %add3A_3557 = arith.addi %add3A_3548, %xor3A_3556 : vector<80x128xi32>
    %shift_left3A_3558 = arith.constant 26 : i32
    %shift_left3A_3559 = vector.broadcast %shift_left3A_3558 : i32 to vector<80x128xi32>
    %shift_left3A_3560 = arith.shli %xor3A_3556, %shift_left3A_3559 : vector<80x128xi32>
    %shift_right_logical3A_3561 = arith.constant 6 : i32
    %shift_right_logical3A_3562 = vector.broadcast %shift_right_logical3A_3561 : i32 to vector<80x128xi32>
    %shift_right_logical3A_3563 = arith.shrui %xor3A_3556, %shift_right_logical3A_3562 : vector<80x128xi32>
    %or3A_3564 = arith.ori %shift_left3A_3560, %shift_right_logical3A_3563 : vector<80x128xi32>
    %xor3A_3565 = arith.xori %add3A_3557, %or3A_3564 : vector<80x128xi32>
    %add3A_3566 = arith.addi %add3A_3557, %xor3A_3565 : vector<80x128xi32>
    %shift_left3A_3567 = arith.constant 6 : i32
    %shift_left3A_3568 = vector.broadcast %shift_left3A_3567 : i32 to vector<80x128xi32>
    %shift_left3A_3569 = arith.shli %xor3A_3565, %shift_left3A_3568 : vector<80x128xi32>
    %shift_right_logical3A_3570 = arith.constant 26 : i32
    %shift_right_logical3A_3571 = vector.broadcast %shift_right_logical3A_3570 : i32 to vector<80x128xi32>
    %shift_right_logical3A_3572 = arith.shrui %xor3A_3565, %shift_right_logical3A_3571 : vector<80x128xi32>
    %or3A_3573 = arith.ori %shift_left3A_3569, %shift_right_logical3A_3572 : vector<80x128xi32>
    %xor3A_3574 = arith.xori %add3A_3566, %or3A_3573 : vector<80x128xi32>
    %add3A_3575 = arith.constant 45 : i32
    %add3A_3576 = vector.broadcast %add3A_3575 : i32 to vector<80x128xi32>
    %add3A_3577 = arith.addi %xor3A_3574, %add3A_3576 : vector<80x128xi32>
    %add3A_3578 = arith.addi %add3A_3566, %add3A_3577 : vector<80x128xi32>
    %shift_left3A_3579 = arith.constant 17 : i32
    %shift_left3A_3580 = vector.broadcast %shift_left3A_3579 : i32 to vector<80x128xi32>
    %shift_left3A_3581 = arith.shli %add3A_3577, %shift_left3A_3580 : vector<80x128xi32>
    %shift_right_logical3A_3582 = arith.constant 15 : i32
    %shift_right_logical3A_3583 = vector.broadcast %shift_right_logical3A_3582 : i32 to vector<80x128xi32>
    %shift_right_logical3A_3584 = arith.shrui %add3A_3577, %shift_right_logical3A_3583 : vector<80x128xi32>
    %or3A_3585 = arith.ori %shift_left3A_3581, %shift_right_logical3A_3584 : vector<80x128xi32>
    %xor3A_3586 = arith.xori %add3A_3578, %or3A_3585 : vector<80x128xi32>
    %add3A_3587 = arith.addi %add3A_3578, %xor3A_3586 : vector<80x128xi32>
    %shift_left3A_3588 = arith.constant 29 : i32
    %shift_left3A_3589 = vector.broadcast %shift_left3A_3588 : i32 to vector<80x128xi32>
    %shift_left3A_3590 = arith.shli %xor3A_3586, %shift_left3A_3589 : vector<80x128xi32>
    %shift_right_logical3A_3591 = arith.constant 3 : i32
    %shift_right_logical3A_3592 = vector.broadcast %shift_right_logical3A_3591 : i32 to vector<80x128xi32>
    %shift_right_logical3A_3593 = arith.shrui %xor3A_3586, %shift_right_logical3A_3592 : vector<80x128xi32>
    %or3A_3594 = arith.ori %shift_left3A_3590, %shift_right_logical3A_3593 : vector<80x128xi32>
    %xor3A_3595 = arith.xori %add3A_3587, %or3A_3594 : vector<80x128xi32>
    %add3A_3596 = arith.addi %add3A_3587, %xor3A_3595 : vector<80x128xi32>
    %shift_left3A_3597 = arith.constant 16 : i32
    %shift_left3A_3598 = vector.broadcast %shift_left3A_3597 : i32 to vector<80x128xi32>
    %shift_left3A_3599 = arith.shli %xor3A_3595, %shift_left3A_3598 : vector<80x128xi32>
    %shift_right_logical3A_3600 = arith.constant 16 : i32
    %shift_right_logical3A_3601 = vector.broadcast %shift_right_logical3A_3600 : i32 to vector<80x128xi32>
    %shift_right_logical3A_3602 = arith.shrui %xor3A_3595, %shift_right_logical3A_3601 : vector<80x128xi32>
    %or3A_3603 = arith.ori %shift_left3A_3599, %shift_right_logical3A_3602 : vector<80x128xi32>
    %xor3A_3604 = arith.xori %add3A_3596, %or3A_3603 : vector<80x128xi32>
    %add3A_3605 = arith.addi %add3A_3596, %xor3A_3604 : vector<80x128xi32>
    %shift_left3A_3606 = arith.constant 24 : i32
    %shift_left3A_3607 = vector.broadcast %shift_left3A_3606 : i32 to vector<80x128xi32>
    %shift_left3A_3608 = arith.shli %xor3A_3604, %shift_left3A_3607 : vector<80x128xi32>
    %shift_right_logical3A_3609 = arith.constant 8 : i32
    %shift_right_logical3A_3610 = vector.broadcast %shift_right_logical3A_3609 : i32 to vector<80x128xi32>
    %shift_right_logical3A_3611 = arith.shrui %xor3A_3604, %shift_right_logical3A_3610 : vector<80x128xi32>
    %or3A_3612 = arith.ori %shift_left3A_3608, %shift_right_logical3A_3611 : vector<80x128xi32>
    %xor3A_3613 = arith.xori %add3A_3605, %or3A_3612 : vector<80x128xi32>
    %add3A_3614 = arith.constant 42 : i32
    %add3A_3615 = vector.broadcast %add3A_3614 : i32 to vector<80x128xi32>
    %add3A_3616 = arith.addi %add3A_3605, %add3A_3615 : vector<80x128xi32>
    %add3A_3617 = arith.constant 466689012 : i32
    %add3A_3618 = vector.broadcast %add3A_3617 : i32 to vector<80x128xi32>
    %add3A_3619 = arith.addi %xor3A_3613, %add3A_3618 : vector<80x128xi32>
    %add3A_3620 = arith.addi %add3A_3616, %add3A_3619 : vector<80x128xi32>
    %shift_left3A_3621 = arith.constant 13 : i32
    %shift_left3A_3622 = vector.broadcast %shift_left3A_3621 : i32 to vector<80x128xi32>
    %shift_left3A_3623 = arith.shli %add3A_3619, %shift_left3A_3622 : vector<80x128xi32>
    %shift_right_logical3A_3624 = arith.constant 19 : i32
    %shift_right_logical3A_3625 = vector.broadcast %shift_right_logical3A_3624 : i32 to vector<80x128xi32>
    %shift_right_logical3A_3626 = arith.shrui %add3A_3619, %shift_right_logical3A_3625 : vector<80x128xi32>
    %or3A_3627 = arith.ori %shift_left3A_3623, %shift_right_logical3A_3626 : vector<80x128xi32>
    %xor3A_3628 = arith.xori %add3A_3620, %or3A_3627 : vector<80x128xi32>
    %add3A_3629 = arith.addi %add3A_3620, %xor3A_3628 : vector<80x128xi32>
    %shift_left3A_3630 = arith.constant 15 : i32
    %shift_left3A_3631 = vector.broadcast %shift_left3A_3630 : i32 to vector<80x128xi32>
    %shift_left3A_3632 = arith.shli %xor3A_3628, %shift_left3A_3631 : vector<80x128xi32>
    %shift_right_logical3A_3633 = arith.constant 17 : i32
    %shift_right_logical3A_3634 = vector.broadcast %shift_right_logical3A_3633 : i32 to vector<80x128xi32>
    %shift_right_logical3A_3635 = arith.shrui %xor3A_3628, %shift_right_logical3A_3634 : vector<80x128xi32>
    %or3A_3636 = arith.ori %shift_left3A_3632, %shift_right_logical3A_3635 : vector<80x128xi32>
    %xor3A_3637 = arith.xori %add3A_3629, %or3A_3636 : vector<80x128xi32>
    %add3A_3638 = arith.addi %add3A_3629, %xor3A_3637 : vector<80x128xi32>
    %shift_left3A_3639 = arith.constant 26 : i32
    %shift_left3A_3640 = vector.broadcast %shift_left3A_3639 : i32 to vector<80x128xi32>
    %shift_left3A_3641 = arith.shli %xor3A_3637, %shift_left3A_3640 : vector<80x128xi32>
    %shift_right_logical3A_3642 = arith.constant 6 : i32
    %shift_right_logical3A_3643 = vector.broadcast %shift_right_logical3A_3642 : i32 to vector<80x128xi32>
    %shift_right_logical3A_3644 = arith.shrui %xor3A_3637, %shift_right_logical3A_3643 : vector<80x128xi32>
    %or3A_3645 = arith.ori %shift_left3A_3641, %shift_right_logical3A_3644 : vector<80x128xi32>
    %xor3A_3646 = arith.xori %add3A_3638, %or3A_3645 : vector<80x128xi32>
    %add3A_3647 = arith.addi %add3A_3638, %xor3A_3646 : vector<80x128xi32>
    %shift_left3A_3648 = arith.constant 6 : i32
    %shift_left3A_3649 = vector.broadcast %shift_left3A_3648 : i32 to vector<80x128xi32>
    %shift_left3A_3650 = arith.shli %xor3A_3646, %shift_left3A_3649 : vector<80x128xi32>
    %shift_right_logical3A_3651 = arith.constant 26 : i32
    %shift_right_logical3A_3652 = vector.broadcast %shift_right_logical3A_3651 : i32 to vector<80x128xi32>
    %shift_right_logical3A_3653 = arith.shrui %xor3A_3646, %shift_right_logical3A_3652 : vector<80x128xi32>
    %or3A_3654 = arith.ori %shift_left3A_3650, %shift_right_logical3A_3653 : vector<80x128xi32>
    %xor3A_3655 = arith.xori %add3A_3647, %or3A_3654 : vector<80x128xi32>
    %add3A_3656 = arith.constant 466689008 : i32
    %add3A_3657 = vector.broadcast %add3A_3656 : i32 to vector<80x128xi32>
    %add3A_3658 = arith.addi %add3A_3647, %add3A_3657 : vector<80x128xi32>
    %add3A_3659 = arith.constant 5 : i32
    %add3A_3660 = vector.broadcast %add3A_3659 : i32 to vector<80x128xi32>
    %add3A_3661 = arith.addi %xor3A_3655, %add3A_3660 : vector<80x128xi32>
    %xor3A_3662 = arith.xori %add3A_3658, %add3A_3661 : vector<80x128xi32>
    %shift_right_logical3A_3663 = arith.constant 9 : i32
    %shift_right_logical3A_3664 = vector.broadcast %shift_right_logical3A_3663 : i32 to vector<80x128xi32>
    %shift_right_logical3A_3665 = arith.shrui %xor3A_3662, %shift_right_logical3A_3664 : vector<80x128xi32>
    %ge3A_3666 = vector.broadcast %get3A_0 : i32 to vector<80x128xi32>
    %ge3A_3667 = arith.cmpi sge, %shift_right_logical3A_3665, %ge3A_3666 : vector<80x128xi32>
    %get3A_3668 = arith.constant 1200 : index
    %get3A_3669 = arith.constant 0 : index
    %get3A_3670 = vector.load %arg3[%get3A_3668, %get3A_3669] : memref<2000x128xf32, #tpu.memory_space<vmem>>, vector<80x128xf32>
    %mul3A_3671 = vector.broadcast %get3A_2 : f32 to vector<80x128xf32>
    %mul3A_3672 = arith.mulf %get3A_3670, %mul3A_3671 : vector<80x128xf32>
    %jit3A_3673 = arith.constant 0.000000e+00 : f32
    %broadcast_in_dim3A_3674 = vector.broadcast %jit3A_3673 : f32 to vector<80x128xf32>
    %select_n3A_3675 = arith.select %ge3A_3667, %mul3A_3672, %broadcast_in_dim3A_3674 : vector<80x128xi1>, vector<80x128xf32>
    %swap3A_3676 = arith.constant 1200 : index
    %swap3A_3677 = arith.constant 0 : index
    %swap3A_3678 = vector.load %arg4[%swap3A_3676, %swap3A_3677] : memref<2000x128xf32, #tpu.memory_space<vmem>>, vector<80x128xf32>
    tpu.vector_store %arg4[%swap3A_3676, %swap3A_3677], %select_n3A_3675 {strides = array<i32>} : memref<2000x128xf32, #tpu.memory_space<vmem>>, vector<80x128xf32>,
    %add3A_3679 = arith.constant 163840 : i32
    %add3A_3680 = arith.addi %mul3A_6, %add3A_3679 : i32
    %add3A_3681 = vector.broadcast %add3A_3680 : i32 to vector<80x128xi32>
    %add3A_3682 = arith.addi %add3A, %add3A_3681 : vector<80x128xi32>
    %add3A_3683 = arith.constant 42 : i32
    %add3A_3684 = vector.broadcast %add3A_3683 : i32 to vector<80x128xi32>
    %add3A_3685 = arith.addi %add3A_3682, %add3A_3684 : vector<80x128xi32>
    %shift_left3A_3686 = arith.constant 13 : i32
    %shift_left3A_3687 = vector.broadcast %shift_left3A_3686 : i32 to vector<80x128xi32>
    %shift_left3A_3688 = arith.shli %add3A_3685, %shift_left3A_3687 : vector<80x128xi32>
    %shift_right_logical3A_3689 = arith.constant 19 : i32
    %shift_right_logical3A_3690 = vector.broadcast %shift_right_logical3A_3689 : i32 to vector<80x128xi32>
    %shift_right_logical3A_3691 = arith.shrui %add3A_3685, %shift_right_logical3A_3690 : vector<80x128xi32>
    %or3A_3692 = arith.ori %shift_left3A_3688, %shift_right_logical3A_3691 : vector<80x128xi32>
    %xor3A_3693 = arith.xori %add3A_3685, %or3A_3692 : vector<80x128xi32>
    %add3A_3694 = arith.addi %add3A_3685, %xor3A_3693 : vector<80x128xi32>
    %shift_left3A_3695 = arith.constant 15 : i32
    %shift_left3A_3696 = vector.broadcast %shift_left3A_3695 : i32 to vector<80x128xi32>
    %shift_left3A_3697 = arith.shli %xor3A_3693, %shift_left3A_3696 : vector<80x128xi32>
    %shift_right_logical3A_3698 = arith.constant 17 : i32
    %shift_right_logical3A_3699 = vector.broadcast %shift_right_logical3A_3698 : i32 to vector<80x128xi32>
    %shift_right_logical3A_3700 = arith.shrui %xor3A_3693, %shift_right_logical3A_3699 : vector<80x128xi32>
    %or3A_3701 = arith.ori %shift_left3A_3697, %shift_right_logical3A_3700 : vector<80x128xi32>
    %xor3A_3702 = arith.xori %add3A_3694, %or3A_3701 : vector<80x128xi32>
    %add3A_3703 = arith.addi %add3A_3694, %xor3A_3702 : vector<80x128xi32>
    %shift_left3A_3704 = arith.constant 26 : i32
    %shift_left3A_3705 = vector.broadcast %shift_left3A_3704 : i32 to vector<80x128xi32>
    %shift_left3A_3706 = arith.shli %xor3A_3702, %shift_left3A_3705 : vector<80x128xi32>
    %shift_right_logical3A_3707 = arith.constant 6 : i32
    %shift_right_logical3A_3708 = vector.broadcast %shift_right_logical3A_3707 : i32 to vector<80x128xi32>
    %shift_right_logical3A_3709 = arith.shrui %xor3A_3702, %shift_right_logical3A_3708 : vector<80x128xi32>
    %or3A_3710 = arith.ori %shift_left3A_3706, %shift_right_logical3A_3709 : vector<80x128xi32>
    %xor3A_3711 = arith.xori %add3A_3703, %or3A_3710 : vector<80x128xi32>
    %add3A_3712 = arith.addi %add3A_3703, %xor3A_3711 : vector<80x128xi32>
    %shift_left3A_3713 = arith.constant 6 : i32
    %shift_left3A_3714 = vector.broadcast %shift_left3A_3713 : i32 to vector<80x128xi32>
    %shift_left3A_3715 = arith.shli %xor3A_3711, %shift_left3A_3714 : vector<80x128xi32>
    %shift_right_logical3A_3716 = arith.constant 26 : i32
    %shift_right_logical3A_3717 = vector.broadcast %shift_right_logical3A_3716 : i32 to vector<80x128xi32>
    %shift_right_logical3A_3718 = arith.shrui %xor3A_3711, %shift_right_logical3A_3717 : vector<80x128xi32>
    %or3A_3719 = arith.ori %shift_left3A_3715, %shift_right_logical3A_3718 : vector<80x128xi32>
    %xor3A_3720 = arith.xori %add3A_3712, %or3A_3719 : vector<80x128xi32>
    %add3A_3721 = arith.constant 42 : i32
    %add3A_3722 = vector.broadcast %add3A_3721 : i32 to vector<80x128xi32>
    %add3A_3723 = arith.addi %add3A_3712, %add3A_3722 : vector<80x128xi32>
    %add3A_3724 = arith.constant 466689009 : i32
    %add3A_3725 = vector.broadcast %add3A_3724 : i32 to vector<80x128xi32>
    %add3A_3726 = arith.addi %xor3A_3720, %add3A_3725 : vector<80x128xi32>
    %add3A_3727 = arith.addi %add3A_3723, %add3A_3726 : vector<80x128xi32>
    %shift_left3A_3728 = arith.constant 17 : i32
    %shift_left3A_3729 = vector.broadcast %shift_left3A_3728 : i32 to vector<80x128xi32>
    %shift_left3A_3730 = arith.shli %add3A_3726, %shift_left3A_3729 : vector<80x128xi32>
    %shift_right_logical3A_3731 = arith.constant 15 : i32
    %shift_right_logical3A_3732 = vector.broadcast %shift_right_logical3A_3731 : i32 to vector<80x128xi32>
    %shift_right_logical3A_3733 = arith.shrui %add3A_3726, %shift_right_logical3A_3732 : vector<80x128xi32>
    %or3A_3734 = arith.ori %shift_left3A_3730, %shift_right_logical3A_3733 : vector<80x128xi32>
    %xor3A_3735 = arith.xori %add3A_3727, %or3A_3734 : vector<80x128xi32>
    %add3A_3736 = arith.addi %add3A_3727, %xor3A_3735 : vector<80x128xi32>
    %shift_left3A_3737 = arith.constant 29 : i32
    %shift_left3A_3738 = vector.broadcast %shift_left3A_3737 : i32 to vector<80x128xi32>
    %shift_left3A_3739 = arith.shli %xor3A_3735, %shift_left3A_3738 : vector<80x128xi32>
    %shift_right_logical3A_3740 = arith.constant 3 : i32
    %shift_right_logical3A_3741 = vector.broadcast %shift_right_logical3A_3740 : i32 to vector<80x128xi32>
    %shift_right_logical3A_3742 = arith.shrui %xor3A_3735, %shift_right_logical3A_3741 : vector<80x128xi32>
    %or3A_3743 = arith.ori %shift_left3A_3739, %shift_right_logical3A_3742 : vector<80x128xi32>
    %xor3A_3744 = arith.xori %add3A_3736, %or3A_3743 : vector<80x128xi32>
    %add3A_3745 = arith.addi %add3A_3736, %xor3A_3744 : vector<80x128xi32>
    %shift_left3A_3746 = arith.constant 16 : i32
    %shift_left3A_3747 = vector.broadcast %shift_left3A_3746 : i32 to vector<80x128xi32>
    %shift_left3A_3748 = arith.shli %xor3A_3744, %shift_left3A_3747 : vector<80x128xi32>
    %shift_right_logical3A_3749 = arith.constant 16 : i32
    %shift_right_logical3A_3750 = vector.broadcast %shift_right_logical3A_3749 : i32 to vector<80x128xi32>
    %shift_right_logical3A_3751 = arith.shrui %xor3A_3744, %shift_right_logical3A_3750 : vector<80x128xi32>
    %or3A_3752 = arith.ori %shift_left3A_3748, %shift_right_logical3A_3751 : vector<80x128xi32>
    %xor3A_3753 = arith.xori %add3A_3745, %or3A_3752 : vector<80x128xi32>
    %add3A_3754 = arith.addi %add3A_3745, %xor3A_3753 : vector<80x128xi32>
    %shift_left3A_3755 = arith.constant 24 : i32
    %shift_left3A_3756 = vector.broadcast %shift_left3A_3755 : i32 to vector<80x128xi32>
    %shift_left3A_3757 = arith.shli %xor3A_3753, %shift_left3A_3756 : vector<80x128xi32>
    %shift_right_logical3A_3758 = arith.constant 8 : i32
    %shift_right_logical3A_3759 = vector.broadcast %shift_right_logical3A_3758 : i32 to vector<80x128xi32>
    %shift_right_logical3A_3760 = arith.shrui %xor3A_3753, %shift_right_logical3A_3759 : vector<80x128xi32>
    %or3A_3761 = arith.ori %shift_left3A_3757, %shift_right_logical3A_3760 : vector<80x128xi32>
    %xor3A_3762 = arith.xori %add3A_3754, %or3A_3761 : vector<80x128xi32>
    %add3A_3763 = arith.constant 466689008 : i32
    %add3A_3764 = vector.broadcast %add3A_3763 : i32 to vector<80x128xi32>
    %add3A_3765 = arith.addi %add3A_3754, %add3A_3764 : vector<80x128xi32>
    %add3A_3766 = arith.constant 2 : i32
    %add3A_3767 = vector.broadcast %add3A_3766 : i32 to vector<80x128xi32>
    %add3A_3768 = arith.addi %xor3A_3762, %add3A_3767 : vector<80x128xi32>
    %add3A_3769 = arith.addi %add3A_3765, %add3A_3768 : vector<80x128xi32>
    %shift_left3A_3770 = arith.constant 13 : i32
    %shift_left3A_3771 = vector.broadcast %shift_left3A_3770 : i32 to vector<80x128xi32>
    %shift_left3A_3772 = arith.shli %add3A_3768, %shift_left3A_3771 : vector<80x128xi32>
    %shift_right_logical3A_3773 = arith.constant 19 : i32
    %shift_right_logical3A_3774 = vector.broadcast %shift_right_logical3A_3773 : i32 to vector<80x128xi32>
    %shift_right_logical3A_3775 = arith.shrui %add3A_3768, %shift_right_logical3A_3774 : vector<80x128xi32>
    %or3A_3776 = arith.ori %shift_left3A_3772, %shift_right_logical3A_3775 : vector<80x128xi32>
    %xor3A_3777 = arith.xori %add3A_3769, %or3A_3776 : vector<80x128xi32>
    %add3A_3778 = arith.addi %add3A_3769, %xor3A_3777 : vector<80x128xi32>
    %shift_left3A_3779 = arith.constant 15 : i32
    %shift_left3A_3780 = vector.broadcast %shift_left3A_3779 : i32 to vector<80x128xi32>
    %shift_left3A_3781 = arith.shli %xor3A_3777, %shift_left3A_3780 : vector<80x128xi32>
    %shift_right_logical3A_3782 = arith.constant 17 : i32
    %shift_right_logical3A_3783 = vector.broadcast %shift_right_logical3A_3782 : i32 to vector<80x128xi32>
    %shift_right_logical3A_3784 = arith.shrui %xor3A_3777, %shift_right_logical3A_3783 : vector<80x128xi32>
    %or3A_3785 = arith.ori %shift_left3A_3781, %shift_right_logical3A_3784 : vector<80x128xi32>
    %xor3A_3786 = arith.xori %add3A_3778, %or3A_3785 : vector<80x128xi32>
    %add3A_3787 = arith.addi %add3A_3778, %xor3A_3786 : vector<80x128xi32>
    %shift_left3A_3788 = arith.constant 26 : i32
    %shift_left3A_3789 = vector.broadcast %shift_left3A_3788 : i32 to vector<80x128xi32>
    %shift_left3A_3790 = arith.shli %xor3A_3786, %shift_left3A_3789 : vector<80x128xi32>
    %shift_right_logical3A_3791 = arith.constant 6 : i32
    %shift_right_logical3A_3792 = vector.broadcast %shift_right_logical3A_3791 : i32 to vector<80x128xi32>
    %shift_right_logical3A_3793 = arith.shrui %xor3A_3786, %shift_right_logical3A_3792 : vector<80x128xi32>
    %or3A_3794 = arith.ori %shift_left3A_3790, %shift_right_logical3A_3793 : vector<80x128xi32>
    %xor3A_3795 = arith.xori %add3A_3787, %or3A_3794 : vector<80x128xi32>
    %add3A_3796 = arith.addi %add3A_3787, %xor3A_3795 : vector<80x128xi32>
    %shift_left3A_3797 = arith.constant 6 : i32
    %shift_left3A_3798 = vector.broadcast %shift_left3A_3797 : i32 to vector<80x128xi32>
    %shift_left3A_3799 = arith.shli %xor3A_3795, %shift_left3A_3798 : vector<80x128xi32>
    %shift_right_logical3A_3800 = arith.constant 26 : i32
    %shift_right_logical3A_3801 = vector.broadcast %shift_right_logical3A_3800 : i32 to vector<80x128xi32>
    %shift_right_logical3A_3802 = arith.shrui %xor3A_3795, %shift_right_logical3A_3801 : vector<80x128xi32>
    %or3A_3803 = arith.ori %shift_left3A_3799, %shift_right_logical3A_3802 : vector<80x128xi32>
    %xor3A_3804 = arith.xori %add3A_3796, %or3A_3803 : vector<80x128xi32>
    %add3A_3805 = arith.constant 45 : i32
    %add3A_3806 = vector.broadcast %add3A_3805 : i32 to vector<80x128xi32>
    %add3A_3807 = arith.addi %xor3A_3804, %add3A_3806 : vector<80x128xi32>
    %add3A_3808 = arith.addi %add3A_3796, %add3A_3807 : vector<80x128xi32>
    %shift_left3A_3809 = arith.constant 17 : i32
    %shift_left3A_3810 = vector.broadcast %shift_left3A_3809 : i32 to vector<80x128xi32>
    %shift_left3A_3811 = arith.shli %add3A_3807, %shift_left3A_3810 : vector<80x128xi32>
    %shift_right_logical3A_3812 = arith.constant 15 : i32
    %shift_right_logical3A_3813 = vector.broadcast %shift_right_logical3A_3812 : i32 to vector<80x128xi32>
    %shift_right_logical3A_3814 = arith.shrui %add3A_3807, %shift_right_logical3A_3813 : vector<80x128xi32>
    %or3A_3815 = arith.ori %shift_left3A_3811, %shift_right_logical3A_3814 : vector<80x128xi32>
    %xor3A_3816 = arith.xori %add3A_3808, %or3A_3815 : vector<80x128xi32>
    %add3A_3817 = arith.addi %add3A_3808, %xor3A_3816 : vector<80x128xi32>
    %shift_left3A_3818 = arith.constant 29 : i32
    %shift_left3A_3819 = vector.broadcast %shift_left3A_3818 : i32 to vector<80x128xi32>
    %shift_left3A_3820 = arith.shli %xor3A_3816, %shift_left3A_3819 : vector<80x128xi32>
    %shift_right_logical3A_3821 = arith.constant 3 : i32
    %shift_right_logical3A_3822 = vector.broadcast %shift_right_logical3A_3821 : i32 to vector<80x128xi32>
    %shift_right_logical3A_3823 = arith.shrui %xor3A_3816, %shift_right_logical3A_3822 : vector<80x128xi32>
    %or3A_3824 = arith.ori %shift_left3A_3820, %shift_right_logical3A_3823 : vector<80x128xi32>
    %xor3A_3825 = arith.xori %add3A_3817, %or3A_3824 : vector<80x128xi32>
    %add3A_3826 = arith.addi %add3A_3817, %xor3A_3825 : vector<80x128xi32>
    %shift_left3A_3827 = arith.constant 16 : i32
    %shift_left3A_3828 = vector.broadcast %shift_left3A_3827 : i32 to vector<80x128xi32>
    %shift_left3A_3829 = arith.shli %xor3A_3825, %shift_left3A_3828 : vector<80x128xi32>
    %shift_right_logical3A_3830 = arith.constant 16 : i32
    %shift_right_logical3A_3831 = vector.broadcast %shift_right_logical3A_3830 : i32 to vector<80x128xi32>
    %shift_right_logical3A_3832 = arith.shrui %xor3A_3825, %shift_right_logical3A_3831 : vector<80x128xi32>
    %or3A_3833 = arith.ori %shift_left3A_3829, %shift_right_logical3A_3832 : vector<80x128xi32>
    %xor3A_3834 = arith.xori %add3A_3826, %or3A_3833 : vector<80x128xi32>
    %add3A_3835 = arith.addi %add3A_3826, %xor3A_3834 : vector<80x128xi32>
    %shift_left3A_3836 = arith.constant 24 : i32
    %shift_left3A_3837 = vector.broadcast %shift_left3A_3836 : i32 to vector<80x128xi32>
    %shift_left3A_3838 = arith.shli %xor3A_3834, %shift_left3A_3837 : vector<80x128xi32>
    %shift_right_logical3A_3839 = arith.constant 8 : i32
    %shift_right_logical3A_3840 = vector.broadcast %shift_right_logical3A_3839 : i32 to vector<80x128xi32>
    %shift_right_logical3A_3841 = arith.shrui %xor3A_3834, %shift_right_logical3A_3840 : vector<80x128xi32>
    %or3A_3842 = arith.ori %shift_left3A_3838, %shift_right_logical3A_3841 : vector<80x128xi32>
    %xor3A_3843 = arith.xori %add3A_3835, %or3A_3842 : vector<80x128xi32>
    %add3A_3844 = arith.constant 42 : i32
    %add3A_3845 = vector.broadcast %add3A_3844 : i32 to vector<80x128xi32>
    %add3A_3846 = arith.addi %add3A_3835, %add3A_3845 : vector<80x128xi32>
    %add3A_3847 = arith.constant 466689012 : i32
    %add3A_3848 = vector.broadcast %add3A_3847 : i32 to vector<80x128xi32>
    %add3A_3849 = arith.addi %xor3A_3843, %add3A_3848 : vector<80x128xi32>
    %add3A_3850 = arith.addi %add3A_3846, %add3A_3849 : vector<80x128xi32>
    %shift_left3A_3851 = arith.constant 13 : i32
    %shift_left3A_3852 = vector.broadcast %shift_left3A_3851 : i32 to vector<80x128xi32>
    %shift_left3A_3853 = arith.shli %add3A_3849, %shift_left3A_3852 : vector<80x128xi32>
    %shift_right_logical3A_3854 = arith.constant 19 : i32
    %shift_right_logical3A_3855 = vector.broadcast %shift_right_logical3A_3854 : i32 to vector<80x128xi32>
    %shift_right_logical3A_3856 = arith.shrui %add3A_3849, %shift_right_logical3A_3855 : vector<80x128xi32>
    %or3A_3857 = arith.ori %shift_left3A_3853, %shift_right_logical3A_3856 : vector<80x128xi32>
    %xor3A_3858 = arith.xori %add3A_3850, %or3A_3857 : vector<80x128xi32>
    %add3A_3859 = arith.addi %add3A_3850, %xor3A_3858 : vector<80x128xi32>
    %shift_left3A_3860 = arith.constant 15 : i32
    %shift_left3A_3861 = vector.broadcast %shift_left3A_3860 : i32 to vector<80x128xi32>
    %shift_left3A_3862 = arith.shli %xor3A_3858, %shift_left3A_3861 : vector<80x128xi32>
    %shift_right_logical3A_3863 = arith.constant 17 : i32
    %shift_right_logical3A_3864 = vector.broadcast %shift_right_logical3A_3863 : i32 to vector<80x128xi32>
    %shift_right_logical3A_3865 = arith.shrui %xor3A_3858, %shift_right_logical3A_3864 : vector<80x128xi32>
    %or3A_3866 = arith.ori %shift_left3A_3862, %shift_right_logical3A_3865 : vector<80x128xi32>
    %xor3A_3867 = arith.xori %add3A_3859, %or3A_3866 : vector<80x128xi32>
    %add3A_3868 = arith.addi %add3A_3859, %xor3A_3867 : vector<80x128xi32>
    %shift_left3A_3869 = arith.constant 26 : i32
    %shift_left3A_3870 = vector.broadcast %shift_left3A_3869 : i32 to vector<80x128xi32>
    %shift_left3A_3871 = arith.shli %xor3A_3867, %shift_left3A_3870 : vector<80x128xi32>
    %shift_right_logical3A_3872 = arith.constant 6 : i32
    %shift_right_logical3A_3873 = vector.broadcast %shift_right_logical3A_3872 : i32 to vector<80x128xi32>
    %shift_right_logical3A_3874 = arith.shrui %xor3A_3867, %shift_right_logical3A_3873 : vector<80x128xi32>
    %or3A_3875 = arith.ori %shift_left3A_3871, %shift_right_logical3A_3874 : vector<80x128xi32>
    %xor3A_3876 = arith.xori %add3A_3868, %or3A_3875 : vector<80x128xi32>
    %add3A_3877 = arith.addi %add3A_3868, %xor3A_3876 : vector<80x128xi32>
    %shift_left3A_3878 = arith.constant 6 : i32
    %shift_left3A_3879 = vector.broadcast %shift_left3A_3878 : i32 to vector<80x128xi32>
    %shift_left3A_3880 = arith.shli %xor3A_3876, %shift_left3A_3879 : vector<80x128xi32>
    %shift_right_logical3A_3881 = arith.constant 26 : i32
    %shift_right_logical3A_3882 = vector.broadcast %shift_right_logical3A_3881 : i32 to vector<80x128xi32>
    %shift_right_logical3A_3883 = arith.shrui %xor3A_3876, %shift_right_logical3A_3882 : vector<80x128xi32>
    %or3A_3884 = arith.ori %shift_left3A_3880, %shift_right_logical3A_3883 : vector<80x128xi32>
    %xor3A_3885 = arith.xori %add3A_3877, %or3A_3884 : vector<80x128xi32>
    %add3A_3886 = arith.constant 466689008 : i32
    %add3A_3887 = vector.broadcast %add3A_3886 : i32 to vector<80x128xi32>
    %add3A_3888 = arith.addi %add3A_3877, %add3A_3887 : vector<80x128xi32>
    %add3A_3889 = arith.constant 5 : i32
    %add3A_3890 = vector.broadcast %add3A_3889 : i32 to vector<80x128xi32>
    %add3A_3891 = arith.addi %xor3A_3885, %add3A_3890 : vector<80x128xi32>
    %xor3A_3892 = arith.xori %add3A_3888, %add3A_3891 : vector<80x128xi32>
    %shift_right_logical3A_3893 = arith.constant 9 : i32
    %shift_right_logical3A_3894 = vector.broadcast %shift_right_logical3A_3893 : i32 to vector<80x128xi32>
    %shift_right_logical3A_3895 = arith.shrui %xor3A_3892, %shift_right_logical3A_3894 : vector<80x128xi32>
    %ge3A_3896 = vector.broadcast %get3A_0 : i32 to vector<80x128xi32>
    %ge3A_3897 = arith.cmpi sge, %shift_right_logical3A_3895, %ge3A_3896 : vector<80x128xi32>
    %get3A_3898 = arith.constant 1280 : index
    %get3A_3899 = arith.constant 0 : index
    %get3A_3900 = vector.load %arg3[%get3A_3898, %get3A_3899] : memref<2000x128xf32, #tpu.memory_space<vmem>>, vector<80x128xf32>
    %mul3A_3901 = vector.broadcast %get3A_2 : f32 to vector<80x128xf32>
    %mul3A_3902 = arith.mulf %get3A_3900, %mul3A_3901 : vector<80x128xf32>
    %jit3A_3903 = arith.constant 0.000000e+00 : f32
    %broadcast_in_dim3A_3904 = vector.broadcast %jit3A_3903 : f32 to vector<80x128xf32>
    %select_n3A_3905 = arith.select %ge3A_3897, %mul3A_3902, %broadcast_in_dim3A_3904 : vector<80x128xi1>, vector<80x128xf32>
    %swap3A_3906 = arith.constant 1280 : index
    %swap3A_3907 = arith.constant 0 : index
    %swap3A_3908 = vector.load %arg4[%swap3A_3906, %swap3A_3907] : memref<2000x128xf32, #tpu.memory_space<vmem>>, vector<80x128xf32>
    tpu.vector_store %arg4[%swap3A_3906, %swap3A_3907], %select_n3A_3905 {strides = array<i32>} : memref<2000x128xf32, #tpu.memory_space<vmem>>, vector<80x128xf32>,
    %add3A_3909 = arith.constant 174080 : i32
    %add3A_3910 = arith.addi %mul3A_6, %add3A_3909 : i32
    %add3A_3911 = vector.broadcast %add3A_3910 : i32 to vector<80x128xi32>
    %add3A_3912 = arith.addi %add3A, %add3A_3911 : vector<80x128xi32>
    %add3A_3913 = arith.constant 42 : i32
    %add3A_3914 = vector.broadcast %add3A_3913 : i32 to vector<80x128xi32>
    %add3A_3915 = arith.addi %add3A_3912, %add3A_3914 : vector<80x128xi32>
    %shift_left3A_3916 = arith.constant 13 : i32
    %shift_left3A_3917 = vector.broadcast %shift_left3A_3916 : i32 to vector<80x128xi32>
    %shift_left3A_3918 = arith.shli %add3A_3915, %shift_left3A_3917 : vector<80x128xi32>
    %shift_right_logical3A_3919 = arith.constant 19 : i32
    %shift_right_logical3A_3920 = vector.broadcast %shift_right_logical3A_3919 : i32 to vector<80x128xi32>
    %shift_right_logical3A_3921 = arith.shrui %add3A_3915, %shift_right_logical3A_3920 : vector<80x128xi32>
    %or3A_3922 = arith.ori %shift_left3A_3918, %shift_right_logical3A_3921 : vector<80x128xi32>
    %xor3A_3923 = arith.xori %add3A_3915, %or3A_3922 : vector<80x128xi32>
    %add3A_3924 = arith.addi %add3A_3915, %xor3A_3923 : vector<80x128xi32>
    %shift_left3A_3925 = arith.constant 15 : i32
    %shift_left3A_3926 = vector.broadcast %shift_left3A_3925 : i32 to vector<80x128xi32>
    %shift_left3A_3927 = arith.shli %xor3A_3923, %shift_left3A_3926 : vector<80x128xi32>
    %shift_right_logical3A_3928 = arith.constant 17 : i32
    %shift_right_logical3A_3929 = vector.broadcast %shift_right_logical3A_3928 : i32 to vector<80x128xi32>
    %shift_right_logical3A_3930 = arith.shrui %xor3A_3923, %shift_right_logical3A_3929 : vector<80x128xi32>
    %or3A_3931 = arith.ori %shift_left3A_3927, %shift_right_logical3A_3930 : vector<80x128xi32>
    %xor3A_3932 = arith.xori %add3A_3924, %or3A_3931 : vector<80x128xi32>
    %add3A_3933 = arith.addi %add3A_3924, %xor3A_3932 : vector<80x128xi32>
    %shift_left3A_3934 = arith.constant 26 : i32
    %shift_left3A_3935 = vector.broadcast %shift_left3A_3934 : i32 to vector<80x128xi32>
    %shift_left3A_3936 = arith.shli %xor3A_3932, %shift_left3A_3935 : vector<80x128xi32>
    %shift_right_logical3A_3937 = arith.constant 6 : i32
    %shift_right_logical3A_3938 = vector.broadcast %shift_right_logical3A_3937 : i32 to vector<80x128xi32>
    %shift_right_logical3A_3939 = arith.shrui %xor3A_3932, %shift_right_logical3A_3938 : vector<80x128xi32>
    %or3A_3940 = arith.ori %shift_left3A_3936, %shift_right_logical3A_3939 : vector<80x128xi32>
    %xor3A_3941 = arith.xori %add3A_3933, %or3A_3940 : vector<80x128xi32>
    %add3A_3942 = arith.addi %add3A_3933, %xor3A_3941 : vector<80x128xi32>
    %shift_left3A_3943 = arith.constant 6 : i32
    %shift_left3A_3944 = vector.broadcast %shift_left3A_3943 : i32 to vector<80x128xi32>
    %shift_left3A_3945 = arith.shli %xor3A_3941, %shift_left3A_3944 : vector<80x128xi32>
    %shift_right_logical3A_3946 = arith.constant 26 : i32
    %shift_right_logical3A_3947 = vector.broadcast %shift_right_logical3A_3946 : i32 to vector<80x128xi32>
    %shift_right_logical3A_3948 = arith.shrui %xor3A_3941, %shift_right_logical3A_3947 : vector<80x128xi32>
    %or3A_3949 = arith.ori %shift_left3A_3945, %shift_right_logical3A_3948 : vector<80x128xi32>
    %xor3A_3950 = arith.xori %add3A_3942, %or3A_3949 : vector<80x128xi32>
    %add3A_3951 = arith.constant 42 : i32
    %add3A_3952 = vector.broadcast %add3A_3951 : i32 to vector<80x128xi32>
    %add3A_3953 = arith.addi %add3A_3942, %add3A_3952 : vector<80x128xi32>
    %add3A_3954 = arith.constant 466689009 : i32
    %add3A_3955 = vector.broadcast %add3A_3954 : i32 to vector<80x128xi32>
    %add3A_3956 = arith.addi %xor3A_3950, %add3A_3955 : vector<80x128xi32>
    %add3A_3957 = arith.addi %add3A_3953, %add3A_3956 : vector<80x128xi32>
    %shift_left3A_3958 = arith.constant 17 : i32
    %shift_left3A_3959 = vector.broadcast %shift_left3A_3958 : i32 to vector<80x128xi32>
    %shift_left3A_3960 = arith.shli %add3A_3956, %shift_left3A_3959 : vector<80x128xi32>
    %shift_right_logical3A_3961 = arith.constant 15 : i32
    %shift_right_logical3A_3962 = vector.broadcast %shift_right_logical3A_3961 : i32 to vector<80x128xi32>
    %shift_right_logical3A_3963 = arith.shrui %add3A_3956, %shift_right_logical3A_3962 : vector<80x128xi32>
    %or3A_3964 = arith.ori %shift_left3A_3960, %shift_right_logical3A_3963 : vector<80x128xi32>
    %xor3A_3965 = arith.xori %add3A_3957, %or3A_3964 : vector<80x128xi32>
    %add3A_3966 = arith.addi %add3A_3957, %xor3A_3965 : vector<80x128xi32>
    %shift_left3A_3967 = arith.constant 29 : i32
    %shift_left3A_3968 = vector.broadcast %shift_left3A_3967 : i32 to vector<80x128xi32>
    %shift_left3A_3969 = arith.shli %xor3A_3965, %shift_left3A_3968 : vector<80x128xi32>
    %shift_right_logical3A_3970 = arith.constant 3 : i32
    %shift_right_logical3A_3971 = vector.broadcast %shift_right_logical3A_3970 : i32 to vector<80x128xi32>
    %shift_right_logical3A_3972 = arith.shrui %xor3A_3965, %shift_right_logical3A_3971 : vector<80x128xi32>
    %or3A_3973 = arith.ori %shift_left3A_3969, %shift_right_logical3A_3972 : vector<80x128xi32>
    %xor3A_3974 = arith.xori %add3A_3966, %or3A_3973 : vector<80x128xi32>
    %add3A_3975 = arith.addi %add3A_3966, %xor3A_3974 : vector<80x128xi32>
    %shift_left3A_3976 = arith.constant 16 : i32
    %shift_left3A_3977 = vector.broadcast %shift_left3A_3976 : i32 to vector<80x128xi32>
    %shift_left3A_3978 = arith.shli %xor3A_3974, %shift_left3A_3977 : vector<80x128xi32>
    %shift_right_logical3A_3979 = arith.constant 16 : i32
    %shift_right_logical3A_3980 = vector.broadcast %shift_right_logical3A_3979 : i32 to vector<80x128xi32>
    %shift_right_logical3A_3981 = arith.shrui %xor3A_3974, %shift_right_logical3A_3980 : vector<80x128xi32>
    %or3A_3982 = arith.ori %shift_left3A_3978, %shift_right_logical3A_3981 : vector<80x128xi32>
    %xor3A_3983 = arith.xori %add3A_3975, %or3A_3982 : vector<80x128xi32>
    %add3A_3984 = arith.addi %add3A_3975, %xor3A_3983 : vector<80x128xi32>
    %shift_left3A_3985 = arith.constant 24 : i32
    %shift_left3A_3986 = vector.broadcast %shift_left3A_3985 : i32 to vector<80x128xi32>
    %shift_left3A_3987 = arith.shli %xor3A_3983, %shift_left3A_3986 : vector<80x128xi32>
    %shift_right_logical3A_3988 = arith.constant 8 : i32
    %shift_right_logical3A_3989 = vector.broadcast %shift_right_logical3A_3988 : i32 to vector<80x128xi32>
    %shift_right_logical3A_3990 = arith.shrui %xor3A_3983, %shift_right_logical3A_3989 : vector<80x128xi32>
    %or3A_3991 = arith.ori %shift_left3A_3987, %shift_right_logical3A_3990 : vector<80x128xi32>
    %xor3A_3992 = arith.xori %add3A_3984, %or3A_3991 : vector<80x128xi32>
    %add3A_3993 = arith.constant 466689008 : i32
    %add3A_3994 = vector.broadcast %add3A_3993 : i32 to vector<80x128xi32>
    %add3A_3995 = arith.addi %add3A_3984, %add3A_3994 : vector<80x128xi32>
    %add3A_3996 = arith.constant 2 : i32
    %add3A_3997 = vector.broadcast %add3A_3996 : i32 to vector<80x128xi32>
    %add3A_3998 = arith.addi %xor3A_3992, %add3A_3997 : vector<80x128xi32>
    %add3A_3999 = arith.addi %add3A_3995, %add3A_3998 : vector<80x128xi32>
    %shift_left3A_4000 = arith.constant 13 : i32
    %shift_left3A_4001 = vector.broadcast %shift_left3A_4000 : i32 to vector<80x128xi32>
    %shift_left3A_4002 = arith.shli %add3A_3998, %shift_left3A_4001 : vector<80x128xi32>
    %shift_right_logical3A_4003 = arith.constant 19 : i32
    %shift_right_logical3A_4004 = vector.broadcast %shift_right_logical3A_4003 : i32 to vector<80x128xi32>
    %shift_right_logical3A_4005 = arith.shrui %add3A_3998, %shift_right_logical3A_4004 : vector<80x128xi32>
    %or3A_4006 = arith.ori %shift_left3A_4002, %shift_right_logical3A_4005 : vector<80x128xi32>
    %xor3A_4007 = arith.xori %add3A_3999, %or3A_4006 : vector<80x128xi32>
    %add3A_4008 = arith.addi %add3A_3999, %xor3A_4007 : vector<80x128xi32>
    %shift_left3A_4009 = arith.constant 15 : i32
    %shift_left3A_4010 = vector.broadcast %shift_left3A_4009 : i32 to vector<80x128xi32>
    %shift_left3A_4011 = arith.shli %xor3A_4007, %shift_left3A_4010 : vector<80x128xi32>
    %shift_right_logical3A_4012 = arith.constant 17 : i32
    %shift_right_logical3A_4013 = vector.broadcast %shift_right_logical3A_4012 : i32 to vector<80x128xi32>
    %shift_right_logical3A_4014 = arith.shrui %xor3A_4007, %shift_right_logical3A_4013 : vector<80x128xi32>
    %or3A_4015 = arith.ori %shift_left3A_4011, %shift_right_logical3A_4014 : vector<80x128xi32>
    %xor3A_4016 = arith.xori %add3A_4008, %or3A_4015 : vector<80x128xi32>
    %add3A_4017 = arith.addi %add3A_4008, %xor3A_4016 : vector<80x128xi32>
    %shift_left3A_4018 = arith.constant 26 : i32
    %shift_left3A_4019 = vector.broadcast %shift_left3A_4018 : i32 to vector<80x128xi32>
    %shift_left3A_4020 = arith.shli %xor3A_4016, %shift_left3A_4019 : vector<80x128xi32>
    %shift_right_logical3A_4021 = arith.constant 6 : i32
    %shift_right_logical3A_4022 = vector.broadcast %shift_right_logical3A_4021 : i32 to vector<80x128xi32>
    %shift_right_logical3A_4023 = arith.shrui %xor3A_4016, %shift_right_logical3A_4022 : vector<80x128xi32>
    %or3A_4024 = arith.ori %shift_left3A_4020, %shift_right_logical3A_4023 : vector<80x128xi32>
    %xor3A_4025 = arith.xori %add3A_4017, %or3A_4024 : vector<80x128xi32>
    %add3A_4026 = arith.addi %add3A_4017, %xor3A_4025 : vector<80x128xi32>
    %shift_left3A_4027 = arith.constant 6 : i32
    %shift_left3A_4028 = vector.broadcast %shift_left3A_4027 : i32 to vector<80x128xi32>
    %shift_left3A_4029 = arith.shli %xor3A_4025, %shift_left3A_4028 : vector<80x128xi32>
    %shift_right_logical3A_4030 = arith.constant 26 : i32
    %shift_right_logical3A_4031 = vector.broadcast %shift_right_logical3A_4030 : i32 to vector<80x128xi32>
    %shift_right_logical3A_4032 = arith.shrui %xor3A_4025, %shift_right_logical3A_4031 : vector<80x128xi32>
    %or3A_4033 = arith.ori %shift_left3A_4029, %shift_right_logical3A_4032 : vector<80x128xi32>
    %xor3A_4034 = arith.xori %add3A_4026, %or3A_4033 : vector<80x128xi32>
    %add3A_4035 = arith.constant 45 : i32
    %add3A_4036 = vector.broadcast %add3A_4035 : i32 to vector<80x128xi32>
    %add3A_4037 = arith.addi %xor3A_4034, %add3A_4036 : vector<80x128xi32>
    %add3A_4038 = arith.addi %add3A_4026, %add3A_4037 : vector<80x128xi32>
    %shift_left3A_4039 = arith.constant 17 : i32
    %shift_left3A_4040 = vector.broadcast %shift_left3A_4039 : i32 to vector<80x128xi32>
    %shift_left3A_4041 = arith.shli %add3A_4037, %shift_left3A_4040 : vector<80x128xi32>
    %shift_right_logical3A_4042 = arith.constant 15 : i32
    %shift_right_logical3A_4043 = vector.broadcast %shift_right_logical3A_4042 : i32 to vector<80x128xi32>
    %shift_right_logical3A_4044 = arith.shrui %add3A_4037, %shift_right_logical3A_4043 : vector<80x128xi32>
    %or3A_4045 = arith.ori %shift_left3A_4041, %shift_right_logical3A_4044 : vector<80x128xi32>
    %xor3A_4046 = arith.xori %add3A_4038, %or3A_4045 : vector<80x128xi32>
    %add3A_4047 = arith.addi %add3A_4038, %xor3A_4046 : vector<80x128xi32>
    %shift_left3A_4048 = arith.constant 29 : i32
    %shift_left3A_4049 = vector.broadcast %shift_left3A_4048 : i32 to vector<80x128xi32>
    %shift_left3A_4050 = arith.shli %xor3A_4046, %shift_left3A_4049 : vector<80x128xi32>
    %shift_right_logical3A_4051 = arith.constant 3 : i32
    %shift_right_logical3A_4052 = vector.broadcast %shift_right_logical3A_4051 : i32 to vector<80x128xi32>
    %shift_right_logical3A_4053 = arith.shrui %xor3A_4046, %shift_right_logical3A_4052 : vector<80x128xi32>
    %or3A_4054 = arith.ori %shift_left3A_4050, %shift_right_logical3A_4053 : vector<80x128xi32>
    %xor3A_4055 = arith.xori %add3A_4047, %or3A_4054 : vector<80x128xi32>
    %add3A_4056 = arith.addi %add3A_4047, %xor3A_4055 : vector<80x128xi32>
    %shift_left3A_4057 = arith.constant 16 : i32
    %shift_left3A_4058 = vector.broadcast %shift_left3A_4057 : i32 to vector<80x128xi32>
    %shift_left3A_4059 = arith.shli %xor3A_4055, %shift_left3A_4058 : vector<80x128xi32>
    %shift_right_logical3A_4060 = arith.constant 16 : i32
    %shift_right_logical3A_4061 = vector.broadcast %shift_right_logical3A_4060 : i32 to vector<80x128xi32>
    %shift_right_logical3A_4062 = arith.shrui %xor3A_4055, %shift_right_logical3A_4061 : vector<80x128xi32>
    %or3A_4063 = arith.ori %shift_left3A_4059, %shift_right_logical3A_4062 : vector<80x128xi32>
    %xor3A_4064 = arith.xori %add3A_4056, %or3A_4063 : vector<80x128xi32>
    %add3A_4065 = arith.addi %add3A_4056, %xor3A_4064 : vector<80x128xi32>
    %shift_left3A_4066 = arith.constant 24 : i32
    %shift_left3A_4067 = vector.broadcast %shift_left3A_4066 : i32 to vector<80x128xi32>
    %shift_left3A_4068 = arith.shli %xor3A_4064, %shift_left3A_4067 : vector<80x128xi32>
    %shift_right_logical3A_4069 = arith.constant 8 : i32
    %shift_right_logical3A_4070 = vector.broadcast %shift_right_logical3A_4069 : i32 to vector<80x128xi32>
    %shift_right_logical3A_4071 = arith.shrui %xor3A_4064, %shift_right_logical3A_4070 : vector<80x128xi32>
    %or3A_4072 = arith.ori %shift_left3A_4068, %shift_right_logical3A_4071 : vector<80x128xi32>
    %xor3A_4073 = arith.xori %add3A_4065, %or3A_4072 : vector<80x128xi32>
    %add3A_4074 = arith.constant 42 : i32
    %add3A_4075 = vector.broadcast %add3A_4074 : i32 to vector<80x128xi32>
    %add3A_4076 = arith.addi %add3A_4065, %add3A_4075 : vector<80x128xi32>
    %add3A_4077 = arith.constant 466689012 : i32
    %add3A_4078 = vector.broadcast %add3A_4077 : i32 to vector<80x128xi32>
    %add3A_4079 = arith.addi %xor3A_4073, %add3A_4078 : vector<80x128xi32>
    %add3A_4080 = arith.addi %add3A_4076, %add3A_4079 : vector<80x128xi32>
    %shift_left3A_4081 = arith.constant 13 : i32
    %shift_left3A_4082 = vector.broadcast %shift_left3A_4081 : i32 to vector<80x128xi32>
    %shift_left3A_4083 = arith.shli %add3A_4079, %shift_left3A_4082 : vector<80x128xi32>
    %shift_right_logical3A_4084 = arith.constant 19 : i32
    %shift_right_logical3A_4085 = vector.broadcast %shift_right_logical3A_4084 : i32 to vector<80x128xi32>
    %shift_right_logical3A_4086 = arith.shrui %add3A_4079, %shift_right_logical3A_4085 : vector<80x128xi32>
    %or3A_4087 = arith.ori %shift_left3A_4083, %shift_right_logical3A_4086 : vector<80x128xi32>
    %xor3A_4088 = arith.xori %add3A_4080, %or3A_4087 : vector<80x128xi32>
    %add3A_4089 = arith.addi %add3A_4080, %xor3A_4088 : vector<80x128xi32>
    %shift_left3A_4090 = arith.constant 15 : i32
    %shift_left3A_4091 = vector.broadcast %shift_left3A_4090 : i32 to vector<80x128xi32>
    %shift_left3A_4092 = arith.shli %xor3A_4088, %shift_left3A_4091 : vector<80x128xi32>
    %shift_right_logical3A_4093 = arith.constant 17 : i32
    %shift_right_logical3A_4094 = vector.broadcast %shift_right_logical3A_4093 : i32 to vector<80x128xi32>
    %shift_right_logical3A_4095 = arith.shrui %xor3A_4088, %shift_right_logical3A_4094 : vector<80x128xi32>
    %or3A_4096 = arith.ori %shift_left3A_4092, %shift_right_logical3A_4095 : vector<80x128xi32>
    %xor3A_4097 = arith.xori %add3A_4089, %or3A_4096 : vector<80x128xi32>
    %add3A_4098 = arith.addi %add3A_4089, %xor3A_4097 : vector<80x128xi32>
    %shift_left3A_4099 = arith.constant 26 : i32
    %shift_left3A_4100 = vector.broadcast %shift_left3A_4099 : i32 to vector<80x128xi32>
    %shift_left3A_4101 = arith.shli %xor3A_4097, %shift_left3A_4100 : vector<80x128xi32>
    %shift_right_logical3A_4102 = arith.constant 6 : i32
    %shift_right_logical3A_4103 = vector.broadcast %shift_right_logical3A_4102 : i32 to vector<80x128xi32>
    %shift_right_logical3A_4104 = arith.shrui %xor3A_4097, %shift_right_logical3A_4103 : vector<80x128xi32>
    %or3A_4105 = arith.ori %shift_left3A_4101, %shift_right_logical3A_4104 : vector<80x128xi32>
    %xor3A_4106 = arith.xori %add3A_4098, %or3A_4105 : vector<80x128xi32>
    %add3A_4107 = arith.addi %add3A_4098, %xor3A_4106 : vector<80x128xi32>
    %shift_left3A_4108 = arith.constant 6 : i32
    %shift_left3A_4109 = vector.broadcast %shift_left3A_4108 : i32 to vector<80x128xi32>
    %shift_left3A_4110 = arith.shli %xor3A_4106, %shift_left3A_4109 : vector<80x128xi32>
    %shift_right_logical3A_4111 = arith.constant 26 : i32
    %shift_right_logical3A_4112 = vector.broadcast %shift_right_logical3A_4111 : i32 to vector<80x128xi32>
    %shift_right_logical3A_4113 = arith.shrui %xor3A_4106, %shift_right_logical3A_4112 : vector<80x128xi32>
    %or3A_4114 = arith.ori %shift_left3A_4110, %shift_right_logical3A_4113 : vector<80x128xi32>
    %xor3A_4115 = arith.xori %add3A_4107, %or3A_4114 : vector<80x128xi32>
    %add3A_4116 = arith.constant 466689008 : i32
    %add3A_4117 = vector.broadcast %add3A_4116 : i32 to vector<80x128xi32>
    %add3A_4118 = arith.addi %add3A_4107, %add3A_4117 : vector<80x128xi32>
    %add3A_4119 = arith.constant 5 : i32
    %add3A_4120 = vector.broadcast %add3A_4119 : i32 to vector<80x128xi32>
    %add3A_4121 = arith.addi %xor3A_4115, %add3A_4120 : vector<80x128xi32>
    %xor3A_4122 = arith.xori %add3A_4118, %add3A_4121 : vector<80x128xi32>
    %shift_right_logical3A_4123 = arith.constant 9 : i32
    %shift_right_logical3A_4124 = vector.broadcast %shift_right_logical3A_4123 : i32 to vector<80x128xi32>
    %shift_right_logical3A_4125 = arith.shrui %xor3A_4122, %shift_right_logical3A_4124 : vector<80x128xi32>
    %ge3A_4126 = vector.broadcast %get3A_0 : i32 to vector<80x128xi32>
    %ge3A_4127 = arith.cmpi sge, %shift_right_logical3A_4125, %ge3A_4126 : vector<80x128xi32>
    %get3A_4128 = arith.constant 1360 : index
    %get3A_4129 = arith.constant 0 : index
    %get3A_4130 = vector.load %arg3[%get3A_4128, %get3A_4129] : memref<2000x128xf32, #tpu.memory_space<vmem>>, vector<80x128xf32>
    %mul3A_4131 = vector.broadcast %get3A_2 : f32 to vector<80x128xf32>
    %mul3A_4132 = arith.mulf %get3A_4130, %mul3A_4131 : vector<80x128xf32>
    %jit3A_4133 = arith.constant 0.000000e+00 : f32
    %broadcast_in_dim3A_4134 = vector.broadcast %jit3A_4133 : f32 to vector<80x128xf32>
    %select_n3A_4135 = arith.select %ge3A_4127, %mul3A_4132, %broadcast_in_dim3A_4134 : vector<80x128xi1>, vector<80x128xf32>
    %swap3A_4136 = arith.constant 1360 : index
    %swap3A_4137 = arith.constant 0 : index
    %swap3A_4138 = vector.load %arg4[%swap3A_4136, %swap3A_4137] : memref<2000x128xf32, #tpu.memory_space<vmem>>, vector<80x128xf32>
    tpu.vector_store %arg4[%swap3A_4136, %swap3A_4137], %select_n3A_4135 {strides = array<i32>} : memref<2000x128xf32, #tpu.memory_space<vmem>>, vector<80x128xf32>,
    %add3A_4139 = arith.constant 184320 : i32
    %add3A_4140 = arith.addi %mul3A_6, %add3A_4139 : i32
    %add3A_4141 = vector.broadcast %add3A_4140 : i32 to vector<80x128xi32>
    %add3A_4142 = arith.addi %add3A, %add3A_4141 : vector<80x128xi32>
    %add3A_4143 = arith.constant 42 : i32
    %add3A_4144 = vector.broadcast %add3A_4143 : i32 to vector<80x128xi32>
    %add3A_4145 = arith.addi %add3A_4142, %add3A_4144 : vector<80x128xi32>
    %shift_left3A_4146 = arith.constant 13 : i32
    %shift_left3A_4147 = vector.broadcast %shift_left3A_4146 : i32 to vector<80x128xi32>
    %shift_left3A_4148 = arith.shli %add3A_4145, %shift_left3A_4147 : vector<80x128xi32>
    %shift_right_logical3A_4149 = arith.constant 19 : i32
    %shift_right_logical3A_4150 = vector.broadcast %shift_right_logical3A_4149 : i32 to vector<80x128xi32>
    %shift_right_logical3A_4151 = arith.shrui %add3A_4145, %shift_right_logical3A_4150 : vector<80x128xi32>
    %or3A_4152 = arith.ori %shift_left3A_4148, %shift_right_logical3A_4151 : vector<80x128xi32>
    %xor3A_4153 = arith.xori %add3A_4145, %or3A_4152 : vector<80x128xi32>
    %add3A_4154 = arith.addi %add3A_4145, %xor3A_4153 : vector<80x128xi32>
    %shift_left3A_4155 = arith.constant 15 : i32
    %shift_left3A_4156 = vector.broadcast %shift_left3A_4155 : i32 to vector<80x128xi32>
    %shift_left3A_4157 = arith.shli %xor3A_4153, %shift_left3A_4156 : vector<80x128xi32>
    %shift_right_logical3A_4158 = arith.constant 17 : i32
    %shift_right_logical3A_4159 = vector.broadcast %shift_right_logical3A_4158 : i32 to vector<80x128xi32>
    %shift_right_logical3A_4160 = arith.shrui %xor3A_4153, %shift_right_logical3A_4159 : vector<80x128xi32>
    %or3A_4161 = arith.ori %shift_left3A_4157, %shift_right_logical3A_4160 : vector<80x128xi32>
    %xor3A_4162 = arith.xori %add3A_4154, %or3A_4161 : vector<80x128xi32>
    %add3A_4163 = arith.addi %add3A_4154, %xor3A_4162 : vector<80x128xi32>
    %shift_left3A_4164 = arith.constant 26 : i32
    %shift_left3A_4165 = vector.broadcast %shift_left3A_4164 : i32 to vector<80x128xi32>
    %shift_left3A_4166 = arith.shli %xor3A_4162, %shift_left3A_4165 : vector<80x128xi32>
    %shift_right_logical3A_4167 = arith.constant 6 : i32
    %shift_right_logical3A_4168 = vector.broadcast %shift_right_logical3A_4167 : i32 to vector<80x128xi32>
    %shift_right_logical3A_4169 = arith.shrui %xor3A_4162, %shift_right_logical3A_4168 : vector<80x128xi32>
    %or3A_4170 = arith.ori %shift_left3A_4166, %shift_right_logical3A_4169 : vector<80x128xi32>
    %xor3A_4171 = arith.xori %add3A_4163, %or3A_4170 : vector<80x128xi32>
    %add3A_4172 = arith.addi %add3A_4163, %xor3A_4171 : vector<80x128xi32>
    %shift_left3A_4173 = arith.constant 6 : i32
    %shift_left3A_4174 = vector.broadcast %shift_left3A_4173 : i32 to vector<80x128xi32>
    %shift_left3A_4175 = arith.shli %xor3A_4171, %shift_left3A_4174 : vector<80x128xi32>
    %shift_right_logical3A_4176 = arith.constant 26 : i32
    %shift_right_logical3A_4177 = vector.broadcast %shift_right_logical3A_4176 : i32 to vector<80x128xi32>
    %shift_right_logical3A_4178 = arith.shrui %xor3A_4171, %shift_right_logical3A_4177 : vector<80x128xi32>
    %or3A_4179 = arith.ori %shift_left3A_4175, %shift_right_logical3A_4178 : vector<80x128xi32>
    %xor3A_4180 = arith.xori %add3A_4172, %or3A_4179 : vector<80x128xi32>
    %add3A_4181 = arith.constant 42 : i32
    %add3A_4182 = vector.broadcast %add3A_4181 : i32 to vector<80x128xi32>
    %add3A_4183 = arith.addi %add3A_4172, %add3A_4182 : vector<80x128xi32>
    %add3A_4184 = arith.constant 466689009 : i32
    %add3A_4185 = vector.broadcast %add3A_4184 : i32 to vector<80x128xi32>
    %add3A_4186 = arith.addi %xor3A_4180, %add3A_4185 : vector<80x128xi32>
    %add3A_4187 = arith.addi %add3A_4183, %add3A_4186 : vector<80x128xi32>
    %shift_left3A_4188 = arith.constant 17 : i32
    %shift_left3A_4189 = vector.broadcast %shift_left3A_4188 : i32 to vector<80x128xi32>
    %shift_left3A_4190 = arith.shli %add3A_4186, %shift_left3A_4189 : vector<80x128xi32>
    %shift_right_logical3A_4191 = arith.constant 15 : i32
    %shift_right_logical3A_4192 = vector.broadcast %shift_right_logical3A_4191 : i32 to vector<80x128xi32>
    %shift_right_logical3A_4193 = arith.shrui %add3A_4186, %shift_right_logical3A_4192 : vector<80x128xi32>
    %or3A_4194 = arith.ori %shift_left3A_4190, %shift_right_logical3A_4193 : vector<80x128xi32>
    %xor3A_4195 = arith.xori %add3A_4187, %or3A_4194 : vector<80x128xi32>
    %add3A_4196 = arith.addi %add3A_4187, %xor3A_4195 : vector<80x128xi32>
    %shift_left3A_4197 = arith.constant 29 : i32
    %shift_left3A_4198 = vector.broadcast %shift_left3A_4197 : i32 to vector<80x128xi32>
    %shift_left3A_4199 = arith.shli %xor3A_4195, %shift_left3A_4198 : vector<80x128xi32>
    %shift_right_logical3A_4200 = arith.constant 3 : i32
    %shift_right_logical3A_4201 = vector.broadcast %shift_right_logical3A_4200 : i32 to vector<80x128xi32>
    %shift_right_logical3A_4202 = arith.shrui %xor3A_4195, %shift_right_logical3A_4201 : vector<80x128xi32>
    %or3A_4203 = arith.ori %shift_left3A_4199, %shift_right_logical3A_4202 : vector<80x128xi32>
    %xor3A_4204 = arith.xori %add3A_4196, %or3A_4203 : vector<80x128xi32>
    %add3A_4205 = arith.addi %add3A_4196, %xor3A_4204 : vector<80x128xi32>
    %shift_left3A_4206 = arith.constant 16 : i32
    %shift_left3A_4207 = vector.broadcast %shift_left3A_4206 : i32 to vector<80x128xi32>
    %shift_left3A_4208 = arith.shli %xor3A_4204, %shift_left3A_4207 : vector<80x128xi32>
    %shift_right_logical3A_4209 = arith.constant 16 : i32
    %shift_right_logical3A_4210 = vector.broadcast %shift_right_logical3A_4209 : i32 to vector<80x128xi32>
    %shift_right_logical3A_4211 = arith.shrui %xor3A_4204, %shift_right_logical3A_4210 : vector<80x128xi32>
    %or3A_4212 = arith.ori %shift_left3A_4208, %shift_right_logical3A_4211 : vector<80x128xi32>
    %xor3A_4213 = arith.xori %add3A_4205, %or3A_4212 : vector<80x128xi32>
    %add3A_4214 = arith.addi %add3A_4205, %xor3A_4213 : vector<80x128xi32>
    %shift_left3A_4215 = arith.constant 24 : i32
    %shift_left3A_4216 = vector.broadcast %shift_left3A_4215 : i32 to vector<80x128xi32>
    %shift_left3A_4217 = arith.shli %xor3A_4213, %shift_left3A_4216 : vector<80x128xi32>
    %shift_right_logical3A_4218 = arith.constant 8 : i32
    %shift_right_logical3A_4219 = vector.broadcast %shift_right_logical3A_4218 : i32 to vector<80x128xi32>
    %shift_right_logical3A_4220 = arith.shrui %xor3A_4213, %shift_right_logical3A_4219 : vector<80x128xi32>
    %or3A_4221 = arith.ori %shift_left3A_4217, %shift_right_logical3A_4220 : vector<80x128xi32>
    %xor3A_4222 = arith.xori %add3A_4214, %or3A_4221 : vector<80x128xi32>
    %add3A_4223 = arith.constant 466689008 : i32
    %add3A_4224 = vector.broadcast %add3A_4223 : i32 to vector<80x128xi32>
    %add3A_4225 = arith.addi %add3A_4214, %add3A_4224 : vector<80x128xi32>
    %add3A_4226 = arith.constant 2 : i32
    %add3A_4227 = vector.broadcast %add3A_4226 : i32 to vector<80x128xi32>
    %add3A_4228 = arith.addi %xor3A_4222, %add3A_4227 : vector<80x128xi32>
    %add3A_4229 = arith.addi %add3A_4225, %add3A_4228 : vector<80x128xi32>
    %shift_left3A_4230 = arith.constant 13 : i32
    %shift_left3A_4231 = vector.broadcast %shift_left3A_4230 : i32 to vector<80x128xi32>
    %shift_left3A_4232 = arith.shli %add3A_4228, %shift_left3A_4231 : vector<80x128xi32>
    %shift_right_logical3A_4233 = arith.constant 19 : i32
    %shift_right_logical3A_4234 = vector.broadcast %shift_right_logical3A_4233 : i32 to vector<80x128xi32>
    %shift_right_logical3A_4235 = arith.shrui %add3A_4228, %shift_right_logical3A_4234 : vector<80x128xi32>
    %or3A_4236 = arith.ori %shift_left3A_4232, %shift_right_logical3A_4235 : vector<80x128xi32>
    %xor3A_4237 = arith.xori %add3A_4229, %or3A_4236 : vector<80x128xi32>
    %add3A_4238 = arith.addi %add3A_4229, %xor3A_4237 : vector<80x128xi32>
    %shift_left3A_4239 = arith.constant 15 : i32
    %shift_left3A_4240 = vector.broadcast %shift_left3A_4239 : i32 to vector<80x128xi32>
    %shift_left3A_4241 = arith.shli %xor3A_4237, %shift_left3A_4240 : vector<80x128xi32>
    %shift_right_logical3A_4242 = arith.constant 17 : i32
    %shift_right_logical3A_4243 = vector.broadcast %shift_right_logical3A_4242 : i32 to vector<80x128xi32>
    %shift_right_logical3A_4244 = arith.shrui %xor3A_4237, %shift_right_logical3A_4243 : vector<80x128xi32>
    %or3A_4245 = arith.ori %shift_left3A_4241, %shift_right_logical3A_4244 : vector<80x128xi32>
    %xor3A_4246 = arith.xori %add3A_4238, %or3A_4245 : vector<80x128xi32>
    %add3A_4247 = arith.addi %add3A_4238, %xor3A_4246 : vector<80x128xi32>
    %shift_left3A_4248 = arith.constant 26 : i32
    %shift_left3A_4249 = vector.broadcast %shift_left3A_4248 : i32 to vector<80x128xi32>
    %shift_left3A_4250 = arith.shli %xor3A_4246, %shift_left3A_4249 : vector<80x128xi32>
    %shift_right_logical3A_4251 = arith.constant 6 : i32
    %shift_right_logical3A_4252 = vector.broadcast %shift_right_logical3A_4251 : i32 to vector<80x128xi32>
    %shift_right_logical3A_4253 = arith.shrui %xor3A_4246, %shift_right_logical3A_4252 : vector<80x128xi32>
    %or3A_4254 = arith.ori %shift_left3A_4250, %shift_right_logical3A_4253 : vector<80x128xi32>
    %xor3A_4255 = arith.xori %add3A_4247, %or3A_4254 : vector<80x128xi32>
    %add3A_4256 = arith.addi %add3A_4247, %xor3A_4255 : vector<80x128xi32>
    %shift_left3A_4257 = arith.constant 6 : i32
    %shift_left3A_4258 = vector.broadcast %shift_left3A_4257 : i32 to vector<80x128xi32>
    %shift_left3A_4259 = arith.shli %xor3A_4255, %shift_left3A_4258 : vector<80x128xi32>
    %shift_right_logical3A_4260 = arith.constant 26 : i32
    %shift_right_logical3A_4261 = vector.broadcast %shift_right_logical3A_4260 : i32 to vector<80x128xi32>
    %shift_right_logical3A_4262 = arith.shrui %xor3A_4255, %shift_right_logical3A_4261 : vector<80x128xi32>
    %or3A_4263 = arith.ori %shift_left3A_4259, %shift_right_logical3A_4262 : vector<80x128xi32>
    %xor3A_4264 = arith.xori %add3A_4256, %or3A_4263 : vector<80x128xi32>
    %add3A_4265 = arith.constant 45 : i32
    %add3A_4266 = vector.broadcast %add3A_4265 : i32 to vector<80x128xi32>
    %add3A_4267 = arith.addi %xor3A_4264, %add3A_4266 : vector<80x128xi32>
    %add3A_4268 = arith.addi %add3A_4256, %add3A_4267 : vector<80x128xi32>
    %shift_left3A_4269 = arith.constant 17 : i32
    %shift_left3A_4270 = vector.broadcast %shift_left3A_4269 : i32 to vector<80x128xi32>
    %shift_left3A_4271 = arith.shli %add3A_4267, %shift_left3A_4270 : vector<80x128xi32>
    %shift_right_logical3A_4272 = arith.constant 15 : i32
    %shift_right_logical3A_4273 = vector.broadcast %shift_right_logical3A_4272 : i32 to vector<80x128xi32>
    %shift_right_logical3A_4274 = arith.shrui %add3A_4267, %shift_right_logical3A_4273 : vector<80x128xi32>
    %or3A_4275 = arith.ori %shift_left3A_4271, %shift_right_logical3A_4274 : vector<80x128xi32>
    %xor3A_4276 = arith.xori %add3A_4268, %or3A_4275 : vector<80x128xi32>
    %add3A_4277 = arith.addi %add3A_4268, %xor3A_4276 : vector<80x128xi32>
    %shift_left3A_4278 = arith.constant 29 : i32
    %shift_left3A_4279 = vector.broadcast %shift_left3A_4278 : i32 to vector<80x128xi32>
    %shift_left3A_4280 = arith.shli %xor3A_4276, %shift_left3A_4279 : vector<80x128xi32>
    %shift_right_logical3A_4281 = arith.constant 3 : i32
    %shift_right_logical3A_4282 = vector.broadcast %shift_right_logical3A_4281 : i32 to vector<80x128xi32>
    %shift_right_logical3A_4283 = arith.shrui %xor3A_4276, %shift_right_logical3A_4282 : vector<80x128xi32>
    %or3A_4284 = arith.ori %shift_left3A_4280, %shift_right_logical3A_4283 : vector<80x128xi32>
    %xor3A_4285 = arith.xori %add3A_4277, %or3A_4284 : vector<80x128xi32>
    %add3A_4286 = arith.addi %add3A_4277, %xor3A_4285 : vector<80x128xi32>
    %shift_left3A_4287 = arith.constant 16 : i32
    %shift_left3A_4288 = vector.broadcast %shift_left3A_4287 : i32 to vector<80x128xi32>
    %shift_left3A_4289 = arith.shli %xor3A_4285, %shift_left3A_4288 : vector<80x128xi32>
    %shift_right_logical3A_4290 = arith.constant 16 : i32
    %shift_right_logical3A_4291 = vector.broadcast %shift_right_logical3A_4290 : i32 to vector<80x128xi32>
    %shift_right_logical3A_4292 = arith.shrui %xor3A_4285, %shift_right_logical3A_4291 : vector<80x128xi32>
    %or3A_4293 = arith.ori %shift_left3A_4289, %shift_right_logical3A_4292 : vector<80x128xi32>
    %xor3A_4294 = arith.xori %add3A_4286, %or3A_4293 : vector<80x128xi32>
    %add3A_4295 = arith.addi %add3A_4286, %xor3A_4294 : vector<80x128xi32>
    %shift_left3A_4296 = arith.constant 24 : i32
    %shift_left3A_4297 = vector.broadcast %shift_left3A_4296 : i32 to vector<80x128xi32>
    %shift_left3A_4298 = arith.shli %xor3A_4294, %shift_left3A_4297 : vector<80x128xi32>
    %shift_right_logical3A_4299 = arith.constant 8 : i32
    %shift_right_logical3A_4300 = vector.broadcast %shift_right_logical3A_4299 : i32 to vector<80x128xi32>
    %shift_right_logical3A_4301 = arith.shrui %xor3A_4294, %shift_right_logical3A_4300 : vector<80x128xi32>
    %or3A_4302 = arith.ori %shift_left3A_4298, %shift_right_logical3A_4301 : vector<80x128xi32>
    %xor3A_4303 = arith.xori %add3A_4295, %or3A_4302 : vector<80x128xi32>
    %add3A_4304 = arith.constant 42 : i32
    %add3A_4305 = vector.broadcast %add3A_4304 : i32 to vector<80x128xi32>
    %add3A_4306 = arith.addi %add3A_4295, %add3A_4305 : vector<80x128xi32>
    %add3A_4307 = arith.constant 466689012 : i32
    %add3A_4308 = vector.broadcast %add3A_4307 : i32 to vector<80x128xi32>
    %add3A_4309 = arith.addi %xor3A_4303, %add3A_4308 : vector<80x128xi32>
    %add3A_4310 = arith.addi %add3A_4306, %add3A_4309 : vector<80x128xi32>
    %shift_left3A_4311 = arith.constant 13 : i32
    %shift_left3A_4312 = vector.broadcast %shift_left3A_4311 : i32 to vector<80x128xi32>
    %shift_left3A_4313 = arith.shli %add3A_4309, %shift_left3A_4312 : vector<80x128xi32>
    %shift_right_logical3A_4314 = arith.constant 19 : i32
    %shift_right_logical3A_4315 = vector.broadcast %shift_right_logical3A_4314 : i32 to vector<80x128xi32>
    %shift_right_logical3A_4316 = arith.shrui %add3A_4309, %shift_right_logical3A_4315 : vector<80x128xi32>
    %or3A_4317 = arith.ori %shift_left3A_4313, %shift_right_logical3A_4316 : vector<80x128xi32>
    %xor3A_4318 = arith.xori %add3A_4310, %or3A_4317 : vector<80x128xi32>
    %add3A_4319 = arith.addi %add3A_4310, %xor3A_4318 : vector<80x128xi32>
    %shift_left3A_4320 = arith.constant 15 : i32
    %shift_left3A_4321 = vector.broadcast %shift_left3A_4320 : i32 to vector<80x128xi32>
    %shift_left3A_4322 = arith.shli %xor3A_4318, %shift_left3A_4321 : vector<80x128xi32>
    %shift_right_logical3A_4323 = arith.constant 17 : i32
    %shift_right_logical3A_4324 = vector.broadcast %shift_right_logical3A_4323 : i32 to vector<80x128xi32>
    %shift_right_logical3A_4325 = arith.shrui %xor3A_4318, %shift_right_logical3A_4324 : vector<80x128xi32>
    %or3A_4326 = arith.ori %shift_left3A_4322, %shift_right_logical3A_4325 : vector<80x128xi32>
    %xor3A_4327 = arith.xori %add3A_4319, %or3A_4326 : vector<80x128xi32>
    %add3A_4328 = arith.addi %add3A_4319, %xor3A_4327 : vector<80x128xi32>
    %shift_left3A_4329 = arith.constant 26 : i32
    %shift_left3A_4330 = vector.broadcast %shift_left3A_4329 : i32 to vector<80x128xi32>
    %shift_left3A_4331 = arith.shli %xor3A_4327, %shift_left3A_4330 : vector<80x128xi32>
    %shift_right_logical3A_4332 = arith.constant 6 : i32
    %shift_right_logical3A_4333 = vector.broadcast %shift_right_logical3A_4332 : i32 to vector<80x128xi32>
    %shift_right_logical3A_4334 = arith.shrui %xor3A_4327, %shift_right_logical3A_4333 : vector<80x128xi32>
    %or3A_4335 = arith.ori %shift_left3A_4331, %shift_right_logical3A_4334 : vector<80x128xi32>
    %xor3A_4336 = arith.xori %add3A_4328, %or3A_4335 : vector<80x128xi32>
    %add3A_4337 = arith.addi %add3A_4328, %xor3A_4336 : vector<80x128xi32>
    %shift_left3A_4338 = arith.constant 6 : i32
    %shift_left3A_4339 = vector.broadcast %shift_left3A_4338 : i32 to vector<80x128xi32>
    %shift_left3A_4340 = arith.shli %xor3A_4336, %shift_left3A_4339 : vector<80x128xi32>
    %shift_right_logical3A_4341 = arith.constant 26 : i32
    %shift_right_logical3A_4342 = vector.broadcast %shift_right_logical3A_4341 : i32 to vector<80x128xi32>
    %shift_right_logical3A_4343 = arith.shrui %xor3A_4336, %shift_right_logical3A_4342 : vector<80x128xi32>
    %or3A_4344 = arith.ori %shift_left3A_4340, %shift_right_logical3A_4343 : vector<80x128xi32>
    %xor3A_4345 = arith.xori %add3A_4337, %or3A_4344 : vector<80x128xi32>
    %add3A_4346 = arith.constant 466689008 : i32
    %add3A_4347 = vector.broadcast %add3A_4346 : i32 to vector<80x128xi32>
    %add3A_4348 = arith.addi %add3A_4337, %add3A_4347 : vector<80x128xi32>
    %add3A_4349 = arith.constant 5 : i32
    %add3A_4350 = vector.broadcast %add3A_4349 : i32 to vector<80x128xi32>
    %add3A_4351 = arith.addi %xor3A_4345, %add3A_4350 : vector<80x128xi32>
    %xor3A_4352 = arith.xori %add3A_4348, %add3A_4351 : vector<80x128xi32>
    %shift_right_logical3A_4353 = arith.constant 9 : i32
    %shift_right_logical3A_4354 = vector.broadcast %shift_right_logical3A_4353 : i32 to vector<80x128xi32>
    %shift_right_logical3A_4355 = arith.shrui %xor3A_4352, %shift_right_logical3A_4354 : vector<80x128xi32>
    %ge3A_4356 = vector.broadcast %get3A_0 : i32 to vector<80x128xi32>
    %ge3A_4357 = arith.cmpi sge, %shift_right_logical3A_4355, %ge3A_4356 : vector<80x128xi32>
    %get3A_4358 = arith.constant 1440 : index
    %get3A_4359 = arith.constant 0 : index
    %get3A_4360 = vector.load %arg3[%get3A_4358, %get3A_4359] : memref<2000x128xf32, #tpu.memory_space<vmem>>, vector<80x128xf32>
    %mul3A_4361 = vector.broadcast %get3A_2 : f32 to vector<80x128xf32>
    %mul3A_4362 = arith.mulf %get3A_4360, %mul3A_4361 : vector<80x128xf32>
    %jit3A_4363 = arith.constant 0.000000e+00 : f32
    %broadcast_in_dim3A_4364 = vector.broadcast %jit3A_4363 : f32 to vector<80x128xf32>
    %select_n3A_4365 = arith.select %ge3A_4357, %mul3A_4362, %broadcast_in_dim3A_4364 : vector<80x128xi1>, vector<80x128xf32>
    %swap3A_4366 = arith.constant 1440 : index
    %swap3A_4367 = arith.constant 0 : index
    %swap3A_4368 = vector.load %arg4[%swap3A_4366, %swap3A_4367] : memref<2000x128xf32, #tpu.memory_space<vmem>>, vector<80x128xf32>
    tpu.vector_store %arg4[%swap3A_4366, %swap3A_4367], %select_n3A_4365 {strides = array<i32>} : memref<2000x128xf32, #tpu.memory_space<vmem>>, vector<80x128xf32>,
    %add3A_4369 = arith.constant 194560 : i32
    %add3A_4370 = arith.addi %mul3A_6, %add3A_4369 : i32
    %add3A_4371 = vector.broadcast %add3A_4370 : i32 to vector<80x128xi32>
    %add3A_4372 = arith.addi %add3A, %add3A_4371 : vector<80x128xi32>
    %add3A_4373 = arith.constant 42 : i32
    %add3A_4374 = vector.broadcast %add3A_4373 : i32 to vector<80x128xi32>
    %add3A_4375 = arith.addi %add3A_4372, %add3A_4374 : vector<80x128xi32>
    %shift_left3A_4376 = arith.constant 13 : i32
    %shift_left3A_4377 = vector.broadcast %shift_left3A_4376 : i32 to vector<80x128xi32>
    %shift_left3A_4378 = arith.shli %add3A_4375, %shift_left3A_4377 : vector<80x128xi32>
    %shift_right_logical3A_4379 = arith.constant 19 : i32
    %shift_right_logical3A_4380 = vector.broadcast %shift_right_logical3A_4379 : i32 to vector<80x128xi32>
    %shift_right_logical3A_4381 = arith.shrui %add3A_4375, %shift_right_logical3A_4380 : vector<80x128xi32>
    %or3A_4382 = arith.ori %shift_left3A_4378, %shift_right_logical3A_4381 : vector<80x128xi32>
    %xor3A_4383 = arith.xori %add3A_4375, %or3A_4382 : vector<80x128xi32>
    %add3A_4384 = arith.addi %add3A_4375, %xor3A_4383 : vector<80x128xi32>
    %shift_left3A_4385 = arith.constant 15 : i32
    %shift_left3A_4386 = vector.broadcast %shift_left3A_4385 : i32 to vector<80x128xi32>
    %shift_left3A_4387 = arith.shli %xor3A_4383, %shift_left3A_4386 : vector<80x128xi32>
    %shift_right_logical3A_4388 = arith.constant 17 : i32
    %shift_right_logical3A_4389 = vector.broadcast %shift_right_logical3A_4388 : i32 to vector<80x128xi32>
    %shift_right_logical3A_4390 = arith.shrui %xor3A_4383, %shift_right_logical3A_4389 : vector<80x128xi32>
    %or3A_4391 = arith.ori %shift_left3A_4387, %shift_right_logical3A_4390 : vector<80x128xi32>
    %xor3A_4392 = arith.xori %add3A_4384, %or3A_4391 : vector<80x128xi32>
    %add3A_4393 = arith.addi %add3A_4384, %xor3A_4392 : vector<80x128xi32>
    %shift_left3A_4394 = arith.constant 26 : i32
    %shift_left3A_4395 = vector.broadcast %shift_left3A_4394 : i32 to vector<80x128xi32>
    %shift_left3A_4396 = arith.shli %xor3A_4392, %shift_left3A_4395 : vector<80x128xi32>
    %shift_right_logical3A_4397 = arith.constant 6 : i32
    %shift_right_logical3A_4398 = vector.broadcast %shift_right_logical3A_4397 : i32 to vector<80x128xi32>
    %shift_right_logical3A_4399 = arith.shrui %xor3A_4392, %shift_right_logical3A_4398 : vector<80x128xi32>
    %or3A_4400 = arith.ori %shift_left3A_4396, %shift_right_logical3A_4399 : vector<80x128xi32>
    %xor3A_4401 = arith.xori %add3A_4393, %or3A_4400 : vector<80x128xi32>
    %add3A_4402 = arith.addi %add3A_4393, %xor3A_4401 : vector<80x128xi32>
    %shift_left3A_4403 = arith.constant 6 : i32
    %shift_left3A_4404 = vector.broadcast %shift_left3A_4403 : i32 to vector<80x128xi32>
    %shift_left3A_4405 = arith.shli %xor3A_4401, %shift_left3A_4404 : vector<80x128xi32>
    %shift_right_logical3A_4406 = arith.constant 26 : i32
    %shift_right_logical3A_4407 = vector.broadcast %shift_right_logical3A_4406 : i32 to vector<80x128xi32>
    %shift_right_logical3A_4408 = arith.shrui %xor3A_4401, %shift_right_logical3A_4407 : vector<80x128xi32>
    %or3A_4409 = arith.ori %shift_left3A_4405, %shift_right_logical3A_4408 : vector<80x128xi32>
    %xor3A_4410 = arith.xori %add3A_4402, %or3A_4409 : vector<80x128xi32>
    %add3A_4411 = arith.constant 42 : i32
    %add3A_4412 = vector.broadcast %add3A_4411 : i32 to vector<80x128xi32>
    %add3A_4413 = arith.addi %add3A_4402, %add3A_4412 : vector<80x128xi32>
    %add3A_4414 = arith.constant 466689009 : i32
    %add3A_4415 = vector.broadcast %add3A_4414 : i32 to vector<80x128xi32>
    %add3A_4416 = arith.addi %xor3A_4410, %add3A_4415 : vector<80x128xi32>
    %add3A_4417 = arith.addi %add3A_4413, %add3A_4416 : vector<80x128xi32>
    %shift_left3A_4418 = arith.constant 17 : i32
    %shift_left3A_4419 = vector.broadcast %shift_left3A_4418 : i32 to vector<80x128xi32>
    %shift_left3A_4420 = arith.shli %add3A_4416, %shift_left3A_4419 : vector<80x128xi32>
    %shift_right_logical3A_4421 = arith.constant 15 : i32
    %shift_right_logical3A_4422 = vector.broadcast %shift_right_logical3A_4421 : i32 to vector<80x128xi32>
    %shift_right_logical3A_4423 = arith.shrui %add3A_4416, %shift_right_logical3A_4422 : vector<80x128xi32>
    %or3A_4424 = arith.ori %shift_left3A_4420, %shift_right_logical3A_4423 : vector<80x128xi32>
    %xor3A_4425 = arith.xori %add3A_4417, %or3A_4424 : vector<80x128xi32>
    %add3A_4426 = arith.addi %add3A_4417, %xor3A_4425 : vector<80x128xi32>
    %shift_left3A_4427 = arith.constant 29 : i32
    %shift_left3A_4428 = vector.broadcast %shift_left3A_4427 : i32 to vector<80x128xi32>
    %shift_left3A_4429 = arith.shli %xor3A_4425, %shift_left3A_4428 : vector<80x128xi32>
    %shift_right_logical3A_4430 = arith.constant 3 : i32
    %shift_right_logical3A_4431 = vector.broadcast %shift_right_logical3A_4430 : i32 to vector<80x128xi32>
    %shift_right_logical3A_4432 = arith.shrui %xor3A_4425, %shift_right_logical3A_4431 : vector<80x128xi32>
    %or3A_4433 = arith.ori %shift_left3A_4429, %shift_right_logical3A_4432 : vector<80x128xi32>
    %xor3A_4434 = arith.xori %add3A_4426, %or3A_4433 : vector<80x128xi32>
    %add3A_4435 = arith.addi %add3A_4426, %xor3A_4434 : vector<80x128xi32>
    %shift_left3A_4436 = arith.constant 16 : i32
    %shift_left3A_4437 = vector.broadcast %shift_left3A_4436 : i32 to vector<80x128xi32>
    %shift_left3A_4438 = arith.shli %xor3A_4434, %shift_left3A_4437 : vector<80x128xi32>
    %shift_right_logical3A_4439 = arith.constant 16 : i32
    %shift_right_logical3A_4440 = vector.broadcast %shift_right_logical3A_4439 : i32 to vector<80x128xi32>
    %shift_right_logical3A_4441 = arith.shrui %xor3A_4434, %shift_right_logical3A_4440 : vector<80x128xi32>
    %or3A_4442 = arith.ori %shift_left3A_4438, %shift_right_logical3A_4441 : vector<80x128xi32>
    %xor3A_4443 = arith.xori %add3A_4435, %or3A_4442 : vector<80x128xi32>
    %add3A_4444 = arith.addi %add3A_4435, %xor3A_4443 : vector<80x128xi32>
    %shift_left3A_4445 = arith.constant 24 : i32
    %shift_left3A_4446 = vector.broadcast %shift_left3A_4445 : i32 to vector<80x128xi32>
    %shift_left3A_4447 = arith.shli %xor3A_4443, %shift_left3A_4446 : vector<80x128xi32>
    %shift_right_logical3A_4448 = arith.constant 8 : i32
    %shift_right_logical3A_4449 = vector.broadcast %shift_right_logical3A_4448 : i32 to vector<80x128xi32>
    %shift_right_logical3A_4450 = arith.shrui %xor3A_4443, %shift_right_logical3A_4449 : vector<80x128xi32>
    %or3A_4451 = arith.ori %shift_left3A_4447, %shift_right_logical3A_4450 : vector<80x128xi32>
    %xor3A_4452 = arith.xori %add3A_4444, %or3A_4451 : vector<80x128xi32>
    %add3A_4453 = arith.constant 466689008 : i32
    %add3A_4454 = vector.broadcast %add3A_4453 : i32 to vector<80x128xi32>
    %add3A_4455 = arith.addi %add3A_4444, %add3A_4454 : vector<80x128xi32>
    %add3A_4456 = arith.constant 2 : i32
    %add3A_4457 = vector.broadcast %add3A_4456 : i32 to vector<80x128xi32>
    %add3A_4458 = arith.addi %xor3A_4452, %add3A_4457 : vector<80x128xi32>
    %add3A_4459 = arith.addi %add3A_4455, %add3A_4458 : vector<80x128xi32>
    %shift_left3A_4460 = arith.constant 13 : i32
    %shift_left3A_4461 = vector.broadcast %shift_left3A_4460 : i32 to vector<80x128xi32>
    %shift_left3A_4462 = arith.shli %add3A_4458, %shift_left3A_4461 : vector<80x128xi32>
    %shift_right_logical3A_4463 = arith.constant 19 : i32
    %shift_right_logical3A_4464 = vector.broadcast %shift_right_logical3A_4463 : i32 to vector<80x128xi32>
    %shift_right_logical3A_4465 = arith.shrui %add3A_4458, %shift_right_logical3A_4464 : vector<80x128xi32>
    %or3A_4466 = arith.ori %shift_left3A_4462, %shift_right_logical3A_4465 : vector<80x128xi32>
    %xor3A_4467 = arith.xori %add3A_4459, %or3A_4466 : vector<80x128xi32>
    %add3A_4468 = arith.addi %add3A_4459, %xor3A_4467 : vector<80x128xi32>
    %shift_left3A_4469 = arith.constant 15 : i32
    %shift_left3A_4470 = vector.broadcast %shift_left3A_4469 : i32 to vector<80x128xi32>
    %shift_left3A_4471 = arith.shli %xor3A_4467, %shift_left3A_4470 : vector<80x128xi32>
    %shift_right_logical3A_4472 = arith.constant 17 : i32
    %shift_right_logical3A_4473 = vector.broadcast %shift_right_logical3A_4472 : i32 to vector<80x128xi32>
    %shift_right_logical3A_4474 = arith.shrui %xor3A_4467, %shift_right_logical3A_4473 : vector<80x128xi32>
    %or3A_4475 = arith.ori %shift_left3A_4471, %shift_right_logical3A_4474 : vector<80x128xi32>
    %xor3A_4476 = arith.xori %add3A_4468, %or3A_4475 : vector<80x128xi32>
    %add3A_4477 = arith.addi %add3A_4468, %xor3A_4476 : vector<80x128xi32>
    %shift_left3A_4478 = arith.constant 26 : i32
    %shift_left3A_4479 = vector.broadcast %shift_left3A_4478 : i32 to vector<80x128xi32>
    %shift_left3A_4480 = arith.shli %xor3A_4476, %shift_left3A_4479 : vector<80x128xi32>
    %shift_right_logical3A_4481 = arith.constant 6 : i32
    %shift_right_logical3A_4482 = vector.broadcast %shift_right_logical3A_4481 : i32 to vector<80x128xi32>
    %shift_right_logical3A_4483 = arith.shrui %xor3A_4476, %shift_right_logical3A_4482 : vector<80x128xi32>
    %or3A_4484 = arith.ori %shift_left3A_4480, %shift_right_logical3A_4483 : vector<80x128xi32>
    %xor3A_4485 = arith.xori %add3A_4477, %or3A_4484 : vector<80x128xi32>
    %add3A_4486 = arith.addi %add3A_4477, %xor3A_4485 : vector<80x128xi32>
    %shift_left3A_4487 = arith.constant 6 : i32
    %shift_left3A_4488 = vector.broadcast %shift_left3A_4487 : i32 to vector<80x128xi32>
    %shift_left3A_4489 = arith.shli %xor3A_4485, %shift_left3A_4488 : vector<80x128xi32>
    %shift_right_logical3A_4490 = arith.constant 26 : i32
    %shift_right_logical3A_4491 = vector.broadcast %shift_right_logical3A_4490 : i32 to vector<80x128xi32>
    %shift_right_logical3A_4492 = arith.shrui %xor3A_4485, %shift_right_logical3A_4491 : vector<80x128xi32>
    %or3A_4493 = arith.ori %shift_left3A_4489, %shift_right_logical3A_4492 : vector<80x128xi32>
    %xor3A_4494 = arith.xori %add3A_4486, %or3A_4493 : vector<80x128xi32>
    %add3A_4495 = arith.constant 45 : i32
    %add3A_4496 = vector.broadcast %add3A_4495 : i32 to vector<80x128xi32>
    %add3A_4497 = arith.addi %xor3A_4494, %add3A_4496 : vector<80x128xi32>
    %add3A_4498 = arith.addi %add3A_4486, %add3A_4497 : vector<80x128xi32>
    %shift_left3A_4499 = arith.constant 17 : i32
    %shift_left3A_4500 = vector.broadcast %shift_left3A_4499 : i32 to vector<80x128xi32>
    %shift_left3A_4501 = arith.shli %add3A_4497, %shift_left3A_4500 : vector<80x128xi32>
    %shift_right_logical3A_4502 = arith.constant 15 : i32
    %shift_right_logical3A_4503 = vector.broadcast %shift_right_logical3A_4502 : i32 to vector<80x128xi32>
    %shift_right_logical3A_4504 = arith.shrui %add3A_4497, %shift_right_logical3A_4503 : vector<80x128xi32>
    %or3A_4505 = arith.ori %shift_left3A_4501, %shift_right_logical3A_4504 : vector<80x128xi32>
    %xor3A_4506 = arith.xori %add3A_4498, %or3A_4505 : vector<80x128xi32>
    %add3A_4507 = arith.addi %add3A_4498, %xor3A_4506 : vector<80x128xi32>
    %shift_left3A_4508 = arith.constant 29 : i32
    %shift_left3A_4509 = vector.broadcast %shift_left3A_4508 : i32 to vector<80x128xi32>
    %shift_left3A_4510 = arith.shli %xor3A_4506, %shift_left3A_4509 : vector<80x128xi32>
    %shift_right_logical3A_4511 = arith.constant 3 : i32
    %shift_right_logical3A_4512 = vector.broadcast %shift_right_logical3A_4511 : i32 to vector<80x128xi32>
    %shift_right_logical3A_4513 = arith.shrui %xor3A_4506, %shift_right_logical3A_4512 : vector<80x128xi32>
    %or3A_4514 = arith.ori %shift_left3A_4510, %shift_right_logical3A_4513 : vector<80x128xi32>
    %xor3A_4515 = arith.xori %add3A_4507, %or3A_4514 : vector<80x128xi32>
    %add3A_4516 = arith.addi %add3A_4507, %xor3A_4515 : vector<80x128xi32>
    %shift_left3A_4517 = arith.constant 16 : i32
    %shift_left3A_4518 = vector.broadcast %shift_left3A_4517 : i32 to vector<80x128xi32>
    %shift_left3A_4519 = arith.shli %xor3A_4515, %shift_left3A_4518 : vector<80x128xi32>
    %shift_right_logical3A_4520 = arith.constant 16 : i32
    %shift_right_logical3A_4521 = vector.broadcast %shift_right_logical3A_4520 : i32 to vector<80x128xi32>
    %shift_right_logical3A_4522 = arith.shrui %xor3A_4515, %shift_right_logical3A_4521 : vector<80x128xi32>
    %or3A_4523 = arith.ori %shift_left3A_4519, %shift_right_logical3A_4522 : vector<80x128xi32>
    %xor3A_4524 = arith.xori %add3A_4516, %or3A_4523 : vector<80x128xi32>
    %add3A_4525 = arith.addi %add3A_4516, %xor3A_4524 : vector<80x128xi32>
    %shift_left3A_4526 = arith.constant 24 : i32
    %shift_left3A_4527 = vector.broadcast %shift_left3A_4526 : i32 to vector<80x128xi32>
    %shift_left3A_4528 = arith.shli %xor3A_4524, %shift_left3A_4527 : vector<80x128xi32>
    %shift_right_logical3A_4529 = arith.constant 8 : i32
    %shift_right_logical3A_4530 = vector.broadcast %shift_right_logical3A_4529 : i32 to vector<80x128xi32>
    %shift_right_logical3A_4531 = arith.shrui %xor3A_4524, %shift_right_logical3A_4530 : vector<80x128xi32>
    %or3A_4532 = arith.ori %shift_left3A_4528, %shift_right_logical3A_4531 : vector<80x128xi32>
    %xor3A_4533 = arith.xori %add3A_4525, %or3A_4532 : vector<80x128xi32>
    %add3A_4534 = arith.constant 42 : i32
    %add3A_4535 = vector.broadcast %add3A_4534 : i32 to vector<80x128xi32>
    %add3A_4536 = arith.addi %add3A_4525, %add3A_4535 : vector<80x128xi32>
    %add3A_4537 = arith.constant 466689012 : i32
    %add3A_4538 = vector.broadcast %add3A_4537 : i32 to vector<80x128xi32>
    %add3A_4539 = arith.addi %xor3A_4533, %add3A_4538 : vector<80x128xi32>
    %add3A_4540 = arith.addi %add3A_4536, %add3A_4539 : vector<80x128xi32>
    %shift_left3A_4541 = arith.constant 13 : i32
    %shift_left3A_4542 = vector.broadcast %shift_left3A_4541 : i32 to vector<80x128xi32>
    %shift_left3A_4543 = arith.shli %add3A_4539, %shift_left3A_4542 : vector<80x128xi32>
    %shift_right_logical3A_4544 = arith.constant 19 : i32
    %shift_right_logical3A_4545 = vector.broadcast %shift_right_logical3A_4544 : i32 to vector<80x128xi32>
    %shift_right_logical3A_4546 = arith.shrui %add3A_4539, %shift_right_logical3A_4545 : vector<80x128xi32>
    %or3A_4547 = arith.ori %shift_left3A_4543, %shift_right_logical3A_4546 : vector<80x128xi32>
    %xor3A_4548 = arith.xori %add3A_4540, %or3A_4547 : vector<80x128xi32>
    %add3A_4549 = arith.addi %add3A_4540, %xor3A_4548 : vector<80x128xi32>
    %shift_left3A_4550 = arith.constant 15 : i32
    %shift_left3A_4551 = vector.broadcast %shift_left3A_4550 : i32 to vector<80x128xi32>
    %shift_left3A_4552 = arith.shli %xor3A_4548, %shift_left3A_4551 : vector<80x128xi32>
    %shift_right_logical3A_4553 = arith.constant 17 : i32
    %shift_right_logical3A_4554 = vector.broadcast %shift_right_logical3A_4553 : i32 to vector<80x128xi32>
    %shift_right_logical3A_4555 = arith.shrui %xor3A_4548, %shift_right_logical3A_4554 : vector<80x128xi32>
    %or3A_4556 = arith.ori %shift_left3A_4552, %shift_right_logical3A_4555 : vector<80x128xi32>
    %xor3A_4557 = arith.xori %add3A_4549, %or3A_4556 : vector<80x128xi32>
    %add3A_4558 = arith.addi %add3A_4549, %xor3A_4557 : vector<80x128xi32>
    %shift_left3A_4559 = arith.constant 26 : i32
    %shift_left3A_4560 = vector.broadcast %shift_left3A_4559 : i32 to vector<80x128xi32>
    %shift_left3A_4561 = arith.shli %xor3A_4557, %shift_left3A_4560 : vector<80x128xi32>
    %shift_right_logical3A_4562 = arith.constant 6 : i32
    %shift_right_logical3A_4563 = vector.broadcast %shift_right_logical3A_4562 : i32 to vector<80x128xi32>
    %shift_right_logical3A_4564 = arith.shrui %xor3A_4557, %shift_right_logical3A_4563 : vector<80x128xi32>
    %or3A_4565 = arith.ori %shift_left3A_4561, %shift_right_logical3A_4564 : vector<80x128xi32>
    %xor3A_4566 = arith.xori %add3A_4558, %or3A_4565 : vector<80x128xi32>
    %add3A_4567 = arith.addi %add3A_4558, %xor3A_4566 : vector<80x128xi32>
    %shift_left3A_4568 = arith.constant 6 : i32
    %shift_left3A_4569 = vector.broadcast %shift_left3A_4568 : i32 to vector<80x128xi32>
    %shift_left3A_4570 = arith.shli %xor3A_4566, %shift_left3A_4569 : vector<80x128xi32>
    %shift_right_logical3A_4571 = arith.constant 26 : i32
    %shift_right_logical3A_4572 = vector.broadcast %shift_right_logical3A_4571 : i32 to vector<80x128xi32>
    %shift_right_logical3A_4573 = arith.shrui %xor3A_4566, %shift_right_logical3A_4572 : vector<80x128xi32>
    %or3A_4574 = arith.ori %shift_left3A_4570, %shift_right_logical3A_4573 : vector<80x128xi32>
    %xor3A_4575 = arith.xori %add3A_4567, %or3A_4574 : vector<80x128xi32>
    %add3A_4576 = arith.constant 466689008 : i32
    %add3A_4577 = vector.broadcast %add3A_4576 : i32 to vector<80x128xi32>
    %add3A_4578 = arith.addi %add3A_4567, %add3A_4577 : vector<80x128xi32>
    %add3A_4579 = arith.constant 5 : i32
    %add3A_4580 = vector.broadcast %add3A_4579 : i32 to vector<80x128xi32>
    %add3A_4581 = arith.addi %xor3A_4575, %add3A_4580 : vector<80x128xi32>
    %xor3A_4582 = arith.xori %add3A_4578, %add3A_4581 : vector<80x128xi32>
    %shift_right_logical3A_4583 = arith.constant 9 : i32
    %shift_right_logical3A_4584 = vector.broadcast %shift_right_logical3A_4583 : i32 to vector<80x128xi32>
    %shift_right_logical3A_4585 = arith.shrui %xor3A_4582, %shift_right_logical3A_4584 : vector<80x128xi32>
    %ge3A_4586 = vector.broadcast %get3A_0 : i32 to vector<80x128xi32>
    %ge3A_4587 = arith.cmpi sge, %shift_right_logical3A_4585, %ge3A_4586 : vector<80x128xi32>
    %get3A_4588 = arith.constant 1520 : index
    %get3A_4589 = arith.constant 0 : index
    %get3A_4590 = vector.load %arg3[%get3A_4588, %get3A_4589] : memref<2000x128xf32, #tpu.memory_space<vmem>>, vector<80x128xf32>
    %mul3A_4591 = vector.broadcast %get3A_2 : f32 to vector<80x128xf32>
    %mul3A_4592 = arith.mulf %get3A_4590, %mul3A_4591 : vector<80x128xf32>
    %jit3A_4593 = arith.constant 0.000000e+00 : f32
    %broadcast_in_dim3A_4594 = vector.broadcast %jit3A_4593 : f32 to vector<80x128xf32>
    %select_n3A_4595 = arith.select %ge3A_4587, %mul3A_4592, %broadcast_in_dim3A_4594 : vector<80x128xi1>, vector<80x128xf32>
    %swap3A_4596 = arith.constant 1520 : index
    %swap3A_4597 = arith.constant 0 : index
    %swap3A_4598 = vector.load %arg4[%swap3A_4596, %swap3A_4597] : memref<2000x128xf32, #tpu.memory_space<vmem>>, vector<80x128xf32>
    tpu.vector_store %arg4[%swap3A_4596, %swap3A_4597], %select_n3A_4595 {strides = array<i32>} : memref<2000x128xf32, #tpu.memory_space<vmem>>, vector<80x128xf32>,
    %add3A_4599 = arith.constant 204800 : i32
    %add3A_4600 = arith.addi %mul3A_6, %add3A_4599 : i32
    %add3A_4601 = vector.broadcast %add3A_4600 : i32 to vector<80x128xi32>
    %add3A_4602 = arith.addi %add3A, %add3A_4601 : vector<80x128xi32>
    %add3A_4603 = arith.constant 42 : i32
    %add3A_4604 = vector.broadcast %add3A_4603 : i32 to vector<80x128xi32>
    %add3A_4605 = arith.addi %add3A_4602, %add3A_4604 : vector<80x128xi32>
    %shift_left3A_4606 = arith.constant 13 : i32
    %shift_left3A_4607 = vector.broadcast %shift_left3A_4606 : i32 to vector<80x128xi32>
    %shift_left3A_4608 = arith.shli %add3A_4605, %shift_left3A_4607 : vector<80x128xi32>
    %shift_right_logical3A_4609 = arith.constant 19 : i32
    %shift_right_logical3A_4610 = vector.broadcast %shift_right_logical3A_4609 : i32 to vector<80x128xi32>
    %shift_right_logical3A_4611 = arith.shrui %add3A_4605, %shift_right_logical3A_4610 : vector<80x128xi32>
    %or3A_4612 = arith.ori %shift_left3A_4608, %shift_right_logical3A_4611 : vector<80x128xi32>
    %xor3A_4613 = arith.xori %add3A_4605, %or3A_4612 : vector<80x128xi32>
    %add3A_4614 = arith.addi %add3A_4605, %xor3A_4613 : vector<80x128xi32>
    %shift_left3A_4615 = arith.constant 15 : i32
    %shift_left3A_4616 = vector.broadcast %shift_left3A_4615 : i32 to vector<80x128xi32>
    %shift_left3A_4617 = arith.shli %xor3A_4613, %shift_left3A_4616 : vector<80x128xi32>
    %shift_right_logical3A_4618 = arith.constant 17 : i32
    %shift_right_logical3A_4619 = vector.broadcast %shift_right_logical3A_4618 : i32 to vector<80x128xi32>
    %shift_right_logical3A_4620 = arith.shrui %xor3A_4613, %shift_right_logical3A_4619 : vector<80x128xi32>
    %or3A_4621 = arith.ori %shift_left3A_4617, %shift_right_logical3A_4620 : vector<80x128xi32>
    %xor3A_4622 = arith.xori %add3A_4614, %or3A_4621 : vector<80x128xi32>
    %add3A_4623 = arith.addi %add3A_4614, %xor3A_4622 : vector<80x128xi32>
    %shift_left3A_4624 = arith.constant 26 : i32
    %shift_left3A_4625 = vector.broadcast %shift_left3A_4624 : i32 to vector<80x128xi32>
    %shift_left3A_4626 = arith.shli %xor3A_4622, %shift_left3A_4625 : vector<80x128xi32>
    %shift_right_logical3A_4627 = arith.constant 6 : i32
    %shift_right_logical3A_4628 = vector.broadcast %shift_right_logical3A_4627 : i32 to vector<80x128xi32>
    %shift_right_logical3A_4629 = arith.shrui %xor3A_4622, %shift_right_logical3A_4628 : vector<80x128xi32>
    %or3A_4630 = arith.ori %shift_left3A_4626, %shift_right_logical3A_4629 : vector<80x128xi32>
    %xor3A_4631 = arith.xori %add3A_4623, %or3A_4630 : vector<80x128xi32>
    %add3A_4632 = arith.addi %add3A_4623, %xor3A_4631 : vector<80x128xi32>
    %shift_left3A_4633 = arith.constant 6 : i32
    %shift_left3A_4634 = vector.broadcast %shift_left3A_4633 : i32 to vector<80x128xi32>
    %shift_left3A_4635 = arith.shli %xor3A_4631, %shift_left3A_4634 : vector<80x128xi32>
    %shift_right_logical3A_4636 = arith.constant 26 : i32
    %shift_right_logical3A_4637 = vector.broadcast %shift_right_logical3A_4636 : i32 to vector<80x128xi32>
    %shift_right_logical3A_4638 = arith.shrui %xor3A_4631, %shift_right_logical3A_4637 : vector<80x128xi32>
    %or3A_4639 = arith.ori %shift_left3A_4635, %shift_right_logical3A_4638 : vector<80x128xi32>
    %xor3A_4640 = arith.xori %add3A_4632, %or3A_4639 : vector<80x128xi32>
    %add3A_4641 = arith.constant 42 : i32
    %add3A_4642 = vector.broadcast %add3A_4641 : i32 to vector<80x128xi32>
    %add3A_4643 = arith.addi %add3A_4632, %add3A_4642 : vector<80x128xi32>
    %add3A_4644 = arith.constant 466689009 : i32
    %add3A_4645 = vector.broadcast %add3A_4644 : i32 to vector<80x128xi32>
    %add3A_4646 = arith.addi %xor3A_4640, %add3A_4645 : vector<80x128xi32>
    %add3A_4647 = arith.addi %add3A_4643, %add3A_4646 : vector<80x128xi32>
    %shift_left3A_4648 = arith.constant 17 : i32
    %shift_left3A_4649 = vector.broadcast %shift_left3A_4648 : i32 to vector<80x128xi32>
    %shift_left3A_4650 = arith.shli %add3A_4646, %shift_left3A_4649 : vector<80x128xi32>
    %shift_right_logical3A_4651 = arith.constant 15 : i32
    %shift_right_logical3A_4652 = vector.broadcast %shift_right_logical3A_4651 : i32 to vector<80x128xi32>
    %shift_right_logical3A_4653 = arith.shrui %add3A_4646, %shift_right_logical3A_4652 : vector<80x128xi32>
    %or3A_4654 = arith.ori %shift_left3A_4650, %shift_right_logical3A_4653 : vector<80x128xi32>
    %xor3A_4655 = arith.xori %add3A_4647, %or3A_4654 : vector<80x128xi32>
    %add3A_4656 = arith.addi %add3A_4647, %xor3A_4655 : vector<80x128xi32>
    %shift_left3A_4657 = arith.constant 29 : i32
    %shift_left3A_4658 = vector.broadcast %shift_left3A_4657 : i32 to vector<80x128xi32>
    %shift_left3A_4659 = arith.shli %xor3A_4655, %shift_left3A_4658 : vector<80x128xi32>
    %shift_right_logical3A_4660 = arith.constant 3 : i32
    %shift_right_logical3A_4661 = vector.broadcast %shift_right_logical3A_4660 : i32 to vector<80x128xi32>
    %shift_right_logical3A_4662 = arith.shrui %xor3A_4655, %shift_right_logical3A_4661 : vector<80x128xi32>
    %or3A_4663 = arith.ori %shift_left3A_4659, %shift_right_logical3A_4662 : vector<80x128xi32>
    %xor3A_4664 = arith.xori %add3A_4656, %or3A_4663 : vector<80x128xi32>
    %add3A_4665 = arith.addi %add3A_4656, %xor3A_4664 : vector<80x128xi32>
    %shift_left3A_4666 = arith.constant 16 : i32
    %shift_left3A_4667 = vector.broadcast %shift_left3A_4666 : i32 to vector<80x128xi32>
    %shift_left3A_4668 = arith.shli %xor3A_4664, %shift_left3A_4667 : vector<80x128xi32>
    %shift_right_logical3A_4669 = arith.constant 16 : i32
    %shift_right_logical3A_4670 = vector.broadcast %shift_right_logical3A_4669 : i32 to vector<80x128xi32>
    %shift_right_logical3A_4671 = arith.shrui %xor3A_4664, %shift_right_logical3A_4670 : vector<80x128xi32>
    %or3A_4672 = arith.ori %shift_left3A_4668, %shift_right_logical3A_4671 : vector<80x128xi32>
    %xor3A_4673 = arith.xori %add3A_4665, %or3A_4672 : vector<80x128xi32>
    %add3A_4674 = arith.addi %add3A_4665, %xor3A_4673 : vector<80x128xi32>
    %shift_left3A_4675 = arith.constant 24 : i32
    %shift_left3A_4676 = vector.broadcast %shift_left3A_4675 : i32 to vector<80x128xi32>
    %shift_left3A_4677 = arith.shli %xor3A_4673, %shift_left3A_4676 : vector<80x128xi32>
    %shift_right_logical3A_4678 = arith.constant 8 : i32
    %shift_right_logical3A_4679 = vector.broadcast %shift_right_logical3A_4678 : i32 to vector<80x128xi32>
    %shift_right_logical3A_4680 = arith.shrui %xor3A_4673, %shift_right_logical3A_4679 : vector<80x128xi32>
    %or3A_4681 = arith.ori %shift_left3A_4677, %shift_right_logical3A_4680 : vector<80x128xi32>
    %xor3A_4682 = arith.xori %add3A_4674, %or3A_4681 : vector<80x128xi32>
    %add3A_4683 = arith.constant 466689008 : i32
    %add3A_4684 = vector.broadcast %add3A_4683 : i32 to vector<80x128xi32>
    %add3A_4685 = arith.addi %add3A_4674, %add3A_4684 : vector<80x128xi32>
    %add3A_4686 = arith.constant 2 : i32
    %add3A_4687 = vector.broadcast %add3A_4686 : i32 to vector<80x128xi32>
    %add3A_4688 = arith.addi %xor3A_4682, %add3A_4687 : vector<80x128xi32>
    %add3A_4689 = arith.addi %add3A_4685, %add3A_4688 : vector<80x128xi32>
    %shift_left3A_4690 = arith.constant 13 : i32
    %shift_left3A_4691 = vector.broadcast %shift_left3A_4690 : i32 to vector<80x128xi32>
    %shift_left3A_4692 = arith.shli %add3A_4688, %shift_left3A_4691 : vector<80x128xi32>
    %shift_right_logical3A_4693 = arith.constant 19 : i32
    %shift_right_logical3A_4694 = vector.broadcast %shift_right_logical3A_4693 : i32 to vector<80x128xi32>
    %shift_right_logical3A_4695 = arith.shrui %add3A_4688, %shift_right_logical3A_4694 : vector<80x128xi32>
    %or3A_4696 = arith.ori %shift_left3A_4692, %shift_right_logical3A_4695 : vector<80x128xi32>
    %xor3A_4697 = arith.xori %add3A_4689, %or3A_4696 : vector<80x128xi32>
    %add3A_4698 = arith.addi %add3A_4689, %xor3A_4697 : vector<80x128xi32>
    %shift_left3A_4699 = arith.constant 15 : i32
    %shift_left3A_4700 = vector.broadcast %shift_left3A_4699 : i32 to vector<80x128xi32>
    %shift_left3A_4701 = arith.shli %xor3A_4697, %shift_left3A_4700 : vector<80x128xi32>
    %shift_right_logical3A_4702 = arith.constant 17 : i32
    %shift_right_logical3A_4703 = vector.broadcast %shift_right_logical3A_4702 : i32 to vector<80x128xi32>
    %shift_right_logical3A_4704 = arith.shrui %xor3A_4697, %shift_right_logical3A_4703 : vector<80x128xi32>
    %or3A_4705 = arith.ori %shift_left3A_4701, %shift_right_logical3A_4704 : vector<80x128xi32>
    %xor3A_4706 = arith.xori %add3A_4698, %or3A_4705 : vector<80x128xi32>
    %add3A_4707 = arith.addi %add3A_4698, %xor3A_4706 : vector<80x128xi32>
    %shift_left3A_4708 = arith.constant 26 : i32
    %shift_left3A_4709 = vector.broadcast %shift_left3A_4708 : i32 to vector<80x128xi32>
    %shift_left3A_4710 = arith.shli %xor3A_4706, %shift_left3A_4709 : vector<80x128xi32>
    %shift_right_logical3A_4711 = arith.constant 6 : i32
    %shift_right_logical3A_4712 = vector.broadcast %shift_right_logical3A_4711 : i32 to vector<80x128xi32>
    %shift_right_logical3A_4713 = arith.shrui %xor3A_4706, %shift_right_logical3A_4712 : vector<80x128xi32>
    %or3A_4714 = arith.ori %shift_left3A_4710, %shift_right_logical3A_4713 : vector<80x128xi32>
    %xor3A_4715 = arith.xori %add3A_4707, %or3A_4714 : vector<80x128xi32>
    %add3A_4716 = arith.addi %add3A_4707, %xor3A_4715 : vector<80x128xi32>
    %shift_left3A_4717 = arith.constant 6 : i32
    %shift_left3A_4718 = vector.broadcast %shift_left3A_4717 : i32 to vector<80x128xi32>
    %shift_left3A_4719 = arith.shli %xor3A_4715, %shift_left3A_4718 : vector<80x128xi32>
    %shift_right_logical3A_4720 = arith.constant 26 : i32
    %shift_right_logical3A_4721 = vector.broadcast %shift_right_logical3A_4720 : i32 to vector<80x128xi32>
    %shift_right_logical3A_4722 = arith.shrui %xor3A_4715, %shift_right_logical3A_4721 : vector<80x128xi32>
    %or3A_4723 = arith.ori %shift_left3A_4719, %shift_right_logical3A_4722 : vector<80x128xi32>
    %xor3A_4724 = arith.xori %add3A_4716, %or3A_4723 : vector<80x128xi32>
    %add3A_4725 = arith.constant 45 : i32
    %add3A_4726 = vector.broadcast %add3A_4725 : i32 to vector<80x128xi32>
    %add3A_4727 = arith.addi %xor3A_4724, %add3A_4726 : vector<80x128xi32>
    %add3A_4728 = arith.addi %add3A_4716, %add3A_4727 : vector<80x128xi32>
    %shift_left3A_4729 = arith.constant 17 : i32
    %shift_left3A_4730 = vector.broadcast %shift_left3A_4729 : i32 to vector<80x128xi32>
    %shift_left3A_4731 = arith.shli %add3A_4727, %shift_left3A_4730 : vector<80x128xi32>
    %shift_right_logical3A_4732 = arith.constant 15 : i32
    %shift_right_logical3A_4733 = vector.broadcast %shift_right_logical3A_4732 : i32 to vector<80x128xi32>
    %shift_right_logical3A_4734 = arith.shrui %add3A_4727, %shift_right_logical3A_4733 : vector<80x128xi32>
    %or3A_4735 = arith.ori %shift_left3A_4731, %shift_right_logical3A_4734 : vector<80x128xi32>
    %xor3A_4736 = arith.xori %add3A_4728, %or3A_4735 : vector<80x128xi32>
    %add3A_4737 = arith.addi %add3A_4728, %xor3A_4736 : vector<80x128xi32>
    %shift_left3A_4738 = arith.constant 29 : i32
    %shift_left3A_4739 = vector.broadcast %shift_left3A_4738 : i32 to vector<80x128xi32>
    %shift_left3A_4740 = arith.shli %xor3A_4736, %shift_left3A_4739 : vector<80x128xi32>
    %shift_right_logical3A_4741 = arith.constant 3 : i32
    %shift_right_logical3A_4742 = vector.broadcast %shift_right_logical3A_4741 : i32 to vector<80x128xi32>
    %shift_right_logical3A_4743 = arith.shrui %xor3A_4736, %shift_right_logical3A_4742 : vector<80x128xi32>
    %or3A_4744 = arith.ori %shift_left3A_4740, %shift_right_logical3A_4743 : vector<80x128xi32>
    %xor3A_4745 = arith.xori %add3A_4737, %or3A_4744 : vector<80x128xi32>
    %add3A_4746 = arith.addi %add3A_4737, %xor3A_4745 : vector<80x128xi32>
    %shift_left3A_4747 = arith.constant 16 : i32
    %shift_left3A_4748 = vector.broadcast %shift_left3A_4747 : i32 to vector<80x128xi32>
    %shift_left3A_4749 = arith.shli %xor3A_4745, %shift_left3A_4748 : vector<80x128xi32>
    %shift_right_logical3A_4750 = arith.constant 16 : i32
    %shift_right_logical3A_4751 = vector.broadcast %shift_right_logical3A_4750 : i32 to vector<80x128xi32>
    %shift_right_logical3A_4752 = arith.shrui %xor3A_4745, %shift_right_logical3A_4751 : vector<80x128xi32>
    %or3A_4753 = arith.ori %shift_left3A_4749, %shift_right_logical3A_4752 : vector<80x128xi32>
    %xor3A_4754 = arith.xori %add3A_4746, %or3A_4753 : vector<80x128xi32>
    %add3A_4755 = arith.addi %add3A_4746, %xor3A_4754 : vector<80x128xi32>
    %shift_left3A_4756 = arith.constant 24 : i32
    %shift_left3A_4757 = vector.broadcast %shift_left3A_4756 : i32 to vector<80x128xi32>
    %shift_left3A_4758 = arith.shli %xor3A_4754, %shift_left3A_4757 : vector<80x128xi32>
    %shift_right_logical3A_4759 = arith.constant 8 : i32
    %shift_right_logical3A_4760 = vector.broadcast %shift_right_logical3A_4759 : i32 to vector<80x128xi32>
    %shift_right_logical3A_4761 = arith.shrui %xor3A_4754, %shift_right_logical3A_4760 : vector<80x128xi32>
    %or3A_4762 = arith.ori %shift_left3A_4758, %shift_right_logical3A_4761 : vector<80x128xi32>
    %xor3A_4763 = arith.xori %add3A_4755, %or3A_4762 : vector<80x128xi32>
    %add3A_4764 = arith.constant 42 : i32
    %add3A_4765 = vector.broadcast %add3A_4764 : i32 to vector<80x128xi32>
    %add3A_4766 = arith.addi %add3A_4755, %add3A_4765 : vector<80x128xi32>
    %add3A_4767 = arith.constant 466689012 : i32
    %add3A_4768 = vector.broadcast %add3A_4767 : i32 to vector<80x128xi32>
    %add3A_4769 = arith.addi %xor3A_4763, %add3A_4768 : vector<80x128xi32>
    %add3A_4770 = arith.addi %add3A_4766, %add3A_4769 : vector<80x128xi32>
    %shift_left3A_4771 = arith.constant 13 : i32
    %shift_left3A_4772 = vector.broadcast %shift_left3A_4771 : i32 to vector<80x128xi32>
    %shift_left3A_4773 = arith.shli %add3A_4769, %shift_left3A_4772 : vector<80x128xi32>
    %shift_right_logical3A_4774 = arith.constant 19 : i32
    %shift_right_logical3A_4775 = vector.broadcast %shift_right_logical3A_4774 : i32 to vector<80x128xi32>
    %shift_right_logical3A_4776 = arith.shrui %add3A_4769, %shift_right_logical3A_4775 : vector<80x128xi32>
    %or3A_4777 = arith.ori %shift_left3A_4773, %shift_right_logical3A_4776 : vector<80x128xi32>
    %xor3A_4778 = arith.xori %add3A_4770, %or3A_4777 : vector<80x128xi32>
    %add3A_4779 = arith.addi %add3A_4770, %xor3A_4778 : vector<80x128xi32>
    %shift_left3A_4780 = arith.constant 15 : i32
    %shift_left3A_4781 = vector.broadcast %shift_left3A_4780 : i32 to vector<80x128xi32>
    %shift_left3A_4782 = arith.shli %xor3A_4778, %shift_left3A_4781 : vector<80x128xi32>
    %shift_right_logical3A_4783 = arith.constant 17 : i32
    %shift_right_logical3A_4784 = vector.broadcast %shift_right_logical3A_4783 : i32 to vector<80x128xi32>
    %shift_right_logical3A_4785 = arith.shrui %xor3A_4778, %shift_right_logical3A_4784 : vector<80x128xi32>
    %or3A_4786 = arith.ori %shift_left3A_4782, %shift_right_logical3A_4785 : vector<80x128xi32>
    %xor3A_4787 = arith.xori %add3A_4779, %or3A_4786 : vector<80x128xi32>
    %add3A_4788 = arith.addi %add3A_4779, %xor3A_4787 : vector<80x128xi32>
    %shift_left3A_4789 = arith.constant 26 : i32
    %shift_left3A_4790 = vector.broadcast %shift_left3A_4789 : i32 to vector<80x128xi32>
    %shift_left3A_4791 = arith.shli %xor3A_4787, %shift_left3A_4790 : vector<80x128xi32>
    %shift_right_logical3A_4792 = arith.constant 6 : i32
    %shift_right_logical3A_4793 = vector.broadcast %shift_right_logical3A_4792 : i32 to vector<80x128xi32>
    %shift_right_logical3A_4794 = arith.shrui %xor3A_4787, %shift_right_logical3A_4793 : vector<80x128xi32>
    %or3A_4795 = arith.ori %shift_left3A_4791, %shift_right_logical3A_4794 : vector<80x128xi32>
    %xor3A_4796 = arith.xori %add3A_4788, %or3A_4795 : vector<80x128xi32>
    %add3A_4797 = arith.addi %add3A_4788, %xor3A_4796 : vector<80x128xi32>
    %shift_left3A_4798 = arith.constant 6 : i32
    %shift_left3A_4799 = vector.broadcast %shift_left3A_4798 : i32 to vector<80x128xi32>
    %shift_left3A_4800 = arith.shli %xor3A_4796, %shift_left3A_4799 : vector<80x128xi32>
    %shift_right_logical3A_4801 = arith.constant 26 : i32
    %shift_right_logical3A_4802 = vector.broadcast %shift_right_logical3A_4801 : i32 to vector<80x128xi32>
    %shift_right_logical3A_4803 = arith.shrui %xor3A_4796, %shift_right_logical3A_4802 : vector<80x128xi32>
    %or3A_4804 = arith.ori %shift_left3A_4800, %shift_right_logical3A_4803 : vector<80x128xi32>
    %xor3A_4805 = arith.xori %add3A_4797, %or3A_4804 : vector<80x128xi32>
    %add3A_4806 = arith.constant 466689008 : i32
    %add3A_4807 = vector.broadcast %add3A_4806 : i32 to vector<80x128xi32>
    %add3A_4808 = arith.addi %add3A_4797, %add3A_4807 : vector<80x128xi32>
    %add3A_4809 = arith.constant 5 : i32
    %add3A_4810 = vector.broadcast %add3A_4809 : i32 to vector<80x128xi32>
    %add3A_4811 = arith.addi %xor3A_4805, %add3A_4810 : vector<80x128xi32>
    %xor3A_4812 = arith.xori %add3A_4808, %add3A_4811 : vector<80x128xi32>
    %shift_right_logical3A_4813 = arith.constant 9 : i32
    %shift_right_logical3A_4814 = vector.broadcast %shift_right_logical3A_4813 : i32 to vector<80x128xi32>
    %shift_right_logical3A_4815 = arith.shrui %xor3A_4812, %shift_right_logical3A_4814 : vector<80x128xi32>
    %ge3A_4816 = vector.broadcast %get3A_0 : i32 to vector<80x128xi32>
    %ge3A_4817 = arith.cmpi sge, %shift_right_logical3A_4815, %ge3A_4816 : vector<80x128xi32>
    %get3A_4818 = arith.constant 1600 : index
    %get3A_4819 = arith.constant 0 : index
    %get3A_4820 = vector.load %arg3[%get3A_4818, %get3A_4819] : memref<2000x128xf32, #tpu.memory_space<vmem>>, vector<80x128xf32>
    %mul3A_4821 = vector.broadcast %get3A_2 : f32 to vector<80x128xf32>
    %mul3A_4822 = arith.mulf %get3A_4820, %mul3A_4821 : vector<80x128xf32>
    %jit3A_4823 = arith.constant 0.000000e+00 : f32
    %broadcast_in_dim3A_4824 = vector.broadcast %jit3A_4823 : f32 to vector<80x128xf32>
    %select_n3A_4825 = arith.select %ge3A_4817, %mul3A_4822, %broadcast_in_dim3A_4824 : vector<80x128xi1>, vector<80x128xf32>
    %swap3A_4826 = arith.constant 1600 : index
    %swap3A_4827 = arith.constant 0 : index
    %swap3A_4828 = vector.load %arg4[%swap3A_4826, %swap3A_4827] : memref<2000x128xf32, #tpu.memory_space<vmem>>, vector<80x128xf32>
    tpu.vector_store %arg4[%swap3A_4826, %swap3A_4827], %select_n3A_4825 {strides = array<i32>} : memref<2000x128xf32, #tpu.memory_space<vmem>>, vector<80x128xf32>,
    %add3A_4829 = arith.constant 215040 : i32
    %add3A_4830 = arith.addi %mul3A_6, %add3A_4829 : i32
    %add3A_4831 = vector.broadcast %add3A_4830 : i32 to vector<80x128xi32>
    %add3A_4832 = arith.addi %add3A, %add3A_4831 : vector<80x128xi32>
    %add3A_4833 = arith.constant 42 : i32
    %add3A_4834 = vector.broadcast %add3A_4833 : i32 to vector<80x128xi32>
    %add3A_4835 = arith.addi %add3A_4832, %add3A_4834 : vector<80x128xi32>
    %shift_left3A_4836 = arith.constant 13 : i32
    %shift_left3A_4837 = vector.broadcast %shift_left3A_4836 : i32 to vector<80x128xi32>
    %shift_left3A_4838 = arith.shli %add3A_4835, %shift_left3A_4837 : vector<80x128xi32>
    %shift_right_logical3A_4839 = arith.constant 19 : i32
    %shift_right_logical3A_4840 = vector.broadcast %shift_right_logical3A_4839 : i32 to vector<80x128xi32>
    %shift_right_logical3A_4841 = arith.shrui %add3A_4835, %shift_right_logical3A_4840 : vector<80x128xi32>
    %or3A_4842 = arith.ori %shift_left3A_4838, %shift_right_logical3A_4841 : vector<80x128xi32>
    %xor3A_4843 = arith.xori %add3A_4835, %or3A_4842 : vector<80x128xi32>
    %add3A_4844 = arith.addi %add3A_4835, %xor3A_4843 : vector<80x128xi32>
    %shift_left3A_4845 = arith.constant 15 : i32
    %shift_left3A_4846 = vector.broadcast %shift_left3A_4845 : i32 to vector<80x128xi32>
    %shift_left3A_4847 = arith.shli %xor3A_4843, %shift_left3A_4846 : vector<80x128xi32>
    %shift_right_logical3A_4848 = arith.constant 17 : i32
    %shift_right_logical3A_4849 = vector.broadcast %shift_right_logical3A_4848 : i32 to vector<80x128xi32>
    %shift_right_logical3A_4850 = arith.shrui %xor3A_4843, %shift_right_logical3A_4849 : vector<80x128xi32>
    %or3A_4851 = arith.ori %shift_left3A_4847, %shift_right_logical3A_4850 : vector<80x128xi32>
    %xor3A_4852 = arith.xori %add3A_4844, %or3A_4851 : vector<80x128xi32>
    %add3A_4853 = arith.addi %add3A_4844, %xor3A_4852 : vector<80x128xi32>
    %shift_left3A_4854 = arith.constant 26 : i32
    %shift_left3A_4855 = vector.broadcast %shift_left3A_4854 : i32 to vector<80x128xi32>
    %shift_left3A_4856 = arith.shli %xor3A_4852, %shift_left3A_4855 : vector<80x128xi32>
    %shift_right_logical3A_4857 = arith.constant 6 : i32
    %shift_right_logical3A_4858 = vector.broadcast %shift_right_logical3A_4857 : i32 to vector<80x128xi32>
    %shift_right_logical3A_4859 = arith.shrui %xor3A_4852, %shift_right_logical3A_4858 : vector<80x128xi32>
    %or3A_4860 = arith.ori %shift_left3A_4856, %shift_right_logical3A_4859 : vector<80x128xi32>
    %xor3A_4861 = arith.xori %add3A_4853, %or3A_4860 : vector<80x128xi32>
    %add3A_4862 = arith.addi %add3A_4853, %xor3A_4861 : vector<80x128xi32>
    %shift_left3A_4863 = arith.constant 6 : i32
    %shift_left3A_4864 = vector.broadcast %shift_left3A_4863 : i32 to vector<80x128xi32>
    %shift_left3A_4865 = arith.shli %xor3A_4861, %shift_left3A_4864 : vector<80x128xi32>
    %shift_right_logical3A_4866 = arith.constant 26 : i32
    %shift_right_logical3A_4867 = vector.broadcast %shift_right_logical3A_4866 : i32 to vector<80x128xi32>
    %shift_right_logical3A_4868 = arith.shrui %xor3A_4861, %shift_right_logical3A_4867 : vector<80x128xi32>
    %or3A_4869 = arith.ori %shift_left3A_4865, %shift_right_logical3A_4868 : vector<80x128xi32>
    %xor3A_4870 = arith.xori %add3A_4862, %or3A_4869 : vector<80x128xi32>
    %add3A_4871 = arith.constant 42 : i32
    %add3A_4872 = vector.broadcast %add3A_4871 : i32 to vector<80x128xi32>
    %add3A_4873 = arith.addi %add3A_4862, %add3A_4872 : vector<80x128xi32>
    %add3A_4874 = arith.constant 466689009 : i32
    %add3A_4875 = vector.broadcast %add3A_4874 : i32 to vector<80x128xi32>
    %add3A_4876 = arith.addi %xor3A_4870, %add3A_4875 : vector<80x128xi32>
    %add3A_4877 = arith.addi %add3A_4873, %add3A_4876 : vector<80x128xi32>
    %shift_left3A_4878 = arith.constant 17 : i32
    %shift_left3A_4879 = vector.broadcast %shift_left3A_4878 : i32 to vector<80x128xi32>
    %shift_left3A_4880 = arith.shli %add3A_4876, %shift_left3A_4879 : vector<80x128xi32>
    %shift_right_logical3A_4881 = arith.constant 15 : i32
    %shift_right_logical3A_4882 = vector.broadcast %shift_right_logical3A_4881 : i32 to vector<80x128xi32>
    %shift_right_logical3A_4883 = arith.shrui %add3A_4876, %shift_right_logical3A_4882 : vector<80x128xi32>
    %or3A_4884 = arith.ori %shift_left3A_4880, %shift_right_logical3A_4883 : vector<80x128xi32>
    %xor3A_4885 = arith.xori %add3A_4877, %or3A_4884 : vector<80x128xi32>
    %add3A_4886 = arith.addi %add3A_4877, %xor3A_4885 : vector<80x128xi32>
    %shift_left3A_4887 = arith.constant 29 : i32
    %shift_left3A_4888 = vector.broadcast %shift_left3A_4887 : i32 to vector<80x128xi32>
    %shift_left3A_4889 = arith.shli %xor3A_4885, %shift_left3A_4888 : vector<80x128xi32>
    %shift_right_logical3A_4890 = arith.constant 3 : i32
    %shift_right_logical3A_4891 = vector.broadcast %shift_right_logical3A_4890 : i32 to vector<80x128xi32>
    %shift_right_logical3A_4892 = arith.shrui %xor3A_4885, %shift_right_logical3A_4891 : vector<80x128xi32>
    %or3A_4893 = arith.ori %shift_left3A_4889, %shift_right_logical3A_4892 : vector<80x128xi32>
    %xor3A_4894 = arith.xori %add3A_4886, %or3A_4893 : vector<80x128xi32>
    %add3A_4895 = arith.addi %add3A_4886, %xor3A_4894 : vector<80x128xi32>
    %shift_left3A_4896 = arith.constant 16 : i32
    %shift_left3A_4897 = vector.broadcast %shift_left3A_4896 : i32 to vector<80x128xi32>
    %shift_left3A_4898 = arith.shli %xor3A_4894, %shift_left3A_4897 : vector<80x128xi32>
    %shift_right_logical3A_4899 = arith.constant 16 : i32
    %shift_right_logical3A_4900 = vector.broadcast %shift_right_logical3A_4899 : i32 to vector<80x128xi32>
    %shift_right_logical3A_4901 = arith.shrui %xor3A_4894, %shift_right_logical3A_4900 : vector<80x128xi32>
    %or3A_4902 = arith.ori %shift_left3A_4898, %shift_right_logical3A_4901 : vector<80x128xi32>
    %xor3A_4903 = arith.xori %add3A_4895, %or3A_4902 : vector<80x128xi32>
    %add3A_4904 = arith.addi %add3A_4895, %xor3A_4903 : vector<80x128xi32>
    %shift_left3A_4905 = arith.constant 24 : i32
    %shift_left3A_4906 = vector.broadcast %shift_left3A_4905 : i32 to vector<80x128xi32>
    %shift_left3A_4907 = arith.shli %xor3A_4903, %shift_left3A_4906 : vector<80x128xi32>
    %shift_right_logical3A_4908 = arith.constant 8 : i32
    %shift_right_logical3A_4909 = vector.broadcast %shift_right_logical3A_4908 : i32 to vector<80x128xi32>
    %shift_right_logical3A_4910 = arith.shrui %xor3A_4903, %shift_right_logical3A_4909 : vector<80x128xi32>
    %or3A_4911 = arith.ori %shift_left3A_4907, %shift_right_logical3A_4910 : vector<80x128xi32>
    %xor3A_4912 = arith.xori %add3A_4904, %or3A_4911 : vector<80x128xi32>
    %add3A_4913 = arith.constant 466689008 : i32
    %add3A_4914 = vector.broadcast %add3A_4913 : i32 to vector<80x128xi32>
    %add3A_4915 = arith.addi %add3A_4904, %add3A_4914 : vector<80x128xi32>
    %add3A_4916 = arith.constant 2 : i32
    %add3A_4917 = vector.broadcast %add3A_4916 : i32 to vector<80x128xi32>
    %add3A_4918 = arith.addi %xor3A_4912, %add3A_4917 : vector<80x128xi32>
    %add3A_4919 = arith.addi %add3A_4915, %add3A_4918 : vector<80x128xi32>
    %shift_left3A_4920 = arith.constant 13 : i32
    %shift_left3A_4921 = vector.broadcast %shift_left3A_4920 : i32 to vector<80x128xi32>
    %shift_left3A_4922 = arith.shli %add3A_4918, %shift_left3A_4921 : vector<80x128xi32>
    %shift_right_logical3A_4923 = arith.constant 19 : i32
    %shift_right_logical3A_4924 = vector.broadcast %shift_right_logical3A_4923 : i32 to vector<80x128xi32>
    %shift_right_logical3A_4925 = arith.shrui %add3A_4918, %shift_right_logical3A_4924 : vector<80x128xi32>
    %or3A_4926 = arith.ori %shift_left3A_4922, %shift_right_logical3A_4925 : vector<80x128xi32>
    %xor3A_4927 = arith.xori %add3A_4919, %or3A_4926 : vector<80x128xi32>
    %add3A_4928 = arith.addi %add3A_4919, %xor3A_4927 : vector<80x128xi32>
    %shift_left3A_4929 = arith.constant 15 : i32
    %shift_left3A_4930 = vector.broadcast %shift_left3A_4929 : i32 to vector<80x128xi32>
    %shift_left3A_4931 = arith.shli %xor3A_4927, %shift_left3A_4930 : vector<80x128xi32>
    %shift_right_logical3A_4932 = arith.constant 17 : i32
    %shift_right_logical3A_4933 = vector.broadcast %shift_right_logical3A_4932 : i32 to vector<80x128xi32>
    %shift_right_logical3A_4934 = arith.shrui %xor3A_4927, %shift_right_logical3A_4933 : vector<80x128xi32>
    %or3A_4935 = arith.ori %shift_left3A_4931, %shift_right_logical3A_4934 : vector<80x128xi32>
    %xor3A_4936 = arith.xori %add3A_4928, %or3A_4935 : vector<80x128xi32>
    %add3A_4937 = arith.addi %add3A_4928, %xor3A_4936 : vector<80x128xi32>
    %shift_left3A_4938 = arith.constant 26 : i32
    %shift_left3A_4939 = vector.broadcast %shift_left3A_4938 : i32 to vector<80x128xi32>
    %shift_left3A_4940 = arith.shli %xor3A_4936, %shift_left3A_4939 : vector<80x128xi32>
    %shift_right_logical3A_4941 = arith.constant 6 : i32
    %shift_right_logical3A_4942 = vector.broadcast %shift_right_logical3A_4941 : i32 to vector<80x128xi32>
    %shift_right_logical3A_4943 = arith.shrui %xor3A_4936, %shift_right_logical3A_4942 : vector<80x128xi32>
    %or3A_4944 = arith.ori %shift_left3A_4940, %shift_right_logical3A_4943 : vector<80x128xi32>
    %xor3A_4945 = arith.xori %add3A_4937, %or3A_4944 : vector<80x128xi32>
    %add3A_4946 = arith.addi %add3A_4937, %xor3A_4945 : vector<80x128xi32>
    %shift_left3A_4947 = arith.constant 6 : i32
    %shift_left3A_4948 = vector.broadcast %shift_left3A_4947 : i32 to vector<80x128xi32>
    %shift_left3A_4949 = arith.shli %xor3A_4945, %shift_left3A_4948 : vector<80x128xi32>
    %shift_right_logical3A_4950 = arith.constant 26 : i32
    %shift_right_logical3A_4951 = vector.broadcast %shift_right_logical3A_4950 : i32 to vector<80x128xi32>
    %shift_right_logical3A_4952 = arith.shrui %xor3A_4945, %shift_right_logical3A_4951 : vector<80x128xi32>
    %or3A_4953 = arith.ori %shift_left3A_4949, %shift_right_logical3A_4952 : vector<80x128xi32>
    %xor3A_4954 = arith.xori %add3A_4946, %or3A_4953 : vector<80x128xi32>
    %add3A_4955 = arith.constant 45 : i32
    %add3A_4956 = vector.broadcast %add3A_4955 : i32 to vector<80x128xi32>
    %add3A_4957 = arith.addi %xor3A_4954, %add3A_4956 : vector<80x128xi32>
    %add3A_4958 = arith.addi %add3A_4946, %add3A_4957 : vector<80x128xi32>
    %shift_left3A_4959 = arith.constant 17 : i32
    %shift_left3A_4960 = vector.broadcast %shift_left3A_4959 : i32 to vector<80x128xi32>
    %shift_left3A_4961 = arith.shli %add3A_4957, %shift_left3A_4960 : vector<80x128xi32>
    %shift_right_logical3A_4962 = arith.constant 15 : i32
    %shift_right_logical3A_4963 = vector.broadcast %shift_right_logical3A_4962 : i32 to vector<80x128xi32>
    %shift_right_logical3A_4964 = arith.shrui %add3A_4957, %shift_right_logical3A_4963 : vector<80x128xi32>
    %or3A_4965 = arith.ori %shift_left3A_4961, %shift_right_logical3A_4964 : vector<80x128xi32>
    %xor3A_4966 = arith.xori %add3A_4958, %or3A_4965 : vector<80x128xi32>
    %add3A_4967 = arith.addi %add3A_4958, %xor3A_4966 : vector<80x128xi32>
    %shift_left3A_4968 = arith.constant 29 : i32
    %shift_left3A_4969 = vector.broadcast %shift_left3A_4968 : i32 to vector<80x128xi32>
    %shift_left3A_4970 = arith.shli %xor3A_4966, %shift_left3A_4969 : vector<80x128xi32>
    %shift_right_logical3A_4971 = arith.constant 3 : i32
    %shift_right_logical3A_4972 = vector.broadcast %shift_right_logical3A_4971 : i32 to vector<80x128xi32>
    %shift_right_logical3A_4973 = arith.shrui %xor3A_4966, %shift_right_logical3A_4972 : vector<80x128xi32>
    %or3A_4974 = arith.ori %shift_left3A_4970, %shift_right_logical3A_4973 : vector<80x128xi32>
    %xor3A_4975 = arith.xori %add3A_4967, %or3A_4974 : vector<80x128xi32>
    %add3A_4976 = arith.addi %add3A_4967, %xor3A_4975 : vector<80x128xi32>
    %shift_left3A_4977 = arith.constant 16 : i32
    %shift_left3A_4978 = vector.broadcast %shift_left3A_4977 : i32 to vector<80x128xi32>
    %shift_left3A_4979 = arith.shli %xor3A_4975, %shift_left3A_4978 : vector<80x128xi32>
    %shift_right_logical3A_4980 = arith.constant 16 : i32
    %shift_right_logical3A_4981 = vector.broadcast %shift_right_logical3A_4980 : i32 to vector<80x128xi32>
    %shift_right_logical3A_4982 = arith.shrui %xor3A_4975, %shift_right_logical3A_4981 : vector<80x128xi32>
    %or3A_4983 = arith.ori %shift_left3A_4979, %shift_right_logical3A_4982 : vector<80x128xi32>
    %xor3A_4984 = arith.xori %add3A_4976, %or3A_4983 : vector<80x128xi32>
    %add3A_4985 = arith.addi %add3A_4976, %xor3A_4984 : vector<80x128xi32>
    %shift_left3A_4986 = arith.constant 24 : i32
    %shift_left3A_4987 = vector.broadcast %shift_left3A_4986 : i32 to vector<80x128xi32>
    %shift_left3A_4988 = arith.shli %xor3A_4984, %shift_left3A_4987 : vector<80x128xi32>
    %shift_right_logical3A_4989 = arith.constant 8 : i32
    %shift_right_logical3A_4990 = vector.broadcast %shift_right_logical3A_4989 : i32 to vector<80x128xi32>
    %shift_right_logical3A_4991 = arith.shrui %xor3A_4984, %shift_right_logical3A_4990 : vector<80x128xi32>
    %or3A_4992 = arith.ori %shift_left3A_4988, %shift_right_logical3A_4991 : vector<80x128xi32>
    %xor3A_4993 = arith.xori %add3A_4985, %or3A_4992 : vector<80x128xi32>
    %add3A_4994 = arith.constant 42 : i32
    %add3A_4995 = vector.broadcast %add3A_4994 : i32 to vector<80x128xi32>
    %add3A_4996 = arith.addi %add3A_4985, %add3A_4995 : vector<80x128xi32>
    %add3A_4997 = arith.constant 466689012 : i32
    %add3A_4998 = vector.broadcast %add3A_4997 : i32 to vector<80x128xi32>
    %add3A_4999 = arith.addi %xor3A_4993, %add3A_4998 : vector<80x128xi32>
    %add3A_5000 = arith.addi %add3A_4996, %add3A_4999 : vector<80x128xi32>
    %shift_left3A_5001 = arith.constant 13 : i32
    %shift_left3A_5002 = vector.broadcast %shift_left3A_5001 : i32 to vector<80x128xi32>
    %shift_left3A_5003 = arith.shli %add3A_4999, %shift_left3A_5002 : vector<80x128xi32>
    %shift_right_logical3A_5004 = arith.constant 19 : i32
    %shift_right_logical3A_5005 = vector.broadcast %shift_right_logical3A_5004 : i32 to vector<80x128xi32>
    %shift_right_logical3A_5006 = arith.shrui %add3A_4999, %shift_right_logical3A_5005 : vector<80x128xi32>
    %or3A_5007 = arith.ori %shift_left3A_5003, %shift_right_logical3A_5006 : vector<80x128xi32>
    %xor3A_5008 = arith.xori %add3A_5000, %or3A_5007 : vector<80x128xi32>
    %add3A_5009 = arith.addi %add3A_5000, %xor3A_5008 : vector<80x128xi32>
    %shift_left3A_5010 = arith.constant 15 : i32
    %shift_left3A_5011 = vector.broadcast %shift_left3A_5010 : i32 to vector<80x128xi32>
    %shift_left3A_5012 = arith.shli %xor3A_5008, %shift_left3A_5011 : vector<80x128xi32>
    %shift_right_logical3A_5013 = arith.constant 17 : i32
    %shift_right_logical3A_5014 = vector.broadcast %shift_right_logical3A_5013 : i32 to vector<80x128xi32>
    %shift_right_logical3A_5015 = arith.shrui %xor3A_5008, %shift_right_logical3A_5014 : vector<80x128xi32>
    %or3A_5016 = arith.ori %shift_left3A_5012, %shift_right_logical3A_5015 : vector<80x128xi32>
    %xor3A_5017 = arith.xori %add3A_5009, %or3A_5016 : vector<80x128xi32>
    %add3A_5018 = arith.addi %add3A_5009, %xor3A_5017 : vector<80x128xi32>
    %shift_left3A_5019 = arith.constant 26 : i32
    %shift_left3A_5020 = vector.broadcast %shift_left3A_5019 : i32 to vector<80x128xi32>
    %shift_left3A_5021 = arith.shli %xor3A_5017, %shift_left3A_5020 : vector<80x128xi32>
    %shift_right_logical3A_5022 = arith.constant 6 : i32
    %shift_right_logical3A_5023 = vector.broadcast %shift_right_logical3A_5022 : i32 to vector<80x128xi32>
    %shift_right_logical3A_5024 = arith.shrui %xor3A_5017, %shift_right_logical3A_5023 : vector<80x128xi32>
    %or3A_5025 = arith.ori %shift_left3A_5021, %shift_right_logical3A_5024 : vector<80x128xi32>
    %xor3A_5026 = arith.xori %add3A_5018, %or3A_5025 : vector<80x128xi32>
    %add3A_5027 = arith.addi %add3A_5018, %xor3A_5026 : vector<80x128xi32>
    %shift_left3A_5028 = arith.constant 6 : i32
    %shift_left3A_5029 = vector.broadcast %shift_left3A_5028 : i32 to vector<80x128xi32>
    %shift_left3A_5030 = arith.shli %xor3A_5026, %shift_left3A_5029 : vector<80x128xi32>
    %shift_right_logical3A_5031 = arith.constant 26 : i32
    %shift_right_logical3A_5032 = vector.broadcast %shift_right_logical3A_5031 : i32 to vector<80x128xi32>
    %shift_right_logical3A_5033 = arith.shrui %xor3A_5026, %shift_right_logical3A_5032 : vector<80x128xi32>
    %or3A_5034 = arith.ori %shift_left3A_5030, %shift_right_logical3A_5033 : vector<80x128xi32>
    %xor3A_5035 = arith.xori %add3A_5027, %or3A_5034 : vector<80x128xi32>
    %add3A_5036 = arith.constant 466689008 : i32
    %add3A_5037 = vector.broadcast %add3A_5036 : i32 to vector<80x128xi32>
    %add3A_5038 = arith.addi %add3A_5027, %add3A_5037 : vector<80x128xi32>
    %add3A_5039 = arith.constant 5 : i32
    %add3A_5040 = vector.broadcast %add3A_5039 : i32 to vector<80x128xi32>
    %add3A_5041 = arith.addi %xor3A_5035, %add3A_5040 : vector<80x128xi32>
    %xor3A_5042 = arith.xori %add3A_5038, %add3A_5041 : vector<80x128xi32>
    %shift_right_logical3A_5043 = arith.constant 9 : i32
    %shift_right_logical3A_5044 = vector.broadcast %shift_right_logical3A_5043 : i32 to vector<80x128xi32>
    %shift_right_logical3A_5045 = arith.shrui %xor3A_5042, %shift_right_logical3A_5044 : vector<80x128xi32>
    %ge3A_5046 = vector.broadcast %get3A_0 : i32 to vector<80x128xi32>
    %ge3A_5047 = arith.cmpi sge, %shift_right_logical3A_5045, %ge3A_5046 : vector<80x128xi32>
    %get3A_5048 = arith.constant 1680 : index
    %get3A_5049 = arith.constant 0 : index
    %get3A_5050 = vector.load %arg3[%get3A_5048, %get3A_5049] : memref<2000x128xf32, #tpu.memory_space<vmem>>, vector<80x128xf32>
    %mul3A_5051 = vector.broadcast %get3A_2 : f32 to vector<80x128xf32>
    %mul3A_5052 = arith.mulf %get3A_5050, %mul3A_5051 : vector<80x128xf32>
    %jit3A_5053 = arith.constant 0.000000e+00 : f32
    %broadcast_in_dim3A_5054 = vector.broadcast %jit3A_5053 : f32 to vector<80x128xf32>
    %select_n3A_5055 = arith.select %ge3A_5047, %mul3A_5052, %broadcast_in_dim3A_5054 : vector<80x128xi1>, vector<80x128xf32>
    %swap3A_5056 = arith.constant 1680 : index
    %swap3A_5057 = arith.constant 0 : index
    %swap3A_5058 = vector.load %arg4[%swap3A_5056, %swap3A_5057] : memref<2000x128xf32, #tpu.memory_space<vmem>>, vector<80x128xf32>
    tpu.vector_store %arg4[%swap3A_5056, %swap3A_5057], %select_n3A_5055 {strides = array<i32>} : memref<2000x128xf32, #tpu.memory_space<vmem>>, vector<80x128xf32>,
    %add3A_5059 = arith.constant 225280 : i32
    %add3A_5060 = arith.addi %mul3A_6, %add3A_5059 : i32
    %add3A_5061 = vector.broadcast %add3A_5060 : i32 to vector<80x128xi32>
    %add3A_5062 = arith.addi %add3A, %add3A_5061 : vector<80x128xi32>
    %add3A_5063 = arith.constant 42 : i32
    %add3A_5064 = vector.broadcast %add3A_5063 : i32 to vector<80x128xi32>
    %add3A_5065 = arith.addi %add3A_5062, %add3A_5064 : vector<80x128xi32>
    %shift_left3A_5066 = arith.constant 13 : i32
    %shift_left3A_5067 = vector.broadcast %shift_left3A_5066 : i32 to vector<80x128xi32>
    %shift_left3A_5068 = arith.shli %add3A_5065, %shift_left3A_5067 : vector<80x128xi32>
    %shift_right_logical3A_5069 = arith.constant 19 : i32
    %shift_right_logical3A_5070 = vector.broadcast %shift_right_logical3A_5069 : i32 to vector<80x128xi32>
    %shift_right_logical3A_5071 = arith.shrui %add3A_5065, %shift_right_logical3A_5070 : vector<80x128xi32>
    %or3A_5072 = arith.ori %shift_left3A_5068, %shift_right_logical3A_5071 : vector<80x128xi32>
    %xor3A_5073 = arith.xori %add3A_5065, %or3A_5072 : vector<80x128xi32>
    %add3A_5074 = arith.addi %add3A_5065, %xor3A_5073 : vector<80x128xi32>
    %shift_left3A_5075 = arith.constant 15 : i32
    %shift_left3A_5076 = vector.broadcast %shift_left3A_5075 : i32 to vector<80x128xi32>
    %shift_left3A_5077 = arith.shli %xor3A_5073, %shift_left3A_5076 : vector<80x128xi32>
    %shift_right_logical3A_5078 = arith.constant 17 : i32
    %shift_right_logical3A_5079 = vector.broadcast %shift_right_logical3A_5078 : i32 to vector<80x128xi32>
    %shift_right_logical3A_5080 = arith.shrui %xor3A_5073, %shift_right_logical3A_5079 : vector<80x128xi32>
    %or3A_5081 = arith.ori %shift_left3A_5077, %shift_right_logical3A_5080 : vector<80x128xi32>
    %xor3A_5082 = arith.xori %add3A_5074, %or3A_5081 : vector<80x128xi32>
    %add3A_5083 = arith.addi %add3A_5074, %xor3A_5082 : vector<80x128xi32>
    %shift_left3A_5084 = arith.constant 26 : i32
    %shift_left3A_5085 = vector.broadcast %shift_left3A_5084 : i32 to vector<80x128xi32>
    %shift_left3A_5086 = arith.shli %xor3A_5082, %shift_left3A_5085 : vector<80x128xi32>
    %shift_right_logical3A_5087 = arith.constant 6 : i32
    %shift_right_logical3A_5088 = vector.broadcast %shift_right_logical3A_5087 : i32 to vector<80x128xi32>
    %shift_right_logical3A_5089 = arith.shrui %xor3A_5082, %shift_right_logical3A_5088 : vector<80x128xi32>
    %or3A_5090 = arith.ori %shift_left3A_5086, %shift_right_logical3A_5089 : vector<80x128xi32>
    %xor3A_5091 = arith.xori %add3A_5083, %or3A_5090 : vector<80x128xi32>
    %add3A_5092 = arith.addi %add3A_5083, %xor3A_5091 : vector<80x128xi32>
    %shift_left3A_5093 = arith.constant 6 : i32
    %shift_left3A_5094 = vector.broadcast %shift_left3A_5093 : i32 to vector<80x128xi32>
    %shift_left3A_5095 = arith.shli %xor3A_5091, %shift_left3A_5094 : vector<80x128xi32>
    %shift_right_logical3A_5096 = arith.constant 26 : i32
    %shift_right_logical3A_5097 = vector.broadcast %shift_right_logical3A_5096 : i32 to vector<80x128xi32>
    %shift_right_logical3A_5098 = arith.shrui %xor3A_5091, %shift_right_logical3A_5097 : vector<80x128xi32>
    %or3A_5099 = arith.ori %shift_left3A_5095, %shift_right_logical3A_5098 : vector<80x128xi32>
    %xor3A_5100 = arith.xori %add3A_5092, %or3A_5099 : vector<80x128xi32>
    %add3A_5101 = arith.constant 42 : i32
    %add3A_5102 = vector.broadcast %add3A_5101 : i32 to vector<80x128xi32>
    %add3A_5103 = arith.addi %add3A_5092, %add3A_5102 : vector<80x128xi32>
    %add3A_5104 = arith.constant 466689009 : i32
    %add3A_5105 = vector.broadcast %add3A_5104 : i32 to vector<80x128xi32>
    %add3A_5106 = arith.addi %xor3A_5100, %add3A_5105 : vector<80x128xi32>
    %add3A_5107 = arith.addi %add3A_5103, %add3A_5106 : vector<80x128xi32>
    %shift_left3A_5108 = arith.constant 17 : i32
    %shift_left3A_5109 = vector.broadcast %shift_left3A_5108 : i32 to vector<80x128xi32>
    %shift_left3A_5110 = arith.shli %add3A_5106, %shift_left3A_5109 : vector<80x128xi32>
    %shift_right_logical3A_5111 = arith.constant 15 : i32
    %shift_right_logical3A_5112 = vector.broadcast %shift_right_logical3A_5111 : i32 to vector<80x128xi32>
    %shift_right_logical3A_5113 = arith.shrui %add3A_5106, %shift_right_logical3A_5112 : vector<80x128xi32>
    %or3A_5114 = arith.ori %shift_left3A_5110, %shift_right_logical3A_5113 : vector<80x128xi32>
    %xor3A_5115 = arith.xori %add3A_5107, %or3A_5114 : vector<80x128xi32>
    %add3A_5116 = arith.addi %add3A_5107, %xor3A_5115 : vector<80x128xi32>
    %shift_left3A_5117 = arith.constant 29 : i32
    %shift_left3A_5118 = vector.broadcast %shift_left3A_5117 : i32 to vector<80x128xi32>
    %shift_left3A_5119 = arith.shli %xor3A_5115, %shift_left3A_5118 : vector<80x128xi32>
    %shift_right_logical3A_5120 = arith.constant 3 : i32
    %shift_right_logical3A_5121 = vector.broadcast %shift_right_logical3A_5120 : i32 to vector<80x128xi32>
    %shift_right_logical3A_5122 = arith.shrui %xor3A_5115, %shift_right_logical3A_5121 : vector<80x128xi32>
    %or3A_5123 = arith.ori %shift_left3A_5119, %shift_right_logical3A_5122 : vector<80x128xi32>
    %xor3A_5124 = arith.xori %add3A_5116, %or3A_5123 : vector<80x128xi32>
    %add3A_5125 = arith.addi %add3A_5116, %xor3A_5124 : vector<80x128xi32>
    %shift_left3A_5126 = arith.constant 16 : i32
    %shift_left3A_5127 = vector.broadcast %shift_left3A_5126 : i32 to vector<80x128xi32>
    %shift_left3A_5128 = arith.shli %xor3A_5124, %shift_left3A_5127 : vector<80x128xi32>
    %shift_right_logical3A_5129 = arith.constant 16 : i32
    %shift_right_logical3A_5130 = vector.broadcast %shift_right_logical3A_5129 : i32 to vector<80x128xi32>
    %shift_right_logical3A_5131 = arith.shrui %xor3A_5124, %shift_right_logical3A_5130 : vector<80x128xi32>
    %or3A_5132 = arith.ori %shift_left3A_5128, %shift_right_logical3A_5131 : vector<80x128xi32>
    %xor3A_5133 = arith.xori %add3A_5125, %or3A_5132 : vector<80x128xi32>
    %add3A_5134 = arith.addi %add3A_5125, %xor3A_5133 : vector<80x128xi32>
    %shift_left3A_5135 = arith.constant 24 : i32
    %shift_left3A_5136 = vector.broadcast %shift_left3A_5135 : i32 to vector<80x128xi32>
    %shift_left3A_5137 = arith.shli %xor3A_5133, %shift_left3A_5136 : vector<80x128xi32>
    %shift_right_logical3A_5138 = arith.constant 8 : i32
    %shift_right_logical3A_5139 = vector.broadcast %shift_right_logical3A_5138 : i32 to vector<80x128xi32>
    %shift_right_logical3A_5140 = arith.shrui %xor3A_5133, %shift_right_logical3A_5139 : vector<80x128xi32>
    %or3A_5141 = arith.ori %shift_left3A_5137, %shift_right_logical3A_5140 : vector<80x128xi32>
    %xor3A_5142 = arith.xori %add3A_5134, %or3A_5141 : vector<80x128xi32>
    %add3A_5143 = arith.constant 466689008 : i32
    %add3A_5144 = vector.broadcast %add3A_5143 : i32 to vector<80x128xi32>
    %add3A_5145 = arith.addi %add3A_5134, %add3A_5144 : vector<80x128xi32>
    %add3A_5146 = arith.constant 2 : i32
    %add3A_5147 = vector.broadcast %add3A_5146 : i32 to vector<80x128xi32>
    %add3A_5148 = arith.addi %xor3A_5142, %add3A_5147 : vector<80x128xi32>
    %add3A_5149 = arith.addi %add3A_5145, %add3A_5148 : vector<80x128xi32>
    %shift_left3A_5150 = arith.constant 13 : i32
    %shift_left3A_5151 = vector.broadcast %shift_left3A_5150 : i32 to vector<80x128xi32>
    %shift_left3A_5152 = arith.shli %add3A_5148, %shift_left3A_5151 : vector<80x128xi32>
    %shift_right_logical3A_5153 = arith.constant 19 : i32
    %shift_right_logical3A_5154 = vector.broadcast %shift_right_logical3A_5153 : i32 to vector<80x128xi32>
    %shift_right_logical3A_5155 = arith.shrui %add3A_5148, %shift_right_logical3A_5154 : vector<80x128xi32>
    %or3A_5156 = arith.ori %shift_left3A_5152, %shift_right_logical3A_5155 : vector<80x128xi32>
    %xor3A_5157 = arith.xori %add3A_5149, %or3A_5156 : vector<80x128xi32>
    %add3A_5158 = arith.addi %add3A_5149, %xor3A_5157 : vector<80x128xi32>
    %shift_left3A_5159 = arith.constant 15 : i32
    %shift_left3A_5160 = vector.broadcast %shift_left3A_5159 : i32 to vector<80x128xi32>
    %shift_left3A_5161 = arith.shli %xor3A_5157, %shift_left3A_5160 : vector<80x128xi32>
    %shift_right_logical3A_5162 = arith.constant 17 : i32
    %shift_right_logical3A_5163 = vector.broadcast %shift_right_logical3A_5162 : i32 to vector<80x128xi32>
    %shift_right_logical3A_5164 = arith.shrui %xor3A_5157, %shift_right_logical3A_5163 : vector<80x128xi32>
    %or3A_5165 = arith.ori %shift_left3A_5161, %shift_right_logical3A_5164 : vector<80x128xi32>
    %xor3A_5166 = arith.xori %add3A_5158, %or3A_5165 : vector<80x128xi32>
    %add3A_5167 = arith.addi %add3A_5158, %xor3A_5166 : vector<80x128xi32>
    %shift_left3A_5168 = arith.constant 26 : i32
    %shift_left3A_5169 = vector.broadcast %shift_left3A_5168 : i32 to vector<80x128xi32>
    %shift_left3A_5170 = arith.shli %xor3A_5166, %shift_left3A_5169 : vector<80x128xi32>
    %shift_right_logical3A_5171 = arith.constant 6 : i32
    %shift_right_logical3A_5172 = vector.broadcast %shift_right_logical3A_5171 : i32 to vector<80x128xi32>
    %shift_right_logical3A_5173 = arith.shrui %xor3A_5166, %shift_right_logical3A_5172 : vector<80x128xi32>
    %or3A_5174 = arith.ori %shift_left3A_5170, %shift_right_logical3A_5173 : vector<80x128xi32>
    %xor3A_5175 = arith.xori %add3A_5167, %or3A_5174 : vector<80x128xi32>
    %add3A_5176 = arith.addi %add3A_5167, %xor3A_5175 : vector<80x128xi32>
    %shift_left3A_5177 = arith.constant 6 : i32
    %shift_left3A_5178 = vector.broadcast %shift_left3A_5177 : i32 to vector<80x128xi32>
    %shift_left3A_5179 = arith.shli %xor3A_5175, %shift_left3A_5178 : vector<80x128xi32>
    %shift_right_logical3A_5180 = arith.constant 26 : i32
    %shift_right_logical3A_5181 = vector.broadcast %shift_right_logical3A_5180 : i32 to vector<80x128xi32>
    %shift_right_logical3A_5182 = arith.shrui %xor3A_5175, %shift_right_logical3A_5181 : vector<80x128xi32>
    %or3A_5183 = arith.ori %shift_left3A_5179, %shift_right_logical3A_5182 : vector<80x128xi32>
    %xor3A_5184 = arith.xori %add3A_5176, %or3A_5183 : vector<80x128xi32>
    %add3A_5185 = arith.constant 45 : i32
    %add3A_5186 = vector.broadcast %add3A_5185 : i32 to vector<80x128xi32>
    %add3A_5187 = arith.addi %xor3A_5184, %add3A_5186 : vector<80x128xi32>
    %add3A_5188 = arith.addi %add3A_5176, %add3A_5187 : vector<80x128xi32>
    %shift_left3A_5189 = arith.constant 17 : i32
    %shift_left3A_5190 = vector.broadcast %shift_left3A_5189 : i32 to vector<80x128xi32>
    %shift_left3A_5191 = arith.shli %add3A_5187, %shift_left3A_5190 : vector<80x128xi32>
    %shift_right_logical3A_5192 = arith.constant 15 : i32
    %shift_right_logical3A_5193 = vector.broadcast %shift_right_logical3A_5192 : i32 to vector<80x128xi32>
    %shift_right_logical3A_5194 = arith.shrui %add3A_5187, %shift_right_logical3A_5193 : vector<80x128xi32>
    %or3A_5195 = arith.ori %shift_left3A_5191, %shift_right_logical3A_5194 : vector<80x128xi32>
    %xor3A_5196 = arith.xori %add3A_5188, %or3A_5195 : vector<80x128xi32>
    %add3A_5197 = arith.addi %add3A_5188, %xor3A_5196 : vector<80x128xi32>
    %shift_left3A_5198 = arith.constant 29 : i32
    %shift_left3A_5199 = vector.broadcast %shift_left3A_5198 : i32 to vector<80x128xi32>
    %shift_left3A_5200 = arith.shli %xor3A_5196, %shift_left3A_5199 : vector<80x128xi32>
    %shift_right_logical3A_5201 = arith.constant 3 : i32
    %shift_right_logical3A_5202 = vector.broadcast %shift_right_logical3A_5201 : i32 to vector<80x128xi32>
    %shift_right_logical3A_5203 = arith.shrui %xor3A_5196, %shift_right_logical3A_5202 : vector<80x128xi32>
    %or3A_5204 = arith.ori %shift_left3A_5200, %shift_right_logical3A_5203 : vector<80x128xi32>
    %xor3A_5205 = arith.xori %add3A_5197, %or3A_5204 : vector<80x128xi32>
    %add3A_5206 = arith.addi %add3A_5197, %xor3A_5205 : vector<80x128xi32>
    %shift_left3A_5207 = arith.constant 16 : i32
    %shift_left3A_5208 = vector.broadcast %shift_left3A_5207 : i32 to vector<80x128xi32>
    %shift_left3A_5209 = arith.shli %xor3A_5205, %shift_left3A_5208 : vector<80x128xi32>
    %shift_right_logical3A_5210 = arith.constant 16 : i32
    %shift_right_logical3A_5211 = vector.broadcast %shift_right_logical3A_5210 : i32 to vector<80x128xi32>
    %shift_right_logical3A_5212 = arith.shrui %xor3A_5205, %shift_right_logical3A_5211 : vector<80x128xi32>
    %or3A_5213 = arith.ori %shift_left3A_5209, %shift_right_logical3A_5212 : vector<80x128xi32>
    %xor3A_5214 = arith.xori %add3A_5206, %or3A_5213 : vector<80x128xi32>
    %add3A_5215 = arith.addi %add3A_5206, %xor3A_5214 : vector<80x128xi32>
    %shift_left3A_5216 = arith.constant 24 : i32
    %shift_left3A_5217 = vector.broadcast %shift_left3A_5216 : i32 to vector<80x128xi32>
    %shift_left3A_5218 = arith.shli %xor3A_5214, %shift_left3A_5217 : vector<80x128xi32>
    %shift_right_logical3A_5219 = arith.constant 8 : i32
    %shift_right_logical3A_5220 = vector.broadcast %shift_right_logical3A_5219 : i32 to vector<80x128xi32>
    %shift_right_logical3A_5221 = arith.shrui %xor3A_5214, %shift_right_logical3A_5220 : vector<80x128xi32>
    %or3A_5222 = arith.ori %shift_left3A_5218, %shift_right_logical3A_5221 : vector<80x128xi32>
    %xor3A_5223 = arith.xori %add3A_5215, %or3A_5222 : vector<80x128xi32>
    %add3A_5224 = arith.constant 42 : i32
    %add3A_5225 = vector.broadcast %add3A_5224 : i32 to vector<80x128xi32>
    %add3A_5226 = arith.addi %add3A_5215, %add3A_5225 : vector<80x128xi32>
    %add3A_5227 = arith.constant 466689012 : i32
    %add3A_5228 = vector.broadcast %add3A_5227 : i32 to vector<80x128xi32>
    %add3A_5229 = arith.addi %xor3A_5223, %add3A_5228 : vector<80x128xi32>
    %add3A_5230 = arith.addi %add3A_5226, %add3A_5229 : vector<80x128xi32>
    %shift_left3A_5231 = arith.constant 13 : i32
    %shift_left3A_5232 = vector.broadcast %shift_left3A_5231 : i32 to vector<80x128xi32>
    %shift_left3A_5233 = arith.shli %add3A_5229, %shift_left3A_5232 : vector<80x128xi32>
    %shift_right_logical3A_5234 = arith.constant 19 : i32
    %shift_right_logical3A_5235 = vector.broadcast %shift_right_logical3A_5234 : i32 to vector<80x128xi32>
    %shift_right_logical3A_5236 = arith.shrui %add3A_5229, %shift_right_logical3A_5235 : vector<80x128xi32>
    %or3A_5237 = arith.ori %shift_left3A_5233, %shift_right_logical3A_5236 : vector<80x128xi32>
    %xor3A_5238 = arith.xori %add3A_5230, %or3A_5237 : vector<80x128xi32>
    %add3A_5239 = arith.addi %add3A_5230, %xor3A_5238 : vector<80x128xi32>
    %shift_left3A_5240 = arith.constant 15 : i32
    %shift_left3A_5241 = vector.broadcast %shift_left3A_5240 : i32 to vector<80x128xi32>
    %shift_left3A_5242 = arith.shli %xor3A_5238, %shift_left3A_5241 : vector<80x128xi32>
    %shift_right_logical3A_5243 = arith.constant 17 : i32
    %shift_right_logical3A_5244 = vector.broadcast %shift_right_logical3A_5243 : i32 to vector<80x128xi32>
    %shift_right_logical3A_5245 = arith.shrui %xor3A_5238, %shift_right_logical3A_5244 : vector<80x128xi32>
    %or3A_5246 = arith.ori %shift_left3A_5242, %shift_right_logical3A_5245 : vector<80x128xi32>
    %xor3A_5247 = arith.xori %add3A_5239, %or3A_5246 : vector<80x128xi32>
    %add3A_5248 = arith.addi %add3A_5239, %xor3A_5247 : vector<80x128xi32>
    %shift_left3A_5249 = arith.constant 26 : i32
    %shift_left3A_5250 = vector.broadcast %shift_left3A_5249 : i32 to vector<80x128xi32>
    %shift_left3A_5251 = arith.shli %xor3A_5247, %shift_left3A_5250 : vector<80x128xi32>
    %shift_right_logical3A_5252 = arith.constant 6 : i32
    %shift_right_logical3A_5253 = vector.broadcast %shift_right_logical3A_5252 : i32 to vector<80x128xi32>
    %shift_right_logical3A_5254 = arith.shrui %xor3A_5247, %shift_right_logical3A_5253 : vector<80x128xi32>
    %or3A_5255 = arith.ori %shift_left3A_5251, %shift_right_logical3A_5254 : vector<80x128xi32>
    %xor3A_5256 = arith.xori %add3A_5248, %or3A_5255 : vector<80x128xi32>
    %add3A_5257 = arith.addi %add3A_5248, %xor3A_5256 : vector<80x128xi32>
    %shift_left3A_5258 = arith.constant 6 : i32
    %shift_left3A_5259 = vector.broadcast %shift_left3A_5258 : i32 to vector<80x128xi32>
    %shift_left3A_5260 = arith.shli %xor3A_5256, %shift_left3A_5259 : vector<80x128xi32>
    %shift_right_logical3A_5261 = arith.constant 26 : i32
    %shift_right_logical3A_5262 = vector.broadcast %shift_right_logical3A_5261 : i32 to vector<80x128xi32>
    %shift_right_logical3A_5263 = arith.shrui %xor3A_5256, %shift_right_logical3A_5262 : vector<80x128xi32>
    %or3A_5264 = arith.ori %shift_left3A_5260, %shift_right_logical3A_5263 : vector<80x128xi32>
    %xor3A_5265 = arith.xori %add3A_5257, %or3A_5264 : vector<80x128xi32>
    %add3A_5266 = arith.constant 466689008 : i32
    %add3A_5267 = vector.broadcast %add3A_5266 : i32 to vector<80x128xi32>
    %add3A_5268 = arith.addi %add3A_5257, %add3A_5267 : vector<80x128xi32>
    %add3A_5269 = arith.constant 5 : i32
    %add3A_5270 = vector.broadcast %add3A_5269 : i32 to vector<80x128xi32>
    %add3A_5271 = arith.addi %xor3A_5265, %add3A_5270 : vector<80x128xi32>
    %xor3A_5272 = arith.xori %add3A_5268, %add3A_5271 : vector<80x128xi32>
    %shift_right_logical3A_5273 = arith.constant 9 : i32
    %shift_right_logical3A_5274 = vector.broadcast %shift_right_logical3A_5273 : i32 to vector<80x128xi32>
    %shift_right_logical3A_5275 = arith.shrui %xor3A_5272, %shift_right_logical3A_5274 : vector<80x128xi32>
    %ge3A_5276 = vector.broadcast %get3A_0 : i32 to vector<80x128xi32>
    %ge3A_5277 = arith.cmpi sge, %shift_right_logical3A_5275, %ge3A_5276 : vector<80x128xi32>
    %get3A_5278 = arith.constant 1760 : index
    %get3A_5279 = arith.constant 0 : index
    %get3A_5280 = vector.load %arg3[%get3A_5278, %get3A_5279] : memref<2000x128xf32, #tpu.memory_space<vmem>>, vector<80x128xf32>
    %mul3A_5281 = vector.broadcast %get3A_2 : f32 to vector<80x128xf32>
    %mul3A_5282 = arith.mulf %get3A_5280, %mul3A_5281 : vector<80x128xf32>
    %jit3A_5283 = arith.constant 0.000000e+00 : f32
    %broadcast_in_dim3A_5284 = vector.broadcast %jit3A_5283 : f32 to vector<80x128xf32>
    %select_n3A_5285 = arith.select %ge3A_5277, %mul3A_5282, %broadcast_in_dim3A_5284 : vector<80x128xi1>, vector<80x128xf32>
    %swap3A_5286 = arith.constant 1760 : index
    %swap3A_5287 = arith.constant 0 : index
    %swap3A_5288 = vector.load %arg4[%swap3A_5286, %swap3A_5287] : memref<2000x128xf32, #tpu.memory_space<vmem>>, vector<80x128xf32>
    tpu.vector_store %arg4[%swap3A_5286, %swap3A_5287], %select_n3A_5285 {strides = array<i32>} : memref<2000x128xf32, #tpu.memory_space<vmem>>, vector<80x128xf32>,
    %add3A_5289 = arith.constant 235520 : i32
    %add3A_5290 = arith.addi %mul3A_6, %add3A_5289 : i32
    %add3A_5291 = vector.broadcast %add3A_5290 : i32 to vector<80x128xi32>
    %add3A_5292 = arith.addi %add3A, %add3A_5291 : vector<80x128xi32>
    %add3A_5293 = arith.constant 42 : i32
    %add3A_5294 = vector.broadcast %add3A_5293 : i32 to vector<80x128xi32>
    %add3A_5295 = arith.addi %add3A_5292, %add3A_5294 : vector<80x128xi32>
    %shift_left3A_5296 = arith.constant 13 : i32
    %shift_left3A_5297 = vector.broadcast %shift_left3A_5296 : i32 to vector<80x128xi32>
    %shift_left3A_5298 = arith.shli %add3A_5295, %shift_left3A_5297 : vector<80x128xi32>
    %shift_right_logical3A_5299 = arith.constant 19 : i32
    %shift_right_logical3A_5300 = vector.broadcast %shift_right_logical3A_5299 : i32 to vector<80x128xi32>
    %shift_right_logical3A_5301 = arith.shrui %add3A_5295, %shift_right_logical3A_5300 : vector<80x128xi32>
    %or3A_5302 = arith.ori %shift_left3A_5298, %shift_right_logical3A_5301 : vector<80x128xi32>
    %xor3A_5303 = arith.xori %add3A_5295, %or3A_5302 : vector<80x128xi32>
    %add3A_5304 = arith.addi %add3A_5295, %xor3A_5303 : vector<80x128xi32>
    %shift_left3A_5305 = arith.constant 15 : i32
    %shift_left3A_5306 = vector.broadcast %shift_left3A_5305 : i32 to vector<80x128xi32>
    %shift_left3A_5307 = arith.shli %xor3A_5303, %shift_left3A_5306 : vector<80x128xi32>
    %shift_right_logical3A_5308 = arith.constant 17 : i32
    %shift_right_logical3A_5309 = vector.broadcast %shift_right_logical3A_5308 : i32 to vector<80x128xi32>
    %shift_right_logical3A_5310 = arith.shrui %xor3A_5303, %shift_right_logical3A_5309 : vector<80x128xi32>
    %or3A_5311 = arith.ori %shift_left3A_5307, %shift_right_logical3A_5310 : vector<80x128xi32>
    %xor3A_5312 = arith.xori %add3A_5304, %or3A_5311 : vector<80x128xi32>
    %add3A_5313 = arith.addi %add3A_5304, %xor3A_5312 : vector<80x128xi32>
    %shift_left3A_5314 = arith.constant 26 : i32
    %shift_left3A_5315 = vector.broadcast %shift_left3A_5314 : i32 to vector<80x128xi32>
    %shift_left3A_5316 = arith.shli %xor3A_5312, %shift_left3A_5315 : vector<80x128xi32>
    %shift_right_logical3A_5317 = arith.constant 6 : i32
    %shift_right_logical3A_5318 = vector.broadcast %shift_right_logical3A_5317 : i32 to vector<80x128xi32>
    %shift_right_logical3A_5319 = arith.shrui %xor3A_5312, %shift_right_logical3A_5318 : vector<80x128xi32>
    %or3A_5320 = arith.ori %shift_left3A_5316, %shift_right_logical3A_5319 : vector<80x128xi32>
    %xor3A_5321 = arith.xori %add3A_5313, %or3A_5320 : vector<80x128xi32>
    %add3A_5322 = arith.addi %add3A_5313, %xor3A_5321 : vector<80x128xi32>
    %shift_left3A_5323 = arith.constant 6 : i32
    %shift_left3A_5324 = vector.broadcast %shift_left3A_5323 : i32 to vector<80x128xi32>
    %shift_left3A_5325 = arith.shli %xor3A_5321, %shift_left3A_5324 : vector<80x128xi32>
    %shift_right_logical3A_5326 = arith.constant 26 : i32
    %shift_right_logical3A_5327 = vector.broadcast %shift_right_logical3A_5326 : i32 to vector<80x128xi32>
    %shift_right_logical3A_5328 = arith.shrui %xor3A_5321, %shift_right_logical3A_5327 : vector<80x128xi32>
    %or3A_5329 = arith.ori %shift_left3A_5325, %shift_right_logical3A_5328 : vector<80x128xi32>
    %xor3A_5330 = arith.xori %add3A_5322, %or3A_5329 : vector<80x128xi32>
    %add3A_5331 = arith.constant 42 : i32
    %add3A_5332 = vector.broadcast %add3A_5331 : i32 to vector<80x128xi32>
    %add3A_5333 = arith.addi %add3A_5322, %add3A_5332 : vector<80x128xi32>
    %add3A_5334 = arith.constant 466689009 : i32
    %add3A_5335 = vector.broadcast %add3A_5334 : i32 to vector<80x128xi32>
    %add3A_5336 = arith.addi %xor3A_5330, %add3A_5335 : vector<80x128xi32>
    %add3A_5337 = arith.addi %add3A_5333, %add3A_5336 : vector<80x128xi32>
    %shift_left3A_5338 = arith.constant 17 : i32
    %shift_left3A_5339 = vector.broadcast %shift_left3A_5338 : i32 to vector<80x128xi32>
    %shift_left3A_5340 = arith.shli %add3A_5336, %shift_left3A_5339 : vector<80x128xi32>
    %shift_right_logical3A_5341 = arith.constant 15 : i32
    %shift_right_logical3A_5342 = vector.broadcast %shift_right_logical3A_5341 : i32 to vector<80x128xi32>
    %shift_right_logical3A_5343 = arith.shrui %add3A_5336, %shift_right_logical3A_5342 : vector<80x128xi32>
    %or3A_5344 = arith.ori %shift_left3A_5340, %shift_right_logical3A_5343 : vector<80x128xi32>
    %xor3A_5345 = arith.xori %add3A_5337, %or3A_5344 : vector<80x128xi32>
    %add3A_5346 = arith.addi %add3A_5337, %xor3A_5345 : vector<80x128xi32>
    %shift_left3A_5347 = arith.constant 29 : i32
    %shift_left3A_5348 = vector.broadcast %shift_left3A_5347 : i32 to vector<80x128xi32>
    %shift_left3A_5349 = arith.shli %xor3A_5345, %shift_left3A_5348 : vector<80x128xi32>
    %shift_right_logical3A_5350 = arith.constant 3 : i32
    %shift_right_logical3A_5351 = vector.broadcast %shift_right_logical3A_5350 : i32 to vector<80x128xi32>
    %shift_right_logical3A_5352 = arith.shrui %xor3A_5345, %shift_right_logical3A_5351 : vector<80x128xi32>
    %or3A_5353 = arith.ori %shift_left3A_5349, %shift_right_logical3A_5352 : vector<80x128xi32>
    %xor3A_5354 = arith.xori %add3A_5346, %or3A_5353 : vector<80x128xi32>
    %add3A_5355 = arith.addi %add3A_5346, %xor3A_5354 : vector<80x128xi32>
    %shift_left3A_5356 = arith.constant 16 : i32
    %shift_left3A_5357 = vector.broadcast %shift_left3A_5356 : i32 to vector<80x128xi32>
    %shift_left3A_5358 = arith.shli %xor3A_5354, %shift_left3A_5357 : vector<80x128xi32>
    %shift_right_logical3A_5359 = arith.constant 16 : i32
    %shift_right_logical3A_5360 = vector.broadcast %shift_right_logical3A_5359 : i32 to vector<80x128xi32>
    %shift_right_logical3A_5361 = arith.shrui %xor3A_5354, %shift_right_logical3A_5360 : vector<80x128xi32>
    %or3A_5362 = arith.ori %shift_left3A_5358, %shift_right_logical3A_5361 : vector<80x128xi32>
    %xor3A_5363 = arith.xori %add3A_5355, %or3A_5362 : vector<80x128xi32>
    %add3A_5364 = arith.addi %add3A_5355, %xor3A_5363 : vector<80x128xi32>
    %shift_left3A_5365 = arith.constant 24 : i32
    %shift_left3A_5366 = vector.broadcast %shift_left3A_5365 : i32 to vector<80x128xi32>
    %shift_left3A_5367 = arith.shli %xor3A_5363, %shift_left3A_5366 : vector<80x128xi32>
    %shift_right_logical3A_5368 = arith.constant 8 : i32
    %shift_right_logical3A_5369 = vector.broadcast %shift_right_logical3A_5368 : i32 to vector<80x128xi32>
    %shift_right_logical3A_5370 = arith.shrui %xor3A_5363, %shift_right_logical3A_5369 : vector<80x128xi32>
    %or3A_5371 = arith.ori %shift_left3A_5367, %shift_right_logical3A_5370 : vector<80x128xi32>
    %xor3A_5372 = arith.xori %add3A_5364, %or3A_5371 : vector<80x128xi32>
    %add3A_5373 = arith.constant 466689008 : i32
    %add3A_5374 = vector.broadcast %add3A_5373 : i32 to vector<80x128xi32>
    %add3A_5375 = arith.addi %add3A_5364, %add3A_5374 : vector<80x128xi32>
    %add3A_5376 = arith.constant 2 : i32
    %add3A_5377 = vector.broadcast %add3A_5376 : i32 to vector<80x128xi32>
    %add3A_5378 = arith.addi %xor3A_5372, %add3A_5377 : vector<80x128xi32>
    %add3A_5379 = arith.addi %add3A_5375, %add3A_5378 : vector<80x128xi32>
    %shift_left3A_5380 = arith.constant 13 : i32
    %shift_left3A_5381 = vector.broadcast %shift_left3A_5380 : i32 to vector<80x128xi32>
    %shift_left3A_5382 = arith.shli %add3A_5378, %shift_left3A_5381 : vector<80x128xi32>
    %shift_right_logical3A_5383 = arith.constant 19 : i32
    %shift_right_logical3A_5384 = vector.broadcast %shift_right_logical3A_5383 : i32 to vector<80x128xi32>
    %shift_right_logical3A_5385 = arith.shrui %add3A_5378, %shift_right_logical3A_5384 : vector<80x128xi32>
    %or3A_5386 = arith.ori %shift_left3A_5382, %shift_right_logical3A_5385 : vector<80x128xi32>
    %xor3A_5387 = arith.xori %add3A_5379, %or3A_5386 : vector<80x128xi32>
    %add3A_5388 = arith.addi %add3A_5379, %xor3A_5387 : vector<80x128xi32>
    %shift_left3A_5389 = arith.constant 15 : i32
    %shift_left3A_5390 = vector.broadcast %shift_left3A_5389 : i32 to vector<80x128xi32>
    %shift_left3A_5391 = arith.shli %xor3A_5387, %shift_left3A_5390 : vector<80x128xi32>
    %shift_right_logical3A_5392 = arith.constant 17 : i32
    %shift_right_logical3A_5393 = vector.broadcast %shift_right_logical3A_5392 : i32 to vector<80x128xi32>
    %shift_right_logical3A_5394 = arith.shrui %xor3A_5387, %shift_right_logical3A_5393 : vector<80x128xi32>
    %or3A_5395 = arith.ori %shift_left3A_5391, %shift_right_logical3A_5394 : vector<80x128xi32>
    %xor3A_5396 = arith.xori %add3A_5388, %or3A_5395 : vector<80x128xi32>
    %add3A_5397 = arith.addi %add3A_5388, %xor3A_5396 : vector<80x128xi32>
    %shift_left3A_5398 = arith.constant 26 : i32
    %shift_left3A_5399 = vector.broadcast %shift_left3A_5398 : i32 to vector<80x128xi32>
    %shift_left3A_5400 = arith.shli %xor3A_5396, %shift_left3A_5399 : vector<80x128xi32>
    %shift_right_logical3A_5401 = arith.constant 6 : i32
    %shift_right_logical3A_5402 = vector.broadcast %shift_right_logical3A_5401 : i32 to vector<80x128xi32>
    %shift_right_logical3A_5403 = arith.shrui %xor3A_5396, %shift_right_logical3A_5402 : vector<80x128xi32>
    %or3A_5404 = arith.ori %shift_left3A_5400, %shift_right_logical3A_5403 : vector<80x128xi32>
    %xor3A_5405 = arith.xori %add3A_5397, %or3A_5404 : vector<80x128xi32>
    %add3A_5406 = arith.addi %add3A_5397, %xor3A_5405 : vector<80x128xi32>
    %shift_left3A_5407 = arith.constant 6 : i32
    %shift_left3A_5408 = vector.broadcast %shift_left3A_5407 : i32 to vector<80x128xi32>
    %shift_left3A_5409 = arith.shli %xor3A_5405, %shift_left3A_5408 : vector<80x128xi32>
    %shift_right_logical3A_5410 = arith.constant 26 : i32
    %shift_right_logical3A_5411 = vector.broadcast %shift_right_logical3A_5410 : i32 to vector<80x128xi32>
    %shift_right_logical3A_5412 = arith.shrui %xor3A_5405, %shift_right_logical3A_5411 : vector<80x128xi32>
    %or3A_5413 = arith.ori %shift_left3A_5409, %shift_right_logical3A_5412 : vector<80x128xi32>
    %xor3A_5414 = arith.xori %add3A_5406, %or3A_5413 : vector<80x128xi32>
    %add3A_5415 = arith.constant 45 : i32
    %add3A_5416 = vector.broadcast %add3A_5415 : i32 to vector<80x128xi32>
    %add3A_5417 = arith.addi %xor3A_5414, %add3A_5416 : vector<80x128xi32>
    %add3A_5418 = arith.addi %add3A_5406, %add3A_5417 : vector<80x128xi32>
    %shift_left3A_5419 = arith.constant 17 : i32
    %shift_left3A_5420 = vector.broadcast %shift_left3A_5419 : i32 to vector<80x128xi32>
    %shift_left3A_5421 = arith.shli %add3A_5417, %shift_left3A_5420 : vector<80x128xi32>
    %shift_right_logical3A_5422 = arith.constant 15 : i32
    %shift_right_logical3A_5423 = vector.broadcast %shift_right_logical3A_5422 : i32 to vector<80x128xi32>
    %shift_right_logical3A_5424 = arith.shrui %add3A_5417, %shift_right_logical3A_5423 : vector<80x128xi32>
    %or3A_5425 = arith.ori %shift_left3A_5421, %shift_right_logical3A_5424 : vector<80x128xi32>
    %xor3A_5426 = arith.xori %add3A_5418, %or3A_5425 : vector<80x128xi32>
    %add3A_5427 = arith.addi %add3A_5418, %xor3A_5426 : vector<80x128xi32>
    %shift_left3A_5428 = arith.constant 29 : i32
    %shift_left3A_5429 = vector.broadcast %shift_left3A_5428 : i32 to vector<80x128xi32>
    %shift_left3A_5430 = arith.shli %xor3A_5426, %shift_left3A_5429 : vector<80x128xi32>
    %shift_right_logical3A_5431 = arith.constant 3 : i32
    %shift_right_logical3A_5432 = vector.broadcast %shift_right_logical3A_5431 : i32 to vector<80x128xi32>
    %shift_right_logical3A_5433 = arith.shrui %xor3A_5426, %shift_right_logical3A_5432 : vector<80x128xi32>
    %or3A_5434 = arith.ori %shift_left3A_5430, %shift_right_logical3A_5433 : vector<80x128xi32>
    %xor3A_5435 = arith.xori %add3A_5427, %or3A_5434 : vector<80x128xi32>
    %add3A_5436 = arith.addi %add3A_5427, %xor3A_5435 : vector<80x128xi32>
    %shift_left3A_5437 = arith.constant 16 : i32
    %shift_left3A_5438 = vector.broadcast %shift_left3A_5437 : i32 to vector<80x128xi32>
    %shift_left3A_5439 = arith.shli %xor3A_5435, %shift_left3A_5438 : vector<80x128xi32>
    %shift_right_logical3A_5440 = arith.constant 16 : i32
    %shift_right_logical3A_5441 = vector.broadcast %shift_right_logical3A_5440 : i32 to vector<80x128xi32>
    %shift_right_logical3A_5442 = arith.shrui %xor3A_5435, %shift_right_logical3A_5441 : vector<80x128xi32>
    %or3A_5443 = arith.ori %shift_left3A_5439, %shift_right_logical3A_5442 : vector<80x128xi32>
    %xor3A_5444 = arith.xori %add3A_5436, %or3A_5443 : vector<80x128xi32>
    %add3A_5445 = arith.addi %add3A_5436, %xor3A_5444 : vector<80x128xi32>
    %shift_left3A_5446 = arith.constant 24 : i32
    %shift_left3A_5447 = vector.broadcast %shift_left3A_5446 : i32 to vector<80x128xi32>
    %shift_left3A_5448 = arith.shli %xor3A_5444, %shift_left3A_5447 : vector<80x128xi32>
    %shift_right_logical3A_5449 = arith.constant 8 : i32
    %shift_right_logical3A_5450 = vector.broadcast %shift_right_logical3A_5449 : i32 to vector<80x128xi32>
    %shift_right_logical3A_5451 = arith.shrui %xor3A_5444, %shift_right_logical3A_5450 : vector<80x128xi32>
    %or3A_5452 = arith.ori %shift_left3A_5448, %shift_right_logical3A_5451 : vector<80x128xi32>
    %xor3A_5453 = arith.xori %add3A_5445, %or3A_5452 : vector<80x128xi32>
    %add3A_5454 = arith.constant 42 : i32
    %add3A_5455 = vector.broadcast %add3A_5454 : i32 to vector<80x128xi32>
    %add3A_5456 = arith.addi %add3A_5445, %add3A_5455 : vector<80x128xi32>
    %add3A_5457 = arith.constant 466689012 : i32
    %add3A_5458 = vector.broadcast %add3A_5457 : i32 to vector<80x128xi32>
    %add3A_5459 = arith.addi %xor3A_5453, %add3A_5458 : vector<80x128xi32>
    %add3A_5460 = arith.addi %add3A_5456, %add3A_5459 : vector<80x128xi32>
    %shift_left3A_5461 = arith.constant 13 : i32
    %shift_left3A_5462 = vector.broadcast %shift_left3A_5461 : i32 to vector<80x128xi32>
    %shift_left3A_5463 = arith.shli %add3A_5459, %shift_left3A_5462 : vector<80x128xi32>
    %shift_right_logical3A_5464 = arith.constant 19 : i32
    %shift_right_logical3A_5465 = vector.broadcast %shift_right_logical3A_5464 : i32 to vector<80x128xi32>
    %shift_right_logical3A_5466 = arith.shrui %add3A_5459, %shift_right_logical3A_5465 : vector<80x128xi32>
    %or3A_5467 = arith.ori %shift_left3A_5463, %shift_right_logical3A_5466 : vector<80x128xi32>
    %xor3A_5468 = arith.xori %add3A_5460, %or3A_5467 : vector<80x128xi32>
    %add3A_5469 = arith.addi %add3A_5460, %xor3A_5468 : vector<80x128xi32>
    %shift_left3A_5470 = arith.constant 15 : i32
    %shift_left3A_5471 = vector.broadcast %shift_left3A_5470 : i32 to vector<80x128xi32>
    %shift_left3A_5472 = arith.shli %xor3A_5468, %shift_left3A_5471 : vector<80x128xi32>
    %shift_right_logical3A_5473 = arith.constant 17 : i32
    %shift_right_logical3A_5474 = vector.broadcast %shift_right_logical3A_5473 : i32 to vector<80x128xi32>
    %shift_right_logical3A_5475 = arith.shrui %xor3A_5468, %shift_right_logical3A_5474 : vector<80x128xi32>
    %or3A_5476 = arith.ori %shift_left3A_5472, %shift_right_logical3A_5475 : vector<80x128xi32>
    %xor3A_5477 = arith.xori %add3A_5469, %or3A_5476 : vector<80x128xi32>
    %add3A_5478 = arith.addi %add3A_5469, %xor3A_5477 : vector<80x128xi32>
    %shift_left3A_5479 = arith.constant 26 : i32
    %shift_left3A_5480 = vector.broadcast %shift_left3A_5479 : i32 to vector<80x128xi32>
    %shift_left3A_5481 = arith.shli %xor3A_5477, %shift_left3A_5480 : vector<80x128xi32>
    %shift_right_logical3A_5482 = arith.constant 6 : i32
    %shift_right_logical3A_5483 = vector.broadcast %shift_right_logical3A_5482 : i32 to vector<80x128xi32>
    %shift_right_logical3A_5484 = arith.shrui %xor3A_5477, %shift_right_logical3A_5483 : vector<80x128xi32>
    %or3A_5485 = arith.ori %shift_left3A_5481, %shift_right_logical3A_5484 : vector<80x128xi32>
    %xor3A_5486 = arith.xori %add3A_5478, %or3A_5485 : vector<80x128xi32>
    %add3A_5487 = arith.addi %add3A_5478, %xor3A_5486 : vector<80x128xi32>
    %shift_left3A_5488 = arith.constant 6 : i32
    %shift_left3A_5489 = vector.broadcast %shift_left3A_5488 : i32 to vector<80x128xi32>
    %shift_left3A_5490 = arith.shli %xor3A_5486, %shift_left3A_5489 : vector<80x128xi32>
    %shift_right_logical3A_5491 = arith.constant 26 : i32
    %shift_right_logical3A_5492 = vector.broadcast %shift_right_logical3A_5491 : i32 to vector<80x128xi32>
    %shift_right_logical3A_5493 = arith.shrui %xor3A_5486, %shift_right_logical3A_5492 : vector<80x128xi32>
    %or3A_5494 = arith.ori %shift_left3A_5490, %shift_right_logical3A_5493 : vector<80x128xi32>
    %xor3A_5495 = arith.xori %add3A_5487, %or3A_5494 : vector<80x128xi32>
    %add3A_5496 = arith.constant 466689008 : i32
    %add3A_5497 = vector.broadcast %add3A_5496 : i32 to vector<80x128xi32>
    %add3A_5498 = arith.addi %add3A_5487, %add3A_5497 : vector<80x128xi32>
    %add3A_5499 = arith.constant 5 : i32
    %add3A_5500 = vector.broadcast %add3A_5499 : i32 to vector<80x128xi32>
    %add3A_5501 = arith.addi %xor3A_5495, %add3A_5500 : vector<80x128xi32>
    %xor3A_5502 = arith.xori %add3A_5498, %add3A_5501 : vector<80x128xi32>
    %shift_right_logical3A_5503 = arith.constant 9 : i32
    %shift_right_logical3A_5504 = vector.broadcast %shift_right_logical3A_5503 : i32 to vector<80x128xi32>
    %shift_right_logical3A_5505 = arith.shrui %xor3A_5502, %shift_right_logical3A_5504 : vector<80x128xi32>
    %ge3A_5506 = vector.broadcast %get3A_0 : i32 to vector<80x128xi32>
    %ge3A_5507 = arith.cmpi sge, %shift_right_logical3A_5505, %ge3A_5506 : vector<80x128xi32>
    %get3A_5508 = arith.constant 1840 : index
    %get3A_5509 = arith.constant 0 : index
    %get3A_5510 = vector.load %arg3[%get3A_5508, %get3A_5509] : memref<2000x128xf32, #tpu.memory_space<vmem>>, vector<80x128xf32>
    %mul3A_5511 = vector.broadcast %get3A_2 : f32 to vector<80x128xf32>
    %mul3A_5512 = arith.mulf %get3A_5510, %mul3A_5511 : vector<80x128xf32>
    %jit3A_5513 = arith.constant 0.000000e+00 : f32
    %broadcast_in_dim3A_5514 = vector.broadcast %jit3A_5513 : f32 to vector<80x128xf32>
    %select_n3A_5515 = arith.select %ge3A_5507, %mul3A_5512, %broadcast_in_dim3A_5514 : vector<80x128xi1>, vector<80x128xf32>
    %swap3A_5516 = arith.constant 1840 : index
    %swap3A_5517 = arith.constant 0 : index
    %swap3A_5518 = vector.load %arg4[%swap3A_5516, %swap3A_5517] : memref<2000x128xf32, #tpu.memory_space<vmem>>, vector<80x128xf32>
    tpu.vector_store %arg4[%swap3A_5516, %swap3A_5517], %select_n3A_5515 {strides = array<i32>} : memref<2000x128xf32, #tpu.memory_space<vmem>>, vector<80x128xf32>,
    %add3A_5519 = arith.constant 245760 : i32
    %add3A_5520 = arith.addi %mul3A_6, %add3A_5519 : i32
    %add3A_5521 = vector.broadcast %add3A_5520 : i32 to vector<80x128xi32>
    %add3A_5522 = arith.addi %add3A, %add3A_5521 : vector<80x128xi32>
    %add3A_5523 = arith.constant 42 : i32
    %add3A_5524 = vector.broadcast %add3A_5523 : i32 to vector<80x128xi32>
    %add3A_5525 = arith.addi %add3A_5522, %add3A_5524 : vector<80x128xi32>
    %shift_left3A_5526 = arith.constant 13 : i32
    %shift_left3A_5527 = vector.broadcast %shift_left3A_5526 : i32 to vector<80x128xi32>
    %shift_left3A_5528 = arith.shli %add3A_5525, %shift_left3A_5527 : vector<80x128xi32>
    %shift_right_logical3A_5529 = arith.constant 19 : i32
    %shift_right_logical3A_5530 = vector.broadcast %shift_right_logical3A_5529 : i32 to vector<80x128xi32>
    %shift_right_logical3A_5531 = arith.shrui %add3A_5525, %shift_right_logical3A_5530 : vector<80x128xi32>
    %or3A_5532 = arith.ori %shift_left3A_5528, %shift_right_logical3A_5531 : vector<80x128xi32>
    %xor3A_5533 = arith.xori %add3A_5525, %or3A_5532 : vector<80x128xi32>
    %add3A_5534 = arith.addi %add3A_5525, %xor3A_5533 : vector<80x128xi32>
    %shift_left3A_5535 = arith.constant 15 : i32
    %shift_left3A_5536 = vector.broadcast %shift_left3A_5535 : i32 to vector<80x128xi32>
    %shift_left3A_5537 = arith.shli %xor3A_5533, %shift_left3A_5536 : vector<80x128xi32>
    %shift_right_logical3A_5538 = arith.constant 17 : i32
    %shift_right_logical3A_5539 = vector.broadcast %shift_right_logical3A_5538 : i32 to vector<80x128xi32>
    %shift_right_logical3A_5540 = arith.shrui %xor3A_5533, %shift_right_logical3A_5539 : vector<80x128xi32>
    %or3A_5541 = arith.ori %shift_left3A_5537, %shift_right_logical3A_5540 : vector<80x128xi32>
    %xor3A_5542 = arith.xori %add3A_5534, %or3A_5541 : vector<80x128xi32>
    %add3A_5543 = arith.addi %add3A_5534, %xor3A_5542 : vector<80x128xi32>
    %shift_left3A_5544 = arith.constant 26 : i32
    %shift_left3A_5545 = vector.broadcast %shift_left3A_5544 : i32 to vector<80x128xi32>
    %shift_left3A_5546 = arith.shli %xor3A_5542, %shift_left3A_5545 : vector<80x128xi32>
    %shift_right_logical3A_5547 = arith.constant 6 : i32
    %shift_right_logical3A_5548 = vector.broadcast %shift_right_logical3A_5547 : i32 to vector<80x128xi32>
    %shift_right_logical3A_5549 = arith.shrui %xor3A_5542, %shift_right_logical3A_5548 : vector<80x128xi32>
    %or3A_5550 = arith.ori %shift_left3A_5546, %shift_right_logical3A_5549 : vector<80x128xi32>
    %xor3A_5551 = arith.xori %add3A_5543, %or3A_5550 : vector<80x128xi32>
    %add3A_5552 = arith.addi %add3A_5543, %xor3A_5551 : vector<80x128xi32>
    %shift_left3A_5553 = arith.constant 6 : i32
    %shift_left3A_5554 = vector.broadcast %shift_left3A_5553 : i32 to vector<80x128xi32>
    %shift_left3A_5555 = arith.shli %xor3A_5551, %shift_left3A_5554 : vector<80x128xi32>
    %shift_right_logical3A_5556 = arith.constant 26 : i32
    %shift_right_logical3A_5557 = vector.broadcast %shift_right_logical3A_5556 : i32 to vector<80x128xi32>
    %shift_right_logical3A_5558 = arith.shrui %xor3A_5551, %shift_right_logical3A_5557 : vector<80x128xi32>
    %or3A_5559 = arith.ori %shift_left3A_5555, %shift_right_logical3A_5558 : vector<80x128xi32>
    %xor3A_5560 = arith.xori %add3A_5552, %or3A_5559 : vector<80x128xi32>
    %add3A_5561 = arith.constant 42 : i32
    %add3A_5562 = vector.broadcast %add3A_5561 : i32 to vector<80x128xi32>
    %add3A_5563 = arith.addi %add3A_5552, %add3A_5562 : vector<80x128xi32>
    %add3A_5564 = arith.constant 466689009 : i32
    %add3A_5565 = vector.broadcast %add3A_5564 : i32 to vector<80x128xi32>
    %add3A_5566 = arith.addi %xor3A_5560, %add3A_5565 : vector<80x128xi32>
    %add3A_5567 = arith.addi %add3A_5563, %add3A_5566 : vector<80x128xi32>
    %shift_left3A_5568 = arith.constant 17 : i32
    %shift_left3A_5569 = vector.broadcast %shift_left3A_5568 : i32 to vector<80x128xi32>
    %shift_left3A_5570 = arith.shli %add3A_5566, %shift_left3A_5569 : vector<80x128xi32>
    %shift_right_logical3A_5571 = arith.constant 15 : i32
    %shift_right_logical3A_5572 = vector.broadcast %shift_right_logical3A_5571 : i32 to vector<80x128xi32>
    %shift_right_logical3A_5573 = arith.shrui %add3A_5566, %shift_right_logical3A_5572 : vector<80x128xi32>
    %or3A_5574 = arith.ori %shift_left3A_5570, %shift_right_logical3A_5573 : vector<80x128xi32>
    %xor3A_5575 = arith.xori %add3A_5567, %or3A_5574 : vector<80x128xi32>
    %add3A_5576 = arith.addi %add3A_5567, %xor3A_5575 : vector<80x128xi32>
    %shift_left3A_5577 = arith.constant 29 : i32
    %shift_left3A_5578 = vector.broadcast %shift_left3A_5577 : i32 to vector<80x128xi32>
    %shift_left3A_5579 = arith.shli %xor3A_5575, %shift_left3A_5578 : vector<80x128xi32>
    %shift_right_logical3A_5580 = arith.constant 3 : i32
    %shift_right_logical3A_5581 = vector.broadcast %shift_right_logical3A_5580 : i32 to vector<80x128xi32>
    %shift_right_logical3A_5582 = arith.shrui %xor3A_5575, %shift_right_logical3A_5581 : vector<80x128xi32>
    %or3A_5583 = arith.ori %shift_left3A_5579, %shift_right_logical3A_5582 : vector<80x128xi32>
    %xor3A_5584 = arith.xori %add3A_5576, %or3A_5583 : vector<80x128xi32>
    %add3A_5585 = arith.addi %add3A_5576, %xor3A_5584 : vector<80x128xi32>
    %shift_left3A_5586 = arith.constant 16 : i32
    %shift_left3A_5587 = vector.broadcast %shift_left3A_5586 : i32 to vector<80x128xi32>
    %shift_left3A_5588 = arith.shli %xor3A_5584, %shift_left3A_5587 : vector<80x128xi32>
    %shift_right_logical3A_5589 = arith.constant 16 : i32
    %shift_right_logical3A_5590 = vector.broadcast %shift_right_logical3A_5589 : i32 to vector<80x128xi32>
    %shift_right_logical3A_5591 = arith.shrui %xor3A_5584, %shift_right_logical3A_5590 : vector<80x128xi32>
    %or3A_5592 = arith.ori %shift_left3A_5588, %shift_right_logical3A_5591 : vector<80x128xi32>
    %xor3A_5593 = arith.xori %add3A_5585, %or3A_5592 : vector<80x128xi32>
    %add3A_5594 = arith.addi %add3A_5585, %xor3A_5593 : vector<80x128xi32>
    %shift_left3A_5595 = arith.constant 24 : i32
    %shift_left3A_5596 = vector.broadcast %shift_left3A_5595 : i32 to vector<80x128xi32>
    %shift_left3A_5597 = arith.shli %xor3A_5593, %shift_left3A_5596 : vector<80x128xi32>
    %shift_right_logical3A_5598 = arith.constant 8 : i32
    %shift_right_logical3A_5599 = vector.broadcast %shift_right_logical3A_5598 : i32 to vector<80x128xi32>
    %shift_right_logical3A_5600 = arith.shrui %xor3A_5593, %shift_right_logical3A_5599 : vector<80x128xi32>
    %or3A_5601 = arith.ori %shift_left3A_5597, %shift_right_logical3A_5600 : vector<80x128xi32>
    %xor3A_5602 = arith.xori %add3A_5594, %or3A_5601 : vector<80x128xi32>
    %add3A_5603 = arith.constant 466689008 : i32
    %add3A_5604 = vector.broadcast %add3A_5603 : i32 to vector<80x128xi32>
    %add3A_5605 = arith.addi %add3A_5594, %add3A_5604 : vector<80x128xi32>
    %add3A_5606 = arith.constant 2 : i32
    %add3A_5607 = vector.broadcast %add3A_5606 : i32 to vector<80x128xi32>
    %add3A_5608 = arith.addi %xor3A_5602, %add3A_5607 : vector<80x128xi32>
    %add3A_5609 = arith.addi %add3A_5605, %add3A_5608 : vector<80x128xi32>
    %shift_left3A_5610 = arith.constant 13 : i32
    %shift_left3A_5611 = vector.broadcast %shift_left3A_5610 : i32 to vector<80x128xi32>
    %shift_left3A_5612 = arith.shli %add3A_5608, %shift_left3A_5611 : vector<80x128xi32>
    %shift_right_logical3A_5613 = arith.constant 19 : i32
    %shift_right_logical3A_5614 = vector.broadcast %shift_right_logical3A_5613 : i32 to vector<80x128xi32>
    %shift_right_logical3A_5615 = arith.shrui %add3A_5608, %shift_right_logical3A_5614 : vector<80x128xi32>
    %or3A_5616 = arith.ori %shift_left3A_5612, %shift_right_logical3A_5615 : vector<80x128xi32>
    %xor3A_5617 = arith.xori %add3A_5609, %or3A_5616 : vector<80x128xi32>
    %add3A_5618 = arith.addi %add3A_5609, %xor3A_5617 : vector<80x128xi32>
    %shift_left3A_5619 = arith.constant 15 : i32
    %shift_left3A_5620 = vector.broadcast %shift_left3A_5619 : i32 to vector<80x128xi32>
    %shift_left3A_5621 = arith.shli %xor3A_5617, %shift_left3A_5620 : vector<80x128xi32>
    %shift_right_logical3A_5622 = arith.constant 17 : i32
    %shift_right_logical3A_5623 = vector.broadcast %shift_right_logical3A_5622 : i32 to vector<80x128xi32>
    %shift_right_logical3A_5624 = arith.shrui %xor3A_5617, %shift_right_logical3A_5623 : vector<80x128xi32>
    %or3A_5625 = arith.ori %shift_left3A_5621, %shift_right_logical3A_5624 : vector<80x128xi32>
    %xor3A_5626 = arith.xori %add3A_5618, %or3A_5625 : vector<80x128xi32>
    %add3A_5627 = arith.addi %add3A_5618, %xor3A_5626 : vector<80x128xi32>
    %shift_left3A_5628 = arith.constant 26 : i32
    %shift_left3A_5629 = vector.broadcast %shift_left3A_5628 : i32 to vector<80x128xi32>
    %shift_left3A_5630 = arith.shli %xor3A_5626, %shift_left3A_5629 : vector<80x128xi32>
    %shift_right_logical3A_5631 = arith.constant 6 : i32
    %shift_right_logical3A_5632 = vector.broadcast %shift_right_logical3A_5631 : i32 to vector<80x128xi32>
    %shift_right_logical3A_5633 = arith.shrui %xor3A_5626, %shift_right_logical3A_5632 : vector<80x128xi32>
    %or3A_5634 = arith.ori %shift_left3A_5630, %shift_right_logical3A_5633 : vector<80x128xi32>
    %xor3A_5635 = arith.xori %add3A_5627, %or3A_5634 : vector<80x128xi32>
    %add3A_5636 = arith.addi %add3A_5627, %xor3A_5635 : vector<80x128xi32>
    %shift_left3A_5637 = arith.constant 6 : i32
    %shift_left3A_5638 = vector.broadcast %shift_left3A_5637 : i32 to vector<80x128xi32>
    %shift_left3A_5639 = arith.shli %xor3A_5635, %shift_left3A_5638 : vector<80x128xi32>
    %shift_right_logical3A_5640 = arith.constant 26 : i32
    %shift_right_logical3A_5641 = vector.broadcast %shift_right_logical3A_5640 : i32 to vector<80x128xi32>
    %shift_right_logical3A_5642 = arith.shrui %xor3A_5635, %shift_right_logical3A_5641 : vector<80x128xi32>
    %or3A_5643 = arith.ori %shift_left3A_5639, %shift_right_logical3A_5642 : vector<80x128xi32>
    %xor3A_5644 = arith.xori %add3A_5636, %or3A_5643 : vector<80x128xi32>
    %add3A_5645 = arith.constant 45 : i32
    %add3A_5646 = vector.broadcast %add3A_5645 : i32 to vector<80x128xi32>
    %add3A_5647 = arith.addi %xor3A_5644, %add3A_5646 : vector<80x128xi32>
    %add3A_5648 = arith.addi %add3A_5636, %add3A_5647 : vector<80x128xi32>
    %shift_left3A_5649 = arith.constant 17 : i32
    %shift_left3A_5650 = vector.broadcast %shift_left3A_5649 : i32 to vector<80x128xi32>
    %shift_left3A_5651 = arith.shli %add3A_5647, %shift_left3A_5650 : vector<80x128xi32>
    %shift_right_logical3A_5652 = arith.constant 15 : i32
    %shift_right_logical3A_5653 = vector.broadcast %shift_right_logical3A_5652 : i32 to vector<80x128xi32>
    %shift_right_logical3A_5654 = arith.shrui %add3A_5647, %shift_right_logical3A_5653 : vector<80x128xi32>
    %or3A_5655 = arith.ori %shift_left3A_5651, %shift_right_logical3A_5654 : vector<80x128xi32>
    %xor3A_5656 = arith.xori %add3A_5648, %or3A_5655 : vector<80x128xi32>
    %add3A_5657 = arith.addi %add3A_5648, %xor3A_5656 : vector<80x128xi32>
    %shift_left3A_5658 = arith.constant 29 : i32
    %shift_left3A_5659 = vector.broadcast %shift_left3A_5658 : i32 to vector<80x128xi32>
    %shift_left3A_5660 = arith.shli %xor3A_5656, %shift_left3A_5659 : vector<80x128xi32>
    %shift_right_logical3A_5661 = arith.constant 3 : i32
    %shift_right_logical3A_5662 = vector.broadcast %shift_right_logical3A_5661 : i32 to vector<80x128xi32>
    %shift_right_logical3A_5663 = arith.shrui %xor3A_5656, %shift_right_logical3A_5662 : vector<80x128xi32>
    %or3A_5664 = arith.ori %shift_left3A_5660, %shift_right_logical3A_5663 : vector<80x128xi32>
    %xor3A_5665 = arith.xori %add3A_5657, %or3A_5664 : vector<80x128xi32>
    %add3A_5666 = arith.addi %add3A_5657, %xor3A_5665 : vector<80x128xi32>
    %shift_left3A_5667 = arith.constant 16 : i32
    %shift_left3A_5668 = vector.broadcast %shift_left3A_5667 : i32 to vector<80x128xi32>
    %shift_left3A_5669 = arith.shli %xor3A_5665, %shift_left3A_5668 : vector<80x128xi32>
    %shift_right_logical3A_5670 = arith.constant 16 : i32
    %shift_right_logical3A_5671 = vector.broadcast %shift_right_logical3A_5670 : i32 to vector<80x128xi32>
    %shift_right_logical3A_5672 = arith.shrui %xor3A_5665, %shift_right_logical3A_5671 : vector<80x128xi32>
    %or3A_5673 = arith.ori %shift_left3A_5669, %shift_right_logical3A_5672 : vector<80x128xi32>
    %xor3A_5674 = arith.xori %add3A_5666, %or3A_5673 : vector<80x128xi32>
    %add3A_5675 = arith.addi %add3A_5666, %xor3A_5674 : vector<80x128xi32>
    %shift_left3A_5676 = arith.constant 24 : i32
    %shift_left3A_5677 = vector.broadcast %shift_left3A_5676 : i32 to vector<80x128xi32>
    %shift_left3A_5678 = arith.shli %xor3A_5674, %shift_left3A_5677 : vector<80x128xi32>
    %shift_right_logical3A_5679 = arith.constant 8 : i32
    %shift_right_logical3A_5680 = vector.broadcast %shift_right_logical3A_5679 : i32 to vector<80x128xi32>
    %shift_right_logical3A_5681 = arith.shrui %xor3A_5674, %shift_right_logical3A_5680 : vector<80x128xi32>
    %or3A_5682 = arith.ori %shift_left3A_5678, %shift_right_logical3A_5681 : vector<80x128xi32>
    %xor3A_5683 = arith.xori %add3A_5675, %or3A_5682 : vector<80x128xi32>
    %add3A_5684 = arith.constant 42 : i32
    %add3A_5685 = vector.broadcast %add3A_5684 : i32 to vector<80x128xi32>
    %add3A_5686 = arith.addi %add3A_5675, %add3A_5685 : vector<80x128xi32>
    %add3A_5687 = arith.constant 466689012 : i32
    %add3A_5688 = vector.broadcast %add3A_5687 : i32 to vector<80x128xi32>
    %add3A_5689 = arith.addi %xor3A_5683, %add3A_5688 : vector<80x128xi32>
    %add3A_5690 = arith.addi %add3A_5686, %add3A_5689 : vector<80x128xi32>
    %shift_left3A_5691 = arith.constant 13 : i32
    %shift_left3A_5692 = vector.broadcast %shift_left3A_5691 : i32 to vector<80x128xi32>
    %shift_left3A_5693 = arith.shli %add3A_5689, %shift_left3A_5692 : vector<80x128xi32>
    %shift_right_logical3A_5694 = arith.constant 19 : i32
    %shift_right_logical3A_5695 = vector.broadcast %shift_right_logical3A_5694 : i32 to vector<80x128xi32>
    %shift_right_logical3A_5696 = arith.shrui %add3A_5689, %shift_right_logical3A_5695 : vector<80x128xi32>
    %or3A_5697 = arith.ori %shift_left3A_5693, %shift_right_logical3A_5696 : vector<80x128xi32>
    %xor3A_5698 = arith.xori %add3A_5690, %or3A_5697 : vector<80x128xi32>
    %add3A_5699 = arith.addi %add3A_5690, %xor3A_5698 : vector<80x128xi32>
    %shift_left3A_5700 = arith.constant 15 : i32
    %shift_left3A_5701 = vector.broadcast %shift_left3A_5700 : i32 to vector<80x128xi32>
    %shift_left3A_5702 = arith.shli %xor3A_5698, %shift_left3A_5701 : vector<80x128xi32>
    %shift_right_logical3A_5703 = arith.constant 17 : i32
    %shift_right_logical3A_5704 = vector.broadcast %shift_right_logical3A_5703 : i32 to vector<80x128xi32>
    %shift_right_logical3A_5705 = arith.shrui %xor3A_5698, %shift_right_logical3A_5704 : vector<80x128xi32>
    %or3A_5706 = arith.ori %shift_left3A_5702, %shift_right_logical3A_5705 : vector<80x128xi32>
    %xor3A_5707 = arith.xori %add3A_5699, %or3A_5706 : vector<80x128xi32>
    %add3A_5708 = arith.addi %add3A_5699, %xor3A_5707 : vector<80x128xi32>
    %shift_left3A_5709 = arith.constant 26 : i32
    %shift_left3A_5710 = vector.broadcast %shift_left3A_5709 : i32 to vector<80x128xi32>
    %shift_left3A_5711 = arith.shli %xor3A_5707, %shift_left3A_5710 : vector<80x128xi32>
    %shift_right_logical3A_5712 = arith.constant 6 : i32
    %shift_right_logical3A_5713 = vector.broadcast %shift_right_logical3A_5712 : i32 to vector<80x128xi32>
    %shift_right_logical3A_5714 = arith.shrui %xor3A_5707, %shift_right_logical3A_5713 : vector<80x128xi32>
    %or3A_5715 = arith.ori %shift_left3A_5711, %shift_right_logical3A_5714 : vector<80x128xi32>
    %xor3A_5716 = arith.xori %add3A_5708, %or3A_5715 : vector<80x128xi32>
    %add3A_5717 = arith.addi %add3A_5708, %xor3A_5716 : vector<80x128xi32>
    %shift_left3A_5718 = arith.constant 6 : i32
    %shift_left3A_5719 = vector.broadcast %shift_left3A_5718 : i32 to vector<80x128xi32>
    %shift_left3A_5720 = arith.shli %xor3A_5716, %shift_left3A_5719 : vector<80x128xi32>
    %shift_right_logical3A_5721 = arith.constant 26 : i32
    %shift_right_logical3A_5722 = vector.broadcast %shift_right_logical3A_5721 : i32 to vector<80x128xi32>
    %shift_right_logical3A_5723 = arith.shrui %xor3A_5716, %shift_right_logical3A_5722 : vector<80x128xi32>
    %or3A_5724 = arith.ori %shift_left3A_5720, %shift_right_logical3A_5723 : vector<80x128xi32>
    %xor3A_5725 = arith.xori %add3A_5717, %or3A_5724 : vector<80x128xi32>
    %add3A_5726 = arith.constant 466689008 : i32
    %add3A_5727 = vector.broadcast %add3A_5726 : i32 to vector<80x128xi32>
    %add3A_5728 = arith.addi %add3A_5717, %add3A_5727 : vector<80x128xi32>
    %add3A_5729 = arith.constant 5 : i32
    %add3A_5730 = vector.broadcast %add3A_5729 : i32 to vector<80x128xi32>
    %add3A_5731 = arith.addi %xor3A_5725, %add3A_5730 : vector<80x128xi32>
    %xor3A_5732 = arith.xori %add3A_5728, %add3A_5731 : vector<80x128xi32>
    %shift_right_logical3A_5733 = arith.constant 9 : i32
    %shift_right_logical3A_5734 = vector.broadcast %shift_right_logical3A_5733 : i32 to vector<80x128xi32>
    %shift_right_logical3A_5735 = arith.shrui %xor3A_5732, %shift_right_logical3A_5734 : vector<80x128xi32>
    %ge3A_5736 = vector.broadcast %get3A_0 : i32 to vector<80x128xi32>
    %ge3A_5737 = arith.cmpi sge, %shift_right_logical3A_5735, %ge3A_5736 : vector<80x128xi32>
    %get3A_5738 = arith.constant 1920 : index
    %get3A_5739 = arith.constant 0 : index
    %get3A_5740 = vector.load %arg3[%get3A_5738, %get3A_5739] : memref<2000x128xf32, #tpu.memory_space<vmem>>, vector<80x128xf32>
    %mul3A_5741 = vector.broadcast %get3A_2 : f32 to vector<80x128xf32>
    %mul3A_5742 = arith.mulf %get3A_5740, %mul3A_5741 : vector<80x128xf32>
    %jit3A_5743 = arith.constant 0.000000e+00 : f32
    %broadcast_in_dim3A_5744 = vector.broadcast %jit3A_5743 : f32 to vector<80x128xf32>
    %select_n3A_5745 = arith.select %ge3A_5737, %mul3A_5742, %broadcast_in_dim3A_5744 : vector<80x128xi1>, vector<80x128xf32>
    %swap3A_5746 = arith.constant 1920 : index
    %swap3A_5747 = arith.constant 0 : index
    %swap3A_5748 = vector.load %arg4[%swap3A_5746, %swap3A_5747] : memref<2000x128xf32, #tpu.memory_space<vmem>>, vector<80x128xf32>
    tpu.vector_store %arg4[%swap3A_5746, %swap3A_5747], %select_n3A_5745 {strides = array<i32>} : memref<2000x128xf32, #tpu.memory_space<vmem>>, vector<80x128xf32>,
    return
  }
  func.func @transform_0(%arg0: i32) -> i32 {
    %c0_i32 = arith.constant 0 : i32
    %c0_i32_0 = arith.constant 0 : i32
    return %c0_i32 : i32
  }
  func.func @transform_1(%arg0: i32) -> i32 {
    %c0_i32 = arith.constant 0 : i32
    %c0_i32_0 = arith.constant 0 : i32
    return %c0_i32 : i32
  }
  func.func @transform_2(%arg0: i32) -> (i32, i32) {
    %c0_i32 = arith.constant 0 : i32
    %c0_i32_0 = arith.constant 0 : i32
    return %arg0, %c0_i32 : i32, i32
  }
  func.func @transform_3(%arg0: i32) -> (i32, i32) {
    %c0_i32 = arith.constant 0 : i32
    %c0_i32_0 = arith.constant 0 : i32
    return %arg0, %c0_i32 : i32, i32
  }
}

</mosaic_0001>

<sc_bundles>
// kernel: kernel.4.cloned.1.call-start
scs
__scs_entry_jumppad:
0x0: {  	(pc) =	sbr.rel $0x88, $3  }
0x1: {  	(tag) =	ssettag $0x0;
	lr =	simm.s32 $0x1  }
0x2: {  	[smem:$0x3F9E] =	sst lr;
	_ =	strace $0xD0000000  }
0x3: {  	_ = 	snop  }
0x4: {  	_ = 	snop  }
0x5: {  	_ = 	snop  }
0x6: {  	_ = 	snop  }
0x7: {  	_ = 	snop  }
__scs_overlays_trampoline_lowered:
0x8: {  	[smem:$0x3FAD] =	sst s0  }
0x9: {  	[smem:$0x3FAE] =	sst s1  }
0xa: {  	[smem:$0x3FAF] =	sst s2  }
0xb: {  	[smem:$0x3FB0] =	sst s3  }
0xc: {  	[smem:$0x3FB1] =	sst s4  }
0xd: {  	[smem:$0x3FB2] =	sst s5  }
0xe: {  	[smem:$0x3FB3] =	sst s6  }
0xf: {  	[smem:$0x3FB4] =	sst s7  }
0x10: {  	[smem:$0x3FB5] =	sst s8  }
0x11: {  	[smem:$0x3FB6] =	sst s9;
	s0 =	simm.s32 @!p0 $0x0  }
0x12: {  	s1 =	sld [smem:$0x3F9C];
	s0 =	simm.s32 @p0 $0x1  }
0x13: {  	[smem:$0x3FB7] =	sst s0;
	s0 =	simm.s32 @!p1 $0x0  }
0x14: {  	s2 =	sld [smem:$0x3F9B];
	s0 =	simm.s32 @p1 $0x1  }
0x15: {  	[smem:$0x3FB8] =	sst s0;
	s0 =	simm.s32 @!p2 $0x0  }
0x16: {  	s3 =	sld [smem:$0x3FDB];
	s0 =	simm.s32 @p2 $0x1  }
0x17: {  	s4 =	simm.s32 $0x1BF5;
	[smem:$0x3FBA] =	sst s0  }
0x18: {  	s0 =	sld [smem:$0x3F9D];
	_ =	swait.ge [sflag:s4], $0x0  }
0x19: {  	s7 =	sld [smem:$0x3F9E]  }
0x1a: {  	s8 =	sadd.s32 $0xFFFFE003, lr  }
0x1b: {  	s9 =	sadd.s32 $0xFFFFFEF7, lr;
	s5 =	simm.s32 $0xFFFFFFFF;
	p2 =	slt.u32 s8, $0xFFFFF086  }
0x1c: {  	p1 =	slt.u32 s9, $0xF7A;
	s5 =	simm.s32 @!p2 $0x0  }
0x1d: {  	s5 =	simm.s32 @p1 $0x1;
	p0 =	seq.s32 s7, s2  }
0x1e: {  	s7 =	smul.u32 @!p0 $0xF7A, s2;
	p2 =	seq.s32 @!p0 s5, $0x0  }
0x1f: {  	s9 =	smul.u32 $0xF7A, s1;
	s8 =	simm.s32 @!p0 $0x1BF5;
	p2 =	por !p2, p0  }
0x20: {  	[sflag:s8] =	ssyncset.s32 @!p0 $0xFFFFF086;
	s6 =	sadd.s32 @!p0 s3, s7;
	s7 =	simm.s32 @!p0 $0x108  }
0x21: {  	s3 =	sadd.s32 s3, s9;
	s6 =	sadd.s32 @!p0 $0x88, s6;
	s7 =	simm.s32 @p2 $0x1082  }
0x22: {  	[simem:s7], [sflag:s8] =	dma.local @!p0 [hbm:s6], $0xF7A  }
0x23: {  	s9 =	sor.u32 $0xD0000000, s2;
	s6 =	simm.s32 $0x108;
	_ =	swait.ge @!p0 [sflag:s8], $0x0  }
0x24: {  	s3 =	sadd.s32 $0x88, s3;
	s6 =	simm.s32 @!p1 $0x1082;
	[sflag:s4] =	ssyncset.s32 $0xFFFFF086  }
0x25: {  	[simem:s6], [sflag:s4] =	dma.local [hbm:s3], $0xF7A  }
0x26: {  	[smem:$0x3F9E] =	sst s1;
	(tag) =	ssettag s2;
	_ =	strace s9  }
0x27: {  	s1 =	sld [smem:$0x3FAE]  }
0x28: {  	s2 =	sld [smem:$0x3FAF]  }
0x29: {  	s4 =	sld [smem:$0x3FB1]  }
0x2a: {  	p0 =	seq.s32 s5, $0x0;
	s5 =	sld [smem:$0x3FB2]  }
0x2b: {  	s6 =	sld [smem:$0x3FB3]  }
0x2c: {  	s7 =	sld [smem:$0x3FB4]  }
0x2d: {  	s3 =	simm.s32 $0x108;
	s8 =	sld [smem:$0x3FB5]  }
0x2e: {  	s3 =	simm.s32 @!p0 $0x1082;
	s9 =	sld [smem:$0x3FB6]  }
0x2f: {  	lr =	sadd.s32 s0, s3;
	s0 =	sld [smem:$0x3FAD]  }
0x30: {  	s3 =	sld [smem:$0x3FB0]  }
0x31: {  	[smem:$0x3FB9] =	sst s10  }
0x32: {  	s10 =	sld [smem:$0x3FB7];
	_ =	sdelay $0x3  }
0x33: {  	p0 =	seq.s32 s10, $0x1;
	s10 =	sld [smem:$0x3FB9];
	_ =	sdelay $0x3  }
0x34: {  	[smem:$0x3FB9] =	sst s10  }
0x35: {  	s10 =	sld [smem:$0x3FB8];
	_ =	sdelay $0x3  }
0x36: {  	p1 =	seq.s32 s10, $0x1;
	s10 =	sld [smem:$0x3FB9];
	_ =	sdelay $0x3  }
0x37: {  	[smem:$0x3FB9] =	sst s10  }
0x38: {  	s10 =	sld [smem:$0x3FBA]  }
0x39: {  	_ = 	snop;
	(pc) =	sbr.ind lr, $3  }
0x3a: {  	_ = 	snop  }
0x3b: {  	_ = 	snop  }
0x3c: {  	p2 =	seq.s32 s10, $0x1;
	s10 =	sld [smem:$0x3FB9]  }
0x3d: {  	_ =	shalt  }
0x3e: {  	_ =	shalt  }
0x3f: {  	_ =	shalt  }
0x40: {  	_ =	shalt  }
0x41: {  	_ =	shalt  }
0x42: {  	_ =	shalt  }
0x43: {  	_ =	shalt  }
0x44: {  	_ =	shalt  }
0x45: {  	_ =	shalt  }
0x46: {  	_ =	shalt  }
0x47: {  	_ =	shalt  }
0x48: {  	_ =	shalt  }
0x49: {  	_ =	shalt  }
0x4a: {  	_ =	shalt  }
0x4b: {  	_ =	shalt  }
0x4c: {  	_ =	shalt  }
0x4d: {  	_ =	shalt  }
0x4e: {  	_ =	shalt  }
0x4f: {  	_ =	shalt  }
0x50: {  	_ =	shalt  }
0x51: {  	_ =	shalt  }
0x52: {  	_ =	shalt  }
0x53: {  	_ =	shalt  }
0x54: {  	_ =	shalt  }
0x55: {  	_ =	shalt  }
0x56: {  	_ =	shalt  }
0x57: {  	_ =	shalt  }
0x58: {  	_ =	shalt  }
0x59: {  	_ =	shalt  }
0x5a: {  	_ =	shalt  }
0x5b: {  	_ =	shalt  }
0x5c: {  	_ =	shalt  }
0x5d: {  	_ =	shalt  }
0x5e: {  	_ =	shalt  }
0x5f: {  	_ =	shalt  }
0x60: {  	_ =	shalt  }
0x61: {  	_ =	shalt  }
0x62: {  	_ =	shalt  }
0x63: {  	_ =	shalt  }
0x64: {  	_ =	shalt  }
0x65: {  	_ =	shalt  }
0x66: {  	_ =	shalt  }
0x67: {  	_ =	shalt  }
0x68: {  	_ =	shalt  }
0x69: {  	_ =	shalt  }
0x6a: {  	_ =	shalt  }
0x6b: {  	_ =	shalt  }
0x6c: {  	_ =	shalt  }
0x6d: {  	_ =	shalt  }
0x6e: {  	_ =	shalt  }
0x6f: {  	_ =	shalt  }
0x70: {  	_ =	shalt  }
0x71: {  	_ =	shalt  }
0x72: {  	_ =	shalt  }
0x73: {  	_ =	shalt  }
0x74: {  	_ =	shalt  }
0x75: {  	_ =	shalt  }
0x76: {  	_ =	shalt  }
0x77: {  	_ =	shalt  }
0x78: {  	_ =	shalt  }
0x79: {  	_ =	shalt  }
0x7a: {  	_ =	shalt  }
0x7b: {  	_ =	shalt  }
0x7c: {  	_ =	shalt  }
0x7d: {  	_ =	shalt  }
0x7e: {  	_ =	shalt  }
0x7f: {  	_ =	shalt  }
0x80: {  	_ =	shalt  }
0x81: {  	_ =	shalt  }
0x82: {  	_ =	shalt  }
0x83: {  	_ =	shalt  }
0x84: {  	_ =	shalt  }
0x85: {  	_ =	shalt  }
0x86: {  	_ =	shalt  }
0x87: {  	_ =	shalt  }
.Lfunc_end0:
.L_simem_size_0:
called_computation_lowered:
.L_overlay_start_0:
0x88: {  	s2 =	sld [smem:$0x3FD9]  }
0x89: {  	s3 =	sld [smem:$0x3FFE];
	_ =	sdelay $0x1  }
0x8a: {  	s1 =	srdreg.scid  }
0x8b: {  	s0 =	sand.u32 $0x1, s1  }
0x8c: {  	s15 =	sshll.u32 s0, $0xA;
	s2 =	sadd.s32 s3, s2  }
0x8d: {  	s2 =	sadd.s32 s2, s15  }
0x8e: {  	[smem:$0x3FC5] =	sst s2  }
0x8f: {  	_ = 	snop  }
0x90: {  	s2 =	sld [smem:$0x3FD0];
	_ =	sdelay $0x2  }
0x91: {  	s4 =	simm.s32 $0xA;
	s5 =	simm.s32 $0x10;
	s16 =	sld [smem:$0x3FC9]  }
0x92: {  	[smem:s5], [sflag:s4] =	dma.local [hbm:s2], $0x1  }
0x93: {  	_ =	swait.eq [sflag:s4], $0x1  }
0x94: {  	[sflag:s4] =	ssyncset.done $0x0  }
0x95: {  	[sflag:s4] =	ssyncadd.s32 $0xFFFFFFFF  }
0x96: {  	s17 =	sld [smem:$0x10];
	(tm) =	ssettm $0x1  }
0x97: {  	s18 =	sld [smem:$0x3FFB];
	_ =	sdelay $0x3  }
0x98: {  	_ =	strace s18  }
0x99: {  	s4 =	sld [smem:$0x3FFC];
	_ =	sdelay $0x3  }
0x9a: {  	_ =	strace s4  }
0x9b: {  	s4 =	sld [smem:$0x3FFD];
	_ =	sdelay $0x3  }
0x9c: {  	_ =	strace s4  }
0x9d: {  	_ =	strace $0x8FFFFFFF  }
0x9e: {  	s19 =	sld [smem:$0x3FDB];
	_ =	sdelay $0x1  }
0x9f: {  	s20 =	simm.s32 $_scs_section_size  }
0xa0: {  	s6 =	simm.s32 $_size__tile_overlayer_lowered;
	s7 =	simm.s32 $_tile_overlayer_lowered  }
0xa1: {  	s23 =	simm.s32 $0x1BFF;
	s22 =	sshll.u32 s7, $0x1;
	s4 =	sadd.s32 s20, s19  }
0xa2: {  	s8 =	simm.s32 $0x0;
	s21 =	sshll.u32 s6, $0x1;
	s6 =	sadd.s32 s22, s4  }
0xa3: {  	[timem:s8], [sflag:s23] =	dma.local [hbm:s6], s21  }
0xa4: {  	_ =	swait.ge [sflag:s23], s21  }
0xa5: {  	s5 =	ssub.s32 $0x0, s21;
	[sflag:s23] =	ssyncset.done $0x0  }
0xa6: {  	[sflag:s23] =	ssyncadd.s32 s5;
	_ =	sdelay $0x1  }
0xa7: {  	s24 =	simm.s32 $0x1B8B  }
0xa8: {  	_ =	swait.ge [sflag:s24], $0x1  }
0xa9: {  	[sflag:s24] =	ssyncset.done $0x0  }
0xaa: {  	s25 =	simm.s32 $0x1B8E;
	[sflag:s24] =	ssyncadd.s32 $0xFFFFFFFF  }
0xab: {  	s26 =	simm.s32 $execute0_lowered;
	[smem:$0x3FD2] =	sst s25  }
0xac: {  	s5 =	sshll.u32 s26, $0x1;
	_ =	strace $0x80000046;
	[dreg:$0x1] =	wrdreg $0xFFFFFFFF  }
0xad: {  	s28 =	simm.s32 $_size_execute0_lowered;
	s4 =	sadd.s32 s4, s5;
	[dreg:$0x0] =	wrdreg $0x0  }
0xae: {  	s5 =	sshll.u32 s28, $0x1;
	[dreg:$0x2] =	wrdreg s4  }
0xaf: {  	[dreg:$0x3] =	wrdreg s5  }
0xb0: {  	[dreg:$0x4] =	wrdreg $0xC0  }
0xb1: {  	_ =	task [dreg:s8], $0x5FFFF  }
0xb2: {  	[dreg:$0x1] =	wrdreg $0xFFFFFFFF  }
0xb3: {  	[dreg:$0x0] =	wrdreg $0x60  }
0xb4: {  	[dreg:$0x2] =	wrdreg s16  }
0xb5: {  	[dreg:$0x3] =	wrdreg s17  }
0xb6: {  	[dreg:$0x4] =	wrdreg $0x9  }
0xb7: {  	_ =	task.clear_ibuf [dreg:s8], $0x5FFFF;
	_ =	strace $0x90000046  }
0xb8: {  	s29 =	simm.s32 $0x9;
	_ =	strace $0x80000048  }
0xb9: {  	_ =	swait.ge [sflag:s29], $0x1  }
0xba: {  	[sflag:s29] =	ssyncadd.s32 $0xFFFFFFFF  }
0xbb: {  	_ =	strace $0x90000048  }
0xbc: {  	_ =	sfence  }
0xbd: {  	s30 =	sld [smem:$0x0];
	_ =	sdelay $0x2  }
0xbe: {  	s31 =	sshll.u32 s1, $0xD;
	s1 =	sshrl.u32 s1, $0x2  }
0xbf: {  	s3 =	sand.u32 $0x4000, s31;
	s1 =	sadd.s32 s1, s30  }
0xc0: {  	s0 =	sor.u32 s3, s0;
	s1 =	sshll.u32 s1, $0x11  }
0xc1: {  	s0 =	sor.u32 s1, s0  }
0xc2: {  	s0 =	sadd.s32 $0x8F2B, s0  }
0xc3: {  	[sflag:s0] =	ssyncadd.remote.s32 $0x1  }
0xc4: {  	_ =	sfence.sel $0xFFFF  }
0xc5: {  	[dreg:$0x0] =	wrdreg $0xFFFFFFFF;
	(pc) =	sbr.abs _section_cstart, $3  }
0xc6: {  	[dreg:$0x1] =	wrdreg $0xFFFFFFFF  }
0xc7: {  	_ =	task.clear_ibuf [dreg:s8], $0x2FFFF;
	_ =	strace $0x9FFFFFFF  }
0xc8: {  	(tm) =	ssettm $0x7FFFFFFF  }
0xc9: {  	_ =	shalt  }
tec
execute0_lowered:
.L_overlay_start_1:
0x0: {  	(tag) =	ssettag $0x1  }
0x1: {  	s6 =	rddreg [dreg:$0x0];
	s1 =	srdreg.scid  }
0x2: {  	s0 =	stileid.u32;
	s7 =	rddreg [dreg:$0x1];
	s29 =	simm.s32 $0x0  }
0x3: {  	s2 =	sand.u32 $0x1, s1;
	s3 =	sshll.u32 s0, $0x1;
	s1 =	rddreg [dreg:$0x2]  }
0x4: {  	[smem:$0x7FF] =	sst s29;
	s31 =	sshll.u32 s0, $0x6;
	s4 =	sor.u32 s2, s3  }
0x5: {  	s2 =	ssub.s32 $0x2, s2;
	_ =	strace $0x80000047;
	s5 =	smul.u32 $0xC340, s4  }
0x6: {  	s30 =	sshrl.u32 s2, $0x1;
	s9 =	sshll.u32 s4, $0x5;
	s4 =	sor.u32 $0x1C01, s31  }
0x7: {  	s8 =	ssub.s32 s2, s30;
	s9 =	sor.u32 $0x186800, s9;
	s2 =	sadd.s32 s6, s5  }
0x8: {  	s3 =	sadd.s32 s7, s5;
	s5 =	simm.s32 $0x1;
	s8 =	smax.u32 s8, $0x1  }
0x9: {  	[hbm:s3], [sflag:s4] =	dma.local [hbm:s2], $0xC340  }
0xa: {  	s6 =	sadd.s32 s6, s9;
	s7 =	sadd.s32 s7, s9;
	s9 =	sadd.s32 $0xFFFFFFFF, s8  }
0xb: {  	_ =	swait.ge [sflag:s5], $0xC340;
	p1 =	sne.s32 s9, $0x0  }
.Ltmp0:
0xc: {  	p0 =	sgt.u32 s0, $0x7;
	[sflag:s5] =	ssyncset.done $0x0;
	(pc) =	sbr.rel @!p1 .LBB2_2-.Ltmp0, $4  }
0xd: {  	s8 =	simm.s32 @!p0 $0x1;
	[sflag:s5] =	ssyncadd.s32 $0xFFFF3CC0  }
0xe: {  	[hbm:s7], [sflag:s4] =	dma.local @!p0 [hbm:s6], $0x20  }
0xf: {  	_ =	swait.ge @!p0 [sflag:s8], $0x20  }
0x10: {  	[sflag:s8] =	ssyncset.done @!p0 $0x0  }
.LBB2_1:
0x11: {  	s9 =	sadd.s32 $0xFFFFFFFF, s9;
	[sflag:s8] =	ssyncadd.s32 @!p0 $0xFFFFFFE0  }
0x12: {  	[hbm:s3], [sflag:s4] =	dma.local [hbm:s2], $0xC340  }
0x13: {  	p1 =	sne.s32 s9, $0x0;
	_ =	swait.ge [sflag:s5], $0xC340  }
.Ltmp1:
0x14: {  	[sflag:s5] =	ssyncset.done $0x0;
	(pc) =	sbr.rel @p1 .LBB2_1-.Ltmp1, $4  }
0x15: {  	[sflag:s5] =	ssyncadd.s32 $0xFFFF3CC0  }
0x16: {  	[hbm:s7], [sflag:s4] =	dma.local @!p0 [hbm:s6], $0x20  }
0x17: {  	_ =	swait.ge @!p0 [sflag:s8], $0x20  }
0x18: {  	[sflag:s8] =	ssyncset.done @!p0 $0x0  }
.LBB2_2:
0x19: {  	[sflag:s8] =	ssyncadd.s32 @!p0 $0xFFFFFFE0  }
0x1a: {  	_ =	sfence.sel $0x180000  }
0x1b: {  	[bflag:$0x0] =	sbarrier.arrive $0xFFFF  }
0x1c: {  	p0 =	sne.s32 s0, $0x0;
	_ =	strace $0x90000047  }
0x1d: {  	s0 =	sadd.s32 @!p0 $0x100000, s1;
	[bflag:$0x2] =	sbarrier.arrive $0xFFFF  }
0x1e: {  	[sflag:s0] =	ssyncadd.tile.s32 @!p0 $0x1;
	_ =	shalt  }
.Lfunc_end2:
_tile_overlayer_lowered:
.L_overlay_start_2:
0x1f: {  	(tag) =	ssettag $0x2  }
0x20: {  	s0 =	rddreg [dreg:$0x0];
	s2 =	stileid.u32  }
0x21: {  	s1 =	rddreg [dreg:$0x1];
	p0 =	sne.s32 s2, $0x0  }
0x22: {  	s3 =	rddreg [dreg:$0x2];
	[bflag:$0x3] =	sbarrier.arrive $0xFFFF;
	s2 =	simm.s32 @!p0 $0x1C01  }
0x23: {  	[timem:s3], [sflag:s2] =	dma.local @!p0 [hbm:s0], s1  }
0x24: {  	s0 =	simm.s32 @!p0 $0x1  }
0x25: {  	_ =	swait.ge @!p0 [sflag:s0], s1  }
0x26: {  	s1 =	ssub.s32 @!p0 $0x0, s1;
	[sflag:s0] =	ssyncset.done @!p0 $0x0  }
0x27: {  	[sflag:s0] =	ssyncadd.s32 @!p0 s1  }
0x28: {  	[bflag:$0x3] =	sbarrier.arrive $0xFFFF  }
0x29: {  	_ =	shalt  }

</sc_bundles>
